<compile_context>
chip_gen: v7x
topology: tpu7x:2x2x1
jax: 0.10.2.dev20260603
libtpu: 0.0.44.dev20260713+nightly
codegen_flags: <defaults>
</compile_context>

<pallas_src>
import functools

import jax
import jax.numpy as jnp
from jax import lax
from jax.experimental import pallas as pl
from jax.experimental.pallas import tpu as pltpu
from jax.experimental.pallas import tpu_sc as plsc

NN = 10000
NE = 320000
D_IN = 128
D = 256
HALF = 128
NG = 100
NCORE = 2
NSUB = 16
K = 80
CHUNKS = 252
EPT = CHUNKS * K
EPAD = EPT * NSUB
DUMP = NN
AGG_ROWS = NN + 16
ZLAST = AGG_ROWS - 15 * 624
MB = 1000



def _uv_body(we_ref, be_ref, w0_ref, b0_ref, w1_ref, b1_ref, w2_ref, b2_ref,
             u_ref, v_ref):
    ws = (w0_ref, w1_ref, w2_ref)
    bs = (b0_ref, b1_ref, b2_ref)
    for l in range(3):
        w = ws[l][...]
        u_ref[pl.ds(l, 1), :] = jnp.dot(we_ref[...], w,
                                        preferred_element_type=jnp.float32)
        v_ref[pl.ds(l, 1), :] = jnp.dot(be_ref[...], w,
                                        preferred_element_type=jnp.float32) + bs[l][...]


def _uv(W_edge, b_edge, W_l0, b_l0, W_l1, b_l1, W_l2, b_l2):
    return pl.pallas_call(
        _uv_body,
        out_shape=(jax.ShapeDtypeStruct((3, D), jnp.float32),
                   jax.ShapeDtypeStruct((3, D), jnp.float32)),
    )(W_edge, b_edge.reshape(1, D), W_l0, b_l0.reshape(1, D),
      W_l1, b_l1.reshape(1, D), W_l2, b_l2.reshape(1, D))


def _pre_body(x_ref, wn_ref, bn_ref, wl_ref, v_ref, nf_ref, g_ref):
    nf = jnp.dot(x_ref[...], wn_ref[...],
                 preferred_element_type=jnp.float32) + bn_ref[...]
    nf_ref[...] = nf
    g = jnp.dot(nf, wl_ref[...], preferred_element_type=jnp.float32) + v_ref[...]
    g_ref[0] = g[:, :HALF]
    g_ref[1] = g[:, HALF:]


def _pre(x, W_node, b_node, W_l0, v_row):
    return pl.pallas_call(
        _pre_body,
        grid=(NN // MB,),
        in_specs=[
            pl.BlockSpec((MB, D_IN), lambda i: (i, 0)),
            pl.BlockSpec((D_IN, D), lambda i: (0, 0)),
            pl.BlockSpec((1, D), lambda i: (0, 0)),
            pl.BlockSpec((D, D), lambda i: (0, 0)),
            pl.BlockSpec((1, D), lambda i: (0, 0)),
        ],
        out_specs=(pl.BlockSpec((MB, D), lambda i: (i, 0)),
                   pl.BlockSpec((2, MB, HALF), lambda i: (0, i, 0))),
        out_shape=(jax.ShapeDtypeStruct((NN, D), jnp.float32),
                   jax.ShapeDtypeStruct((2, NN, HALF), jnp.float32)),
    )(x, W_node, b_node.reshape(1, D), W_l0, v_row)


def _mid_body(nf_ref, agg_ref, wl_ref, v_ref, nf_ref_o, g_ref):
    nf = nf_ref[...] + jnp.concatenate([agg_ref[0], agg_ref[1]], axis=1)
    nf_ref_o[...] = nf
    g = jnp.dot(nf, wl_ref[...], preferred_element_type=jnp.float32) + v_ref[...]
    g_ref[0] = g[:, :HALF]
    g_ref[1] = g[:, HALF:]


def _mid(nf, agg, W_l, v_row):
    return pl.pallas_call(
        _mid_body,
        grid=(NN // MB,),
        in_specs=[
            pl.BlockSpec((MB, D), lambda i: (i, 0)),
            pl.BlockSpec((2, MB, HALF), lambda i: (0, i, 0)),
            pl.BlockSpec((D, D), lambda i: (0, 0)),
            pl.BlockSpec((1, D), lambda i: (0, 0)),
        ],
        out_specs=(pl.BlockSpec((MB, D), lambda i: (i, 0)),
                   pl.BlockSpec((2, MB, HALF), lambda i: (0, i, 0))),
        out_shape=(jax.ShapeDtypeStruct((NN, D), jnp.float32),
                   jax.ShapeDtypeStruct((2, NN, HALF), jnp.float32)),
    )(nf, agg, W_l, v_row)


def _final_body(nf_ref, agg_ref, wd_ref, bd_ref, y_ref, o_ref):
    nf = nf_ref[...] + jnp.concatenate([agg_ref[0], agg_ref[1]], axis=1)
    gsum = jnp.sum(nf.reshape(NG, NN // NG, D), axis=1)
    yh = (jnp.dot(gsum, wd_ref[...], preferred_element_type=jnp.float32)
          * (1.0 / (NN // NG)) + bd_ref[...])
    d = yh - y_ref[...]
    o_ref[...] = jnp.sum(d * d).reshape(1, 1) * (1.0 / NG)


def _final(nf, agg, W_dec, b_dec, y):
    return pl.pallas_call(
        _final_body,
        out_shape=jax.ShapeDtypeStruct((1, 1), jnp.float32),
    )(nf, agg, W_dec, b_dec.reshape(1, 1), y.reshape(NG, 1))



_MESH = plsc.VectorSubcoreMesh(core_axis_name="c", subcore_axis_name="s",
                               num_cores=NCORE, num_subcores=NSUB)


GK = 2 * K


@functools.partial(
    pl.kernel,
    out_type=jax.ShapeDtypeStruct((NCORE * NN, HALF), jnp.float32),
    mesh=_MESH,
    compiler_params=pltpu.CompilerParams(use_tc_tiling_on_sc=False,
                                         needs_layout_passes=False),
    scratch_types=[
        pltpu.VMEM((6, K), jnp.int32),
        pltpu.VMEM((6, K), jnp.int32),
        pltpu.VMEM((3 * GK,), jnp.float32),
        pltpu.VMEM((K, HALF), jnp.float32),
        pltpu.VMEM((K, HALF), jnp.float32),
        pltpu.VMEM((K, HALF), jnp.float32),
        pltpu.VMEM((K, HALF), jnp.float32),
        pltpu.VMEM((HALF,), jnp.float32),
        pltpu.VMEM_SHARED((AGG_ROWS, HALF), jnp.float32),
        pltpu.SemaphoreType.DMA((3,)),
        pltpu.SemaphoreType.DMA,
        pltpu.SemaphoreType.DMA,
        pltpu.SemaphoreType.DMA,
        pltpu.SemaphoreType.DMA,
    ],
)
def _sc_layer(g_hbm, src_hbm, dst_hbm, attr_hbm, u_hbm, z_hbm,
              out_hbm, srcg, dstg, ag, ri0, ri1, rf0, rf1, uv, agg, sem_a,
              sem_g0, sem_g1, sem_s0, sem_s1):
    c = lax.axis_index("c")
    s = lax.axis_index("s")

    @pl.when(s < 15)
    def _():
        pltpu.sync_copy(z_hbm.at[pl.ds(0, 624)], agg.at[pl.ds(s * 624, 624)])

    @pl.when(s == 15)
    def _():
        pltpu.sync_copy(z_hbm, agg.at[pl.ds(15 * 624, ZLAST)])

    pltpu.sync_copy(u_hbm.at[pl.ds(c * HALF, HALF)], uv)
    us = [uv[pl.ds(j * 16, 16)] for j in range(HALF // 16)]

    plsc.subcore_barrier()

    slab = s * CHUNKS
    abase = s * EPT

    def stage_group(t, bi):
        sb = slab + 2 * t
        return [
            pltpu.make_async_copy(src_hbm.at[c].at[pl.ds(sb, 2)],
                                  srcg.at[pl.ds(bi * 2, 2)], sem_a.at[bi]),
            pltpu.make_async_copy(dst_hbm.at[pl.ds(sb, 2)],
                                  dstg.at[pl.ds(bi * 2, 2)], sem_a.at[bi]),
            pltpu.make_async_copy(attr_hbm.at[pl.ds(abase + t * GK, GK)],
                                  ag.at[pl.ds(bi * GK, GK)], sem_a.at[bi]),
        ]

    def gather(bi, k, rref, sem):
        return pltpu.make_async_copy(g_hbm.at[srcg.at[bi * 2 + k]], rref, sem)

    def scatter(bi, k, rref, sem):
        return pltpu.make_async_copy(rref, agg.at[dstg.at[bi * 2 + k]], sem)

    def compute(bi, k, riref, rfref):
        ab = bi * GK + k * K

        def edge_body(i, carry2):
            a16 = plsc.load_gather(ag, [jnp.full((16,), ab + i, jnp.int32)])
            for j in range(HALF // 16):
                r = riref[i, pl.ds(j * 16, 16)]
                rfref[i, pl.ds(j * 16, 16)] = jnp.maximum(
                    r + a16 * us[j], 0.0)
            return carry2

        lax.fori_loop(0, K, edge_body, 0)

    for d in stage_group(0, 0):
        d.start()
    for d in stage_group(0, 0):
        d.wait()
    gather(0, 0, ri0, sem_g0).start()
    PAIRS = CHUNKS // 2

    def pair_body(t, carry):
        b3 = t % 3

        @pl.when(t + 1 < PAIRS)
        def _():
            for d in stage_group(t + 1, (t + 1) % 3):
                d.start()

        gather(b3, 1, ri1, sem_g1).start()

        gather(b3, 0, ri0, sem_g0).wait()
        compute(b3, 0, ri0, rf0)
        pltpu.async_copy(rf0, agg.at[dstg.at[b3 * 2]], sem_s0, add=True)

        @pl.when(t + 1 < PAIRS)
        def _():
            for d in stage_group(t + 1, (t + 1) % 3):
                d.wait()
            gather((t + 1) % 3, 0, ri0, sem_g0).start()

        gather(b3, 1, ri1, sem_g1).wait()

        @pl.when(t >= 1)
        def _():
            scatter((t - 1) % 3, 1, rf1, sem_s1).wait()

        compute(b3, 1, ri1, rf1)
        scatter(b3, 0, rf0, sem_s0).wait()
        pltpu.async_copy(rf1, agg.at[dstg.at[b3 * 2 + 1]], sem_s1, add=True)
        return carry

    lax.fori_loop(0, PAIRS, pair_body, 0)
    scatter((PAIRS - 1) % 3, 1, rf1, sem_s1).wait()
    plsc.subcore_barrier()

    row_off = c * NN
    @pl.when(s < 15)
    def _():
        pltpu.sync_copy(agg.at[pl.ds(s * 624, 624)],
                        out_hbm.at[pl.ds(row_off + s * 624, 624)])

    @pl.when(s == 15)
    def _():
        pltpu.sync_copy(agg.at[pl.ds(15 * 624, NN - 15 * 624)],
                        out_hbm.at[pl.ds(row_off + 15 * 624, NN - 15 * 624)])



def _ileave256():
    import numpy as np
    half = np.concatenate(
        [np.stack([np.arange(16) + 32 * j, np.arange(16) + 16 + 32 * j],
                  axis=1).reshape(32) for j in range(4)])
    return np.concatenate([half, half + 128])


_ILEAVE = _ileave256()


def kernel(x, edge_index, edge_attr, y, W_node, b_node, W_edge, b_edge,
           W_l0, b_l0, W_l1, b_l1, W_l2, b_l2, W_dec, b_dec):
    pad = EPAD - NE
    src = jnp.concatenate([edge_index[0].astype(jnp.int32),
                           jnp.zeros((pad,), jnp.int32)])
    src2 = jnp.stack([src, src + NN]).reshape(2, NSUB * CHUNKS, K)
    dst = jnp.concatenate([edge_index[1].astype(jnp.int32),
                           jnp.full((pad,), DUMP, jnp.int32)])
    dst2 = dst.reshape(NSUB * CHUNKS, K)
    a = jnp.concatenate([edge_attr[:, 0], jnp.zeros((pad,), jnp.float32)])
    z = jnp.zeros((ZLAST, HALF), jnp.float32)

    u3, v3 = _uv(W_edge, b_edge, W_l0, b_l0, W_l1, b_l1, W_l2, b_l2)
    nf, g = _pre(x, W_node, b_node, W_l0, v3[0:1])
    agg = None
    for l, W_next in enumerate((W_l1, W_l2, None)):
        agg = _sc_layer(g.reshape(NCORE * NN, HALF), src2, dst2, a, u3[l], z)
        agg = agg.reshape(NCORE, NN, HALF)
        if W_next is not None:
            nf, g = _mid(nf, agg, W_next, v3[l + 1:l + 2])
    loss = _final(nf, agg, W_dec, b_dec, y)
    return loss[0, 0]

# --- scband reference (transcript-rebuilt; emitter-appended) ---
"""Pipeline reference for scband-path-mpnn-17952963297942 (READ-ONLY COPY).

The authoritative reference and input builder live on the scoring server;
editing this copy changes nothing except your own understanding.
"""

import jax, jax.numpy as jnp
import numpy as np

N_NODES = 10000
N_EDGES = 320000
N_ENC_DIM = 128
E_ENC_DIM = 1
MODEL_DIM = 256
NUM_LAYERS = 3
N_GRAPHS = 100


def setup_inputs(seed: int = 0) -> dict:
    key = jax.random.key(seed)
    ks = jax.random.split(key, 16)
    inp = {}
    inp['x'] = jax.random.normal(ks[0], (N_NODES, N_ENC_DIM), dtype=jnp.float32)
    inp['edge_index'] = jax.random.randint(ks[1], (2, N_EDGES), 0, N_NODES, dtype=jnp.int64)
    inp['edge_attr'] = jax.random.normal(ks[2], (N_EDGES, E_ENC_DIM), dtype=jnp.float32)
    inp['y'] = jax.random.normal(ks[3], (N_GRAPHS,), dtype=jnp.float32)
    # learned parameters
    inp['W_node'] = jax.random.normal(ks[4], (N_ENC_DIM, MODEL_DIM), dtype=jnp.float32) * (1.0 / np.sqrt(N_ENC_DIM))
    inp['b_node'] = jnp.zeros((MODEL_DIM,), dtype=jnp.float32)
    inp['W_edge'] = jax.random.normal(ks[5], (E_ENC_DIM, MODEL_DIM), dtype=jnp.float32) * (1.0 / np.sqrt(E_ENC_DIM))
    inp['b_edge'] = jnp.zeros((MODEL_DIM,), dtype=jnp.float32)
    inp['W_l0'] = jax.random.normal(ks[6], (MODEL_DIM, MODEL_DIM), dtype=jnp.float32) * (1.0 / np.sqrt(MODEL_DIM))
    inp['b_l0'] = jnp.zeros((MODEL_DIM,), dtype=jnp.float32)
    inp['W_l1'] = jax.random.normal(ks[7], (MODEL_DIM, MODEL_DIM), dtype=jnp.float32) * (1.0 / np.sqrt(MODEL_DIM))
    inp['b_l1'] = jnp.zeros((MODEL_DIM,), dtype=jnp.float32)
    inp['W_l2'] = jax.random.normal(ks[8], (MODEL_DIM, MODEL_DIM), dtype=jnp.float32) * (1.0 / np.sqrt(MODEL_DIM))
    inp['b_l2'] = jnp.zeros((MODEL_DIM,), dtype=jnp.float32)
    inp['W_dec'] = jax.random.normal(ks[9], (MODEL_DIM, E_ENC_DIM), dtype=jnp.float32) * (1.0 / np.sqrt(MODEL_DIM))
    inp['b_dec'] = jnp.zeros((E_ENC_DIM,), dtype=jnp.float32)
    return inp


def reference(x, edge_index, edge_attr, y, W_node, b_node, W_edge, b_edge,
              W_l0, b_l0, W_l1, b_l1, W_l2, b_l2, W_dec, b_dec):
    # node_enc / edge_enc
    nf = x @ W_node + b_node
    ef = edge_attr @ W_edge + b_edge
    src = edge_index[0]
    dst = edge_index[1]
    # MPLayer stack: message = relu(Linear(nf[src] + ef)); sum-aggregate to dst; residual add
    for W, b in ((W_l0, b_l0), (W_l1, b_l1), (W_l2, b_l2)):
        msg = jax.nn.relu((nf[src] + ef) @ W + b)
        agg = jax.ops.segment_sum(msg, dst, num_segments=nf.shape[0])
        nf = nf + agg
    # dec + squeeze + rearrange '(N C) -> N C'
    feat = (nf @ W_dec + b_dec).squeeze(-1)
    feat = feat.reshape(N_GRAPHS, N_NODES // N_GRAPHS)
    # nodewise + mean readout
    y_hat = jnp.mean(feat, axis=-1)
    # MSELoss
    loss = jnp.mean((y_hat - y) ** 2)
    return loss

if __name__ == "__main__":
    import jax
    _d = setup_inputs()
    print(jax.jit(kernel)(*tuple(_d.values())))

</pallas_src>

<mosaic_0001>
#map = affine_map<(d0, d1) -> (0, 0)>
#map1 = affine_map<(d0, d1) -> (0, 0, 0)>
#map2 = affine_map<(d0, d1) -> (0)>
module attributes {stable_mosaic.version = 14 : i64} {
  func.func @_sc_layer(%arg0: i32, %arg1: i32, %arg2: memref<20000x128xf32, #tpu.memory_space<hbm>>, %arg3: memref<2x4032x80xi32, #tpu.memory_space<hbm>>, %arg4: memref<4032x80xi32, #tpu.memory_space<hbm>>, %arg5: memref<322560xf32, #tpu.memory_space<hbm>>, %arg6: memref<256xf32, #tpu.memory_space<hbm>>, %arg7: memref<656x128xf32, #tpu.memory_space<hbm>>, %arg8: memref<20000x128xf32, #tpu.memory_space<hbm>>, %arg9: memref<6x80xi32, #tpu.memory_space<vmem>>, %arg10: memref<6x80xi32, #tpu.memory_space<vmem>>, %arg11: memref<480xf32, #tpu.memory_space<vmem>>, %arg12: memref<80x128xf32, #tpu.memory_space<vmem>>, %arg13: memref<80x128xf32, #tpu.memory_space<vmem>>, %arg14: memref<80x128xf32, #tpu.memory_space<vmem>>, %arg15: memref<80x128xf32, #tpu.memory_space<vmem>>, %arg16: memref<128xf32, #tpu.memory_space<vmem>>, %arg17: memref<10016x128xf32, #tpu.memory_space<vmem_shared>>, %arg18: memref<3x!tpu.dma_semaphore, #tpu.memory_space<semaphore_mem>>, %arg19: memref<!tpu.dma_semaphore, #tpu.memory_space<semaphore_mem>>, %arg20: memref<!tpu.dma_semaphore, #tpu.memory_space<semaphore_mem>>, %arg21: memref<!tpu.dma_semaphore, #tpu.memory_space<semaphore_mem>>, %arg22: memref<!tpu.dma_semaphore, #tpu.memory_space<semaphore_mem>>) attributes {dimension_semantics = [#tpu.dimension_semantics<core_parallel>, #tpu.dimension_semantics<subcore_parallel>], iteration_bounds = array<i64: 2, 16>, scalar_prefetch = 0 : i64, scratch_operands = 14 : i64, tpu.core_type = #tpu.core_type<sc_vector_subcore>, window_params = [{transform_indices = #map}, {transform_indices = #map1}, {transform_indices = #map}, {transform_indices = #map2}, {transform_indices = #map2}, {transform_indices = #map}, {transform_indices = #map}]} {
    %lt3A = arith.constant 15 : i32
    %lt3A_0 = arith.cmpi slt, %arg1, %lt3A : i32
    %convert_element_type3A = arith.extui %lt3A_0 : i1 to i32
    %cond3A = arith.constant 0 : i32
    %cond3A_1 = arith.cmpi ne, %convert_element_type3A, %cond3A : i32
    scf.if %cond3A_1 {
      %mul3A_149 = arith.constant 624 : i32
      %mul3A_150 = arith.muli %arg1, %mul3A_149 : i32
      "tpu.region"() ({
        %run_scoped3A = tpu.sem_alloc : memref<!tpu.dma_semaphore, #tpu.memory_space<semaphore_mem>>
        %dma_start3A_151 = arith.constant 0 : i32
        %dma_start3A_152 = tpu.memref_slice %arg17[%mul3A_150, %dma_start3A_151] : memref<10016x128xf32, #tpu.memory_space<vmem_shared>> -> memref<624x128xf32, #tpu.memory_space<vmem_shared>>
        %dma_start3A_153 = arith.constant 0 : i32
        %dma_start3A_154 = arith.constant 0 : i32
        %dma_start3A_155 = tpu.memref_slice %arg7[%dma_start3A_153, %dma_start3A_154] : memref<656x128xf32, #tpu.memory_space<hbm>> -> memref<624x128xf32, #tpu.memory_space<hbm>>
        tpu.enqueue_dma source(%dma_start3A_155 : memref<624x128xf32, #tpu.memory_space<hbm>>) target(%dma_start3A_152 : memref<624x128xf32, #tpu.memory_space<vmem_shared>>) target_semaphore(%run_scoped3A : memref<!tpu.dma_semaphore, #tpu.memory_space<semaphore_mem>>)
        %dma_wait3A_156 = arith.constant 0 : i32
        %dma_wait3A_157 = tpu.memref_slice %arg17[%mul3A_150, %dma_wait3A_156] : memref<10016x128xf32, #tpu.memory_space<vmem_shared>> -> memref<624x128xf32, #tpu.memory_space<vmem_shared>>
        %dma_wait3A_158 = arith.constant 0 : i32
        %dma_wait3A_159 = arith.constant 0 : i32
        %dma_wait3A_160 = tpu.memref_slice %arg7[%dma_wait3A_158, %dma_wait3A_159] : memref<656x128xf32, #tpu.memory_space<hbm>> -> memref<624x128xf32, #tpu.memory_space<hbm>>
        tpu.wait_dma2 semaphore(%run_scoped3A : memref<!tpu.dma_semaphore, #tpu.memory_space<semaphore_mem>>) src(%dma_wait3A_160 : memref<624x128xf32, #tpu.memory_space<hbm>>) dst(%dma_wait3A_157 : memref<624x128xf32, #tpu.memory_space<vmem_shared>>)
        tpu.yield
      }) : () -> ()
    } else {
    }
    %eq3A = arith.constant 15 : i32
    %eq3A_2 = arith.cmpi eq, %arg1, %eq3A : i32
    %convert_element_type3A_3 = arith.extui %eq3A_2 : i1 to i32
    %cond3A_4 = arith.constant 0 : i32
    %cond3A_5 = arith.cmpi ne, %convert_element_type3A_3, %cond3A_4 : i32
    scf.if %cond3A_5 {
      "tpu.region"() ({
        %run_scoped3A = tpu.sem_alloc : memref<!tpu.dma_semaphore, #tpu.memory_space<semaphore_mem>>
        %dma_start3A_149 = arith.constant 9360 : i32
        %dma_start3A_150 = arith.constant 0 : i32
        %dma_start3A_151 = tpu.memref_slice %arg17[%dma_start3A_149, %dma_start3A_150] : memref<10016x128xf32, #tpu.memory_space<vmem_shared>> -> memref<656x128xf32, #tpu.memory_space<vmem_shared>>
        tpu.enqueue_dma source(%arg7 : memref<656x128xf32, #tpu.memory_space<hbm>>) target(%dma_start3A_151 : memref<656x128xf32, #tpu.memory_space<vmem_shared>>) target_semaphore(%run_scoped3A : memref<!tpu.dma_semaphore, #tpu.memory_space<semaphore_mem>>)
        %dma_wait3A_152 = arith.constant 9360 : i32
        %dma_wait3A_153 = arith.constant 0 : i32
        %dma_wait3A_154 = tpu.memref_slice %arg17[%dma_wait3A_152, %dma_wait3A_153] : memref<10016x128xf32, #tpu.memory_space<vmem_shared>> -> memref<656x128xf32, #tpu.memory_space<vmem_shared>>
        tpu.wait_dma2 semaphore(%run_scoped3A : memref<!tpu.dma_semaphore, #tpu.memory_space<semaphore_mem>>) src(%arg7 : memref<656x128xf32, #tpu.memory_space<hbm>>) dst(%dma_wait3A_154 : memref<656x128xf32, #tpu.memory_space<vmem_shared>>)
        tpu.yield
      }) : () -> ()
    } else {
    }
    %mul3A = arith.constant 128 : i32
    %mul3A_6 = arith.muli %arg0, %mul3A : i32
    "tpu.region"() ({
      %run_scoped3A = tpu.sem_alloc : memref<!tpu.dma_semaphore, #tpu.memory_space<semaphore_mem>>
      %dma_start3A_149 = tpu.memref_slice %arg6[%mul3A_6] : memref<256xf32, #tpu.memory_space<hbm>> -> memref<128xf32, #tpu.memory_space<hbm>>
      %dma_start3A_150 = tpu.memref_slice %arg6[%mul3A_6] : memref<256xf32, #tpu.memory_space<hbm>> -> memref<128xf32, #tpu.memory_space<hbm>>
      tpu.enqueue_dma source(%dma_start3A_150 : memref<128xf32, #tpu.memory_space<hbm>>) target(%arg16 : memref<128xf32, #tpu.memory_space<vmem>>) target_semaphore(%run_scoped3A : memref<!tpu.dma_semaphore, #tpu.memory_space<semaphore_mem>>)
      %dma_wait3A_151 = tpu.memref_slice %arg6[%mul3A_6] : memref<256xf32, #tpu.memory_space<hbm>> -> memref<128xf32, #tpu.memory_space<hbm>>
      %dma_wait3A_152 = tpu.memref_slice %arg6[%mul3A_6] : memref<256xf32, #tpu.memory_space<hbm>> -> memref<128xf32, #tpu.memory_space<hbm>>
      tpu.wait_dma2 semaphore(%run_scoped3A : memref<!tpu.dma_semaphore, #tpu.memory_space<semaphore_mem>>) src(%dma_wait3A_152 : memref<128xf32, #tpu.memory_space<hbm>>) dst(%arg16 : memref<128xf32, #tpu.memory_space<vmem>>)
      tpu.yield
    }) : () -> ()
    %get3A = arith.constant 0 : index
    %get3A_7 = tpu.vector_load %arg16[%get3A] {strides = array<i32>} : memref<128xf32, #tpu.memory_space<vmem>>, vector<16xf32>,
    %get3A_8 = arith.constant 16 : index
    %get3A_9 = tpu.vector_load %arg16[%get3A_8] {strides = array<i32>} : memref<128xf32, #tpu.memory_space<vmem>>, vector<16xf32>,
    %get3A_10 = arith.constant 32 : index
    %get3A_11 = tpu.vector_load %arg16[%get3A_10] {strides = array<i32>} : memref<128xf32, #tpu.memory_space<vmem>>, vector<16xf32>,
    %get3A_12 = arith.constant 48 : index
    %get3A_13 = tpu.vector_load %arg16[%get3A_12] {strides = array<i32>} : memref<128xf32, #tpu.memory_space<vmem>>, vector<16xf32>,
    %get3A_14 = arith.constant 64 : index
    %get3A_15 = tpu.vector_load %arg16[%get3A_14] {strides = array<i32>} : memref<128xf32, #tpu.memory_space<vmem>>, vector<16xf32>,
    %get3A_16 = arith.constant 80 : index
    %get3A_17 = tpu.vector_load %arg16[%get3A_16] {strides = array<i32>} : memref<128xf32, #tpu.memory_space<vmem>>, vector<16xf32>,
    %get3A_18 = arith.constant 96 : index
    %get3A_19 = tpu.vector_load %arg16[%get3A_18] {strides = array<i32>} : memref<128xf32, #tpu.memory_space<vmem>>, vector<16xf32>,
    %get3A_20 = arith.constant 112 : index
    %get3A_21 = tpu.vector_load %arg16[%get3A_20] {strides = array<i32>} : memref<128xf32, #tpu.memory_space<vmem>>, vector<16xf32>,
    %barrier3A = arith.constant 0 : index
    tpu.barrier barrier_id(%barrier3A)
    %mul3A_22 = arith.constant 252 : i32
    %mul3A_23 = arith.muli %arg1, %mul3A_22 : i32
    %mul3A_24 = arith.constant 20160 : i32
    %mul3A_25 = arith.muli %arg1, %mul3A_24 : i32
    %add3A = arith.constant 0 : i32
    %add3A_26 = arith.addi %mul3A_23, %add3A : i32
    %add3A_27 = arith.constant 0 : i32
    %add3A_28 = arith.addi %mul3A_25, %add3A_27 : i32
    %dma_start3A = arith.constant 0 : i32
    %dma_start3A_29 = arith.constant 0 : i32
    %dma_start3A_30 = arith.constant 0 : i32
    %dma_start3A_31 = tpu.memref_slice %arg9[%dma_start3A_29, %dma_start3A_30] : memref<6x80xi32, #tpu.memory_space<vmem>> -> memref<2x80xi32, #tpu.memory_space<vmem>>
    %dma_start3A_32 = arith.constant 0 : i32
    %dma_start3A_33 = arith.constant 0 : i32
    %dma_start3A_34 = tpu.memref_slice %arg3[%arg0, %dma_start3A_32, %dma_start3A_33] : memref<2x4032x80xi32, #tpu.memory_space<hbm>> -> memref<1x4032x80xi32, #tpu.memory_space<hbm>>
    %dma_start3A_35 = tpu.memref_squeeze %dma_start3A_34 : memref<1x4032x80xi32, #tpu.memory_space<hbm>> -> memref<4032x80xi32, #tpu.memory_space<hbm>>
    %dma_start3A_36 = arith.constant 0 : i32
    %dma_start3A_37 = tpu.memref_slice %dma_start3A_35[%add3A_26, %dma_start3A_36] : memref<4032x80xi32, #tpu.memory_space<hbm>> -> memref<2x80xi32, #tpu.memory_space<hbm>>
    %dma_start3A_38 = tpu.memref_slice %arg18[%dma_start3A] : memref<3x!tpu.dma_semaphore, #tpu.memory_space<semaphore_mem>> -> memref<1x!tpu.dma_semaphore, #tpu.memory_space<semaphore_mem>>
    %dma_start3A_39 = tpu.memref_squeeze %dma_start3A_38 : memref<1x!tpu.dma_semaphore, #tpu.memory_space<semaphore_mem>> -> memref<!tpu.dma_semaphore, #tpu.memory_space<semaphore_mem>>
    %dma_start3A_40 = arith.constant 0 : i32
    %dma_start3A_41 = arith.constant 0 : i32
    %dma_start3A_42 = tpu.memref_slice %arg9[%dma_start3A_40, %dma_start3A_41] : memref<6x80xi32, #tpu.memory_space<vmem>> -> memref<2x80xi32, #tpu.memory_space<vmem>>
    %dma_start3A_43 = arith.constant 0 : i32
    %dma_start3A_44 = arith.constant 0 : i32
    %dma_start3A_45 = tpu.memref_slice %arg3[%arg0, %dma_start3A_43, %dma_start3A_44] : memref<2x4032x80xi32, #tpu.memory_space<hbm>> -> memref<1x4032x80xi32, #tpu.memory_space<hbm>>
    %dma_start3A_46 = tpu.memref_squeeze %dma_start3A_45 : memref<1x4032x80xi32, #tpu.memory_space<hbm>> -> memref<4032x80xi32, #tpu.memory_space<hbm>>
    %dma_start3A_47 = arith.constant 0 : i32
    %dma_start3A_48 = tpu.memref_slice %dma_start3A_46[%add3A_26, %dma_start3A_47] : memref<4032x80xi32, #tpu.memory_space<hbm>> -> memref<2x80xi32, #tpu.memory_space<hbm>>
    tpu.enqueue_dma source(%dma_start3A_48 : memref<2x80xi32, #tpu.memory_space<hbm>>) target(%dma_start3A_42 : memref<2x80xi32, #tpu.memory_space<vmem>>) target_semaphore(%dma_start3A_39 : memref<!tpu.dma_semaphore, #tpu.memory_space<semaphore_mem>>)
    %dma_start3A_49 = arith.constant 0 : i32
    %dma_start3A_50 = arith.constant 0 : i32
    %dma_start3A_51 = arith.constant 0 : i32
    %dma_start3A_52 = tpu.memref_slice %arg10[%dma_start3A_50, %dma_start3A_51] : memref<6x80xi32, #tpu.memory_space<vmem>> -> memref<2x80xi32, #tpu.memory_space<vmem>>
    %dma_start3A_53 = arith.constant 0 : i32
    %dma_start3A_54 = tpu.memref_slice %arg4[%add3A_26, %dma_start3A_53] : memref<4032x80xi32, #tpu.memory_space<hbm>> -> memref<2x80xi32, #tpu.memory_space<hbm>>
    %dma_start3A_55 = tpu.memref_slice %arg18[%dma_start3A_49] : memref<3x!tpu.dma_semaphore, #tpu.memory_space<semaphore_mem>> -> memref<1x!tpu.dma_semaphore, #tpu.memory_space<semaphore_mem>>
    %dma_start3A_56 = tpu.memref_squeeze %dma_start3A_55 : memref<1x!tpu.dma_semaphore, #tpu.memory_space<semaphore_mem>> -> memref<!tpu.dma_semaphore, #tpu.memory_space<semaphore_mem>>
    %dma_start3A_57 = arith.constant 0 : i32
    %dma_start3A_58 = arith.constant 0 : i32
    %dma_start3A_59 = tpu.memref_slice %arg10[%dma_start3A_57, %dma_start3A_58] : memref<6x80xi32, #tpu.memory_space<vmem>> -> memref<2x80xi32, #tpu.memory_space<vmem>>
    %dma_start3A_60 = arith.constant 0 : i32
    %dma_start3A_61 = tpu.memref_slice %arg4[%add3A_26, %dma_start3A_60] : memref<4032x80xi32, #tpu.memory_space<hbm>> -> memref<2x80xi32, #tpu.memory_space<hbm>>
    tpu.enqueue_dma source(%dma_start3A_61 : memref<2x80xi32, #tpu.memory_space<hbm>>) target(%dma_start3A_59 : memref<2x80xi32, #tpu.memory_space<vmem>>) target_semaphore(%dma_start3A_56 : memref<!tpu.dma_semaphore, #tpu.memory_space<semaphore_mem>>)
    %dma_start3A_62 = arith.constant 0 : i32
    %dma_start3A_63 = arith.constant 0 : i32
    %dma_start3A_64 = tpu.memref_slice %arg11[%dma_start3A_63] : memref<480xf32, #tpu.memory_space<vmem>> -> memref<160xf32, #tpu.memory_space<vmem>>
    %dma_start3A_65 = tpu.memref_slice %arg5[%add3A_28] : memref<322560xf32, #tpu.memory_space<hbm>> -> memref<160xf32, #tpu.memory_space<hbm>>
    %dma_start3A_66 = tpu.memref_slice %arg18[%dma_start3A_62] : memref<3x!tpu.dma_semaphore, #tpu.memory_space<semaphore_mem>> -> memref<1x!tpu.dma_semaphore, #tpu.memory_space<semaphore_mem>>
    %dma_start3A_67 = tpu.memref_squeeze %dma_start3A_66 : memref<1x!tpu.dma_semaphore, #tpu.memory_space<semaphore_mem>> -> memref<!tpu.dma_semaphore, #tpu.memory_space<semaphore_mem>>
    %dma_start3A_68 = arith.constant 0 : i32
    %dma_start3A_69 = tpu.memref_slice %arg11[%dma_start3A_68] : memref<480xf32, #tpu.memory_space<vmem>> -> memref<160xf32, #tpu.memory_space<vmem>>
    %dma_start3A_70 = tpu.memref_slice %arg5[%add3A_28] : memref<322560xf32, #tpu.memory_space<hbm>> -> memref<160xf32, #tpu.memory_space<hbm>>
    tpu.enqueue_dma source(%dma_start3A_70 : memref<160xf32, #tpu.memory_space<hbm>>) target(%dma_start3A_69 : memref<160xf32, #tpu.memory_space<vmem>>) target_semaphore(%dma_start3A_67 : memref<!tpu.dma_semaphore, #tpu.memory_space<semaphore_mem>>)
    %add3A_71 = arith.constant 0 : i32
    %add3A_72 = arith.addi %mul3A_23, %add3A_71 : i32
    %add3A_73 = arith.constant 0 : i32
    %add3A_74 = arith.addi %mul3A_25, %add3A_73 : i32
    %dma_wait3A = arith.constant 0 : i32
    %dma_wait3A_75 = arith.constant 0 : i32
    %dma_wait3A_76 = arith.constant 0 : i32
    %dma_wait3A_77 = tpu.memref_slice %arg9[%dma_wait3A_75, %dma_wait3A_76] : memref<6x80xi32, #tpu.memory_space<vmem>> -> memref<2x80xi32, #tpu.memory_space<vmem>>
    %dma_wait3A_78 = arith.constant 0 : i32
    %dma_wait3A_79 = arith.constant 0 : i32
    %dma_wait3A_80 = tpu.memref_slice %arg3[%arg0, %dma_wait3A_78, %dma_wait3A_79] : memref<2x4032x80xi32, #tpu.memory_space<hbm>> -> memref<1x4032x80xi32, #tpu.memory_space<hbm>>
    %dma_wait3A_81 = tpu.memref_squeeze %dma_wait3A_80 : memref<1x4032x80xi32, #tpu.memory_space<hbm>> -> memref<4032x80xi32, #tpu.memory_space<hbm>>
    %dma_wait3A_82 = arith.constant 0 : i32
    %dma_wait3A_83 = tpu.memref_slice %dma_wait3A_81[%add3A_72, %dma_wait3A_82] : memref<4032x80xi32, #tpu.memory_space<hbm>> -> memref<2x80xi32, #tpu.memory_space<hbm>>
    %dma_wait3A_84 = tpu.memref_slice %arg18[%dma_wait3A] : memref<3x!tpu.dma_semaphore, #tpu.memory_space<semaphore_mem>> -> memref<1x!tpu.dma_semaphore, #tpu.memory_space<semaphore_mem>>
    %dma_wait3A_85 = tpu.memref_squeeze %dma_wait3A_84 : memref<1x!tpu.dma_semaphore, #tpu.memory_space<semaphore_mem>> -> memref<!tpu.dma_semaphore, #tpu.memory_space<semaphore_mem>>
    %dma_wait3A_86 = arith.constant 0 : i32
    %dma_wait3A_87 = arith.constant 0 : i32
    %dma_wait3A_88 = tpu.memref_slice %arg9[%dma_wait3A_86, %dma_wait3A_87] : memref<6x80xi32, #tpu.memory_space<vmem>> -> memref<2x80xi32, #tpu.memory_space<vmem>>
    %dma_wait3A_89 = arith.constant 0 : i32
    %dma_wait3A_90 = arith.constant 0 : i32
    %dma_wait3A_91 = tpu.memref_slice %arg3[%arg0, %dma_wait3A_89, %dma_wait3A_90] : memref<2x4032x80xi32, #tpu.memory_space<hbm>> -> memref<1x4032x80xi32, #tpu.memory_space<hbm>>
    %dma_wait3A_92 = tpu.memref_squeeze %dma_wait3A_91 : memref<1x4032x80xi32, #tpu.memory_space<hbm>> -> memref<4032x80xi32, #tpu.memory_space<hbm>>
    %dma_wait3A_93 = arith.constant 0 : i32
    %dma_wait3A_94 = tpu.memref_slice %dma_wait3A_92[%add3A_72, %dma_wait3A_93] : memref<4032x80xi32, #tpu.memory_space<hbm>> -> memref<2x80xi32, #tpu.memory_space<hbm>>
    tpu.wait_dma2 semaphore(%dma_wait3A_85 : memref<!tpu.dma_semaphore, #tpu.memory_space<semaphore_mem>>) src(%dma_wait3A_94 : memref<2x80xi32, #tpu.memory_space<hbm>>) dst(%dma_wait3A_88 : memref<2x80xi32, #tpu.memory_space<vmem>>)
    %dma_wait3A_95 = arith.constant 0 : i32
    %dma_wait3A_96 = arith.constant 0 : i32
    %dma_wait3A_97 = arith.constant 0 : i32
    %dma_wait3A_98 = tpu.memref_slice %arg10[%dma_wait3A_96, %dma_wait3A_97] : memref<6x80xi32, #tpu.memory_space<vmem>> -> memref<2x80xi32, #tpu.memory_space<vmem>>
    %dma_wait3A_99 = arith.constant 0 : i32
    %dma_wait3A_100 = tpu.memref_slice %arg4[%add3A_72, %dma_wait3A_99] : memref<4032x80xi32, #tpu.memory_space<hbm>> -> memref<2x80xi32, #tpu.memory_space<hbm>>
    %dma_wait3A_101 = tpu.memref_slice %arg18[%dma_wait3A_95] : memref<3x!tpu.dma_semaphore, #tpu.memory_space<semaphore_mem>> -> memref<1x!tpu.dma_semaphore, #tpu.memory_space<semaphore_mem>>
    %dma_wait3A_102 = tpu.memref_squeeze %dma_wait3A_101 : memref<1x!tpu.dma_semaphore, #tpu.memory_space<semaphore_mem>> -> memref<!tpu.dma_semaphore, #tpu.memory_space<semaphore_mem>>
    %dma_wait3A_103 = arith.constant 0 : i32
    %dma_wait3A_104 = arith.constant 0 : i32
    %dma_wait3A_105 = tpu.memref_slice %arg10[%dma_wait3A_103, %dma_wait3A_104] : memref<6x80xi32, #tpu.memory_space<vmem>> -> memref<2x80xi32, #tpu.memory_space<vmem>>
    %dma_wait3A_106 = arith.constant 0 : i32
    %dma_wait3A_107 = tpu.memref_slice %arg4[%add3A_72, %dma_wait3A_106] : memref<4032x80xi32, #tpu.memory_space<hbm>> -> memref<2x80xi32, #tpu.memory_space<hbm>>
    tpu.wait_dma2 semaphore(%dma_wait3A_102 : memref<!tpu.dma_semaphore, #tpu.memory_space<semaphore_mem>>) src(%dma_wait3A_107 : memref<2x80xi32, #tpu.memory_space<hbm>>) dst(%dma_wait3A_105 : memref<2x80xi32, #tpu.memory_space<vmem>>)
    %dma_wait3A_108 = arith.constant 0 : i32
    %dma_wait3A_109 = arith.constant 0 : i32
    %dma_wait3A_110 = tpu.memref_slice %arg11[%dma_wait3A_109] : memref<480xf32, #tpu.memory_space<vmem>> -> memref<160xf32, #tpu.memory_space<vmem>>
    %dma_wait3A_111 = tpu.memref_slice %arg5[%add3A_74] : memref<322560xf32, #tpu.memory_space<hbm>> -> memref<160xf32, #tpu.memory_space<hbm>>
    %dma_wait3A_112 = tpu.memref_slice %arg18[%dma_wait3A_108] : memref<3x!tpu.dma_semaphore, #tpu.memory_space<semaphore_mem>> -> memref<1x!tpu.dma_semaphore, #tpu.memory_space<semaphore_mem>>
    %dma_wait3A_113 = tpu.memref_squeeze %dma_wait3A_112 : memref<1x!tpu.dma_semaphore, #tpu.memory_space<semaphore_mem>> -> memref<!tpu.dma_semaphore, #tpu.memory_space<semaphore_mem>>
    %dma_wait3A_114 = arith.constant 0 : i32
    %dma_wait3A_115 = tpu.memref_slice %arg11[%dma_wait3A_114] : memref<480xf32, #tpu.memory_space<vmem>> -> memref<160xf32, #tpu.memory_space<vmem>>
    %dma_wait3A_116 = tpu.memref_slice %arg5[%add3A_74] : memref<322560xf32, #tpu.memory_space<hbm>> -> memref<160xf32, #tpu.memory_space<hbm>>
    tpu.wait_dma2 semaphore(%dma_wait3A_113 : memref<!tpu.dma_semaphore, #tpu.memory_space<semaphore_mem>>) src(%dma_wait3A_116 : memref<160xf32, #tpu.memory_space<hbm>>) dst(%dma_wait3A_115 : memref<160xf32, #tpu.memory_space<vmem>>)
    %dma_start3A_117 = arith.constant 0 : i32
    %dma_start3A_118 = arith.constant 0 : i32
    %dma_start3A_119 = tpu.memref_slice %arg9[%dma_start3A_117, %dma_start3A_118] : memref<6x80xi32, #tpu.memory_space<vmem>> -> memref<1x80xi32, #tpu.memory_space<vmem>>
    %dma_start3A_120 = tpu.memref_squeeze %dma_start3A_119 : memref<1x80xi32, #tpu.memory_space<vmem>> -> memref<80xi32, #tpu.memory_space<vmem>>
    %dma_start3A_121 = arith.constant 0 : i32
    %dma_start3A_122 = arith.constant 0 : i32
    %dma_start3A_123 = tpu.memref_slice %arg2[%dma_start3A_121, %dma_start3A_122] : memref<20000x128xf32, #tpu.memory_space<hbm>> -> memref<20000x128xf32, #tpu.memory_space<hbm>>
    tpu.enqueue_indirect_dma source(%dma_start3A_123 : memref<20000x128xf32, #tpu.memory_space<hbm>>) target(%arg12 : memref<80x128xf32, #tpu.memory_space<vmem>>) offsets(%dma_start3A_120 : memref<80xi32, #tpu.memory_space<vmem>>) semaphore(%arg19 : memref<!tpu.dma_semaphore, #tpu.memory_space<semaphore_mem>>)
    %scan3A = arith.constant 0 : i32
    %scan3A_124 = arith.constant 0 : i32
    %scan3A_125 = arith.constant 126 : i32
    %scan3A_126 = arith.addi %scan3A_124, %scan3A_125 : i32
    %scan3A_127 = arith.constant 1 : i32
    scf.for %scan3A_149 = %scan3A_124 to %scan3A_126 step %scan3A_127  : i32 {
      %jit3A = arith.constant 3 : i32
      %eq3A_150 = arith.constant 0 : i32
      %eq3A_151 = arith.cmpi eq, %jit3A, %eq3A_150 : i32
      %jit3A_152 = arith.constant 1 : i32
      %select_n3A = arith.select %eq3A_151, %jit3A_152, %jit3A : i32
      %rem3A = arith.remsi %scan3A_149, %select_n3A : i32
      %ne3A = arith.constant 0 : i32
      %ne3A_153 = arith.cmpi ne, %rem3A, %ne3A : i32
      %lt3A_154 = arith.constant 0 : i32
      %lt3A_155 = arith.cmpi slt, %rem3A, %lt3A_154 : i32
      %lt3A_156 = arith.constant 0 : i32
      %lt3A_157 = arith.cmpi slt, %select_n3A, %lt3A_156 : i32
      %ne3A_158 = arith.xori %lt3A_155, %lt3A_157 : i1
      %and3A = arith.andi %ne3A_158, %ne3A_153 : i1
      %add3A_159 = arith.addi %rem3A, %select_n3A : i32
      %select_n3A_160 = arith.select %and3A, %add3A_159, %rem3A : i32
      %add3A_161 = arith.constant 1 : i32
      %add3A_162 = arith.addi %scan3A_149, %add3A_161 : i32
      %lt3A_163 = arith.constant 126 : i32
      %lt3A_164 = arith.cmpi slt, %add3A_162, %lt3A_163 : i32
      %convert_element_type3A_165 = arith.extui %lt3A_164 : i1 to i32
      %cond3A_166 = arith.constant 0 : i32
      %cond3A_167 = arith.cmpi ne, %convert_element_type3A_165, %cond3A_166 : i32
      scf.if %cond3A_167 {
        %add3A_257 = arith.constant 1 : i32
        %add3A_258 = arith.addi %scan3A_149, %add3A_257 : i32
        %add3A_259 = arith.constant 1 : i32
        %add3A_260 = arith.addi %scan3A_149, %add3A_259 : i32
        %jit3A_261 = arith.constant 3 : i32
        %eq3A_262 = arith.constant 0 : i32
        %eq3A_263 = arith.cmpi eq, %jit3A_261, %eq3A_262 : i32
        %jit3A_264 = arith.constant 1 : i32
        %select_n3A_265 = arith.select %eq3A_263, %jit3A_264, %jit3A_261 : i32
        %rem3A_266 = arith.remsi %add3A_260, %select_n3A_265 : i32
        %ne3A_267 = arith.constant 0 : i32
        %ne3A_268 = arith.cmpi ne, %rem3A_266, %ne3A_267 : i32
        %lt3A_269 = arith.constant 0 : i32
        %lt3A_270 = arith.cmpi slt, %rem3A_266, %lt3A_269 : i32
        %lt3A_271 = arith.constant 0 : i32
        %lt3A_272 = arith.cmpi slt, %select_n3A_265, %lt3A_271 : i32
        %ne3A_273 = arith.xori %lt3A_270, %lt3A_272 : i1
        %and3A_274 = arith.andi %ne3A_273, %ne3A_268 : i1
        %add3A_275 = arith.addi %rem3A_266, %select_n3A_265 : i32
        %select_n3A_276 = arith.select %and3A_274, %add3A_275, %rem3A_266 : i32
        %mul3A_277 = arith.constant 2 : i32
        %mul3A_278 = arith.muli %mul3A_277, %add3A_258 : i32
        %add3A_279 = arith.addi %mul3A_23, %mul3A_278 : i32
        %mul3A_280 = arith.constant 2 : i32
        %mul3A_281 = arith.muli %select_n3A_276, %mul3A_280 : i32
        %mul3A_282 = arith.constant 2 : i32
        %mul3A_283 = arith.muli %select_n3A_276, %mul3A_282 : i32
        %mul3A_284 = arith.constant 160 : i32
        %mul3A_285 = arith.muli %add3A_258, %mul3A_284 : i32
        %add3A_286 = arith.addi %mul3A_25, %mul3A_285 : i32
        %mul3A_287 = arith.constant 160 : i32
        %mul3A_288 = arith.muli %select_n3A_276, %mul3A_287 : i32
        %dma_start3A_289 = arith.constant 0 : i32
        %dma_start3A_290 = tpu.memref_slice %arg9[%mul3A_281, %dma_start3A_289] : memref<6x80xi32, #tpu.memory_space<vmem>> -> memref<2x80xi32, #tpu.memory_space<vmem>>
        %dma_start3A_291 = arith.constant 0 : i32
        %dma_start3A_292 = arith.constant 0 : i32
        %dma_start3A_293 = tpu.memref_slice %arg3[%arg0, %dma_start3A_291, %dma_start3A_292] : memref<2x4032x80xi32, #tpu.memory_space<hbm>> -> memref<1x4032x80xi32, #tpu.memory_space<hbm>>
        %dma_start3A_294 = tpu.memref_squeeze %dma_start3A_293 : memref<1x4032x80xi32, #tpu.memory_space<hbm>> -> memref<4032x80xi32, #tpu.memory_space<hbm>>
        %dma_start3A_295 = arith.constant 0 : i32
        %dma_start3A_296 = tpu.memref_slice %dma_start3A_294[%add3A_279, %dma_start3A_295] : memref<4032x80xi32, #tpu.memory_space<hbm>> -> memref<2x80xi32, #tpu.memory_space<hbm>>
        %dma_start3A_297 = tpu.memref_slice %arg18[%select_n3A_276] : memref<3x!tpu.dma_semaphore, #tpu.memory_space<semaphore_mem>> -> memref<1x!tpu.dma_semaphore, #tpu.memory_space<semaphore_mem>>
        %dma_start3A_298 = tpu.memref_squeeze %dma_start3A_297 : memref<1x!tpu.dma_semaphore, #tpu.memory_space<semaphore_mem>> -> memref<!tpu.dma_semaphore, #tpu.memory_space<semaphore_mem>>
        %dma_start3A_299 = arith.constant 0 : i32
        %dma_start3A_300 = tpu.memref_slice %arg9[%mul3A_281, %dma_start3A_299] : memref<6x80xi32, #tpu.memory_space<vmem>> -> memref<2x80xi32, #tpu.memory_space<vmem>>
        %dma_start3A_301 = arith.constant 0 : i32
        %dma_start3A_302 = arith.constant 0 : i32
        %dma_start3A_303 = tpu.memref_slice %arg3[%arg0, %dma_start3A_301, %dma_start3A_302] : memref<2x4032x80xi32, #tpu.memory_space<hbm>> -> memref<1x4032x80xi32, #tpu.memory_space<hbm>>
        %dma_start3A_304 = tpu.memref_squeeze %dma_start3A_303 : memref<1x4032x80xi32, #tpu.memory_space<hbm>> -> memref<4032x80xi32, #tpu.memory_space<hbm>>
        %dma_start3A_305 = arith.constant 0 : i32
        %dma_start3A_306 = tpu.memref_slice %dma_start3A_304[%add3A_279, %dma_start3A_305] : memref<4032x80xi32, #tpu.memory_space<hbm>> -> memref<2x80xi32, #tpu.memory_space<hbm>>
        tpu.enqueue_dma source(%dma_start3A_306 : memref<2x80xi32, #tpu.memory_space<hbm>>) target(%dma_start3A_300 : memref<2x80xi32, #tpu.memory_space<vmem>>) target_semaphore(%dma_start3A_298 : memref<!tpu.dma_semaphore, #tpu.memory_space<semaphore_mem>>)
        %dma_start3A_307 = arith.constant 0 : i32
        %dma_start3A_308 = tpu.memref_slice %arg10[%mul3A_283, %dma_start3A_307] : memref<6x80xi32, #tpu.memory_space<vmem>> -> memref<2x80xi32, #tpu.memory_space<vmem>>
        %dma_start3A_309 = arith.constant 0 : i32
        %dma_start3A_310 = tpu.memref_slice %arg4[%add3A_279, %dma_start3A_309] : memref<4032x80xi32, #tpu.memory_space<hbm>> -> memref<2x80xi32, #tpu.memory_space<hbm>>
        %dma_start3A_311 = tpu.memref_slice %arg18[%select_n3A_276] : memref<3x!tpu.dma_semaphore, #tpu.memory_space<semaphore_mem>> -> memref<1x!tpu.dma_semaphore, #tpu.memory_space<semaphore_mem>>
        %dma_start3A_312 = tpu.memref_squeeze %dma_start3A_311 : memref<1x!tpu.dma_semaphore, #tpu.memory_space<semaphore_mem>> -> memref<!tpu.dma_semaphore, #tpu.memory_space<semaphore_mem>>
        %dma_start3A_313 = arith.constant 0 : i32
        %dma_start3A_314 = tpu.memref_slice %arg10[%mul3A_283, %dma_start3A_313] : memref<6x80xi32, #tpu.memory_space<vmem>> -> memref<2x80xi32, #tpu.memory_space<vmem>>
        %dma_start3A_315 = arith.constant 0 : i32
        %dma_start3A_316 = tpu.memref_slice %arg4[%add3A_279, %dma_start3A_315] : memref<4032x80xi32, #tpu.memory_space<hbm>> -> memref<2x80xi32, #tpu.memory_space<hbm>>
        tpu.enqueue_dma source(%dma_start3A_316 : memref<2x80xi32, #tpu.memory_space<hbm>>) target(%dma_start3A_314 : memref<2x80xi32, #tpu.memory_space<vmem>>) target_semaphore(%dma_start3A_312 : memref<!tpu.dma_semaphore, #tpu.memory_space<semaphore_mem>>)
        %dma_start3A_317 = tpu.memref_slice %arg11[%mul3A_288] : memref<480xf32, #tpu.memory_space<vmem>> -> memref<160xf32, #tpu.memory_space<vmem>>
        %dma_start3A_318 = tpu.memref_slice %arg5[%add3A_286] : memref<322560xf32, #tpu.memory_space<hbm>> -> memref<160xf32, #tpu.memory_space<hbm>>
        %dma_start3A_319 = tpu.memref_slice %arg18[%select_n3A_276] : memref<3x!tpu.dma_semaphore, #tpu.memory_space<semaphore_mem>> -> memref<1x!tpu.dma_semaphore, #tpu.memory_space<semaphore_mem>>
        %dma_start3A_320 = tpu.memref_squeeze %dma_start3A_319 : memref<1x!tpu.dma_semaphore, #tpu.memory_space<semaphore_mem>> -> memref<!tpu.dma_semaphore, #tpu.memory_space<semaphore_mem>>
        %dma_start3A_321 = tpu.memref_slice %arg11[%mul3A_288] : memref<480xf32, #tpu.memory_space<vmem>> -> memref<160xf32, #tpu.memory_space<vmem>>
        %dma_start3A_322 = tpu.memref_slice %arg5[%add3A_286] : memref<322560xf32, #tpu.memory_space<hbm>> -> memref<160xf32, #tpu.memory_space<hbm>>
        tpu.enqueue_dma source(%dma_start3A_322 : memref<160xf32, #tpu.memory_space<hbm>>) target(%dma_start3A_321 : memref<160xf32, #tpu.memory_space<vmem>>) target_semaphore(%dma_start3A_320 : memref<!tpu.dma_semaphore, #tpu.memory_space<semaphore_mem>>)
      } else {
      }
      %mul3A_168 = arith.constant 2 : i32
      %mul3A_169 = arith.muli %select_n3A_160, %mul3A_168 : i32
      %add3A_170 = arith.constant 1 : i32
      %add3A_171 = arith.addi %mul3A_169, %add3A_170 : i32
      %dma_start3A_172 = arith.constant 0 : i32
      %dma_start3A_173 = tpu.memref_slice %arg9[%add3A_171, %dma_start3A_172] : memref<6x80xi32, #tpu.memory_space<vmem>> -> memref<1x80xi32, #tpu.memory_space<vmem>>
      %dma_start3A_174 = tpu.memref_squeeze %dma_start3A_173 : memref<1x80xi32, #tpu.memory_space<vmem>> -> memref<80xi32, #tpu.memory_space<vmem>>
      %dma_start3A_175 = arith.constant 0 : i32
      %dma_start3A_176 = arith.constant 0 : i32
      %dma_start3A_177 = tpu.memref_slice %arg2[%dma_start3A_175, %dma_start3A_176] : memref<20000x128xf32, #tpu.memory_space<hbm>> -> memref<20000x128xf32, #tpu.memory_space<hbm>>
      tpu.enqueue_indirect_dma source(%dma_start3A_177 : memref<20000x128xf32, #tpu.memory_space<hbm>>) target(%arg13 : memref<80x128xf32, #tpu.memory_space<vmem>>) offsets(%dma_start3A_174 : memref<80xi32, #tpu.memory_space<vmem>>) semaphore(%arg20 : memref<!tpu.dma_semaphore, #tpu.memory_space<semaphore_mem>>)
      %mul3A_178 = arith.constant 2 : i32
      %mul3A_179 = arith.muli %select_n3A_160, %mul3A_178 : i32
      %add3A_180 = arith.constant 0 : i32
      %add3A_181 = arith.addi %mul3A_179, %add3A_180 : i32
      %dma_wait3A_182 = arith.constant 0 : i32
      %dma_wait3A_183 = tpu.memref_slice %arg9[%add3A_181, %dma_wait3A_182] : memref<6x80xi32, #tpu.memory_space<vmem>> -> memref<1x80xi32, #tpu.memory_space<vmem>>
      %dma_wait3A_184 = tpu.memref_squeeze %dma_wait3A_183 : memref<1x80xi32, #tpu.memory_space<vmem>> -> memref<80xi32, #tpu.memory_space<vmem>>
      %dma_wait3A_185 = arith.constant 0 : i32
      %dma_wait3A_186 = arith.constant 0 : i32
      %dma_wait3A_187 = tpu.memref_slice %arg2[%dma_wait3A_185, %dma_wait3A_186] : memref<20000x128xf32, #tpu.memory_space<hbm>> -> memref<20000x128xf32, #tpu.memory_space<hbm>>
      tpu.wait_indirect_dma semaphore(%arg19 : memref<!tpu.dma_semaphore, #tpu.memory_space<semaphore_mem>>) src(%dma_wait3A_187 : memref<20000x128xf32, #tpu.memory_space<hbm>>) dst(%arg12 : memref<80x128xf32, #tpu.memory_space<vmem>>)
      %mul3A_188 = arith.constant 160 : i32
      %mul3A_189 = arith.muli %select_n3A_160, %mul3A_188 : i32
      %add3A_190 = arith.constant 0 : i32
      %add3A_191 = arith.addi %mul3A_189, %add3A_190 : i32
      %scan3A_192 = arith.constant 0 : i32
      %scan3A_193 = arith.constant 0 : i32
      %scan3A_194 = arith.constant 80 : i32
      %scan3A_195 = arith.addi %scan3A_193, %scan3A_194 : i32
      %scan3A_196 = arith.constant 1 : i32
      scf.for %scan3A_257 = %scan3A_193 to %scan3A_195 step %scan3A_196  : i32 {
        %add3A_258 = arith.addi %add3A_191, %scan3A_257 : i32
        %broadcast_in_dim3A = vector.broadcast %add3A_258 : i32 to vector<16xi32>
        %gather3A = tpu.vector_load_idx %arg11[%broadcast_in_dim3A] : memref<480xf32, #tpu.memory_space<vmem>>[vector<16xi32>], vector<16xf32>,
        %get3A_259 = arith.index_cast %scan3A_257 : i32 to index
        %get3A_260 = arith.constant 0 : index
        %get3A_261 = tpu.vector_load %arg12[%get3A_259, %get3A_260] {strides = array<i32>} : memref<80x128xf32, #tpu.memory_space<vmem>>, vector<16xf32>,
        %mul3A_262 = arith.mulf %gather3A, %get3A_7 : vector<16xf32>
        %add3A_263 = arith.addf %get3A_261, %mul3A_262 : vector<16xf32>
        %max3A = arith.constant 0.000000e+00 : f32
        %max3A_264 = vector.broadcast %max3A : f32 to vector<16xf32>
        %max3A_265 = arith.maximumf %add3A_263, %max3A_264 : vector<16xf32>
        %swap3A = arith.index_cast %scan3A_257 : i32 to index
        %swap3A_266 = arith.constant 0 : index
        %swap3A_267 = tpu.vector_load %arg14[%swap3A, %swap3A_266] {strides = array<i32>} : memref<80x128xf32, #tpu.memory_space<vmem>>, vector<16xf32>,
        tpu.vector_store %arg14[%swap3A, %swap3A_266], %max3A_265 {strides = array<i32>} : memref<80x128xf32, #tpu.memory_space<vmem>>, vector<16xf32>,
        %get3A_268 = arith.index_cast %scan3A_257 : i32 to index
        %get3A_269 = arith.constant 16 : index
        %get3A_270 = tpu.vector_load %arg12[%get3A_268, %get3A_269] {strides = array<i32>} : memref<80x128xf32, #tpu.memory_space<vmem>>, vector<16xf32>,
        %mul3A_271 = arith.mulf %gather3A, %get3A_9 : vector<16xf32>
        %add3A_272 = arith.addf %get3A_270, %mul3A_271 : vector<16xf32>
        %max3A_273 = arith.constant 0.000000e+00 : f32
        %max3A_274 = vector.broadcast %max3A_273 : f32 to vector<16xf32>
        %max3A_275 = arith.maximumf %add3A_272, %max3A_274 : vector<16xf32>
        %swap3A_276 = arith.index_cast %scan3A_257 : i32 to index
        %swap3A_277 = arith.constant 16 : index
        %swap3A_278 = tpu.vector_load %arg14[%swap3A_276, %swap3A_277] {strides = array<i32>} : memref<80x128xf32, #tpu.memory_space<vmem>>, vector<16xf32>,
        tpu.vector_store %arg14[%swap3A_276, %swap3A_277], %max3A_275 {strides = array<i32>} : memref<80x128xf32, #tpu.memory_space<vmem>>, vector<16xf32>,
        %get3A_279 = arith.index_cast %scan3A_257 : i32 to index
        %get3A_280 = arith.constant 32 : index
        %get3A_281 = tpu.vector_load %arg12[%get3A_279, %get3A_280] {strides = array<i32>} : memref<80x128xf32, #tpu.memory_space<vmem>>, vector<16xf32>,
        %mul3A_282 = arith.mulf %gather3A, %get3A_11 : vector<16xf32>
        %add3A_283 = arith.addf %get3A_281, %mul3A_282 : vector<16xf32>
        %max3A_284 = arith.constant 0.000000e+00 : f32
        %max3A_285 = vector.broadcast %max3A_284 : f32 to vector<16xf32>
        %max3A_286 = arith.maximumf %add3A_283, %max3A_285 : vector<16xf32>
        %swap3A_287 = arith.index_cast %scan3A_257 : i32 to index
        %swap3A_288 = arith.constant 32 : index
        %swap3A_289 = tpu.vector_load %arg14[%swap3A_287, %swap3A_288] {strides = array<i32>} : memref<80x128xf32, #tpu.memory_space<vmem>>, vector<16xf32>,
        tpu.vector_store %arg14[%swap3A_287, %swap3A_288], %max3A_286 {strides = array<i32>} : memref<80x128xf32, #tpu.memory_space<vmem>>, vector<16xf32>,
        %get3A_290 = arith.index_cast %scan3A_257 : i32 to index
        %get3A_291 = arith.constant 48 : index
        %get3A_292 = tpu.vector_load %arg12[%get3A_290, %get3A_291] {strides = array<i32>} : memref<80x128xf32, #tpu.memory_space<vmem>>, vector<16xf32>,
        %mul3A_293 = arith.mulf %gather3A, %get3A_13 : vector<16xf32>
        %add3A_294 = arith.addf %get3A_292, %mul3A_293 : vector<16xf32>
        %max3A_295 = arith.constant 0.000000e+00 : f32
        %max3A_296 = vector.broadcast %max3A_295 : f32 to vector<16xf32>
        %max3A_297 = arith.maximumf %add3A_294, %max3A_296 : vector<16xf32>
        %swap3A_298 = arith.index_cast %scan3A_257 : i32 to index
        %swap3A_299 = arith.constant 48 : index
        %swap3A_300 = tpu.vector_load %arg14[%swap3A_298, %swap3A_299] {strides = array<i32>} : memref<80x128xf32, #tpu.memory_space<vmem>>, vector<16xf32>,
        tpu.vector_store %arg14[%swap3A_298, %swap3A_299], %max3A_297 {strides = array<i32>} : memref<80x128xf32, #tpu.memory_space<vmem>>, vector<16xf32>,
        %get3A_301 = arith.index_cast %scan3A_257 : i32 to index
        %get3A_302 = arith.constant 64 : index
        %get3A_303 = tpu.vector_load %arg12[%get3A_301, %get3A_302] {strides = array<i32>} : memref<80x128xf32, #tpu.memory_space<vmem>>, vector<16xf32>,
        %mul3A_304 = arith.mulf %gather3A, %get3A_15 : vector<16xf32>
        %add3A_305 = arith.addf %get3A_303, %mul3A_304 : vector<16xf32>
        %max3A_306 = arith.constant 0.000000e+00 : f32
        %max3A_307 = vector.broadcast %max3A_306 : f32 to vector<16xf32>
        %max3A_308 = arith.maximumf %add3A_305, %max3A_307 : vector<16xf32>
        %swap3A_309 = arith.index_cast %scan3A_257 : i32 to index
        %swap3A_310 = arith.constant 64 : index
        %swap3A_311 = tpu.vector_load %arg14[%swap3A_309, %swap3A_310] {strides = array<i32>} : memref<80x128xf32, #tpu.memory_space<vmem>>, vector<16xf32>,
        tpu.vector_store %arg14[%swap3A_309, %swap3A_310], %max3A_308 {strides = array<i32>} : memref<80x128xf32, #tpu.memory_space<vmem>>, vector<16xf32>,
        %get3A_312 = arith.index_cast %scan3A_257 : i32 to index
        %get3A_313 = arith.constant 80 : index
        %get3A_314 = tpu.vector_load %arg12[%get3A_312, %get3A_313] {strides = array<i32>} : memref<80x128xf32, #tpu.memory_space<vmem>>, vector<16xf32>,
        %mul3A_315 = arith.mulf %gather3A, %get3A_17 : vector<16xf32>
        %add3A_316 = arith.addf %get3A_314, %mul3A_315 : vector<16xf32>
        %max3A_317 = arith.constant 0.000000e+00 : f32
        %max3A_318 = vector.broadcast %max3A_317 : f32 to vector<16xf32>
        %max3A_319 = arith.maximumf %add3A_316, %max3A_318 : vector<16xf32>
        %swap3A_320 = arith.index_cast %scan3A_257 : i32 to index
        %swap3A_321 = arith.constant 80 : index
        %swap3A_322 = tpu.vector_load %arg14[%swap3A_320, %swap3A_321] {strides = array<i32>} : memref<80x128xf32, #tpu.memory_space<vmem>>, vector<16xf32>,
        tpu.vector_store %arg14[%swap3A_320, %swap3A_321], %max3A_319 {strides = array<i32>} : memref<80x128xf32, #tpu.memory_space<vmem>>, vector<16xf32>,
        %get3A_323 = arith.index_cast %scan3A_257 : i32 to index
        %get3A_324 = arith.constant 96 : index
        %get3A_325 = tpu.vector_load %arg12[%get3A_323, %get3A_324] {strides = array<i32>} : memref<80x128xf32, #tpu.memory_space<vmem>>, vector<16xf32>,
        %mul3A_326 = arith.mulf %gather3A, %get3A_19 : vector<16xf32>
        %add3A_327 = arith.addf %get3A_325, %mul3A_326 : vector<16xf32>
        %max3A_328 = arith.constant 0.000000e+00 : f32
        %max3A_329 = vector.broadcast %max3A_328 : f32 to vector<16xf32>
        %max3A_330 = arith.maximumf %add3A_327, %max3A_329 : vector<16xf32>
        %swap3A_331 = arith.index_cast %scan3A_257 : i32 to index
        %swap3A_332 = arith.constant 96 : index
        %swap3A_333 = tpu.vector_load %arg14[%swap3A_331, %swap3A_332] {strides = array<i32>} : memref<80x128xf32, #tpu.memory_space<vmem>>, vector<16xf32>,
        tpu.vector_store %arg14[%swap3A_331, %swap3A_332], %max3A_330 {strides = array<i32>} : memref<80x128xf32, #tpu.memory_space<vmem>>, vector<16xf32>,
        %get3A_334 = arith.index_cast %scan3A_257 : i32 to index
        %get3A_335 = arith.constant 112 : index
        %get3A_336 = tpu.vector_load %arg12[%get3A_334, %get3A_335] {strides = array<i32>} : memref<80x128xf32, #tpu.memory_space<vmem>>, vector<16xf32>,
        %mul3A_337 = arith.mulf %gather3A, %get3A_21 : vector<16xf32>
        %add3A_338 = arith.addf %get3A_336, %mul3A_337 : vector<16xf32>
        %max3A_339 = arith.constant 0.000000e+00 : f32
        %max3A_340 = vector.broadcast %max3A_339 : f32 to vector<16xf32>
        %max3A_341 = arith.maximumf %add3A_338, %max3A_340 : vector<16xf32>
        %swap3A_342 = arith.index_cast %scan3A_257 : i32 to index
        %swap3A_343 = arith.constant 112 : index
        %swap3A_344 = tpu.vector_load %arg14[%swap3A_342, %swap3A_343] {strides = array<i32>} : memref<80x128xf32, #tpu.memory_space<vmem>>, vector<16xf32>,
        tpu.vector_store %arg14[%swap3A_342, %swap3A_343], %max3A_341 {strides = array<i32>} : memref<80x128xf32, #tpu.memory_space<vmem>>, vector<16xf32>,
      }
      %scan3A_197 = arith.constant 80 : i32
      %mul3A_198 = arith.constant 2 : i32
      %mul3A_199 = arith.muli %select_n3A_160, %mul3A_198 : i32
      %dma_start3A_200 = arith.constant 0 : i32
      %dma_start3A_201 = tpu.memref_slice %arg10[%mul3A_199, %dma_start3A_200] : memref<6x80xi32, #tpu.memory_space<vmem>> -> memref<1x80xi32, #tpu.memory_space<vmem>>
      %dma_start3A_202 = tpu.memref_squeeze %dma_start3A_201 : memref<1x80xi32, #tpu.memory_space<vmem>> -> memref<80xi32, #tpu.memory_space<vmem>>
      %dma_start3A_203 = arith.constant 0 : i32
      %dma_start3A_204 = arith.constant 0 : i32
      %dma_start3A_205 = tpu.memref_slice %arg17[%dma_start3A_203, %dma_start3A_204] : memref<10016x128xf32, #tpu.memory_space<vmem_shared>> -> memref<10016x128xf32, #tpu.memory_space<vmem_shared>>
      tpu.enqueue_indirect_dma source(%arg14 : memref<80x128xf32, #tpu.memory_space<vmem>>) target(%dma_start3A_205 : memref<10016x128xf32, #tpu.memory_space<vmem_shared>>) offsets(%dma_start3A_202 : memref<80xi32, #tpu.memory_space<vmem>>) semaphore(%arg21 : memref<!tpu.dma_semaphore, #tpu.memory_space<semaphore_mem>>) {add = true}
      %add3A_206 = arith.constant 1 : i32
      %add3A_207 = arith.addi %scan3A_149, %add3A_206 : i32
      %lt3A_208 = arith.constant 126 : i32
      %lt3A_209 = arith.cmpi slt, %add3A_207, %lt3A_208 : i32
      %convert_element_type3A_210 = arith.extui %lt3A_209 : i1 to i32
      %cond3A_211 = arith.constant 0 : i32
      %cond3A_212 = arith.cmpi ne, %convert_element_type3A_210, %cond3A_211 : i32
      scf.if %cond3A_212 {
        %add3A_257 = arith.constant 1 : i32
        %add3A_258 = arith.addi %scan3A_149, %add3A_257 : i32
        %add3A_259 = arith.constant 1 : i32
        %add3A_260 = arith.addi %scan3A_149, %add3A_259 : i32
        %jit3A_261 = arith.constant 3 : i32
        %eq3A_262 = arith.constant 0 : i32
        %eq3A_263 = arith.cmpi eq, %jit3A_261, %eq3A_262 : i32
        %jit3A_264 = arith.constant 1 : i32
        %select_n3A_265 = arith.select %eq3A_263, %jit3A_264, %jit3A_261 : i32
        %rem3A_266 = arith.remsi %add3A_260, %select_n3A_265 : i32
        %ne3A_267 = arith.constant 0 : i32
        %ne3A_268 = arith.cmpi ne, %rem3A_266, %ne3A_267 : i32
        %lt3A_269 = arith.constant 0 : i32
        %lt3A_270 = arith.cmpi slt, %rem3A_266, %lt3A_269 : i32
        %lt3A_271 = arith.constant 0 : i32
        %lt3A_272 = arith.cmpi slt, %select_n3A_265, %lt3A_271 : i32
        %ne3A_273 = arith.xori %lt3A_270, %lt3A_272 : i1
        %and3A_274 = arith.andi %ne3A_273, %ne3A_268 : i1
        %add3A_275 = arith.addi %rem3A_266, %select_n3A_265 : i32
        %select_n3A_276 = arith.select %and3A_274, %add3A_275, %rem3A_266 : i32
        %mul3A_277 = arith.constant 2 : i32
        %mul3A_278 = arith.muli %mul3A_277, %add3A_258 : i32
        %add3A_279 = arith.addi %mul3A_23, %mul3A_278 : i32
        %mul3A_280 = arith.constant 2 : i32
        %mul3A_281 = arith.muli %select_n3A_276, %mul3A_280 : i32
        %mul3A_282 = arith.constant 2 : i32
        %mul3A_283 = arith.muli %select_n3A_276, %mul3A_282 : i32
        %mul3A_284 = arith.constant 160 : i32
        %mul3A_285 = arith.muli %add3A_258, %mul3A_284 : i32
        %add3A_286 = arith.addi %mul3A_25, %mul3A_285 : i32
        %mul3A_287 = arith.constant 160 : i32
        %mul3A_288 = arith.muli %select_n3A_276, %mul3A_287 : i32
        %dma_wait3A_289 = arith.constant 0 : i32
        %dma_wait3A_290 = tpu.memref_slice %arg9[%mul3A_281, %dma_wait3A_289] : memref<6x80xi32, #tpu.memory_space<vmem>> -> memref<2x80xi32, #tpu.memory_space<vmem>>
        %dma_wait3A_291 = arith.constant 0 : i32
        %dma_wait3A_292 = arith.constant 0 : i32
        %dma_wait3A_293 = tpu.memref_slice %arg3[%arg0, %dma_wait3A_291, %dma_wait3A_292] : memref<2x4032x80xi32, #tpu.memory_space<hbm>> -> memref<1x4032x80xi32, #tpu.memory_space<hbm>>
        %dma_wait3A_294 = tpu.memref_squeeze %dma_wait3A_293 : memref<1x4032x80xi32, #tpu.memory_space<hbm>> -> memref<4032x80xi32, #tpu.memory_space<hbm>>
        %dma_wait3A_295 = arith.constant 0 : i32
        %dma_wait3A_296 = tpu.memref_slice %dma_wait3A_294[%add3A_279, %dma_wait3A_295] : memref<4032x80xi32, #tpu.memory_space<hbm>> -> memref<2x80xi32, #tpu.memory_space<hbm>>
        %dma_wait3A_297 = tpu.memref_slice %arg18[%select_n3A_276] : memref<3x!tpu.dma_semaphore, #tpu.memory_space<semaphore_mem>> -> memref<1x!tpu.dma_semaphore, #tpu.memory_space<semaphore_mem>>
        %dma_wait3A_298 = tpu.memref_squeeze %dma_wait3A_297 : memref<1x!tpu.dma_semaphore, #tpu.memory_space<semaphore_mem>> -> memref<!tpu.dma_semaphore, #tpu.memory_space<semaphore_mem>>
        %dma_wait3A_299 = arith.constant 0 : i32
        %dma_wait3A_300 = tpu.memref_slice %arg9[%mul3A_281, %dma_wait3A_299] : memref<6x80xi32, #tpu.memory_space<vmem>> -> memref<2x80xi32, #tpu.memory_space<vmem>>
        %dma_wait3A_301 = arith.constant 0 : i32
        %dma_wait3A_302 = arith.constant 0 : i32
        %dma_wait3A_303 = tpu.memref_slice %arg3[%arg0, %dma_wait3A_301, %dma_wait3A_302] : memref<2x4032x80xi32, #tpu.memory_space<hbm>> -> memref<1x4032x80xi32, #tpu.memory_space<hbm>>
        %dma_wait3A_304 = tpu.memref_squeeze %dma_wait3A_303 : memref<1x4032x80xi32, #tpu.memory_space<hbm>> -> memref<4032x80xi32, #tpu.memory_space<hbm>>
        %dma_wait3A_305 = arith.constant 0 : i32
        %dma_wait3A_306 = tpu.memref_slice %dma_wait3A_304[%add3A_279, %dma_wait3A_305] : memref<4032x80xi32, #tpu.memory_space<hbm>> -> memref<2x80xi32, #tpu.memory_space<hbm>>
        tpu.wait_dma2 semaphore(%dma_wait3A_298 : memref<!tpu.dma_semaphore, #tpu.memory_space<semaphore_mem>>) src(%dma_wait3A_306 : memref<2x80xi32, #tpu.memory_space<hbm>>) dst(%dma_wait3A_300 : memref<2x80xi32, #tpu.memory_space<vmem>>)
        %dma_wait3A_307 = arith.constant 0 : i32
        %dma_wait3A_308 = tpu.memref_slice %arg10[%mul3A_283, %dma_wait3A_307] : memref<6x80xi32, #tpu.memory_space<vmem>> -> memref<2x80xi32, #tpu.memory_space<vmem>>
        %dma_wait3A_309 = arith.constant 0 : i32
        %dma_wait3A_310 = tpu.memref_slice %arg4[%add3A_279, %dma_wait3A_309] : memref<4032x80xi32, #tpu.memory_space<hbm>> -> memref<2x80xi32, #tpu.memory_space<hbm>>
        %dma_wait3A_311 = tpu.memref_slice %arg18[%select_n3A_276] : memref<3x!tpu.dma_semaphore, #tpu.memory_space<semaphore_mem>> -> memref<1x!tpu.dma_semaphore, #tpu.memory_space<semaphore_mem>>
        %dma_wait3A_312 = tpu.memref_squeeze %dma_wait3A_311 : memref<1x!tpu.dma_semaphore, #tpu.memory_space<semaphore_mem>> -> memref<!tpu.dma_semaphore, #tpu.memory_space<semaphore_mem>>
        %dma_wait3A_313 = arith.constant 0 : i32
        %dma_wait3A_314 = tpu.memref_slice %arg10[%mul3A_283, %dma_wait3A_313] : memref<6x80xi32, #tpu.memory_space<vmem>> -> memref<2x80xi32, #tpu.memory_space<vmem>>
        %dma_wait3A_315 = arith.constant 0 : i32
        %dma_wait3A_316 = tpu.memref_slice %arg4[%add3A_279, %dma_wait3A_315] : memref<4032x80xi32, #tpu.memory_space<hbm>> -> memref<2x80xi32, #tpu.memory_space<hbm>>
        tpu.wait_dma2 semaphore(%dma_wait3A_312 : memref<!tpu.dma_semaphore, #tpu.memory_space<semaphore_mem>>) src(%dma_wait3A_316 : memref<2x80xi32, #tpu.memory_space<hbm>>) dst(%dma_wait3A_314 : memref<2x80xi32, #tpu.memory_space<vmem>>)
        %dma_wait3A_317 = tpu.memref_slice %arg11[%mul3A_288] : memref<480xf32, #tpu.memory_space<vmem>> -> memref<160xf32, #tpu.memory_space<vmem>>
        %dma_wait3A_318 = tpu.memref_slice %arg5[%add3A_286] : memref<322560xf32, #tpu.memory_space<hbm>> -> memref<160xf32, #tpu.memory_space<hbm>>
        %dma_wait3A_319 = tpu.memref_slice %arg18[%select_n3A_276] : memref<3x!tpu.dma_semaphore, #tpu.memory_space<semaphore_mem>> -> memref<1x!tpu.dma_semaphore, #tpu.memory_space<semaphore_mem>>
        %dma_wait3A_320 = tpu.memref_squeeze %dma_wait3A_319 : memref<1x!tpu.dma_semaphore, #tpu.memory_space<semaphore_mem>> -> memref<!tpu.dma_semaphore, #tpu.memory_space<semaphore_mem>>
        %dma_wait3A_321 = tpu.memref_slice %arg11[%mul3A_288] : memref<480xf32, #tpu.memory_space<vmem>> -> memref<160xf32, #tpu.memory_space<vmem>>
        %dma_wait3A_322 = tpu.memref_slice %arg5[%add3A_286] : memref<322560xf32, #tpu.memory_space<hbm>> -> memref<160xf32, #tpu.memory_space<hbm>>
        tpu.wait_dma2 semaphore(%dma_wait3A_320 : memref<!tpu.dma_semaphore, #tpu.memory_space<semaphore_mem>>) src(%dma_wait3A_322 : memref<160xf32, #tpu.memory_space<hbm>>) dst(%dma_wait3A_321 : memref<160xf32, #tpu.memory_space<vmem>>)
        %add3A_323 = arith.constant 1 : i32
        %add3A_324 = arith.addi %scan3A_149, %add3A_323 : i32
        %jit3A_325 = arith.constant 3 : i32
        %eq3A_326 = arith.constant 0 : i32
        %eq3A_327 = arith.cmpi eq, %jit3A_325, %eq3A_326 : i32
        %jit3A_328 = arith.constant 1 : i32
        %select_n3A_329 = arith.select %eq3A_327, %jit3A_328, %jit3A_325 : i32
        %rem3A_330 = arith.remsi %add3A_324, %select_n3A_329 : i32
        %ne3A_331 = arith.constant 0 : i32
        %ne3A_332 = arith.cmpi ne, %rem3A_330, %ne3A_331 : i32
        %lt3A_333 = arith.constant 0 : i32
        %lt3A_334 = arith.cmpi slt, %rem3A_330, %lt3A_333 : i32
        %lt3A_335 = arith.constant 0 : i32
        %lt3A_336 = arith.cmpi slt, %select_n3A_329, %lt3A_335 : i32
        %ne3A_337 = arith.xori %lt3A_334, %lt3A_336 : i1
        %and3A_338 = arith.andi %ne3A_337, %ne3A_332 : i1
        %add3A_339 = arith.addi %rem3A_330, %select_n3A_329 : i32
        %select_n3A_340 = arith.select %and3A_338, %add3A_339, %rem3A_330 : i32
        %mul3A_341 = arith.constant 2 : i32
        %mul3A_342 = arith.muli %select_n3A_340, %mul3A_341 : i32
        %add3A_343 = arith.constant 0 : i32
        %add3A_344 = arith.addi %mul3A_342, %add3A_343 : i32
        %dma_start3A_345 = arith.constant 0 : i32
        %dma_start3A_346 = tpu.memref_slice %arg9[%add3A_344, %dma_start3A_345] : memref<6x80xi32, #tpu.memory_space<vmem>> -> memref<1x80xi32, #tpu.memory_space<vmem>>
        %dma_start3A_347 = tpu.memref_squeeze %dma_start3A_346 : memref<1x80xi32, #tpu.memory_space<vmem>> -> memref<80xi32, #tpu.memory_space<vmem>>
        %dma_start3A_348 = arith.constant 0 : i32
        %dma_start3A_349 = arith.constant 0 : i32
        %dma_start3A_350 = tpu.memref_slice %arg2[%dma_start3A_348, %dma_start3A_349] : memref<20000x128xf32, #tpu.memory_space<hbm>> -> memref<20000x128xf32, #tpu.memory_space<hbm>>
        tpu.enqueue_indirect_dma source(%dma_start3A_350 : memref<20000x128xf32, #tpu.memory_space<hbm>>) target(%arg12 : memref<80x128xf32, #tpu.memory_space<vmem>>) offsets(%dma_start3A_347 : memref<80xi32, #tpu.memory_space<vmem>>) semaphore(%arg19 : memref<!tpu.dma_semaphore, #tpu.memory_space<semaphore_mem>>)
      } else {
      }
      %mul3A_213 = arith.constant 2 : i32
      %mul3A_214 = arith.muli %select_n3A_160, %mul3A_213 : i32
      %add3A_215 = arith.constant 1 : i32
      %add3A_216 = arith.addi %mul3A_214, %add3A_215 : i32
      %dma_wait3A_217 = arith.constant 0 : i32
      %dma_wait3A_218 = tpu.memref_slice %arg9[%add3A_216, %dma_wait3A_217] : memref<6x80xi32, #tpu.memory_space<vmem>> -> memref<1x80xi32, #tpu.memory_space<vmem>>
      %dma_wait3A_219 = tpu.memref_squeeze %dma_wait3A_218 : memref<1x80xi32, #tpu.memory_space<vmem>> -> memref<80xi32, #tpu.memory_space<vmem>>
      %dma_wait3A_220 = arith.constant 0 : i32
      %dma_wait3A_221 = arith.constant 0 : i32
      %dma_wait3A_222 = tpu.memref_slice %arg2[%dma_wait3A_220, %dma_wait3A_221] : memref<20000x128xf32, #tpu.memory_space<hbm>> -> memref<20000x128xf32, #tpu.memory_space<hbm>>
      tpu.wait_indirect_dma semaphore(%arg20 : memref<!tpu.dma_semaphore, #tpu.memory_space<semaphore_mem>>) src(%dma_wait3A_222 : memref<20000x128xf32, #tpu.memory_space<hbm>>) dst(%arg13 : memref<80x128xf32, #tpu.memory_space<vmem>>)
      %ge3A = arith.constant 1 : i32
      %ge3A_223 = arith.cmpi sge, %scan3A_149, %ge3A : i32
      %convert_element_type3A_224 = arith.extui %ge3A_223 : i1 to i32
      %cond3A_225 = arith.constant 0 : i32
      %cond3A_226 = arith.cmpi ne, %convert_element_type3A_224, %cond3A_225 : i32
      scf.if %cond3A_226 {
        %sub3A = arith.constant 1 : i32
        %sub3A_257 = arith.subi %scan3A_149, %sub3A : i32
        %jit3A_258 = arith.constant 3 : i32
        %eq3A_259 = arith.constant 0 : i32
        %eq3A_260 = arith.cmpi eq, %jit3A_258, %eq3A_259 : i32
        %jit3A_261 = arith.constant 1 : i32
        %select_n3A_262 = arith.select %eq3A_260, %jit3A_261, %jit3A_258 : i32
        %rem3A_263 = arith.remsi %sub3A_257, %select_n3A_262 : i32
        %ne3A_264 = arith.constant 0 : i32
        %ne3A_265 = arith.cmpi ne, %rem3A_263, %ne3A_264 : i32
        %lt3A_266 = arith.constant 0 : i32
        %lt3A_267 = arith.cmpi slt, %rem3A_263, %lt3A_266 : i32
        %lt3A_268 = arith.constant 0 : i32
        %lt3A_269 = arith.cmpi slt, %select_n3A_262, %lt3A_268 : i32
        %ne3A_270 = arith.xori %lt3A_267, %lt3A_269 : i1
        %and3A_271 = arith.andi %ne3A_270, %ne3A_265 : i1
        %add3A_272 = arith.addi %rem3A_263, %select_n3A_262 : i32
        %select_n3A_273 = arith.select %and3A_271, %add3A_272, %rem3A_263 : i32
        %mul3A_274 = arith.constant 2 : i32
        %mul3A_275 = arith.muli %select_n3A_273, %mul3A_274 : i32
        %add3A_276 = arith.constant 1 : i32
        %add3A_277 = arith.addi %mul3A_275, %add3A_276 : i32
        %dma_wait3A_278 = arith.constant 0 : i32
        %dma_wait3A_279 = tpu.memref_slice %arg10[%add3A_277, %dma_wait3A_278] : memref<6x80xi32, #tpu.memory_space<vmem>> -> memref<1x80xi32, #tpu.memory_space<vmem>>
        %dma_wait3A_280 = tpu.memref_squeeze %dma_wait3A_279 : memref<1x80xi32, #tpu.memory_space<vmem>> -> memref<80xi32, #tpu.memory_space<vmem>>
        %dma_wait3A_281 = arith.constant 0 : i32
        %dma_wait3A_282 = arith.constant 0 : i32
        %dma_wait3A_283 = tpu.memref_slice %arg17[%dma_wait3A_281, %dma_wait3A_282] : memref<10016x128xf32, #tpu.memory_space<vmem_shared>> -> memref<10016x128xf32, #tpu.memory_space<vmem_shared>>
        tpu.wait_indirect_dma semaphore(%arg22 : memref<!tpu.dma_semaphore, #tpu.memory_space<semaphore_mem>>) src(%arg15 : memref<80x128xf32, #tpu.memory_space<vmem>>) dst(%dma_wait3A_283 : memref<10016x128xf32, #tpu.memory_space<vmem_shared>>)
      } else {
      }
      %mul3A_227 = arith.constant 160 : i32
      %mul3A_228 = arith.muli %select_n3A_160, %mul3A_227 : i32
      %add3A_229 = arith.constant 80 : i32
      %add3A_230 = arith.addi %mul3A_228, %add3A_229 : i32
      %scan3A_231 = arith.constant 0 : i32
      %scan3A_232 = arith.constant 0 : i32
      %scan3A_233 = arith.constant 80 : i32
      %scan3A_234 = arith.addi %scan3A_232, %scan3A_233 : i32
      %scan3A_235 = arith.constant 1 : i32
      scf.for %scan3A_257 = %scan3A_232 to %scan3A_234 step %scan3A_235  : i32 {
        %add3A_258 = arith.addi %add3A_230, %scan3A_257 : i32
        %broadcast_in_dim3A = vector.broadcast %add3A_258 : i32 to vector<16xi32>
        %gather3A = tpu.vector_load_idx %arg11[%broadcast_in_dim3A] : memref<480xf32, #tpu.memory_space<vmem>>[vector<16xi32>], vector<16xf32>,
        %get3A_259 = arith.index_cast %scan3A_257 : i32 to index
        %get3A_260 = arith.constant 0 : index
        %get3A_261 = tpu.vector_load %arg13[%get3A_259, %get3A_260] {strides = array<i32>} : memref<80x128xf32, #tpu.memory_space<vmem>>, vector<16xf32>,
        %mul3A_262 = arith.mulf %gather3A, %get3A_7 : vector<16xf32>
        %add3A_263 = arith.addf %get3A_261, %mul3A_262 : vector<16xf32>
        %max3A = arith.constant 0.000000e+00 : f32
        %max3A_264 = vector.broadcast %max3A : f32 to vector<16xf32>
        %max3A_265 = arith.maximumf %add3A_263, %max3A_264 : vector<16xf32>
        %swap3A = arith.index_cast %scan3A_257 : i32 to index
        %swap3A_266 = arith.constant 0 : index
        %swap3A_267 = tpu.vector_load %arg15[%swap3A, %swap3A_266] {strides = array<i32>} : memref<80x128xf32, #tpu.memory_space<vmem>>, vector<16xf32>,
        tpu.vector_store %arg15[%swap3A, %swap3A_266], %max3A_265 {strides = array<i32>} : memref<80x128xf32, #tpu.memory_space<vmem>>, vector<16xf32>,
        %get3A_268 = arith.index_cast %scan3A_257 : i32 to index
        %get3A_269 = arith.constant 16 : index
        %get3A_270 = tpu.vector_load %arg13[%get3A_268, %get3A_269] {strides = array<i32>} : memref<80x128xf32, #tpu.memory_space<vmem>>, vector<16xf32>,
        %mul3A_271 = arith.mulf %gather3A, %get3A_9 : vector<16xf32>
        %add3A_272 = arith.addf %get3A_270, %mul3A_271 : vector<16xf32>
        %max3A_273 = arith.constant 0.000000e+00 : f32
        %max3A_274 = vector.broadcast %max3A_273 : f32 to vector<16xf32>
        %max3A_275 = arith.maximumf %add3A_272, %max3A_274 : vector<16xf32>
        %swap3A_276 = arith.index_cast %scan3A_257 : i32 to index
        %swap3A_277 = arith.constant 16 : index
        %swap3A_278 = tpu.vector_load %arg15[%swap3A_276, %swap3A_277] {strides = array<i32>} : memref<80x128xf32, #tpu.memory_space<vmem>>, vector<16xf32>,
        tpu.vector_store %arg15[%swap3A_276, %swap3A_277], %max3A_275 {strides = array<i32>} : memref<80x128xf32, #tpu.memory_space<vmem>>, vector<16xf32>,
        %get3A_279 = arith.index_cast %scan3A_257 : i32 to index
        %get3A_280 = arith.constant 32 : index
        %get3A_281 = tpu.vector_load %arg13[%get3A_279, %get3A_280] {strides = array<i32>} : memref<80x128xf32, #tpu.memory_space<vmem>>, vector<16xf32>,
        %mul3A_282 = arith.mulf %gather3A, %get3A_11 : vector<16xf32>
        %add3A_283 = arith.addf %get3A_281, %mul3A_282 : vector<16xf32>
        %max3A_284 = arith.constant 0.000000e+00 : f32
        %max3A_285 = vector.broadcast %max3A_284 : f32 to vector<16xf32>
        %max3A_286 = arith.maximumf %add3A_283, %max3A_285 : vector<16xf32>
        %swap3A_287 = arith.index_cast %scan3A_257 : i32 to index
        %swap3A_288 = arith.constant 32 : index
        %swap3A_289 = tpu.vector_load %arg15[%swap3A_287, %swap3A_288] {strides = array<i32>} : memref<80x128xf32, #tpu.memory_space<vmem>>, vector<16xf32>,
        tpu.vector_store %arg15[%swap3A_287, %swap3A_288], %max3A_286 {strides = array<i32>} : memref<80x128xf32, #tpu.memory_space<vmem>>, vector<16xf32>,
        %get3A_290 = arith.index_cast %scan3A_257 : i32 to index
        %get3A_291 = arith.constant 48 : index
        %get3A_292 = tpu.vector_load %arg13[%get3A_290, %get3A_291] {strides = array<i32>} : memref<80x128xf32, #tpu.memory_space<vmem>>, vector<16xf32>,
        %mul3A_293 = arith.mulf %gather3A, %get3A_13 : vector<16xf32>
        %add3A_294 = arith.addf %get3A_292, %mul3A_293 : vector<16xf32>
        %max3A_295 = arith.constant 0.000000e+00 : f32
        %max3A_296 = vector.broadcast %max3A_295 : f32 to vector<16xf32>
        %max3A_297 = arith.maximumf %add3A_294, %max3A_296 : vector<16xf32>
        %swap3A_298 = arith.index_cast %scan3A_257 : i32 to index
        %swap3A_299 = arith.constant 48 : index
        %swap3A_300 = tpu.vector_load %arg15[%swap3A_298, %swap3A_299] {strides = array<i32>} : memref<80x128xf32, #tpu.memory_space<vmem>>, vector<16xf32>,
        tpu.vector_store %arg15[%swap3A_298, %swap3A_299], %max3A_297 {strides = array<i32>} : memref<80x128xf32, #tpu.memory_space<vmem>>, vector<16xf32>,
        %get3A_301 = arith.index_cast %scan3A_257 : i32 to index
        %get3A_302 = arith.constant 64 : index
        %get3A_303 = tpu.vector_load %arg13[%get3A_301, %get3A_302] {strides = array<i32>} : memref<80x128xf32, #tpu.memory_space<vmem>>, vector<16xf32>,
        %mul3A_304 = arith.mulf %gather3A, %get3A_15 : vector<16xf32>
        %add3A_305 = arith.addf %get3A_303, %mul3A_304 : vector<16xf32>
        %max3A_306 = arith.constant 0.000000e+00 : f32
        %max3A_307 = vector.broadcast %max3A_306 : f32 to vector<16xf32>
        %max3A_308 = arith.maximumf %add3A_305, %max3A_307 : vector<16xf32>
        %swap3A_309 = arith.index_cast %scan3A_257 : i32 to index
        %swap3A_310 = arith.constant 64 : index
        %swap3A_311 = tpu.vector_load %arg15[%swap3A_309, %swap3A_310] {strides = array<i32>} : memref<80x128xf32, #tpu.memory_space<vmem>>, vector<16xf32>,
        tpu.vector_store %arg15[%swap3A_309, %swap3A_310], %max3A_308 {strides = array<i32>} : memref<80x128xf32, #tpu.memory_space<vmem>>, vector<16xf32>,
        %get3A_312 = arith.index_cast %scan3A_257 : i32 to index
        %get3A_313 = arith.constant 80 : index
        %get3A_314 = tpu.vector_load %arg13[%get3A_312, %get3A_313] {strides = array<i32>} : memref<80x128xf32, #tpu.memory_space<vmem>>, vector<16xf32>,
        %mul3A_315 = arith.mulf %gather3A, %get3A_17 : vector<16xf32>
        %add3A_316 = arith.addf %get3A_314, %mul3A_315 : vector<16xf32>
        %max3A_317 = arith.constant 0.000000e+00 : f32
        %max3A_318 = vector.broadcast %max3A_317 : f32 to vector<16xf32>
        %max3A_319 = arith.maximumf %add3A_316, %max3A_318 : vector<16xf32>
        %swap3A_320 = arith.index_cast %scan3A_257 : i32 to index
        %swap3A_321 = arith.constant 80 : index
        %swap3A_322 = tpu.vector_load %arg15[%swap3A_320, %swap3A_321] {strides = array<i32>} : memref<80x128xf32, #tpu.memory_space<vmem>>, vector<16xf32>,
        tpu.vector_store %arg15[%swap3A_320, %swap3A_321], %max3A_319 {strides = array<i32>} : memref<80x128xf32, #tpu.memory_space<vmem>>, vector<16xf32>,
        %get3A_323 = arith.index_cast %scan3A_257 : i32 to index
        %get3A_324 = arith.constant 96 : index
        %get3A_325 = tpu.vector_load %arg13[%get3A_323, %get3A_324] {strides = array<i32>} : memref<80x128xf32, #tpu.memory_space<vmem>>, vector<16xf32>,
        %mul3A_326 = arith.mulf %gather3A, %get3A_19 : vector<16xf32>
        %add3A_327 = arith.addf %get3A_325, %mul3A_326 : vector<16xf32>
        %max3A_328 = arith.constant 0.000000e+00 : f32
        %max3A_329 = vector.broadcast %max3A_328 : f32 to vector<16xf32>
        %max3A_330 = arith.maximumf %add3A_327, %max3A_329 : vector<16xf32>
        %swap3A_331 = arith.index_cast %scan3A_257 : i32 to index
        %swap3A_332 = arith.constant 96 : index
        %swap3A_333 = tpu.vector_load %arg15[%swap3A_331, %swap3A_332] {strides = array<i32>} : memref<80x128xf32, #tpu.memory_space<vmem>>, vector<16xf32>,
        tpu.vector_store %arg15[%swap3A_331, %swap3A_332], %max3A_330 {strides = array<i32>} : memref<80x128xf32, #tpu.memory_space<vmem>>, vector<16xf32>,
        %get3A_334 = arith.index_cast %scan3A_257 : i32 to index
        %get3A_335 = arith.constant 112 : index
        %get3A_336 = tpu.vector_load %arg13[%get3A_334, %get3A_335] {strides = array<i32>} : memref<80x128xf32, #tpu.memory_space<vmem>>, vector<16xf32>,
        %mul3A_337 = arith.mulf %gather3A, %get3A_21 : vector<16xf32>
        %add3A_338 = arith.addf %get3A_336, %mul3A_337 : vector<16xf32>
        %max3A_339 = arith.constant 0.000000e+00 : f32
        %max3A_340 = vector.broadcast %max3A_339 : f32 to vector<16xf32>
        %max3A_341 = arith.maximumf %add3A_338, %max3A_340 : vector<16xf32>
        %swap3A_342 = arith.index_cast %scan3A_257 : i32 to index
        %swap3A_343 = arith.constant 112 : index
        %swap3A_344 = tpu.vector_load %arg15[%swap3A_342, %swap3A_343] {strides = array<i32>} : memref<80x128xf32, #tpu.memory_space<vmem>>, vector<16xf32>,
        tpu.vector_store %arg15[%swap3A_342, %swap3A_343], %max3A_341 {strides = array<i32>} : memref<80x128xf32, #tpu.memory_space<vmem>>, vector<16xf32>,
      }
      %scan3A_236 = arith.constant 80 : i32
      %mul3A_237 = arith.constant 2 : i32
      %mul3A_238 = arith.muli %select_n3A_160, %mul3A_237 : i32
      %add3A_239 = arith.constant 0 : i32
      %add3A_240 = arith.addi %mul3A_238, %add3A_239 : i32
      %dma_wait3A_241 = arith.constant 0 : i32
      %dma_wait3A_242 = tpu.memref_slice %arg10[%add3A_240, %dma_wait3A_241] : memref<6x80xi32, #tpu.memory_space<vmem>> -> memref<1x80xi32, #tpu.memory_space<vmem>>
      %dma_wait3A_243 = tpu.memref_squeeze %dma_wait3A_242 : memref<1x80xi32, #tpu.memory_space<vmem>> -> memref<80xi32, #tpu.memory_space<vmem>>
      %dma_wait3A_244 = arith.constant 0 : i32
      %dma_wait3A_245 = arith.constant 0 : i32
      %dma_wait3A_246 = tpu.memref_slice %arg17[%dma_wait3A_244, %dma_wait3A_245] : memref<10016x128xf32, #tpu.memory_space<vmem_shared>> -> memref<10016x128xf32, #tpu.memory_space<vmem_shared>>
      tpu.wait_indirect_dma semaphore(%arg21 : memref<!tpu.dma_semaphore, #tpu.memory_space<semaphore_mem>>) src(%arg14 : memref<80x128xf32, #tpu.memory_space<vmem>>) dst(%dma_wait3A_246 : memref<10016x128xf32, #tpu.memory_space<vmem_shared>>)
      %mul3A_247 = arith.constant 2 : i32
      %mul3A_248 = arith.muli %select_n3A_160, %mul3A_247 : i32
      %add3A_249 = arith.constant 1 : i32
      %add3A_250 = arith.addi %mul3A_248, %add3A_249 : i32
      %dma_start3A_251 = arith.constant 0 : i32
      %dma_start3A_252 = tpu.memref_slice %arg10[%add3A_250, %dma_start3A_251] : memref<6x80xi32, #tpu.memory_space<vmem>> -> memref<1x80xi32, #tpu.memory_space<vmem>>
      %dma_start3A_253 = tpu.memref_squeeze %dma_start3A_252 : memref<1x80xi32, #tpu.memory_space<vmem>> -> memref<80xi32, #tpu.memory_space<vmem>>
      %dma_start3A_254 = arith.constant 0 : i32
      %dma_start3A_255 = arith.constant 0 : i32
      %dma_start3A_256 = tpu.memref_slice %arg17[%dma_start3A_254, %dma_start3A_255] : memref<10016x128xf32, #tpu.memory_space<vmem_shared>> -> memref<10016x128xf32, #tpu.memory_space<vmem_shared>>
      tpu.enqueue_indirect_dma source(%arg15 : memref<80x128xf32, #tpu.memory_space<vmem>>) target(%dma_start3A_256 : memref<10016x128xf32, #tpu.memory_space<vmem_shared>>) offsets(%dma_start3A_253 : memref<80xi32, #tpu.memory_space<vmem>>) semaphore(%arg22 : memref<!tpu.dma_semaphore, #tpu.memory_space<semaphore_mem>>) {add = true}
    }
    %scan3A_128 = arith.constant 126 : i32
    %dma_wait3A_129 = arith.constant 5 : i32
    %dma_wait3A_130 = arith.constant 0 : i32
    %dma_wait3A_131 = tpu.memref_slice %arg10[%dma_wait3A_129, %dma_wait3A_130] : memref<6x80xi32, #tpu.memory_space<vmem>> -> memref<1x80xi32, #tpu.memory_space<vmem>>
    %dma_wait3A_132 = tpu.memref_squeeze %dma_wait3A_131 : memref<1x80xi32, #tpu.memory_space<vmem>> -> memref<80xi32, #tpu.memory_space<vmem>>
    %dma_wait3A_133 = arith.constant 0 : i32
    %dma_wait3A_134 = arith.constant 0 : i32
    %dma_wait3A_135 = tpu.memref_slice %arg17[%dma_wait3A_133, %dma_wait3A_134] : memref<10016x128xf32, #tpu.memory_space<vmem_shared>> -> memref<10016x128xf32, #tpu.memory_space<vmem_shared>>
    tpu.wait_indirect_dma semaphore(%arg22 : memref<!tpu.dma_semaphore, #tpu.memory_space<semaphore_mem>>) src(%arg15 : memref<80x128xf32, #tpu.memory_space<vmem>>) dst(%dma_wait3A_135 : memref<10016x128xf32, #tpu.memory_space<vmem_shared>>)
    %barrier3A_136 = arith.constant 0 : index
    tpu.barrier barrier_id(%barrier3A_136)
    %mul3A_137 = arith.constant 10000 : i32
    %mul3A_138 = arith.muli %arg0, %mul3A_137 : i32
    %lt3A_139 = arith.constant 15 : i32
    %lt3A_140 = arith.cmpi slt, %arg1, %lt3A_139 : i32
    %convert_element_type3A_141 = arith.extui %lt3A_140 : i1 to i32
    %cond3A_142 = arith.constant 0 : i32
    %cond3A_143 = arith.cmpi ne, %convert_element_type3A_141, %cond3A_142 : i32
    scf.if %cond3A_143 {
      %mul3A_149 = arith.constant 624 : i32
      %mul3A_150 = arith.muli %arg1, %mul3A_149 : i32
      %mul3A_151 = arith.constant 624 : i32
      %mul3A_152 = arith.muli %arg1, %mul3A_151 : i32
      %add3A_153 = arith.addi %mul3A_138, %mul3A_152 : i32
      "tpu.region"() ({
        %run_scoped3A = tpu.sem_alloc : memref<!tpu.dma_semaphore, #tpu.memory_space<semaphore_mem>>
        %dma_start3A_154 = arith.constant 0 : i32
        %dma_start3A_155 = tpu.memref_slice %arg8[%add3A_153, %dma_start3A_154] : memref<20000x128xf32, #tpu.memory_space<hbm>> -> memref<624x128xf32, #tpu.memory_space<hbm>>
        %dma_start3A_156 = arith.constant 0 : i32
        %dma_start3A_157 = tpu.memref_slice %arg17[%mul3A_150, %dma_start3A_156] : memref<10016x128xf32, #tpu.memory_space<vmem_shared>> -> memref<624x128xf32, #tpu.memory_space<vmem_shared>>
        tpu.enqueue_dma source(%dma_start3A_157 : memref<624x128xf32, #tpu.memory_space<vmem_shared>>) target(%dma_start3A_155 : memref<624x128xf32, #tpu.memory_space<hbm>>) target_semaphore(%run_scoped3A : memref<!tpu.dma_semaphore, #tpu.memory_space<semaphore_mem>>)
        %dma_wait3A_158 = arith.constant 0 : i32
        %dma_wait3A_159 = tpu.memref_slice %arg8[%add3A_153, %dma_wait3A_158] : memref<20000x128xf32, #tpu.memory_space<hbm>> -> memref<624x128xf32, #tpu.memory_space<hbm>>
        %dma_wait3A_160 = arith.constant 0 : i32
        %dma_wait3A_161 = tpu.memref_slice %arg17[%mul3A_150, %dma_wait3A_160] : memref<10016x128xf32, #tpu.memory_space<vmem_shared>> -> memref<624x128xf32, #tpu.memory_space<vmem_shared>>
        tpu.wait_dma2 semaphore(%run_scoped3A : memref<!tpu.dma_semaphore, #tpu.memory_space<semaphore_mem>>) src(%dma_wait3A_161 : memref<624x128xf32, #tpu.memory_space<vmem_shared>>) dst(%dma_wait3A_159 : memref<624x128xf32, #tpu.memory_space<hbm>>)
        tpu.yield
      }) : () -> ()
    } else {
    }
    %eq3A_144 = arith.constant 15 : i32
    %eq3A_145 = arith.cmpi eq, %arg1, %eq3A_144 : i32
    %convert_element_type3A_146 = arith.extui %eq3A_145 : i1 to i32
    %cond3A_147 = arith.constant 0 : i32
    %cond3A_148 = arith.cmpi ne, %convert_element_type3A_146, %cond3A_147 : i32
    scf.if %cond3A_148 {
      %add3A_149 = arith.constant 9360 : i32
      %add3A_150 = arith.addi %mul3A_138, %add3A_149 : i32
      "tpu.region"() ({
        %run_scoped3A = tpu.sem_alloc : memref<!tpu.dma_semaphore, #tpu.memory_space<semaphore_mem>>
        %dma_start3A_151 = arith.constant 0 : i32
        %dma_start3A_152 = tpu.memref_slice %arg8[%add3A_150, %dma_start3A_151] : memref<20000x128xf32, #tpu.memory_space<hbm>> -> memref<640x128xf32, #tpu.memory_space<hbm>>
        %dma_start3A_153 = arith.constant 9360 : i32
        %dma_start3A_154 = arith.constant 0 : i32
        %dma_start3A_155 = tpu.memref_slice %arg17[%dma_start3A_153, %dma_start3A_154] : memref<10016x128xf32, #tpu.memory_space<vmem_shared>> -> memref<640x128xf32, #tpu.memory_space<vmem_shared>>
        tpu.enqueue_dma source(%dma_start3A_155 : memref<640x128xf32, #tpu.memory_space<vmem_shared>>) target(%dma_start3A_152 : memref<640x128xf32, #tpu.memory_space<hbm>>) target_semaphore(%run_scoped3A : memref<!tpu.dma_semaphore, #tpu.memory_space<semaphore_mem>>)
        %dma_wait3A_156 = arith.constant 0 : i32
        %dma_wait3A_157 = tpu.memref_slice %arg8[%add3A_150, %dma_wait3A_156] : memref<20000x128xf32, #tpu.memory_space<hbm>> -> memref<640x128xf32, #tpu.memory_space<hbm>>
        %dma_wait3A_158 = arith.constant 9360 : i32
        %dma_wait3A_159 = arith.constant 0 : i32
        %dma_wait3A_160 = tpu.memref_slice %arg17[%dma_wait3A_158, %dma_wait3A_159] : memref<10016x128xf32, #tpu.memory_space<vmem_shared>> -> memref<640x128xf32, #tpu.memory_space<vmem_shared>>
        tpu.wait_dma2 semaphore(%run_scoped3A : memref<!tpu.dma_semaphore, #tpu.memory_space<semaphore_mem>>) src(%dma_wait3A_160 : memref<640x128xf32, #tpu.memory_space<vmem_shared>>) dst(%dma_wait3A_157 : memref<640x128xf32, #tpu.memory_space<hbm>>)
        tpu.yield
      }) : () -> ()
    } else {
    }
    return
  }
}

#map = affine_map<(d0, d1) -> (0, 0)>
#map1 = affine_map<(d0, d1) -> (0, 0, 0)>
#map2 = affine_map<(d0, d1) -> (0)>
module attributes {stable_mosaic.version = 14 : i64} {
  func.func @_sc_layer(%arg0: i32, %arg1: i32, %arg2: memref<20000x128xf32, #tpu.memory_space<hbm>>, %arg3: memref<2x4032x80xi32, #tpu.memory_space<hbm>>, %arg4: memref<4032x80xi32, #tpu.memory_space<hbm>>, %arg5: memref<322560xf32, #tpu.memory_space<hbm>>, %arg6: memref<256xf32, #tpu.memory_space<hbm>>, %arg7: memref<656x128xf32, #tpu.memory_space<hbm>>, %arg8: memref<20000x128xf32, #tpu.memory_space<hbm>>, %arg9: memref<6x80xi32, #tpu.memory_space<vmem>>, %arg10: memref<6x80xi32, #tpu.memory_space<vmem>>, %arg11: memref<480xf32, #tpu.memory_space<vmem>>, %arg12: memref<80x128xf32, #tpu.memory_space<vmem>>, %arg13: memref<80x128xf32, #tpu.memory_space<vmem>>, %arg14: memref<80x128xf32, #tpu.memory_space<vmem>>, %arg15: memref<80x128xf32, #tpu.memory_space<vmem>>, %arg16: memref<128xf32, #tpu.memory_space<vmem>>, %arg17: memref<10016x128xf32, #tpu.memory_space<vmem_shared>>, %arg18: memref<3x!tpu.dma_semaphore, #tpu.memory_space<semaphore_mem>>, %arg19: memref<!tpu.dma_semaphore, #tpu.memory_space<semaphore_mem>>, %arg20: memref<!tpu.dma_semaphore, #tpu.memory_space<semaphore_mem>>, %arg21: memref<!tpu.dma_semaphore, #tpu.memory_space<semaphore_mem>>, %arg22: memref<!tpu.dma_semaphore, #tpu.memory_space<semaphore_mem>>) attributes {dimension_semantics = [#tpu.dimension_semantics<core_parallel>, #tpu.dimension_semantics<subcore_parallel>], iteration_bounds = array<i64: 2, 16>, scalar_prefetch = 0 : i64, scratch_operands = 14 : i64, tpu.core_type = #tpu.core_type<sc_vector_subcore>, window_params = [{transform_indices = #map}, {transform_indices = #map1}, {transform_indices = #map}, {transform_indices = #map2}, {transform_indices = #map2}, {transform_indices = #map}, {transform_indices = #map}]} {
    %lt3A = arith.constant 15 : i32
    %lt3A_0 = arith.cmpi slt, %arg1, %lt3A : i32
    %convert_element_type3A = arith.extui %lt3A_0 : i1 to i32
    %cond3A = arith.constant 0 : i32
    %cond3A_1 = arith.cmpi ne, %convert_element_type3A, %cond3A : i32
    scf.if %cond3A_1 {
      %mul3A_149 = arith.constant 624 : i32
      %mul3A_150 = arith.muli %arg1, %mul3A_149 : i32
      "tpu.region"() ({
        %run_scoped3A = tpu.sem_alloc : memref<!tpu.dma_semaphore, #tpu.memory_space<semaphore_mem>>
        %dma_start3A_151 = arith.constant 0 : i32
        %dma_start3A_152 = tpu.memref_slice %arg17[%mul3A_150, %dma_start3A_151] : memref<10016x128xf32, #tpu.memory_space<vmem_shared>> -> memref<624x128xf32, #tpu.memory_space<vmem_shared>>
        %dma_start3A_153 = arith.constant 0 : i32
        %dma_start3A_154 = arith.constant 0 : i32
        %dma_start3A_155 = tpu.memref_slice %arg7[%dma_start3A_153, %dma_start3A_154] : memref<656x128xf32, #tpu.memory_space<hbm>> -> memref<624x128xf32, #tpu.memory_space<hbm>>
        tpu.enqueue_dma source(%dma_start3A_155 : memref<624x128xf32, #tpu.memory_space<hbm>>) target(%dma_start3A_152 : memref<624x128xf32, #tpu.memory_space<vmem_shared>>) target_semaphore(%run_scoped3A : memref<!tpu.dma_semaphore, #tpu.memory_space<semaphore_mem>>)
        %dma_wait3A_156 = arith.constant 0 : i32
        %dma_wait3A_157 = tpu.memref_slice %arg17[%mul3A_150, %dma_wait3A_156] : memref<10016x128xf32, #tpu.memory_space<vmem_shared>> -> memref<624x128xf32, #tpu.memory_space<vmem_shared>>
        %dma_wait3A_158 = arith.constant 0 : i32
        %dma_wait3A_159 = arith.constant 0 : i32
        %dma_wait3A_160 = tpu.memref_slice %arg7[%dma_wait3A_158, %dma_wait3A_159] : memref<656x128xf32, #tpu.memory_space<hbm>> -> memref<624x128xf32, #tpu.memory_space<hbm>>
        tpu.wait_dma2 semaphore(%run_scoped3A : memref<!tpu.dma_semaphore, #tpu.memory_space<semaphore_mem>>) src(%dma_wait3A_160 : memref<624x128xf32, #tpu.memory_space<hbm>>) dst(%dma_wait3A_157 : memref<624x128xf32, #tpu.memory_space<vmem_shared>>)
        tpu.yield
      }) : () -> ()
    } else {
    }
    %eq3A = arith.constant 15 : i32
    %eq3A_2 = arith.cmpi eq, %arg1, %eq3A : i32
    %convert_element_type3A_3 = arith.extui %eq3A_2 : i1 to i32
    %cond3A_4 = arith.constant 0 : i32
    %cond3A_5 = arith.cmpi ne, %convert_element_type3A_3, %cond3A_4 : i32
    scf.if %cond3A_5 {
      "tpu.region"() ({
        %run_scoped3A = tpu.sem_alloc : memref<!tpu.dma_semaphore, #tpu.memory_space<semaphore_mem>>
        %dma_start3A_149 = arith.constant 9360 : i32
        %dma_start3A_150 = arith.constant 0 : i32
        %dma_start3A_151 = tpu.memref_slice %arg17[%dma_start3A_149, %dma_start3A_150] : memref<10016x128xf32, #tpu.memory_space<vmem_shared>> -> memref<656x128xf32, #tpu.memory_space<vmem_shared>>
        tpu.enqueue_dma source(%arg7 : memref<656x128xf32, #tpu.memory_space<hbm>>) target(%dma_start3A_151 : memref<656x128xf32, #tpu.memory_space<vmem_shared>>) target_semaphore(%run_scoped3A : memref<!tpu.dma_semaphore, #tpu.memory_space<semaphore_mem>>)
        %dma_wait3A_152 = arith.constant 9360 : i32
        %dma_wait3A_153 = arith.constant 0 : i32
        %dma_wait3A_154 = tpu.memref_slice %arg17[%dma_wait3A_152, %dma_wait3A_153] : memref<10016x128xf32, #tpu.memory_space<vmem_shared>> -> memref<656x128xf32, #tpu.memory_space<vmem_shared>>
        tpu.wait_dma2 semaphore(%run_scoped3A : memref<!tpu.dma_semaphore, #tpu.memory_space<semaphore_mem>>) src(%arg7 : memref<656x128xf32, #tpu.memory_space<hbm>>) dst(%dma_wait3A_154 : memref<656x128xf32, #tpu.memory_space<vmem_shared>>)
        tpu.yield
      }) : () -> ()
    } else {
    }
    %mul3A = arith.constant 128 : i32
    %mul3A_6 = arith.muli %arg0, %mul3A : i32
    "tpu.region"() ({
      %run_scoped3A = tpu.sem_alloc : memref<!tpu.dma_semaphore, #tpu.memory_space<semaphore_mem>>
      %dma_start3A_149 = tpu.memref_slice %arg6[%mul3A_6] : memref<256xf32, #tpu.memory_space<hbm>> -> memref<128xf32, #tpu.memory_space<hbm>>
      %dma_start3A_150 = tpu.memref_slice %arg6[%mul3A_6] : memref<256xf32, #tpu.memory_space<hbm>> -> memref<128xf32, #tpu.memory_space<hbm>>
      tpu.enqueue_dma source(%dma_start3A_150 : memref<128xf32, #tpu.memory_space<hbm>>) target(%arg16 : memref<128xf32, #tpu.memory_space<vmem>>) target_semaphore(%run_scoped3A : memref<!tpu.dma_semaphore, #tpu.memory_space<semaphore_mem>>)
      %dma_wait3A_151 = tpu.memref_slice %arg6[%mul3A_6] : memref<256xf32, #tpu.memory_space<hbm>> -> memref<128xf32, #tpu.memory_space<hbm>>
      %dma_wait3A_152 = tpu.memref_slice %arg6[%mul3A_6] : memref<256xf32, #tpu.memory_space<hbm>> -> memref<128xf32, #tpu.memory_space<hbm>>
      tpu.wait_dma2 semaphore(%run_scoped3A : memref<!tpu.dma_semaphore, #tpu.memory_space<semaphore_mem>>) src(%dma_wait3A_152 : memref<128xf32, #tpu.memory_space<hbm>>) dst(%arg16 : memref<128xf32, #tpu.memory_space<vmem>>)
      tpu.yield
    }) : () -> ()
    %get3A = arith.constant 0 : index
    %get3A_7 = tpu.vector_load %arg16[%get3A] {strides = array<i32>} : memref<128xf32, #tpu.memory_space<vmem>>, vector<16xf32>,
    %get3A_8 = arith.constant 16 : index
    %get3A_9 = tpu.vector_load %arg16[%get3A_8] {strides = array<i32>} : memref<128xf32, #tpu.memory_space<vmem>>, vector<16xf32>,
    %get3A_10 = arith.constant 32 : index
    %get3A_11 = tpu.vector_load %arg16[%get3A_10] {strides = array<i32>} : memref<128xf32, #tpu.memory_space<vmem>>, vector<16xf32>,
    %get3A_12 = arith.constant 48 : index
    %get3A_13 = tpu.vector_load %arg16[%get3A_12] {strides = array<i32>} : memref<128xf32, #tpu.memory_space<vmem>>, vector<16xf32>,
    %get3A_14 = arith.constant 64 : index
    %get3A_15 = tpu.vector_load %arg16[%get3A_14] {strides = array<i32>} : memref<128xf32, #tpu.memory_space<vmem>>, vector<16xf32>,
    %get3A_16 = arith.constant 80 : index
    %get3A_17 = tpu.vector_load %arg16[%get3A_16] {strides = array<i32>} : memref<128xf32, #tpu.memory_space<vmem>>, vector<16xf32>,
    %get3A_18 = arith.constant 96 : index
    %get3A_19 = tpu.vector_load %arg16[%get3A_18] {strides = array<i32>} : memref<128xf32, #tpu.memory_space<vmem>>, vector<16xf32>,
    %get3A_20 = arith.constant 112 : index
    %get3A_21 = tpu.vector_load %arg16[%get3A_20] {strides = array<i32>} : memref<128xf32, #tpu.memory_space<vmem>>, vector<16xf32>,
    %barrier3A = arith.constant 0 : index
    tpu.barrier barrier_id(%barrier3A)
    %mul3A_22 = arith.constant 252 : i32
    %mul3A_23 = arith.muli %arg1, %mul3A_22 : i32
    %mul3A_24 = arith.constant 20160 : i32
    %mul3A_25 = arith.muli %arg1, %mul3A_24 : i32
    %add3A = arith.constant 0 : i32
    %add3A_26 = arith.addi %mul3A_23, %add3A : i32
    %add3A_27 = arith.constant 0 : i32
    %add3A_28 = arith.addi %mul3A_25, %add3A_27 : i32
    %dma_start3A = arith.constant 0 : i32
    %dma_start3A_29 = arith.constant 0 : i32
    %dma_start3A_30 = arith.constant 0 : i32
    %dma_start3A_31 = tpu.memref_slice %arg9[%dma_start3A_29, %dma_start3A_30] : memref<6x80xi32, #tpu.memory_space<vmem>> -> memref<2x80xi32, #tpu.memory_space<vmem>>
    %dma_start3A_32 = arith.constant 0 : i32
    %dma_start3A_33 = arith.constant 0 : i32
    %dma_start3A_34 = tpu.memref_slice %arg3[%arg0, %dma_start3A_32, %dma_start3A_33] : memref<2x4032x80xi32, #tpu.memory_space<hbm>> -> memref<1x4032x80xi32, #tpu.memory_space<hbm>>
    %dma_start3A_35 = tpu.memref_squeeze %dma_start3A_34 : memref<1x4032x80xi32, #tpu.memory_space<hbm>> -> memref<4032x80xi32, #tpu.memory_space<hbm>>
    %dma_start3A_36 = arith.constant 0 : i32
    %dma_start3A_37 = tpu.memref_slice %dma_start3A_35[%add3A_26, %dma_start3A_36] : memref<4032x80xi32, #tpu.memory_space<hbm>> -> memref<2x80xi32, #tpu.memory_space<hbm>>
    %dma_start3A_38 = tpu.memref_slice %arg18[%dma_start3A] : memref<3x!tpu.dma_semaphore, #tpu.memory_space<semaphore_mem>> -> memref<1x!tpu.dma_semaphore, #tpu.memory_space<semaphore_mem>>
    %dma_start3A_39 = tpu.memref_squeeze %dma_start3A_38 : memref<1x!tpu.dma_semaphore, #tpu.memory_space<semaphore_mem>> -> memref<!tpu.dma_semaphore, #tpu.memory_space<semaphore_mem>>
    %dma_start3A_40 = arith.constant 0 : i32
    %dma_start3A_41 = arith.constant 0 : i32
    %dma_start3A_42 = tpu.memref_slice %arg9[%dma_start3A_40, %dma_start3A_41] : memref<6x80xi32, #tpu.memory_space<vmem>> -> memref<2x80xi32, #tpu.memory_space<vmem>>
    %dma_start3A_43 = arith.constant 0 : i32
    %dma_start3A_44 = arith.constant 0 : i32
    %dma_start3A_45 = tpu.memref_slice %arg3[%arg0, %dma_start3A_43, %dma_start3A_44] : memref<2x4032x80xi32, #tpu.memory_space<hbm>> -> memref<1x4032x80xi32, #tpu.memory_space<hbm>>
    %dma_start3A_46 = tpu.memref_squeeze %dma_start3A_45 : memref<1x4032x80xi32, #tpu.memory_space<hbm>> -> memref<4032x80xi32, #tpu.memory_space<hbm>>
    %dma_start3A_47 = arith.constant 0 : i32
    %dma_start3A_48 = tpu.memref_slice %dma_start3A_46[%add3A_26, %dma_start3A_47] : memref<4032x80xi32, #tpu.memory_space<hbm>> -> memref<2x80xi32, #tpu.memory_space<hbm>>
    tpu.enqueue_dma source(%dma_start3A_48 : memref<2x80xi32, #tpu.memory_space<hbm>>) target(%dma_start3A_42 : memref<2x80xi32, #tpu.memory_space<vmem>>) target_semaphore(%dma_start3A_39 : memref<!tpu.dma_semaphore, #tpu.memory_space<semaphore_mem>>)
    %dma_start3A_49 = arith.constant 0 : i32
    %dma_start3A_50 = arith.constant 0 : i32
    %dma_start3A_51 = arith.constant 0 : i32
    %dma_start3A_52 = tpu.memref_slice %arg10[%dma_start3A_50, %dma_start3A_51] : memref<6x80xi32, #tpu.memory_space<vmem>> -> memref<2x80xi32, #tpu.memory_space<vmem>>
    %dma_start3A_53 = arith.constant 0 : i32
    %dma_start3A_54 = tpu.memref_slice %arg4[%add3A_26, %dma_start3A_53] : memref<4032x80xi32, #tpu.memory_space<hbm>> -> memref<2x80xi32, #tpu.memory_space<hbm>>
    %dma_start3A_55 = tpu.memref_slice %arg18[%dma_start3A_49] : memref<3x!tpu.dma_semaphore, #tpu.memory_space<semaphore_mem>> -> memref<1x!tpu.dma_semaphore, #tpu.memory_space<semaphore_mem>>
    %dma_start3A_56 = tpu.memref_squeeze %dma_start3A_55 : memref<1x!tpu.dma_semaphore, #tpu.memory_space<semaphore_mem>> -> memref<!tpu.dma_semaphore, #tpu.memory_space<semaphore_mem>>
    %dma_start3A_57 = arith.constant 0 : i32
    %dma_start3A_58 = arith.constant 0 : i32
    %dma_start3A_59 = tpu.memref_slice %arg10[%dma_start3A_57, %dma_start3A_58] : memref<6x80xi32, #tpu.memory_space<vmem>> -> memref<2x80xi32, #tpu.memory_space<vmem>>
    %dma_start3A_60 = arith.constant 0 : i32
    %dma_start3A_61 = tpu.memref_slice %arg4[%add3A_26, %dma_start3A_60] : memref<4032x80xi32, #tpu.memory_space<hbm>> -> memref<2x80xi32, #tpu.memory_space<hbm>>
    tpu.enqueue_dma source(%dma_start3A_61 : memref<2x80xi32, #tpu.memory_space<hbm>>) target(%dma_start3A_59 : memref<2x80xi32, #tpu.memory_space<vmem>>) target_semaphore(%dma_start3A_56 : memref<!tpu.dma_semaphore, #tpu.memory_space<semaphore_mem>>)
    %dma_start3A_62 = arith.constant 0 : i32
    %dma_start3A_63 = arith.constant 0 : i32
    %dma_start3A_64 = tpu.memref_slice %arg11[%dma_start3A_63] : memref<480xf32, #tpu.memory_space<vmem>> -> memref<160xf32, #tpu.memory_space<vmem>>
    %dma_start3A_65 = tpu.memref_slice %arg5[%add3A_28] : memref<322560xf32, #tpu.memory_space<hbm>> -> memref<160xf32, #tpu.memory_space<hbm>>
    %dma_start3A_66 = tpu.memref_slice %arg18[%dma_start3A_62] : memref<3x!tpu.dma_semaphore, #tpu.memory_space<semaphore_mem>> -> memref<1x!tpu.dma_semaphore, #tpu.memory_space<semaphore_mem>>
    %dma_start3A_67 = tpu.memref_squeeze %dma_start3A_66 : memref<1x!tpu.dma_semaphore, #tpu.memory_space<semaphore_mem>> -> memref<!tpu.dma_semaphore, #tpu.memory_space<semaphore_mem>>
    %dma_start3A_68 = arith.constant 0 : i32
    %dma_start3A_69 = tpu.memref_slice %arg11[%dma_start3A_68] : memref<480xf32, #tpu.memory_space<vmem>> -> memref<160xf32, #tpu.memory_space<vmem>>
    %dma_start3A_70 = tpu.memref_slice %arg5[%add3A_28] : memref<322560xf32, #tpu.memory_space<hbm>> -> memref<160xf32, #tpu.memory_space<hbm>>
    tpu.enqueue_dma source(%dma_start3A_70 : memref<160xf32, #tpu.memory_space<hbm>>) target(%dma_start3A_69 : memref<160xf32, #tpu.memory_space<vmem>>) target_semaphore(%dma_start3A_67 : memref<!tpu.dma_semaphore, #tpu.memory_space<semaphore_mem>>)
    %add3A_71 = arith.constant 0 : i32
    %add3A_72 = arith.addi %mul3A_23, %add3A_71 : i32
    %add3A_73 = arith.constant 0 : i32
    %add3A_74 = arith.addi %mul3A_25, %add3A_73 : i32
    %dma_wait3A = arith.constant 0 : i32
    %dma_wait3A_75 = arith.constant 0 : i32
    %dma_wait3A_76 = arith.constant 0 : i32
    %dma_wait3A_77 = tpu.memref_slice %arg9[%dma_wait3A_75, %dma_wait3A_76] : memref<6x80xi32, #tpu.memory_space<vmem>> -> memref<2x80xi32, #tpu.memory_space<vmem>>
    %dma_wait3A_78 = arith.constant 0 : i32
    %dma_wait3A_79 = arith.constant 0 : i32
    %dma_wait3A_80 = tpu.memref_slice %arg3[%arg0, %dma_wait3A_78, %dma_wait3A_79] : memref<2x4032x80xi32, #tpu.memory_space<hbm>> -> memref<1x4032x80xi32, #tpu.memory_space<hbm>>
    %dma_wait3A_81 = tpu.memref_squeeze %dma_wait3A_80 : memref<1x4032x80xi32, #tpu.memory_space<hbm>> -> memref<4032x80xi32, #tpu.memory_space<hbm>>
    %dma_wait3A_82 = arith.constant 0 : i32
    %dma_wait3A_83 = tpu.memref_slice %dma_wait3A_81[%add3A_72, %dma_wait3A_82] : memref<4032x80xi32, #tpu.memory_space<hbm>> -> memref<2x80xi32, #tpu.memory_space<hbm>>
    %dma_wait3A_84 = tpu.memref_slice %arg18[%dma_wait3A] : memref<3x!tpu.dma_semaphore, #tpu.memory_space<semaphore_mem>> -> memref<1x!tpu.dma_semaphore, #tpu.memory_space<semaphore_mem>>
    %dma_wait3A_85 = tpu.memref_squeeze %dma_wait3A_84 : memref<1x!tpu.dma_semaphore, #tpu.memory_space<semaphore_mem>> -> memref<!tpu.dma_semaphore, #tpu.memory_space<semaphore_mem>>
    %dma_wait3A_86 = arith.constant 0 : i32
    %dma_wait3A_87 = arith.constant 0 : i32
    %dma_wait3A_88 = tpu.memref_slice %arg9[%dma_wait3A_86, %dma_wait3A_87] : memref<6x80xi32, #tpu.memory_space<vmem>> -> memref<2x80xi32, #tpu.memory_space<vmem>>
    %dma_wait3A_89 = arith.constant 0 : i32
    %dma_wait3A_90 = arith.constant 0 : i32
    %dma_wait3A_91 = tpu.memref_slice %arg3[%arg0, %dma_wait3A_89, %dma_wait3A_90] : memref<2x4032x80xi32, #tpu.memory_space<hbm>> -> memref<1x4032x80xi32, #tpu.memory_space<hbm>>
    %dma_wait3A_92 = tpu.memref_squeeze %dma_wait3A_91 : memref<1x4032x80xi32, #tpu.memory_space<hbm>> -> memref<4032x80xi32, #tpu.memory_space<hbm>>
    %dma_wait3A_93 = arith.constant 0 : i32
    %dma_wait3A_94 = tpu.memref_slice %dma_wait3A_92[%add3A_72, %dma_wait3A_93] : memref<4032x80xi32, #tpu.memory_space<hbm>> -> memref<2x80xi32, #tpu.memory_space<hbm>>
    tpu.wait_dma2 semaphore(%dma_wait3A_85 : memref<!tpu.dma_semaphore, #tpu.memory_space<semaphore_mem>>) src(%dma_wait3A_94 : memref<2x80xi32, #tpu.memory_space<hbm>>) dst(%dma_wait3A_88 : memref<2x80xi32, #tpu.memory_space<vmem>>)
    %dma_wait3A_95 = arith.constant 0 : i32
    %dma_wait3A_96 = arith.constant 0 : i32
    %dma_wait3A_97 = arith.constant 0 : i32
    %dma_wait3A_98 = tpu.memref_slice %arg10[%dma_wait3A_96, %dma_wait3A_97] : memref<6x80xi32, #tpu.memory_space<vmem>> -> memref<2x80xi32, #tpu.memory_space<vmem>>
    %dma_wait3A_99 = arith.constant 0 : i32
    %dma_wait3A_100 = tpu.memref_slice %arg4[%add3A_72, %dma_wait3A_99] : memref<4032x80xi32, #tpu.memory_space<hbm>> -> memref<2x80xi32, #tpu.memory_space<hbm>>
    %dma_wait3A_101 = tpu.memref_slice %arg18[%dma_wait3A_95] : memref<3x!tpu.dma_semaphore, #tpu.memory_space<semaphore_mem>> -> memref<1x!tpu.dma_semaphore, #tpu.memory_space<semaphore_mem>>
    %dma_wait3A_102 = tpu.memref_squeeze %dma_wait3A_101 : memref<1x!tpu.dma_semaphore, #tpu.memory_space<semaphore_mem>> -> memref<!tpu.dma_semaphore, #tpu.memory_space<semaphore_mem>>
    %dma_wait3A_103 = arith.constant 0 : i32
    %dma_wait3A_104 = arith.constant 0 : i32
    %dma_wait3A_105 = tpu.memref_slice %arg10[%dma_wait3A_103, %dma_wait3A_104] : memref<6x80xi32, #tpu.memory_space<vmem>> -> memref<2x80xi32, #tpu.memory_space<vmem>>
    %dma_wait3A_106 = arith.constant 0 : i32
    %dma_wait3A_107 = tpu.memref_slice %arg4[%add3A_72, %dma_wait3A_106] : memref<4032x80xi32, #tpu.memory_space<hbm>> -> memref<2x80xi32, #tpu.memory_space<hbm>>
    tpu.wait_dma2 semaphore(%dma_wait3A_102 : memref<!tpu.dma_semaphore, #tpu.memory_space<semaphore_mem>>) src(%dma_wait3A_107 : memref<2x80xi32, #tpu.memory_space<hbm>>) dst(%dma_wait3A_105 : memref<2x80xi32, #tpu.memory_space<vmem>>)
    %dma_wait3A_108 = arith.constant 0 : i32
    %dma_wait3A_109 = arith.constant 0 : i32
    %dma_wait3A_110 = tpu.memref_slice %arg11[%dma_wait3A_109] : memref<480xf32, #tpu.memory_space<vmem>> -> memref<160xf32, #tpu.memory_space<vmem>>
    %dma_wait3A_111 = tpu.memref_slice %arg5[%add3A_74] : memref<322560xf32, #tpu.memory_space<hbm>> -> memref<160xf32, #tpu.memory_space<hbm>>
    %dma_wait3A_112 = tpu.memref_slice %arg18[%dma_wait3A_108] : memref<3x!tpu.dma_semaphore, #tpu.memory_space<semaphore_mem>> -> memref<1x!tpu.dma_semaphore, #tpu.memory_space<semaphore_mem>>
    %dma_wait3A_113 = tpu.memref_squeeze %dma_wait3A_112 : memref<1x!tpu.dma_semaphore, #tpu.memory_space<semaphore_mem>> -> memref<!tpu.dma_semaphore, #tpu.memory_space<semaphore_mem>>
    %dma_wait3A_114 = arith.constant 0 : i32
    %dma_wait3A_115 = tpu.memref_slice %arg11[%dma_wait3A_114] : memref<480xf32, #tpu.memory_space<vmem>> -> memref<160xf32, #tpu.memory_space<vmem>>
    %dma_wait3A_116 = tpu.memref_slice %arg5[%add3A_74] : memref<322560xf32, #tpu.memory_space<hbm>> -> memref<160xf32, #tpu.memory_space<hbm>>
    tpu.wait_dma2 semaphore(%dma_wait3A_113 : memref<!tpu.dma_semaphore, #tpu.memory_space<semaphore_mem>>) src(%dma_wait3A_116 : memref<160xf32, #tpu.memory_space<hbm>>) dst(%dma_wait3A_115 : memref<160xf32, #tpu.memory_space<vmem>>)
    %dma_start3A_117 = arith.constant 0 : i32
    %dma_start3A_118 = arith.constant 0 : i32
    %dma_start3A_119 = tpu.memref_slice %arg9[%dma_start3A_117, %dma_start3A_118] : memref<6x80xi32, #tpu.memory_space<vmem>> -> memref<1x80xi32, #tpu.memory_space<vmem>>
    %dma_start3A_120 = tpu.memref_squeeze %dma_start3A_119 : memref<1x80xi32, #tpu.memory_space<vmem>> -> memref<80xi32, #tpu.memory_space<vmem>>
    %dma_start3A_121 = arith.constant 0 : i32
    %dma_start3A_122 = arith.constant 0 : i32
    %dma_start3A_123 = tpu.memref_slice %arg2[%dma_start3A_121, %dma_start3A_122] : memref<20000x128xf32, #tpu.memory_space<hbm>> -> memref<20000x128xf32, #tpu.memory_space<hbm>>
    tpu.enqueue_indirect_dma source(%dma_start3A_123 : memref<20000x128xf32, #tpu.memory_space<hbm>>) target(%arg12 : memref<80x128xf32, #tpu.memory_space<vmem>>) offsets(%dma_start3A_120 : memref<80xi32, #tpu.memory_space<vmem>>) semaphore(%arg19 : memref<!tpu.dma_semaphore, #tpu.memory_space<semaphore_mem>>)
    %scan3A = arith.constant 0 : i32
    %scan3A_124 = arith.constant 0 : i32
    %scan3A_125 = arith.constant 126 : i32
    %scan3A_126 = arith.addi %scan3A_124, %scan3A_125 : i32
    %scan3A_127 = arith.constant 1 : i32
    scf.for %scan3A_149 = %scan3A_124 to %scan3A_126 step %scan3A_127  : i32 {
      %jit3A = arith.constant 3 : i32
      %eq3A_150 = arith.constant 0 : i32
      %eq3A_151 = arith.cmpi eq, %jit3A, %eq3A_150 : i32
      %jit3A_152 = arith.constant 1 : i32
      %select_n3A = arith.select %eq3A_151, %jit3A_152, %jit3A : i32
      %rem3A = arith.remsi %scan3A_149, %select_n3A : i32
      %ne3A = arith.constant 0 : i32
      %ne3A_153 = arith.cmpi ne, %rem3A, %ne3A : i32
      %lt3A_154 = arith.constant 0 : i32
      %lt3A_155 = arith.cmpi slt, %rem3A, %lt3A_154 : i32
      %lt3A_156 = arith.constant 0 : i32
      %lt3A_157 = arith.cmpi slt, %select_n3A, %lt3A_156 : i32
      %ne3A_158 = arith.xori %lt3A_155, %lt3A_157 : i1
      %and3A = arith.andi %ne3A_158, %ne3A_153 : i1
      %add3A_159 = arith.addi %rem3A, %select_n3A : i32
      %select_n3A_160 = arith.select %and3A, %add3A_159, %rem3A : i32
      %add3A_161 = arith.constant 1 : i32
      %add3A_162 = arith.addi %scan3A_149, %add3A_161 : i32
      %lt3A_163 = arith.constant 126 : i32
      %lt3A_164 = arith.cmpi slt, %add3A_162, %lt3A_163 : i32
      %convert_element_type3A_165 = arith.extui %lt3A_164 : i1 to i32
      %cond3A_166 = arith.constant 0 : i32
      %cond3A_167 = arith.cmpi ne, %convert_element_type3A_165, %cond3A_166 : i32
      scf.if %cond3A_167 {
        %add3A_257 = arith.constant 1 : i32
        %add3A_258 = arith.addi %scan3A_149, %add3A_257 : i32
        %add3A_259 = arith.constant 1 : i32
        %add3A_260 = arith.addi %scan3A_149, %add3A_259 : i32
        %jit3A_261 = arith.constant 3 : i32
        %eq3A_262 = arith.constant 0 : i32
        %eq3A_263 = arith.cmpi eq, %jit3A_261, %eq3A_262 : i32
        %jit3A_264 = arith.constant 1 : i32
        %select_n3A_265 = arith.select %eq3A_263, %jit3A_264, %jit3A_261 : i32
        %rem3A_266 = arith.remsi %add3A_260, %select_n3A_265 : i32
        %ne3A_267 = arith.constant 0 : i32
        %ne3A_268 = arith.cmpi ne, %rem3A_266, %ne3A_267 : i32
        %lt3A_269 = arith.constant 0 : i32
        %lt3A_270 = arith.cmpi slt, %rem3A_266, %lt3A_269 : i32
        %lt3A_271 = arith.constant 0 : i32
        %lt3A_272 = arith.cmpi slt, %select_n3A_265, %lt3A_271 : i32
        %ne3A_273 = arith.xori %lt3A_270, %lt3A_272 : i1
        %and3A_274 = arith.andi %ne3A_273, %ne3A_268 : i1
        %add3A_275 = arith.addi %rem3A_266, %select_n3A_265 : i32
        %select_n3A_276 = arith.select %and3A_274, %add3A_275, %rem3A_266 : i32
        %mul3A_277 = arith.constant 2 : i32
        %mul3A_278 = arith.muli %mul3A_277, %add3A_258 : i32
        %add3A_279 = arith.addi %mul3A_23, %mul3A_278 : i32
        %mul3A_280 = arith.constant 2 : i32
        %mul3A_281 = arith.muli %select_n3A_276, %mul3A_280 : i32
        %mul3A_282 = arith.constant 2 : i32
        %mul3A_283 = arith.muli %select_n3A_276, %mul3A_282 : i32
        %mul3A_284 = arith.constant 160 : i32
        %mul3A_285 = arith.muli %add3A_258, %mul3A_284 : i32
        %add3A_286 = arith.addi %mul3A_25, %mul3A_285 : i32
        %mul3A_287 = arith.constant 160 : i32
        %mul3A_288 = arith.muli %select_n3A_276, %mul3A_287 : i32
        %dma_start3A_289 = arith.constant 0 : i32
        %dma_start3A_290 = tpu.memref_slice %arg9[%mul3A_281, %dma_start3A_289] : memref<6x80xi32, #tpu.memory_space<vmem>> -> memref<2x80xi32, #tpu.memory_space<vmem>>
        %dma_start3A_291 = arith.constant 0 : i32
        %dma_start3A_292 = arith.constant 0 : i32
        %dma_start3A_293 = tpu.memref_slice %arg3[%arg0, %dma_start3A_291, %dma_start3A_292] : memref<2x4032x80xi32, #tpu.memory_space<hbm>> -> memref<1x4032x80xi32, #tpu.memory_space<hbm>>
        %dma_start3A_294 = tpu.memref_squeeze %dma_start3A_293 : memref<1x4032x80xi32, #tpu.memory_space<hbm>> -> memref<4032x80xi32, #tpu.memory_space<hbm>>
        %dma_start3A_295 = arith.constant 0 : i32
        %dma_start3A_296 = tpu.memref_slice %dma_start3A_294[%add3A_279, %dma_start3A_295] : memref<4032x80xi32, #tpu.memory_space<hbm>> -> memref<2x80xi32, #tpu.memory_space<hbm>>
        %dma_start3A_297 = tpu.memref_slice %arg18[%select_n3A_276] : memref<3x!tpu.dma_semaphore, #tpu.memory_space<semaphore_mem>> -> memref<1x!tpu.dma_semaphore, #tpu.memory_space<semaphore_mem>>
        %dma_start3A_298 = tpu.memref_squeeze %dma_start3A_297 : memref<1x!tpu.dma_semaphore, #tpu.memory_space<semaphore_mem>> -> memref<!tpu.dma_semaphore, #tpu.memory_space<semaphore_mem>>
        %dma_start3A_299 = arith.constant 0 : i32
        %dma_start3A_300 = tpu.memref_slice %arg9[%mul3A_281, %dma_start3A_299] : memref<6x80xi32, #tpu.memory_space<vmem>> -> memref<2x80xi32, #tpu.memory_space<vmem>>
        %dma_start3A_301 = arith.constant 0 : i32
        %dma_start3A_302 = arith.constant 0 : i32
        %dma_start3A_303 = tpu.memref_slice %arg3[%arg0, %dma_start3A_301, %dma_start3A_302] : memref<2x4032x80xi32, #tpu.memory_space<hbm>> -> memref<1x4032x80xi32, #tpu.memory_space<hbm>>
        %dma_start3A_304 = tpu.memref_squeeze %dma_start3A_303 : memref<1x4032x80xi32, #tpu.memory_space<hbm>> -> memref<4032x80xi32, #tpu.memory_space<hbm>>
        %dma_start3A_305 = arith.constant 0 : i32
        %dma_start3A_306 = tpu.memref_slice %dma_start3A_304[%add3A_279, %dma_start3A_305] : memref<4032x80xi32, #tpu.memory_space<hbm>> -> memref<2x80xi32, #tpu.memory_space<hbm>>
        tpu.enqueue_dma source(%dma_start3A_306 : memref<2x80xi32, #tpu.memory_space<hbm>>) target(%dma_start3A_300 : memref<2x80xi32, #tpu.memory_space<vmem>>) target_semaphore(%dma_start3A_298 : memref<!tpu.dma_semaphore, #tpu.memory_space<semaphore_mem>>)
        %dma_start3A_307 = arith.constant 0 : i32
        %dma_start3A_308 = tpu.memref_slice %arg10[%mul3A_283, %dma_start3A_307] : memref<6x80xi32, #tpu.memory_space<vmem>> -> memref<2x80xi32, #tpu.memory_space<vmem>>
        %dma_start3A_309 = arith.constant 0 : i32
        %dma_start3A_310 = tpu.memref_slice %arg4[%add3A_279, %dma_start3A_309] : memref<4032x80xi32, #tpu.memory_space<hbm>> -> memref<2x80xi32, #tpu.memory_space<hbm>>
        %dma_start3A_311 = tpu.memref_slice %arg18[%select_n3A_276] : memref<3x!tpu.dma_semaphore, #tpu.memory_space<semaphore_mem>> -> memref<1x!tpu.dma_semaphore, #tpu.memory_space<semaphore_mem>>
        %dma_start3A_312 = tpu.memref_squeeze %dma_start3A_311 : memref<1x!tpu.dma_semaphore, #tpu.memory_space<semaphore_mem>> -> memref<!tpu.dma_semaphore, #tpu.memory_space<semaphore_mem>>
        %dma_start3A_313 = arith.constant 0 : i32
        %dma_start3A_314 = tpu.memref_slice %arg10[%mul3A_283, %dma_start3A_313] : memref<6x80xi32, #tpu.memory_space<vmem>> -> memref<2x80xi32, #tpu.memory_space<vmem>>
        %dma_start3A_315 = arith.constant 0 : i32
        %dma_start3A_316 = tpu.memref_slice %arg4[%add3A_279, %dma_start3A_315] : memref<4032x80xi32, #tpu.memory_space<hbm>> -> memref<2x80xi32, #tpu.memory_space<hbm>>
        tpu.enqueue_dma source(%dma_start3A_316 : memref<2x80xi32, #tpu.memory_space<hbm>>) target(%dma_start3A_314 : memref<2x80xi32, #tpu.memory_space<vmem>>) target_semaphore(%dma_start3A_312 : memref<!tpu.dma_semaphore, #tpu.memory_space<semaphore_mem>>)
        %dma_start3A_317 = tpu.memref_slice %arg11[%mul3A_288] : memref<480xf32, #tpu.memory_space<vmem>> -> memref<160xf32, #tpu.memory_space<vmem>>
        %dma_start3A_318 = tpu.memref_slice %arg5[%add3A_286] : memref<322560xf32, #tpu.memory_space<hbm>> -> memref<160xf32, #tpu.memory_space<hbm>>
        %dma_start3A_319 = tpu.memref_slice %arg18[%select_n3A_276] : memref<3x!tpu.dma_semaphore, #tpu.memory_space<semaphore_mem>> -> memref<1x!tpu.dma_semaphore, #tpu.memory_space<semaphore_mem>>
        %dma_start3A_320 = tpu.memref_squeeze %dma_start3A_319 : memref<1x!tpu.dma_semaphore, #tpu.memory_space<semaphore_mem>> -> memref<!tpu.dma_semaphore, #tpu.memory_space<semaphore_mem>>
        %dma_start3A_321 = tpu.memref_slice %arg11[%mul3A_288] : memref<480xf32, #tpu.memory_space<vmem>> -> memref<160xf32, #tpu.memory_space<vmem>>
        %dma_start3A_322 = tpu.memref_slice %arg5[%add3A_286] : memref<322560xf32, #tpu.memory_space<hbm>> -> memref<160xf32, #tpu.memory_space<hbm>>
        tpu.enqueue_dma source(%dma_start3A_322 : memref<160xf32, #tpu.memory_space<hbm>>) target(%dma_start3A_321 : memref<160xf32, #tpu.memory_space<vmem>>) target_semaphore(%dma_start3A_320 : memref<!tpu.dma_semaphore, #tpu.memory_space<semaphore_mem>>)
      } else {
      }
      %mul3A_168 = arith.constant 2 : i32
      %mul3A_169 = arith.muli %select_n3A_160, %mul3A_168 : i32
      %add3A_170 = arith.constant 1 : i32
      %add3A_171 = arith.addi %mul3A_169, %add3A_170 : i32
      %dma_start3A_172 = arith.constant 0 : i32
      %dma_start3A_173 = tpu.memref_slice %arg9[%add3A_171, %dma_start3A_172] : memref<6x80xi32, #tpu.memory_space<vmem>> -> memref<1x80xi32, #tpu.memory_space<vmem>>
      %dma_start3A_174 = tpu.memref_squeeze %dma_start3A_173 : memref<1x80xi32, #tpu.memory_space<vmem>> -> memref<80xi32, #tpu.memory_space<vmem>>
      %dma_start3A_175 = arith.constant 0 : i32
      %dma_start3A_176 = arith.constant 0 : i32
      %dma_start3A_177 = tpu.memref_slice %arg2[%dma_start3A_175, %dma_start3A_176] : memref<20000x128xf32, #tpu.memory_space<hbm>> -> memref<20000x128xf32, #tpu.memory_space<hbm>>
      tpu.enqueue_indirect_dma source(%dma_start3A_177 : memref<20000x128xf32, #tpu.memory_space<hbm>>) target(%arg13 : memref<80x128xf32, #tpu.memory_space<vmem>>) offsets(%dma_start3A_174 : memref<80xi32, #tpu.memory_space<vmem>>) semaphore(%arg20 : memref<!tpu.dma_semaphore, #tpu.memory_space<semaphore_mem>>)
      %mul3A_178 = arith.constant 2 : i32
      %mul3A_179 = arith.muli %select_n3A_160, %mul3A_178 : i32
      %add3A_180 = arith.constant 0 : i32
      %add3A_181 = arith.addi %mul3A_179, %add3A_180 : i32
      %dma_wait3A_182 = arith.constant 0 : i32
      %dma_wait3A_183 = tpu.memref_slice %arg9[%add3A_181, %dma_wait3A_182] : memref<6x80xi32, #tpu.memory_space<vmem>> -> memref<1x80xi32, #tpu.memory_space<vmem>>
      %dma_wait3A_184 = tpu.memref_squeeze %dma_wait3A_183 : memref<1x80xi32, #tpu.memory_space<vmem>> -> memref<80xi32, #tpu.memory_space<vmem>>
      %dma_wait3A_185 = arith.constant 0 : i32
      %dma_wait3A_186 = arith.constant 0 : i32
      %dma_wait3A_187 = tpu.memref_slice %arg2[%dma_wait3A_185, %dma_wait3A_186] : memref<20000x128xf32, #tpu.memory_space<hbm>> -> memref<20000x128xf32, #tpu.memory_space<hbm>>
      tpu.wait_indirect_dma semaphore(%arg19 : memref<!tpu.dma_semaphore, #tpu.memory_space<semaphore_mem>>) src(%dma_wait3A_187 : memref<20000x128xf32, #tpu.memory_space<hbm>>) dst(%arg12 : memref<80x128xf32, #tpu.memory_space<vmem>>)
      %mul3A_188 = arith.constant 160 : i32
      %mul3A_189 = arith.muli %select_n3A_160, %mul3A_188 : i32
      %add3A_190 = arith.constant 0 : i32
      %add3A_191 = arith.addi %mul3A_189, %add3A_190 : i32
      %scan3A_192 = arith.constant 0 : i32
      %scan3A_193 = arith.constant 0 : i32
      %scan3A_194 = arith.constant 80 : i32
      %scan3A_195 = arith.addi %scan3A_193, %scan3A_194 : i32
      %scan3A_196 = arith.constant 1 : i32
      scf.for %scan3A_257 = %scan3A_193 to %scan3A_195 step %scan3A_196  : i32 {
        %add3A_258 = arith.addi %add3A_191, %scan3A_257 : i32
        %broadcast_in_dim3A = vector.broadcast %add3A_258 : i32 to vector<16xi32>
        %gather3A = tpu.vector_load_idx %arg11[%broadcast_in_dim3A] : memref<480xf32, #tpu.memory_space<vmem>>[vector<16xi32>], vector<16xf32>,
        %get3A_259 = arith.index_cast %scan3A_257 : i32 to index
        %get3A_260 = arith.constant 0 : index
        %get3A_261 = tpu.vector_load %arg12[%get3A_259, %get3A_260] {strides = array<i32>} : memref<80x128xf32, #tpu.memory_space<vmem>>, vector<16xf32>,
        %mul3A_262 = arith.mulf %gather3A, %get3A_7 : vector<16xf32>
        %add3A_263 = arith.addf %get3A_261, %mul3A_262 : vector<16xf32>
        %max3A = arith.constant 0.000000e+00 : f32
        %max3A_264 = vector.broadcast %max3A : f32 to vector<16xf32>
        %max3A_265 = arith.maximumf %add3A_263, %max3A_264 : vector<16xf32>
        %swap3A = arith.index_cast %scan3A_257 : i32 to index
        %swap3A_266 = arith.constant 0 : index
        %swap3A_267 = tpu.vector_load %arg14[%swap3A, %swap3A_266] {strides = array<i32>} : memref<80x128xf32, #tpu.memory_space<vmem>>, vector<16xf32>,
        tpu.vector_store %arg14[%swap3A, %swap3A_266], %max3A_265 {strides = array<i32>} : memref<80x128xf32, #tpu.memory_space<vmem>>, vector<16xf32>,
        %get3A_268 = arith.index_cast %scan3A_257 : i32 to index
        %get3A_269 = arith.constant 16 : index
        %get3A_270 = tpu.vector_load %arg12[%get3A_268, %get3A_269] {strides = array<i32>} : memref<80x128xf32, #tpu.memory_space<vmem>>, vector<16xf32>,
        %mul3A_271 = arith.mulf %gather3A, %get3A_9 : vector<16xf32>
        %add3A_272 = arith.addf %get3A_270, %mul3A_271 : vector<16xf32>
        %max3A_273 = arith.constant 0.000000e+00 : f32
        %max3A_274 = vector.broadcast %max3A_273 : f32 to vector<16xf32>
        %max3A_275 = arith.maximumf %add3A_272, %max3A_274 : vector<16xf32>
        %swap3A_276 = arith.index_cast %scan3A_257 : i32 to index
        %swap3A_277 = arith.constant 16 : index
        %swap3A_278 = tpu.vector_load %arg14[%swap3A_276, %swap3A_277] {strides = array<i32>} : memref<80x128xf32, #tpu.memory_space<vmem>>, vector<16xf32>,
        tpu.vector_store %arg14[%swap3A_276, %swap3A_277], %max3A_275 {strides = array<i32>} : memref<80x128xf32, #tpu.memory_space<vmem>>, vector<16xf32>,
        %get3A_279 = arith.index_cast %scan3A_257 : i32 to index
        %get3A_280 = arith.constant 32 : index
        %get3A_281 = tpu.vector_load %arg12[%get3A_279, %get3A_280] {strides = array<i32>} : memref<80x128xf32, #tpu.memory_space<vmem>>, vector<16xf32>,
        %mul3A_282 = arith.mulf %gather3A, %get3A_11 : vector<16xf32>
        %add3A_283 = arith.addf %get3A_281, %mul3A_282 : vector<16xf32>
        %max3A_284 = arith.constant 0.000000e+00 : f32
        %max3A_285 = vector.broadcast %max3A_284 : f32 to vector<16xf32>
        %max3A_286 = arith.maximumf %add3A_283, %max3A_285 : vector<16xf32>
        %swap3A_287 = arith.index_cast %scan3A_257 : i32 to index
        %swap3A_288 = arith.constant 32 : index
        %swap3A_289 = tpu.vector_load %arg14[%swap3A_287, %swap3A_288] {strides = array<i32>} : memref<80x128xf32, #tpu.memory_space<vmem>>, vector<16xf32>,
        tpu.vector_store %arg14[%swap3A_287, %swap3A_288], %max3A_286 {strides = array<i32>} : memref<80x128xf32, #tpu.memory_space<vmem>>, vector<16xf32>,
        %get3A_290 = arith.index_cast %scan3A_257 : i32 to index
        %get3A_291 = arith.constant 48 : index
        %get3A_292 = tpu.vector_load %arg12[%get3A_290, %get3A_291] {strides = array<i32>} : memref<80x128xf32, #tpu.memory_space<vmem>>, vector<16xf32>,
        %mul3A_293 = arith.mulf %gather3A, %get3A_13 : vector<16xf32>
        %add3A_294 = arith.addf %get3A_292, %mul3A_293 : vector<16xf32>
        %max3A_295 = arith.constant 0.000000e+00 : f32
        %max3A_296 = vector.broadcast %max3A_295 : f32 to vector<16xf32>
        %max3A_297 = arith.maximumf %add3A_294, %max3A_296 : vector<16xf32>
        %swap3A_298 = arith.index_cast %scan3A_257 : i32 to index
        %swap3A_299 = arith.constant 48 : index
        %swap3A_300 = tpu.vector_load %arg14[%swap3A_298, %swap3A_299] {strides = array<i32>} : memref<80x128xf32, #tpu.memory_space<vmem>>, vector<16xf32>,
        tpu.vector_store %arg14[%swap3A_298, %swap3A_299], %max3A_297 {strides = array<i32>} : memref<80x128xf32, #tpu.memory_space<vmem>>, vector<16xf32>,
        %get3A_301 = arith.index_cast %scan3A_257 : i32 to index
        %get3A_302 = arith.constant 64 : index
        %get3A_303 = tpu.vector_load %arg12[%get3A_301, %get3A_302] {strides = array<i32>} : memref<80x128xf32, #tpu.memory_space<vmem>>, vector<16xf32>,
        %mul3A_304 = arith.mulf %gather3A, %get3A_15 : vector<16xf32>
        %add3A_305 = arith.addf %get3A_303, %mul3A_304 : vector<16xf32>
        %max3A_306 = arith.constant 0.000000e+00 : f32
        %max3A_307 = vector.broadcast %max3A_306 : f32 to vector<16xf32>
        %max3A_308 = arith.maximumf %add3A_305, %max3A_307 : vector<16xf32>
        %swap3A_309 = arith.index_cast %scan3A_257 : i32 to index
        %swap3A_310 = arith.constant 64 : index
        %swap3A_311 = tpu.vector_load %arg14[%swap3A_309, %swap3A_310] {strides = array<i32>} : memref<80x128xf32, #tpu.memory_space<vmem>>, vector<16xf32>,
        tpu.vector_store %arg14[%swap3A_309, %swap3A_310], %max3A_308 {strides = array<i32>} : memref<80x128xf32, #tpu.memory_space<vmem>>, vector<16xf32>,
        %get3A_312 = arith.index_cast %scan3A_257 : i32 to index
        %get3A_313 = arith.constant 80 : index
        %get3A_314 = tpu.vector_load %arg12[%get3A_312, %get3A_313] {strides = array<i32>} : memref<80x128xf32, #tpu.memory_space<vmem>>, vector<16xf32>,
        %mul3A_315 = arith.mulf %gather3A, %get3A_17 : vector<16xf32>
        %add3A_316 = arith.addf %get3A_314, %mul3A_315 : vector<16xf32>
        %max3A_317 = arith.constant 0.000000e+00 : f32
        %max3A_318 = vector.broadcast %max3A_317 : f32 to vector<16xf32>
        %max3A_319 = arith.maximumf %add3A_316, %max3A_318 : vector<16xf32>
        %swap3A_320 = arith.index_cast %scan3A_257 : i32 to index
        %swap3A_321 = arith.constant 80 : index
        %swap3A_322 = tpu.vector_load %arg14[%swap3A_320, %swap3A_321] {strides = array<i32>} : memref<80x128xf32, #tpu.memory_space<vmem>>, vector<16xf32>,
        tpu.vector_store %arg14[%swap3A_320, %swap3A_321], %max3A_319 {strides = array<i32>} : memref<80x128xf32, #tpu.memory_space<vmem>>, vector<16xf32>,
        %get3A_323 = arith.index_cast %scan3A_257 : i32 to index
        %get3A_324 = arith.constant 96 : index
        %get3A_325 = tpu.vector_load %arg12[%get3A_323, %get3A_324] {strides = array<i32>} : memref<80x128xf32, #tpu.memory_space<vmem>>, vector<16xf32>,
        %mul3A_326 = arith.mulf %gather3A, %get3A_19 : vector<16xf32>
        %add3A_327 = arith.addf %get3A_325, %mul3A_326 : vector<16xf32>
        %max3A_328 = arith.constant 0.000000e+00 : f32
        %max3A_329 = vector.broadcast %max3A_328 : f32 to vector<16xf32>
        %max3A_330 = arith.maximumf %add3A_327, %max3A_329 : vector<16xf32>
        %swap3A_331 = arith.index_cast %scan3A_257 : i32 to index
        %swap3A_332 = arith.constant 96 : index
        %swap3A_333 = tpu.vector_load %arg14[%swap3A_331, %swap3A_332] {strides = array<i32>} : memref<80x128xf32, #tpu.memory_space<vmem>>, vector<16xf32>,
        tpu.vector_store %arg14[%swap3A_331, %swap3A_332], %max3A_330 {strides = array<i32>} : memref<80x128xf32, #tpu.memory_space<vmem>>, vector<16xf32>,
        %get3A_334 = arith.index_cast %scan3A_257 : i32 to index
        %get3A_335 = arith.constant 112 : index
        %get3A_336 = tpu.vector_load %arg12[%get3A_334, %get3A_335] {strides = array<i32>} : memref<80x128xf32, #tpu.memory_space<vmem>>, vector<16xf32>,
        %mul3A_337 = arith.mulf %gather3A, %get3A_21 : vector<16xf32>
        %add3A_338 = arith.addf %get3A_336, %mul3A_337 : vector<16xf32>
        %max3A_339 = arith.constant 0.000000e+00 : f32
        %max3A_340 = vector.broadcast %max3A_339 : f32 to vector<16xf32>
        %max3A_341 = arith.maximumf %add3A_338, %max3A_340 : vector<16xf32>
        %swap3A_342 = arith.index_cast %scan3A_257 : i32 to index
        %swap3A_343 = arith.constant 112 : index
        %swap3A_344 = tpu.vector_load %arg14[%swap3A_342, %swap3A_343] {strides = array<i32>} : memref<80x128xf32, #tpu.memory_space<vmem>>, vector<16xf32>,
        tpu.vector_store %arg14[%swap3A_342, %swap3A_343], %max3A_341 {strides = array<i32>} : memref<80x128xf32, #tpu.memory_space<vmem>>, vector<16xf32>,
      }
      %scan3A_197 = arith.constant 80 : i32
      %mul3A_198 = arith.constant 2 : i32
      %mul3A_199 = arith.muli %select_n3A_160, %mul3A_198 : i32
      %dma_start3A_200 = arith.constant 0 : i32
      %dma_start3A_201 = tpu.memref_slice %arg10[%mul3A_199, %dma_start3A_200] : memref<6x80xi32, #tpu.memory_space<vmem>> -> memref<1x80xi32, #tpu.memory_space<vmem>>
      %dma_start3A_202 = tpu.memref_squeeze %dma_start3A_201 : memref<1x80xi32, #tpu.memory_space<vmem>> -> memref<80xi32, #tpu.memory_space<vmem>>
      %dma_start3A_203 = arith.constant 0 : i32
      %dma_start3A_204 = arith.constant 0 : i32
      %dma_start3A_205 = tpu.memref_slice %arg17[%dma_start3A_203, %dma_start3A_204] : memref<10016x128xf32, #tpu.memory_space<vmem_shared>> -> memref<10016x128xf32, #tpu.memory_space<vmem_shared>>
      tpu.enqueue_indirect_dma source(%arg14 : memref<80x128xf32, #tpu.memory_space<vmem>>) target(%dma_start3A_205 : memref<10016x128xf32, #tpu.memory_space<vmem_shared>>) offsets(%dma_start3A_202 : memref<80xi32, #tpu.memory_space<vmem>>) semaphore(%arg21 : memref<!tpu.dma_semaphore, #tpu.memory_space<semaphore_mem>>) {add = true}
      %add3A_206 = arith.constant 1 : i32
      %add3A_207 = arith.addi %scan3A_149, %add3A_206 : i32
      %lt3A_208 = arith.constant 126 : i32
      %lt3A_209 = arith.cmpi slt, %add3A_207, %lt3A_208 : i32
      %convert_element_type3A_210 = arith.extui %lt3A_209 : i1 to i32
      %cond3A_211 = arith.constant 0 : i32
      %cond3A_212 = arith.cmpi ne, %convert_element_type3A_210, %cond3A_211 : i32
      scf.if %cond3A_212 {
        %add3A_257 = arith.constant 1 : i32
        %add3A_258 = arith.addi %scan3A_149, %add3A_257 : i32
        %add3A_259 = arith.constant 1 : i32
        %add3A_260 = arith.addi %scan3A_149, %add3A_259 : i32
        %jit3A_261 = arith.constant 3 : i32
        %eq3A_262 = arith.constant 0 : i32
        %eq3A_263 = arith.cmpi eq, %jit3A_261, %eq3A_262 : i32
        %jit3A_264 = arith.constant 1 : i32
        %select_n3A_265 = arith.select %eq3A_263, %jit3A_264, %jit3A_261 : i32
        %rem3A_266 = arith.remsi %add3A_260, %select_n3A_265 : i32
        %ne3A_267 = arith.constant 0 : i32
        %ne3A_268 = arith.cmpi ne, %rem3A_266, %ne3A_267 : i32
        %lt3A_269 = arith.constant 0 : i32
        %lt3A_270 = arith.cmpi slt, %rem3A_266, %lt3A_269 : i32
        %lt3A_271 = arith.constant 0 : i32
        %lt3A_272 = arith.cmpi slt, %select_n3A_265, %lt3A_271 : i32
        %ne3A_273 = arith.xori %lt3A_270, %lt3A_272 : i1
        %and3A_274 = arith.andi %ne3A_273, %ne3A_268 : i1
        %add3A_275 = arith.addi %rem3A_266, %select_n3A_265 : i32
        %select_n3A_276 = arith.select %and3A_274, %add3A_275, %rem3A_266 : i32
        %mul3A_277 = arith.constant 2 : i32
        %mul3A_278 = arith.muli %mul3A_277, %add3A_258 : i32
        %add3A_279 = arith.addi %mul3A_23, %mul3A_278 : i32
        %mul3A_280 = arith.constant 2 : i32
        %mul3A_281 = arith.muli %select_n3A_276, %mul3A_280 : i32
        %mul3A_282 = arith.constant 2 : i32
        %mul3A_283 = arith.muli %select_n3A_276, %mul3A_282 : i32
        %mul3A_284 = arith.constant 160 : i32
        %mul3A_285 = arith.muli %add3A_258, %mul3A_284 : i32
        %add3A_286 = arith.addi %mul3A_25, %mul3A_285 : i32
        %mul3A_287 = arith.constant 160 : i32
        %mul3A_288 = arith.muli %select_n3A_276, %mul3A_287 : i32
        %dma_wait3A_289 = arith.constant 0 : i32
        %dma_wait3A_290 = tpu.memref_slice %arg9[%mul3A_281, %dma_wait3A_289] : memref<6x80xi32, #tpu.memory_space<vmem>> -> memref<2x80xi32, #tpu.memory_space<vmem>>
        %dma_wait3A_291 = arith.constant 0 : i32
        %dma_wait3A_292 = arith.constant 0 : i32
        %dma_wait3A_293 = tpu.memref_slice %arg3[%arg0, %dma_wait3A_291, %dma_wait3A_292] : memref<2x4032x80xi32, #tpu.memory_space<hbm>> -> memref<1x4032x80xi32, #tpu.memory_space<hbm>>
        %dma_wait3A_294 = tpu.memref_squeeze %dma_wait3A_293 : memref<1x4032x80xi32, #tpu.memory_space<hbm>> -> memref<4032x80xi32, #tpu.memory_space<hbm>>
        %dma_wait3A_295 = arith.constant 0 : i32
        %dma_wait3A_296 = tpu.memref_slice %dma_wait3A_294[%add3A_279, %dma_wait3A_295] : memref<4032x80xi32, #tpu.memory_space<hbm>> -> memref<2x80xi32, #tpu.memory_space<hbm>>
        %dma_wait3A_297 = tpu.memref_slice %arg18[%select_n3A_276] : memref<3x!tpu.dma_semaphore, #tpu.memory_space<semaphore_mem>> -> memref<1x!tpu.dma_semaphore, #tpu.memory_space<semaphore_mem>>
        %dma_wait3A_298 = tpu.memref_squeeze %dma_wait3A_297 : memref<1x!tpu.dma_semaphore, #tpu.memory_space<semaphore_mem>> -> memref<!tpu.dma_semaphore, #tpu.memory_space<semaphore_mem>>
        %dma_wait3A_299 = arith.constant 0 : i32
        %dma_wait3A_300 = tpu.memref_slice %arg9[%mul3A_281, %dma_wait3A_299] : memref<6x80xi32, #tpu.memory_space<vmem>> -> memref<2x80xi32, #tpu.memory_space<vmem>>
        %dma_wait3A_301 = arith.constant 0 : i32
        %dma_wait3A_302 = arith.constant 0 : i32
        %dma_wait3A_303 = tpu.memref_slice %arg3[%arg0, %dma_wait3A_301, %dma_wait3A_302] : memref<2x4032x80xi32, #tpu.memory_space<hbm>> -> memref<1x4032x80xi32, #tpu.memory_space<hbm>>
        %dma_wait3A_304 = tpu.memref_squeeze %dma_wait3A_303 : memref<1x4032x80xi32, #tpu.memory_space<hbm>> -> memref<4032x80xi32, #tpu.memory_space<hbm>>
        %dma_wait3A_305 = arith.constant 0 : i32
        %dma_wait3A_306 = tpu.memref_slice %dma_wait3A_304[%add3A_279, %dma_wait3A_305] : memref<4032x80xi32, #tpu.memory_space<hbm>> -> memref<2x80xi32, #tpu.memory_space<hbm>>
        tpu.wait_dma2 semaphore(%dma_wait3A_298 : memref<!tpu.dma_semaphore, #tpu.memory_space<semaphore_mem>>) src(%dma_wait3A_306 : memref<2x80xi32, #tpu.memory_space<hbm>>) dst(%dma_wait3A_300 : memref<2x80xi32, #tpu.memory_space<vmem>>)
        %dma_wait3A_307 = arith.constant 0 : i32
        %dma_wait3A_308 = tpu.memref_slice %arg10[%mul3A_283, %dma_wait3A_307] : memref<6x80xi32, #tpu.memory_space<vmem>> -> memref<2x80xi32, #tpu.memory_space<vmem>>
        %dma_wait3A_309 = arith.constant 0 : i32
        %dma_wait3A_310 = tpu.memref_slice %arg4[%add3A_279, %dma_wait3A_309] : memref<4032x80xi32, #tpu.memory_space<hbm>> -> memref<2x80xi32, #tpu.memory_space<hbm>>
        %dma_wait3A_311 = tpu.memref_slice %arg18[%select_n3A_276] : memref<3x!tpu.dma_semaphore, #tpu.memory_space<semaphore_mem>> -> memref<1x!tpu.dma_semaphore, #tpu.memory_space<semaphore_mem>>
        %dma_wait3A_312 = tpu.memref_squeeze %dma_wait3A_311 : memref<1x!tpu.dma_semaphore, #tpu.memory_space<semaphore_mem>> -> memref<!tpu.dma_semaphore, #tpu.memory_space<semaphore_mem>>
        %dma_wait3A_313 = arith.constant 0 : i32
        %dma_wait3A_314 = tpu.memref_slice %arg10[%mul3A_283, %dma_wait3A_313] : memref<6x80xi32, #tpu.memory_space<vmem>> -> memref<2x80xi32, #tpu.memory_space<vmem>>
        %dma_wait3A_315 = arith.constant 0 : i32
        %dma_wait3A_316 = tpu.memref_slice %arg4[%add3A_279, %dma_wait3A_315] : memref<4032x80xi32, #tpu.memory_space<hbm>> -> memref<2x80xi32, #tpu.memory_space<hbm>>
        tpu.wait_dma2 semaphore(%dma_wait3A_312 : memref<!tpu.dma_semaphore, #tpu.memory_space<semaphore_mem>>) src(%dma_wait3A_316 : memref<2x80xi32, #tpu.memory_space<hbm>>) dst(%dma_wait3A_314 : memref<2x80xi32, #tpu.memory_space<vmem>>)
        %dma_wait3A_317 = tpu.memref_slice %arg11[%mul3A_288] : memref<480xf32, #tpu.memory_space<vmem>> -> memref<160xf32, #tpu.memory_space<vmem>>
        %dma_wait3A_318 = tpu.memref_slice %arg5[%add3A_286] : memref<322560xf32, #tpu.memory_space<hbm>> -> memref<160xf32, #tpu.memory_space<hbm>>
        %dma_wait3A_319 = tpu.memref_slice %arg18[%select_n3A_276] : memref<3x!tpu.dma_semaphore, #tpu.memory_space<semaphore_mem>> -> memref<1x!tpu.dma_semaphore, #tpu.memory_space<semaphore_mem>>
        %dma_wait3A_320 = tpu.memref_squeeze %dma_wait3A_319 : memref<1x!tpu.dma_semaphore, #tpu.memory_space<semaphore_mem>> -> memref<!tpu.dma_semaphore, #tpu.memory_space<semaphore_mem>>
        %dma_wait3A_321 = tpu.memref_slice %arg11[%mul3A_288] : memref<480xf32, #tpu.memory_space<vmem>> -> memref<160xf32, #tpu.memory_space<vmem>>
        %dma_wait3A_322 = tpu.memref_slice %arg5[%add3A_286] : memref<322560xf32, #tpu.memory_space<hbm>> -> memref<160xf32, #tpu.memory_space<hbm>>
        tpu.wait_dma2 semaphore(%dma_wait3A_320 : memref<!tpu.dma_semaphore, #tpu.memory_space<semaphore_mem>>) src(%dma_wait3A_322 : memref<160xf32, #tpu.memory_space<hbm>>) dst(%dma_wait3A_321 : memref<160xf32, #tpu.memory_space<vmem>>)
        %add3A_323 = arith.constant 1 : i32
        %add3A_324 = arith.addi %scan3A_149, %add3A_323 : i32
        %jit3A_325 = arith.constant 3 : i32
        %eq3A_326 = arith.constant 0 : i32
        %eq3A_327 = arith.cmpi eq, %jit3A_325, %eq3A_326 : i32
        %jit3A_328 = arith.constant 1 : i32
        %select_n3A_329 = arith.select %eq3A_327, %jit3A_328, %jit3A_325 : i32
        %rem3A_330 = arith.remsi %add3A_324, %select_n3A_329 : i32
        %ne3A_331 = arith.constant 0 : i32
        %ne3A_332 = arith.cmpi ne, %rem3A_330, %ne3A_331 : i32
        %lt3A_333 = arith.constant 0 : i32
        %lt3A_334 = arith.cmpi slt, %rem3A_330, %lt3A_333 : i32
        %lt3A_335 = arith.constant 0 : i32
        %lt3A_336 = arith.cmpi slt, %select_n3A_329, %lt3A_335 : i32
        %ne3A_337 = arith.xori %lt3A_334, %lt3A_336 : i1
        %and3A_338 = arith.andi %ne3A_337, %ne3A_332 : i1
        %add3A_339 = arith.addi %rem3A_330, %select_n3A_329 : i32
        %select_n3A_340 = arith.select %and3A_338, %add3A_339, %rem3A_330 : i32
        %mul3A_341 = arith.constant 2 : i32
        %mul3A_342 = arith.muli %select_n3A_340, %mul3A_341 : i32
        %add3A_343 = arith.constant 0 : i32
        %add3A_344 = arith.addi %mul3A_342, %add3A_343 : i32
        %dma_start3A_345 = arith.constant 0 : i32
        %dma_start3A_346 = tpu.memref_slice %arg9[%add3A_344, %dma_start3A_345] : memref<6x80xi32, #tpu.memory_space<vmem>> -> memref<1x80xi32, #tpu.memory_space<vmem>>
        %dma_start3A_347 = tpu.memref_squeeze %dma_start3A_346 : memref<1x80xi32, #tpu.memory_space<vmem>> -> memref<80xi32, #tpu.memory_space<vmem>>
        %dma_start3A_348 = arith.constant 0 : i32
        %dma_start3A_349 = arith.constant 0 : i32
        %dma_start3A_350 = tpu.memref_slice %arg2[%dma_start3A_348, %dma_start3A_349] : memref<20000x128xf32, #tpu.memory_space<hbm>> -> memref<20000x128xf32, #tpu.memory_space<hbm>>
        tpu.enqueue_indirect_dma source(%dma_start3A_350 : memref<20000x128xf32, #tpu.memory_space<hbm>>) target(%arg12 : memref<80x128xf32, #tpu.memory_space<vmem>>) offsets(%dma_start3A_347 : memref<80xi32, #tpu.memory_space<vmem>>) semaphore(%arg19 : memref<!tpu.dma_semaphore, #tpu.memory_space<semaphore_mem>>)
      } else {
      }
      %mul3A_213 = arith.constant 2 : i32
      %mul3A_214 = arith.muli %select_n3A_160, %mul3A_213 : i32
      %add3A_215 = arith.constant 1 : i32
      %add3A_216 = arith.addi %mul3A_214, %add3A_215 : i32
      %dma_wait3A_217 = arith.constant 0 : i32
      %dma_wait3A_218 = tpu.memref_slice %arg9[%add3A_216, %dma_wait3A_217] : memref<6x80xi32, #tpu.memory_space<vmem>> -> memref<1x80xi32, #tpu.memory_space<vmem>>
      %dma_wait3A_219 = tpu.memref_squeeze %dma_wait3A_218 : memref<1x80xi32, #tpu.memory_space<vmem>> -> memref<80xi32, #tpu.memory_space<vmem>>
      %dma_wait3A_220 = arith.constant 0 : i32
      %dma_wait3A_221 = arith.constant 0 : i32
      %dma_wait3A_222 = tpu.memref_slice %arg2[%dma_wait3A_220, %dma_wait3A_221] : memref<20000x128xf32, #tpu.memory_space<hbm>> -> memref<20000x128xf32, #tpu.memory_space<hbm>>
      tpu.wait_indirect_dma semaphore(%arg20 : memref<!tpu.dma_semaphore, #tpu.memory_space<semaphore_mem>>) src(%dma_wait3A_222 : memref<20000x128xf32, #tpu.memory_space<hbm>>) dst(%arg13 : memref<80x128xf32, #tpu.memory_space<vmem>>)
      %ge3A = arith.constant 1 : i32
      %ge3A_223 = arith.cmpi sge, %scan3A_149, %ge3A : i32
      %convert_element_type3A_224 = arith.extui %ge3A_223 : i1 to i32
      %cond3A_225 = arith.constant 0 : i32
      %cond3A_226 = arith.cmpi ne, %convert_element_type3A_224, %cond3A_225 : i32
      scf.if %cond3A_226 {
        %sub3A = arith.constant 1 : i32
        %sub3A_257 = arith.subi %scan3A_149, %sub3A : i32
        %jit3A_258 = arith.constant 3 : i32
        %eq3A_259 = arith.constant 0 : i32
        %eq3A_260 = arith.cmpi eq, %jit3A_258, %eq3A_259 : i32
        %jit3A_261 = arith.constant 1 : i32
        %select_n3A_262 = arith.select %eq3A_260, %jit3A_261, %jit3A_258 : i32
        %rem3A_263 = arith.remsi %sub3A_257, %select_n3A_262 : i32
        %ne3A_264 = arith.constant 0 : i32
        %ne3A_265 = arith.cmpi ne, %rem3A_263, %ne3A_264 : i32
        %lt3A_266 = arith.constant 0 : i32
        %lt3A_267 = arith.cmpi slt, %rem3A_263, %lt3A_266 : i32
        %lt3A_268 = arith.constant 0 : i32
        %lt3A_269 = arith.cmpi slt, %select_n3A_262, %lt3A_268 : i32
        %ne3A_270 = arith.xori %lt3A_267, %lt3A_269 : i1
        %and3A_271 = arith.andi %ne3A_270, %ne3A_265 : i1
        %add3A_272 = arith.addi %rem3A_263, %select_n3A_262 : i32
        %select_n3A_273 = arith.select %and3A_271, %add3A_272, %rem3A_263 : i32
        %mul3A_274 = arith.constant 2 : i32
        %mul3A_275 = arith.muli %select_n3A_273, %mul3A_274 : i32
        %add3A_276 = arith.constant 1 : i32
        %add3A_277 = arith.addi %mul3A_275, %add3A_276 : i32
        %dma_wait3A_278 = arith.constant 0 : i32
        %dma_wait3A_279 = tpu.memref_slice %arg10[%add3A_277, %dma_wait3A_278] : memref<6x80xi32, #tpu.memory_space<vmem>> -> memref<1x80xi32, #tpu.memory_space<vmem>>
        %dma_wait3A_280 = tpu.memref_squeeze %dma_wait3A_279 : memref<1x80xi32, #tpu.memory_space<vmem>> -> memref<80xi32, #tpu.memory_space<vmem>>
        %dma_wait3A_281 = arith.constant 0 : i32
        %dma_wait3A_282 = arith.constant 0 : i32
        %dma_wait3A_283 = tpu.memref_slice %arg17[%dma_wait3A_281, %dma_wait3A_282] : memref<10016x128xf32, #tpu.memory_space<vmem_shared>> -> memref<10016x128xf32, #tpu.memory_space<vmem_shared>>
        tpu.wait_indirect_dma semaphore(%arg22 : memref<!tpu.dma_semaphore, #tpu.memory_space<semaphore_mem>>) src(%arg15 : memref<80x128xf32, #tpu.memory_space<vmem>>) dst(%dma_wait3A_283 : memref<10016x128xf32, #tpu.memory_space<vmem_shared>>)
      } else {
      }
      %mul3A_227 = arith.constant 160 : i32
      %mul3A_228 = arith.muli %select_n3A_160, %mul3A_227 : i32
      %add3A_229 = arith.constant 80 : i32
      %add3A_230 = arith.addi %mul3A_228, %add3A_229 : i32
      %scan3A_231 = arith.constant 0 : i32
      %scan3A_232 = arith.constant 0 : i32
      %scan3A_233 = arith.constant 80 : i32
      %scan3A_234 = arith.addi %scan3A_232, %scan3A_233 : i32
      %scan3A_235 = arith.constant 1 : i32
      scf.for %scan3A_257 = %scan3A_232 to %scan3A_234 step %scan3A_235  : i32 {
        %add3A_258 = arith.addi %add3A_230, %scan3A_257 : i32
        %broadcast_in_dim3A = vector.broadcast %add3A_258 : i32 to vector<16xi32>
        %gather3A = tpu.vector_load_idx %arg11[%broadcast_in_dim3A] : memref<480xf32, #tpu.memory_space<vmem>>[vector<16xi32>], vector<16xf32>,
        %get3A_259 = arith.index_cast %scan3A_257 : i32 to index
        %get3A_260 = arith.constant 0 : index
        %get3A_261 = tpu.vector_load %arg13[%get3A_259, %get3A_260] {strides = array<i32>} : memref<80x128xf32, #tpu.memory_space<vmem>>, vector<16xf32>,
        %mul3A_262 = arith.mulf %gather3A, %get3A_7 : vector<16xf32>
        %add3A_263 = arith.addf %get3A_261, %mul3A_262 : vector<16xf32>
        %max3A = arith.constant 0.000000e+00 : f32
        %max3A_264 = vector.broadcast %max3A : f32 to vector<16xf32>
        %max3A_265 = arith.maximumf %add3A_263, %max3A_264 : vector<16xf32>
        %swap3A = arith.index_cast %scan3A_257 : i32 to index
        %swap3A_266 = arith.constant 0 : index
        %swap3A_267 = tpu.vector_load %arg15[%swap3A, %swap3A_266] {strides = array<i32>} : memref<80x128xf32, #tpu.memory_space<vmem>>, vector<16xf32>,
        tpu.vector_store %arg15[%swap3A, %swap3A_266], %max3A_265 {strides = array<i32>} : memref<80x128xf32, #tpu.memory_space<vmem>>, vector<16xf32>,
        %get3A_268 = arith.index_cast %scan3A_257 : i32 to index
        %get3A_269 = arith.constant 16 : index
        %get3A_270 = tpu.vector_load %arg13[%get3A_268, %get3A_269] {strides = array<i32>} : memref<80x128xf32, #tpu.memory_space<vmem>>, vector<16xf32>,
        %mul3A_271 = arith.mulf %gather3A, %get3A_9 : vector<16xf32>
        %add3A_272 = arith.addf %get3A_270, %mul3A_271 : vector<16xf32>
        %max3A_273 = arith.constant 0.000000e+00 : f32
        %max3A_274 = vector.broadcast %max3A_273 : f32 to vector<16xf32>
        %max3A_275 = arith.maximumf %add3A_272, %max3A_274 : vector<16xf32>
        %swap3A_276 = arith.index_cast %scan3A_257 : i32 to index
        %swap3A_277 = arith.constant 16 : index
        %swap3A_278 = tpu.vector_load %arg15[%swap3A_276, %swap3A_277] {strides = array<i32>} : memref<80x128xf32, #tpu.memory_space<vmem>>, vector<16xf32>,
        tpu.vector_store %arg15[%swap3A_276, %swap3A_277], %max3A_275 {strides = array<i32>} : memref<80x128xf32, #tpu.memory_space<vmem>>, vector<16xf32>,
        %get3A_279 = arith.index_cast %scan3A_257 : i32 to index
        %get3A_280 = arith.constant 32 : index
        %get3A_281 = tpu.vector_load %arg13[%get3A_279, %get3A_280] {strides = array<i32>} : memref<80x128xf32, #tpu.memory_space<vmem>>, vector<16xf32>,
        %mul3A_282 = arith.mulf %gather3A, %get3A_11 : vector<16xf32>
        %add3A_283 = arith.addf %get3A_281, %mul3A_282 : vector<16xf32>
        %max3A_284 = arith.constant 0.000000e+00 : f32
        %max3A_285 = vector.broadcast %max3A_284 : f32 to vector<16xf32>
        %max3A_286 = arith.maximumf %add3A_283, %max3A_285 : vector<16xf32>
        %swap3A_287 = arith.index_cast %scan3A_257 : i32 to index
        %swap3A_288 = arith.constant 32 : index
        %swap3A_289 = tpu.vector_load %arg15[%swap3A_287, %swap3A_288] {strides = array<i32>} : memref<80x128xf32, #tpu.memory_space<vmem>>, vector<16xf32>,
        tpu.vector_store %arg15[%swap3A_287, %swap3A_288], %max3A_286 {strides = array<i32>} : memref<80x128xf32, #tpu.memory_space<vmem>>, vector<16xf32>,
        %get3A_290 = arith.index_cast %scan3A_257 : i32 to index
        %get3A_291 = arith.constant 48 : index
        %get3A_292 = tpu.vector_load %arg13[%get3A_290, %get3A_291] {strides = array<i32>} : memref<80x128xf32, #tpu.memory_space<vmem>>, vector<16xf32>,
        %mul3A_293 = arith.mulf %gather3A, %get3A_13 : vector<16xf32>
        %add3A_294 = arith.addf %get3A_292, %mul3A_293 : vector<16xf32>
        %max3A_295 = arith.constant 0.000000e+00 : f32
        %max3A_296 = vector.broadcast %max3A_295 : f32 to vector<16xf32>
        %max3A_297 = arith.maximumf %add3A_294, %max3A_296 : vector<16xf32>
        %swap3A_298 = arith.index_cast %scan3A_257 : i32 to index
        %swap3A_299 = arith.constant 48 : index
        %swap3A_300 = tpu.vector_load %arg15[%swap3A_298, %swap3A_299] {strides = array<i32>} : memref<80x128xf32, #tpu.memory_space<vmem>>, vector<16xf32>,
        tpu.vector_store %arg15[%swap3A_298, %swap3A_299], %max3A_297 {strides = array<i32>} : memref<80x128xf32, #tpu.memory_space<vmem>>, vector<16xf32>,
        %get3A_301 = arith.index_cast %scan3A_257 : i32 to index
        %get3A_302 = arith.constant 64 : index
        %get3A_303 = tpu.vector_load %arg13[%get3A_301, %get3A_302] {strides = array<i32>} : memref<80x128xf32, #tpu.memory_space<vmem>>, vector<16xf32>,
        %mul3A_304 = arith.mulf %gather3A, %get3A_15 : vector<16xf32>
        %add3A_305 = arith.addf %get3A_303, %mul3A_304 : vector<16xf32>
        %max3A_306 = arith.constant 0.000000e+00 : f32
        %max3A_307 = vector.broadcast %max3A_306 : f32 to vector<16xf32>
        %max3A_308 = arith.maximumf %add3A_305, %max3A_307 : vector<16xf32>
        %swap3A_309 = arith.index_cast %scan3A_257 : i32 to index
        %swap3A_310 = arith.constant 64 : index
        %swap3A_311 = tpu.vector_load %arg15[%swap3A_309, %swap3A_310] {strides = array<i32>} : memref<80x128xf32, #tpu.memory_space<vmem>>, vector<16xf32>,
        tpu.vector_store %arg15[%swap3A_309, %swap3A_310], %max3A_308 {strides = array<i32>} : memref<80x128xf32, #tpu.memory_space<vmem>>, vector<16xf32>,
        %get3A_312 = arith.index_cast %scan3A_257 : i32 to index
        %get3A_313 = arith.constant 80 : index
        %get3A_314 = tpu.vector_load %arg13[%get3A_312, %get3A_313] {strides = array<i32>} : memref<80x128xf32, #tpu.memory_space<vmem>>, vector<16xf32>,
        %mul3A_315 = arith.mulf %gather3A, %get3A_17 : vector<16xf32>
        %add3A_316 = arith.addf %get3A_314, %mul3A_315 : vector<16xf32>
        %max3A_317 = arith.constant 0.000000e+00 : f32
        %max3A_318 = vector.broadcast %max3A_317 : f32 to vector<16xf32>
        %max3A_319 = arith.maximumf %add3A_316, %max3A_318 : vector<16xf32>
        %swap3A_320 = arith.index_cast %scan3A_257 : i32 to index
        %swap3A_321 = arith.constant 80 : index
        %swap3A_322 = tpu.vector_load %arg15[%swap3A_320, %swap3A_321] {strides = array<i32>} : memref<80x128xf32, #tpu.memory_space<vmem>>, vector<16xf32>,
        tpu.vector_store %arg15[%swap3A_320, %swap3A_321], %max3A_319 {strides = array<i32>} : memref<80x128xf32, #tpu.memory_space<vmem>>, vector<16xf32>,
        %get3A_323 = arith.index_cast %scan3A_257 : i32 to index
        %get3A_324 = arith.constant 96 : index
        %get3A_325 = tpu.vector_load %arg13[%get3A_323, %get3A_324] {strides = array<i32>} : memref<80x128xf32, #tpu.memory_space<vmem>>, vector<16xf32>,
        %mul3A_326 = arith.mulf %gather3A, %get3A_19 : vector<16xf32>
        %add3A_327 = arith.addf %get3A_325, %mul3A_326 : vector<16xf32>
        %max3A_328 = arith.constant 0.000000e+00 : f32
        %max3A_329 = vector.broadcast %max3A_328 : f32 to vector<16xf32>
        %max3A_330 = arith.maximumf %add3A_327, %max3A_329 : vector<16xf32>
        %swap3A_331 = arith.index_cast %scan3A_257 : i32 to index
        %swap3A_332 = arith.constant 96 : index
        %swap3A_333 = tpu.vector_load %arg15[%swap3A_331, %swap3A_332] {strides = array<i32>} : memref<80x128xf32, #tpu.memory_space<vmem>>, vector<16xf32>,
        tpu.vector_store %arg15[%swap3A_331, %swap3A_332], %max3A_330 {strides = array<i32>} : memref<80x128xf32, #tpu.memory_space<vmem>>, vector<16xf32>,
        %get3A_334 = arith.index_cast %scan3A_257 : i32 to index
        %get3A_335 = arith.constant 112 : index
        %get3A_336 = tpu.vector_load %arg13[%get3A_334, %get3A_335] {strides = array<i32>} : memref<80x128xf32, #tpu.memory_space<vmem>>, vector<16xf32>,
        %mul3A_337 = arith.mulf %gather3A, %get3A_21 : vector<16xf32>
        %add3A_338 = arith.addf %get3A_336, %mul3A_337 : vector<16xf32>
        %max3A_339 = arith.constant 0.000000e+00 : f32
        %max3A_340 = vector.broadcast %max3A_339 : f32 to vector<16xf32>
        %max3A_341 = arith.maximumf %add3A_338, %max3A_340 : vector<16xf32>
        %swap3A_342 = arith.index_cast %scan3A_257 : i32 to index
        %swap3A_343 = arith.constant 112 : index
        %swap3A_344 = tpu.vector_load %arg15[%swap3A_342, %swap3A_343] {strides = array<i32>} : memref<80x128xf32, #tpu.memory_space<vmem>>, vector<16xf32>,
        tpu.vector_store %arg15[%swap3A_342, %swap3A_343], %max3A_341 {strides = array<i32>} : memref<80x128xf32, #tpu.memory_space<vmem>>, vector<16xf32>,
      }
      %scan3A_236 = arith.constant 80 : i32
      %mul3A_237 = arith.constant 2 : i32
      %mul3A_238 = arith.muli %select_n3A_160, %mul3A_237 : i32
      %add3A_239 = arith.constant 0 : i32
      %add3A_240 = arith.addi %mul3A_238, %add3A_239 : i32
      %dma_wait3A_241 = arith.constant 0 : i32
      %dma_wait3A_242 = tpu.memref_slice %arg10[%add3A_240, %dma_wait3A_241] : memref<6x80xi32, #tpu.memory_space<vmem>> -> memref<1x80xi32, #tpu.memory_space<vmem>>
      %dma_wait3A_243 = tpu.memref_squeeze %dma_wait3A_242 : memref<1x80xi32, #tpu.memory_space<vmem>> -> memref<80xi32, #tpu.memory_space<vmem>>
      %dma_wait3A_244 = arith.constant 0 : i32
      %dma_wait3A_245 = arith.constant 0 : i32
      %dma_wait3A_246 = tpu.memref_slice %arg17[%dma_wait3A_244, %dma_wait3A_245] : memref<10016x128xf32, #tpu.memory_space<vmem_shared>> -> memref<10016x128xf32, #tpu.memory_space<vmem_shared>>
      tpu.wait_indirect_dma semaphore(%arg21 : memref<!tpu.dma_semaphore, #tpu.memory_space<semaphore_mem>>) src(%arg14 : memref<80x128xf32, #tpu.memory_space<vmem>>) dst(%dma_wait3A_246 : memref<10016x128xf32, #tpu.memory_space<vmem_shared>>)
      %mul3A_247 = arith.constant 2 : i32
      %mul3A_248 = arith.muli %select_n3A_160, %mul3A_247 : i32
      %add3A_249 = arith.constant 1 : i32
      %add3A_250 = arith.addi %mul3A_248, %add3A_249 : i32
      %dma_start3A_251 = arith.constant 0 : i32
      %dma_start3A_252 = tpu.memref_slice %arg10[%add3A_250, %dma_start3A_251] : memref<6x80xi32, #tpu.memory_space<vmem>> -> memref<1x80xi32, #tpu.memory_space<vmem>>
      %dma_start3A_253 = tpu.memref_squeeze %dma_start3A_252 : memref<1x80xi32, #tpu.memory_space<vmem>> -> memref<80xi32, #tpu.memory_space<vmem>>
      %dma_start3A_254 = arith.constant 0 : i32
      %dma_start3A_255 = arith.constant 0 : i32
      %dma_start3A_256 = tpu.memref_slice %arg17[%dma_start3A_254, %dma_start3A_255] : memref<10016x128xf32, #tpu.memory_space<vmem_shared>> -> memref<10016x128xf32, #tpu.memory_space<vmem_shared>>
      tpu.enqueue_indirect_dma source(%arg15 : memref<80x128xf32, #tpu.memory_space<vmem>>) target(%dma_start3A_256 : memref<10016x128xf32, #tpu.memory_space<vmem_shared>>) offsets(%dma_start3A_253 : memref<80xi32, #tpu.memory_space<vmem>>) semaphore(%arg22 : memref<!tpu.dma_semaphore, #tpu.memory_space<semaphore_mem>>) {add = true}
    }
    %scan3A_128 = arith.constant 126 : i32
    %dma_wait3A_129 = arith.constant 5 : i32
    %dma_wait3A_130 = arith.constant 0 : i32
    %dma_wait3A_131 = tpu.memref_slice %arg10[%dma_wait3A_129, %dma_wait3A_130] : memref<6x80xi32, #tpu.memory_space<vmem>> -> memref<1x80xi32, #tpu.memory_space<vmem>>
    %dma_wait3A_132 = tpu.memref_squeeze %dma_wait3A_131 : memref<1x80xi32, #tpu.memory_space<vmem>> -> memref<80xi32, #tpu.memory_space<vmem>>
    %dma_wait3A_133 = arith.constant 0 : i32
    %dma_wait3A_134 = arith.constant 0 : i32
    %dma_wait3A_135 = tpu.memref_slice %arg17[%dma_wait3A_133, %dma_wait3A_134] : memref<10016x128xf32, #tpu.memory_space<vmem_shared>> -> memref<10016x128xf32, #tpu.memory_space<vmem_shared>>
    tpu.wait_indirect_dma semaphore(%arg22 : memref<!tpu.dma_semaphore, #tpu.memory_space<semaphore_mem>>) src(%arg15 : memref<80x128xf32, #tpu.memory_space<vmem>>) dst(%dma_wait3A_135 : memref<10016x128xf32, #tpu.memory_space<vmem_shared>>)
    %barrier3A_136 = arith.constant 0 : index
    tpu.barrier barrier_id(%barrier3A_136)
    %mul3A_137 = arith.constant 10000 : i32
    %mul3A_138 = arith.muli %arg0, %mul3A_137 : i32
    %lt3A_139 = arith.constant 15 : i32
    %lt3A_140 = arith.cmpi slt, %arg1, %lt3A_139 : i32
    %convert_element_type3A_141 = arith.extui %lt3A_140 : i1 to i32
    %cond3A_142 = arith.constant 0 : i32
    %cond3A_143 = arith.cmpi ne, %convert_element_type3A_141, %cond3A_142 : i32
    scf.if %cond3A_143 {
      %mul3A_149 = arith.constant 624 : i32
      %mul3A_150 = arith.muli %arg1, %mul3A_149 : i32
      %mul3A_151 = arith.constant 624 : i32
      %mul3A_152 = arith.muli %arg1, %mul3A_151 : i32
      %add3A_153 = arith.addi %mul3A_138, %mul3A_152 : i32
      "tpu.region"() ({
        %run_scoped3A = tpu.sem_alloc : memref<!tpu.dma_semaphore, #tpu.memory_space<semaphore_mem>>
        %dma_start3A_154 = arith.constant 0 : i32
        %dma_start3A_155 = tpu.memref_slice %arg8[%add3A_153, %dma_start3A_154] : memref<20000x128xf32, #tpu.memory_space<hbm>> -> memref<624x128xf32, #tpu.memory_space<hbm>>
        %dma_start3A_156 = arith.constant 0 : i32
        %dma_start3A_157 = tpu.memref_slice %arg17[%mul3A_150, %dma_start3A_156] : memref<10016x128xf32, #tpu.memory_space<vmem_shared>> -> memref<624x128xf32, #tpu.memory_space<vmem_shared>>
        tpu.enqueue_dma source(%dma_start3A_157 : memref<624x128xf32, #tpu.memory_space<vmem_shared>>) target(%dma_start3A_155 : memref<624x128xf32, #tpu.memory_space<hbm>>) target_semaphore(%run_scoped3A : memref<!tpu.dma_semaphore, #tpu.memory_space<semaphore_mem>>)
        %dma_wait3A_158 = arith.constant 0 : i32
        %dma_wait3A_159 = tpu.memref_slice %arg8[%add3A_153, %dma_wait3A_158] : memref<20000x128xf32, #tpu.memory_space<hbm>> -> memref<624x128xf32, #tpu.memory_space<hbm>>
        %dma_wait3A_160 = arith.constant 0 : i32
        %dma_wait3A_161 = tpu.memref_slice %arg17[%mul3A_150, %dma_wait3A_160] : memref<10016x128xf32, #tpu.memory_space<vmem_shared>> -> memref<624x128xf32, #tpu.memory_space<vmem_shared>>
        tpu.wait_dma2 semaphore(%run_scoped3A : memref<!tpu.dma_semaphore, #tpu.memory_space<semaphore_mem>>) src(%dma_wait3A_161 : memref<624x128xf32, #tpu.memory_space<vmem_shared>>) dst(%dma_wait3A_159 : memref<624x128xf32, #tpu.memory_space<hbm>>)
        tpu.yield
      }) : () -> ()
    } else {
    }
    %eq3A_144 = arith.constant 15 : i32
    %eq3A_145 = arith.cmpi eq, %arg1, %eq3A_144 : i32
    %convert_element_type3A_146 = arith.extui %eq3A_145 : i1 to i32
    %cond3A_147 = arith.constant 0 : i32
    %cond3A_148 = arith.cmpi ne, %convert_element_type3A_146, %cond3A_147 : i32
    scf.if %cond3A_148 {
      %add3A_149 = arith.constant 9360 : i32
      %add3A_150 = arith.addi %mul3A_138, %add3A_149 : i32
      "tpu.region"() ({
        %run_scoped3A = tpu.sem_alloc : memref<!tpu.dma_semaphore, #tpu.memory_space<semaphore_mem>>
        %dma_start3A_151 = arith.constant 0 : i32
        %dma_start3A_152 = tpu.memref_slice %arg8[%add3A_150, %dma_start3A_151] : memref<20000x128xf32, #tpu.memory_space<hbm>> -> memref<640x128xf32, #tpu.memory_space<hbm>>
        %dma_start3A_153 = arith.constant 9360 : i32
        %dma_start3A_154 = arith.constant 0 : i32
        %dma_start3A_155 = tpu.memref_slice %arg17[%dma_start3A_153, %dma_start3A_154] : memref<10016x128xf32, #tpu.memory_space<vmem_shared>> -> memref<640x128xf32, #tpu.memory_space<vmem_shared>>
        tpu.enqueue_dma source(%dma_start3A_155 : memref<640x128xf32, #tpu.memory_space<vmem_shared>>) target(%dma_start3A_152 : memref<640x128xf32, #tpu.memory_space<hbm>>) target_semaphore(%run_scoped3A : memref<!tpu.dma_semaphore, #tpu.memory_space<semaphore_mem>>)
        %dma_wait3A_156 = arith.constant 0 : i32
        %dma_wait3A_157 = tpu.memref_slice %arg8[%add3A_150, %dma_wait3A_156] : memref<20000x128xf32, #tpu.memory_space<hbm>> -> memref<640x128xf32, #tpu.memory_space<hbm>>
        %dma_wait3A_158 = arith.constant 9360 : i32
        %dma_wait3A_159 = arith.constant 0 : i32
        %dma_wait3A_160 = tpu.memref_slice %arg17[%dma_wait3A_158, %dma_wait3A_159] : memref<10016x128xf32, #tpu.memory_space<vmem_shared>> -> memref<640x128xf32, #tpu.memory_space<vmem_shared>>
        tpu.wait_dma2 semaphore(%run_scoped3A : memref<!tpu.dma_semaphore, #tpu.memory_space<semaphore_mem>>) src(%dma_wait3A_160 : memref<640x128xf32, #tpu.memory_space<vmem_shared>>) dst(%dma_wait3A_157 : memref<640x128xf32, #tpu.memory_space<hbm>>)
        tpu.yield
      }) : () -> ()
    } else {
    }
    return
  }
}

#map = affine_map<(d0, d1) -> (0, 0)>
#map1 = affine_map<(d0, d1) -> (0, 0, 0)>
#map2 = affine_map<(d0, d1) -> (0)>
module attributes {stable_mosaic.version = 14 : i64} {
  func.func @_sc_layer(%arg0: i32, %arg1: i32, %arg2: memref<20000x128xf32, #tpu.memory_space<hbm>>, %arg3: memref<2x4032x80xi32, #tpu.memory_space<hbm>>, %arg4: memref<4032x80xi32, #tpu.memory_space<hbm>>, %arg5: memref<322560xf32, #tpu.memory_space<hbm>>, %arg6: memref<256xf32, #tpu.memory_space<hbm>>, %arg7: memref<656x128xf32, #tpu.memory_space<hbm>>, %arg8: memref<20000x128xf32, #tpu.memory_space<hbm>>, %arg9: memref<6x80xi32, #tpu.memory_space<vmem>>, %arg10: memref<6x80xi32, #tpu.memory_space<vmem>>, %arg11: memref<480xf32, #tpu.memory_space<vmem>>, %arg12: memref<80x128xf32, #tpu.memory_space<vmem>>, %arg13: memref<80x128xf32, #tpu.memory_space<vmem>>, %arg14: memref<80x128xf32, #tpu.memory_space<vmem>>, %arg15: memref<80x128xf32, #tpu.memory_space<vmem>>, %arg16: memref<128xf32, #tpu.memory_space<vmem>>, %arg17: memref<10016x128xf32, #tpu.memory_space<vmem_shared>>, %arg18: memref<3x!tpu.dma_semaphore, #tpu.memory_space<semaphore_mem>>, %arg19: memref<!tpu.dma_semaphore, #tpu.memory_space<semaphore_mem>>, %arg20: memref<!tpu.dma_semaphore, #tpu.memory_space<semaphore_mem>>, %arg21: memref<!tpu.dma_semaphore, #tpu.memory_space<semaphore_mem>>, %arg22: memref<!tpu.dma_semaphore, #tpu.memory_space<semaphore_mem>>) attributes {dimension_semantics = [#tpu.dimension_semantics<core_parallel>, #tpu.dimension_semantics<subcore_parallel>], iteration_bounds = array<i64: 2, 16>, scalar_prefetch = 0 : i64, scratch_operands = 14 : i64, tpu.core_type = #tpu.core_type<sc_vector_subcore>, window_params = [{transform_indices = #map}, {transform_indices = #map1}, {transform_indices = #map}, {transform_indices = #map2}, {transform_indices = #map2}, {transform_indices = #map}, {transform_indices = #map}]} {
    %lt3A = arith.constant 15 : i32
    %lt3A_0 = arith.cmpi slt, %arg1, %lt3A : i32
    %convert_element_type3A = arith.extui %lt3A_0 : i1 to i32
    %cond3A = arith.constant 0 : i32
    %cond3A_1 = arith.cmpi ne, %convert_element_type3A, %cond3A : i32
    scf.if %cond3A_1 {
      %mul3A_149 = arith.constant 624 : i32
      %mul3A_150 = arith.muli %arg1, %mul3A_149 : i32
      "tpu.region"() ({
        %run_scoped3A = tpu.sem_alloc : memref<!tpu.dma_semaphore, #tpu.memory_space<semaphore_mem>>
        %dma_start3A_151 = arith.constant 0 : i32
        %dma_start3A_152 = tpu.memref_slice %arg17[%mul3A_150, %dma_start3A_151] : memref<10016x128xf32, #tpu.memory_space<vmem_shared>> -> memref<624x128xf32, #tpu.memory_space<vmem_shared>>
        %dma_start3A_153 = arith.constant 0 : i32
        %dma_start3A_154 = arith.constant 0 : i32
        %dma_start3A_155 = tpu.memref_slice %arg7[%dma_start3A_153, %dma_start3A_154] : memref<656x128xf32, #tpu.memory_space<hbm>> -> memref<624x128xf32, #tpu.memory_space<hbm>>
        tpu.enqueue_dma source(%dma_start3A_155 : memref<624x128xf32, #tpu.memory_space<hbm>>) target(%dma_start3A_152 : memref<624x128xf32, #tpu.memory_space<vmem_shared>>) target_semaphore(%run_scoped3A : memref<!tpu.dma_semaphore, #tpu.memory_space<semaphore_mem>>)
        %dma_wait3A_156 = arith.constant 0 : i32
        %dma_wait3A_157 = tpu.memref_slice %arg17[%mul3A_150, %dma_wait3A_156] : memref<10016x128xf32, #tpu.memory_space<vmem_shared>> -> memref<624x128xf32, #tpu.memory_space<vmem_shared>>
        %dma_wait3A_158 = arith.constant 0 : i32
        %dma_wait3A_159 = arith.constant 0 : i32
        %dma_wait3A_160 = tpu.memref_slice %arg7[%dma_wait3A_158, %dma_wait3A_159] : memref<656x128xf32, #tpu.memory_space<hbm>> -> memref<624x128xf32, #tpu.memory_space<hbm>>
        tpu.wait_dma2 semaphore(%run_scoped3A : memref<!tpu.dma_semaphore, #tpu.memory_space<semaphore_mem>>) src(%dma_wait3A_160 : memref<624x128xf32, #tpu.memory_space<hbm>>) dst(%dma_wait3A_157 : memref<624x128xf32, #tpu.memory_space<vmem_shared>>)
        tpu.yield
      }) : () -> ()
    } else {
    }
    %eq3A = arith.constant 15 : i32
    %eq3A_2 = arith.cmpi eq, %arg1, %eq3A : i32
    %convert_element_type3A_3 = arith.extui %eq3A_2 : i1 to i32
    %cond3A_4 = arith.constant 0 : i32
    %cond3A_5 = arith.cmpi ne, %convert_element_type3A_3, %cond3A_4 : i32
    scf.if %cond3A_5 {
      "tpu.region"() ({
        %run_scoped3A = tpu.sem_alloc : memref<!tpu.dma_semaphore, #tpu.memory_space<semaphore_mem>>
        %dma_start3A_149 = arith.constant 9360 : i32
        %dma_start3A_150 = arith.constant 0 : i32
        %dma_start3A_151 = tpu.memref_slice %arg17[%dma_start3A_149, %dma_start3A_150] : memref<10016x128xf32, #tpu.memory_space<vmem_shared>> -> memref<656x128xf32, #tpu.memory_space<vmem_shared>>
        tpu.enqueue_dma source(%arg7 : memref<656x128xf32, #tpu.memory_space<hbm>>) target(%dma_start3A_151 : memref<656x128xf32, #tpu.memory_space<vmem_shared>>) target_semaphore(%run_scoped3A : memref<!tpu.dma_semaphore, #tpu.memory_space<semaphore_mem>>)
        %dma_wait3A_152 = arith.constant 9360 : i32
        %dma_wait3A_153 = arith.constant 0 : i32
        %dma_wait3A_154 = tpu.memref_slice %arg17[%dma_wait3A_152, %dma_wait3A_153] : memref<10016x128xf32, #tpu.memory_space<vmem_shared>> -> memref<656x128xf32, #tpu.memory_space<vmem_shared>>
        tpu.wait_dma2 semaphore(%run_scoped3A : memref<!tpu.dma_semaphore, #tpu.memory_space<semaphore_mem>>) src(%arg7 : memref<656x128xf32, #tpu.memory_space<hbm>>) dst(%dma_wait3A_154 : memref<656x128xf32, #tpu.memory_space<vmem_shared>>)
        tpu.yield
      }) : () -> ()
    } else {
    }
    %mul3A = arith.constant 128 : i32
    %mul3A_6 = arith.muli %arg0, %mul3A : i32
    "tpu.region"() ({
      %run_scoped3A = tpu.sem_alloc : memref<!tpu.dma_semaphore, #tpu.memory_space<semaphore_mem>>
      %dma_start3A_149 = tpu.memref_slice %arg6[%mul3A_6] : memref<256xf32, #tpu.memory_space<hbm>> -> memref<128xf32, #tpu.memory_space<hbm>>
      %dma_start3A_150 = tpu.memref_slice %arg6[%mul3A_6] : memref<256xf32, #tpu.memory_space<hbm>> -> memref<128xf32, #tpu.memory_space<hbm>>
      tpu.enqueue_dma source(%dma_start3A_150 : memref<128xf32, #tpu.memory_space<hbm>>) target(%arg16 : memref<128xf32, #tpu.memory_space<vmem>>) target_semaphore(%run_scoped3A : memref<!tpu.dma_semaphore, #tpu.memory_space<semaphore_mem>>)
      %dma_wait3A_151 = tpu.memref_slice %arg6[%mul3A_6] : memref<256xf32, #tpu.memory_space<hbm>> -> memref<128xf32, #tpu.memory_space<hbm>>
      %dma_wait3A_152 = tpu.memref_slice %arg6[%mul3A_6] : memref<256xf32, #tpu.memory_space<hbm>> -> memref<128xf32, #tpu.memory_space<hbm>>
      tpu.wait_dma2 semaphore(%run_scoped3A : memref<!tpu.dma_semaphore, #tpu.memory_space<semaphore_mem>>) src(%dma_wait3A_152 : memref<128xf32, #tpu.memory_space<hbm>>) dst(%arg16 : memref<128xf32, #tpu.memory_space<vmem>>)
      tpu.yield
    }) : () -> ()
    %get3A = arith.constant 0 : index
    %get3A_7 = tpu.vector_load %arg16[%get3A] {strides = array<i32>} : memref<128xf32, #tpu.memory_space<vmem>>, vector<16xf32>,
    %get3A_8 = arith.constant 16 : index
    %get3A_9 = tpu.vector_load %arg16[%get3A_8] {strides = array<i32>} : memref<128xf32, #tpu.memory_space<vmem>>, vector<16xf32>,
    %get3A_10 = arith.constant 32 : index
    %get3A_11 = tpu.vector_load %arg16[%get3A_10] {strides = array<i32>} : memref<128xf32, #tpu.memory_space<vmem>>, vector<16xf32>,
    %get3A_12 = arith.constant 48 : index
    %get3A_13 = tpu.vector_load %arg16[%get3A_12] {strides = array<i32>} : memref<128xf32, #tpu.memory_space<vmem>>, vector<16xf32>,
    %get3A_14 = arith.constant 64 : index
    %get3A_15 = tpu.vector_load %arg16[%get3A_14] {strides = array<i32>} : memref<128xf32, #tpu.memory_space<vmem>>, vector<16xf32>,
    %get3A_16 = arith.constant 80 : index
    %get3A_17 = tpu.vector_load %arg16[%get3A_16] {strides = array<i32>} : memref<128xf32, #tpu.memory_space<vmem>>, vector<16xf32>,
    %get3A_18 = arith.constant 96 : index
    %get3A_19 = tpu.vector_load %arg16[%get3A_18] {strides = array<i32>} : memref<128xf32, #tpu.memory_space<vmem>>, vector<16xf32>,
    %get3A_20 = arith.constant 112 : index
    %get3A_21 = tpu.vector_load %arg16[%get3A_20] {strides = array<i32>} : memref<128xf32, #tpu.memory_space<vmem>>, vector<16xf32>,
    %barrier3A = arith.constant 0 : index
    tpu.barrier barrier_id(%barrier3A)
    %mul3A_22 = arith.constant 252 : i32
    %mul3A_23 = arith.muli %arg1, %mul3A_22 : i32
    %mul3A_24 = arith.constant 20160 : i32
    %mul3A_25 = arith.muli %arg1, %mul3A_24 : i32
    %add3A = arith.constant 0 : i32
    %add3A_26 = arith.addi %mul3A_23, %add3A : i32
    %add3A_27 = arith.constant 0 : i32
    %add3A_28 = arith.addi %mul3A_25, %add3A_27 : i32
    %dma_start3A = arith.constant 0 : i32
    %dma_start3A_29 = arith.constant 0 : i32
    %dma_start3A_30 = arith.constant 0 : i32
    %dma_start3A_31 = tpu.memref_slice %arg9[%dma_start3A_29, %dma_start3A_30] : memref<6x80xi32, #tpu.memory_space<vmem>> -> memref<2x80xi32, #tpu.memory_space<vmem>>
    %dma_start3A_32 = arith.constant 0 : i32
    %dma_start3A_33 = arith.constant 0 : i32
    %dma_start3A_34 = tpu.memref_slice %arg3[%arg0, %dma_start3A_32, %dma_start3A_33] : memref<2x4032x80xi32, #tpu.memory_space<hbm>> -> memref<1x4032x80xi32, #tpu.memory_space<hbm>>
    %dma_start3A_35 = tpu.memref_squeeze %dma_start3A_34 : memref<1x4032x80xi32, #tpu.memory_space<hbm>> -> memref<4032x80xi32, #tpu.memory_space<hbm>>
    %dma_start3A_36 = arith.constant 0 : i32
    %dma_start3A_37 = tpu.memref_slice %dma_start3A_35[%add3A_26, %dma_start3A_36] : memref<4032x80xi32, #tpu.memory_space<hbm>> -> memref<2x80xi32, #tpu.memory_space<hbm>>
    %dma_start3A_38 = tpu.memref_slice %arg18[%dma_start3A] : memref<3x!tpu.dma_semaphore, #tpu.memory_space<semaphore_mem>> -> memref<1x!tpu.dma_semaphore, #tpu.memory_space<semaphore_mem>>
    %dma_start3A_39 = tpu.memref_squeeze %dma_start3A_38 : memref<1x!tpu.dma_semaphore, #tpu.memory_space<semaphore_mem>> -> memref<!tpu.dma_semaphore, #tpu.memory_space<semaphore_mem>>
    %dma_start3A_40 = arith.constant 0 : i32
    %dma_start3A_41 = arith.constant 0 : i32
    %dma_start3A_42 = tpu.memref_slice %arg9[%dma_start3A_40, %dma_start3A_41] : memref<6x80xi32, #tpu.memory_space<vmem>> -> memref<2x80xi32, #tpu.memory_space<vmem>>
    %dma_start3A_43 = arith.constant 0 : i32
    %dma_start3A_44 = arith.constant 0 : i32
    %dma_start3A_45 = tpu.memref_slice %arg3[%arg0, %dma_start3A_43, %dma_start3A_44] : memref<2x4032x80xi32, #tpu.memory_space<hbm>> -> memref<1x4032x80xi32, #tpu.memory_space<hbm>>
    %dma_start3A_46 = tpu.memref_squeeze %dma_start3A_45 : memref<1x4032x80xi32, #tpu.memory_space<hbm>> -> memref<4032x80xi32, #tpu.memory_space<hbm>>
    %dma_start3A_47 = arith.constant 0 : i32
    %dma_start3A_48 = tpu.memref_slice %dma_start3A_46[%add3A_26, %dma_start3A_47] : memref<4032x80xi32, #tpu.memory_space<hbm>> -> memref<2x80xi32, #tpu.memory_space<hbm>>
    tpu.enqueue_dma source(%dma_start3A_48 : memref<2x80xi32, #tpu.memory_space<hbm>>) target(%dma_start3A_42 : memref<2x80xi32, #tpu.memory_space<vmem>>) target_semaphore(%dma_start3A_39 : memref<!tpu.dma_semaphore, #tpu.memory_space<semaphore_mem>>)
    %dma_start3A_49 = arith.constant 0 : i32
    %dma_start3A_50 = arith.constant 0 : i32
    %dma_start3A_51 = arith.constant 0 : i32
    %dma_start3A_52 = tpu.memref_slice %arg10[%dma_start3A_50, %dma_start3A_51] : memref<6x80xi32, #tpu.memory_space<vmem>> -> memref<2x80xi32, #tpu.memory_space<vmem>>
    %dma_start3A_53 = arith.constant 0 : i32
    %dma_start3A_54 = tpu.memref_slice %arg4[%add3A_26, %dma_start3A_53] : memref<4032x80xi32, #tpu.memory_space<hbm>> -> memref<2x80xi32, #tpu.memory_space<hbm>>
    %dma_start3A_55 = tpu.memref_slice %arg18[%dma_start3A_49] : memref<3x!tpu.dma_semaphore, #tpu.memory_space<semaphore_mem>> -> memref<1x!tpu.dma_semaphore, #tpu.memory_space<semaphore_mem>>
    %dma_start3A_56 = tpu.memref_squeeze %dma_start3A_55 : memref<1x!tpu.dma_semaphore, #tpu.memory_space<semaphore_mem>> -> memref<!tpu.dma_semaphore, #tpu.memory_space<semaphore_mem>>
    %dma_start3A_57 = arith.constant 0 : i32
    %dma_start3A_58 = arith.constant 0 : i32
    %dma_start3A_59 = tpu.memref_slice %arg10[%dma_start3A_57, %dma_start3A_58] : memref<6x80xi32, #tpu.memory_space<vmem>> -> memref<2x80xi32, #tpu.memory_space<vmem>>
    %dma_start3A_60 = arith.constant 0 : i32
    %dma_start3A_61 = tpu.memref_slice %arg4[%add3A_26, %dma_start3A_60] : memref<4032x80xi32, #tpu.memory_space<hbm>> -> memref<2x80xi32, #tpu.memory_space<hbm>>
    tpu.enqueue_dma source(%dma_start3A_61 : memref<2x80xi32, #tpu.memory_space<hbm>>) target(%dma_start3A_59 : memref<2x80xi32, #tpu.memory_space<vmem>>) target_semaphore(%dma_start3A_56 : memref<!tpu.dma_semaphore, #tpu.memory_space<semaphore_mem>>)
    %dma_start3A_62 = arith.constant 0 : i32
    %dma_start3A_63 = arith.constant 0 : i32
    %dma_start3A_64 = tpu.memref_slice %arg11[%dma_start3A_63] : memref<480xf32, #tpu.memory_space<vmem>> -> memref<160xf32, #tpu.memory_space<vmem>>
    %dma_start3A_65 = tpu.memref_slice %arg5[%add3A_28] : memref<322560xf32, #tpu.memory_space<hbm>> -> memref<160xf32, #tpu.memory_space<hbm>>
    %dma_start3A_66 = tpu.memref_slice %arg18[%dma_start3A_62] : memref<3x!tpu.dma_semaphore, #tpu.memory_space<semaphore_mem>> -> memref<1x!tpu.dma_semaphore, #tpu.memory_space<semaphore_mem>>
    %dma_start3A_67 = tpu.memref_squeeze %dma_start3A_66 : memref<1x!tpu.dma_semaphore, #tpu.memory_space<semaphore_mem>> -> memref<!tpu.dma_semaphore, #tpu.memory_space<semaphore_mem>>
    %dma_start3A_68 = arith.constant 0 : i32
    %dma_start3A_69 = tpu.memref_slice %arg11[%dma_start3A_68] : memref<480xf32, #tpu.memory_space<vmem>> -> memref<160xf32, #tpu.memory_space<vmem>>
    %dma_start3A_70 = tpu.memref_slice %arg5[%add3A_28] : memref<322560xf32, #tpu.memory_space<hbm>> -> memref<160xf32, #tpu.memory_space<hbm>>
    tpu.enqueue_dma source(%dma_start3A_70 : memref<160xf32, #tpu.memory_space<hbm>>) target(%dma_start3A_69 : memref<160xf32, #tpu.memory_space<vmem>>) target_semaphore(%dma_start3A_67 : memref<!tpu.dma_semaphore, #tpu.memory_space<semaphore_mem>>)
    %add3A_71 = arith.constant 0 : i32
    %add3A_72 = arith.addi %mul3A_23, %add3A_71 : i32
    %add3A_73 = arith.constant 0 : i32
    %add3A_74 = arith.addi %mul3A_25, %add3A_73 : i32
    %dma_wait3A = arith.constant 0 : i32
    %dma_wait3A_75 = arith.constant 0 : i32
    %dma_wait3A_76 = arith.constant 0 : i32
    %dma_wait3A_77 = tpu.memref_slice %arg9[%dma_wait3A_75, %dma_wait3A_76] : memref<6x80xi32, #tpu.memory_space<vmem>> -> memref<2x80xi32, #tpu.memory_space<vmem>>
    %dma_wait3A_78 = arith.constant 0 : i32
    %dma_wait3A_79 = arith.constant 0 : i32
    %dma_wait3A_80 = tpu.memref_slice %arg3[%arg0, %dma_wait3A_78, %dma_wait3A_79] : memref<2x4032x80xi32, #tpu.memory_space<hbm>> -> memref<1x4032x80xi32, #tpu.memory_space<hbm>>
    %dma_wait3A_81 = tpu.memref_squeeze %dma_wait3A_80 : memref<1x4032x80xi32, #tpu.memory_space<hbm>> -> memref<4032x80xi32, #tpu.memory_space<hbm>>
    %dma_wait3A_82 = arith.constant 0 : i32
    %dma_wait3A_83 = tpu.memref_slice %dma_wait3A_81[%add3A_72, %dma_wait3A_82] : memref<4032x80xi32, #tpu.memory_space<hbm>> -> memref<2x80xi32, #tpu.memory_space<hbm>>
    %dma_wait3A_84 = tpu.memref_slice %arg18[%dma_wait3A] : memref<3x!tpu.dma_semaphore, #tpu.memory_space<semaphore_mem>> -> memref<1x!tpu.dma_semaphore, #tpu.memory_space<semaphore_mem>>
    %dma_wait3A_85 = tpu.memref_squeeze %dma_wait3A_84 : memref<1x!tpu.dma_semaphore, #tpu.memory_space<semaphore_mem>> -> memref<!tpu.dma_semaphore, #tpu.memory_space<semaphore_mem>>
    %dma_wait3A_86 = arith.constant 0 : i32
    %dma_wait3A_87 = arith.constant 0 : i32
    %dma_wait3A_88 = tpu.memref_slice %arg9[%dma_wait3A_86, %dma_wait3A_87] : memref<6x80xi32, #tpu.memory_space<vmem>> -> memref<2x80xi32, #tpu.memory_space<vmem>>
    %dma_wait3A_89 = arith.constant 0 : i32
    %dma_wait3A_90 = arith.constant 0 : i32
    %dma_wait3A_91 = tpu.memref_slice %arg3[%arg0, %dma_wait3A_89, %dma_wait3A_90] : memref<2x4032x80xi32, #tpu.memory_space<hbm>> -> memref<1x4032x80xi32, #tpu.memory_space<hbm>>
    %dma_wait3A_92 = tpu.memref_squeeze %dma_wait3A_91 : memref<1x4032x80xi32, #tpu.memory_space<hbm>> -> memref<4032x80xi32, #tpu.memory_space<hbm>>
    %dma_wait3A_93 = arith.constant 0 : i32
    %dma_wait3A_94 = tpu.memref_slice %dma_wait3A_92[%add3A_72, %dma_wait3A_93] : memref<4032x80xi32, #tpu.memory_space<hbm>> -> memref<2x80xi32, #tpu.memory_space<hbm>>
    tpu.wait_dma2 semaphore(%dma_wait3A_85 : memref<!tpu.dma_semaphore, #tpu.memory_space<semaphore_mem>>) src(%dma_wait3A_94 : memref<2x80xi32, #tpu.memory_space<hbm>>) dst(%dma_wait3A_88 : memref<2x80xi32, #tpu.memory_space<vmem>>)
    %dma_wait3A_95 = arith.constant 0 : i32
    %dma_wait3A_96 = arith.constant 0 : i32
    %dma_wait3A_97 = arith.constant 0 : i32
    %dma_wait3A_98 = tpu.memref_slice %arg10[%dma_wait3A_96, %dma_wait3A_97] : memref<6x80xi32, #tpu.memory_space<vmem>> -> memref<2x80xi32, #tpu.memory_space<vmem>>
    %dma_wait3A_99 = arith.constant 0 : i32
    %dma_wait3A_100 = tpu.memref_slice %arg4[%add3A_72, %dma_wait3A_99] : memref<4032x80xi32, #tpu.memory_space<hbm>> -> memref<2x80xi32, #tpu.memory_space<hbm>>
    %dma_wait3A_101 = tpu.memref_slice %arg18[%dma_wait3A_95] : memref<3x!tpu.dma_semaphore, #tpu.memory_space<semaphore_mem>> -> memref<1x!tpu.dma_semaphore, #tpu.memory_space<semaphore_mem>>
    %dma_wait3A_102 = tpu.memref_squeeze %dma_wait3A_101 : memref<1x!tpu.dma_semaphore, #tpu.memory_space<semaphore_mem>> -> memref<!tpu.dma_semaphore, #tpu.memory_space<semaphore_mem>>
    %dma_wait3A_103 = arith.constant 0 : i32
    %dma_wait3A_104 = arith.constant 0 : i32
    %dma_wait3A_105 = tpu.memref_slice %arg10[%dma_wait3A_103, %dma_wait3A_104] : memref<6x80xi32, #tpu.memory_space<vmem>> -> memref<2x80xi32, #tpu.memory_space<vmem>>
    %dma_wait3A_106 = arith.constant 0 : i32
    %dma_wait3A_107 = tpu.memref_slice %arg4[%add3A_72, %dma_wait3A_106] : memref<4032x80xi32, #tpu.memory_space<hbm>> -> memref<2x80xi32, #tpu.memory_space<hbm>>
    tpu.wait_dma2 semaphore(%dma_wait3A_102 : memref<!tpu.dma_semaphore, #tpu.memory_space<semaphore_mem>>) src(%dma_wait3A_107 : memref<2x80xi32, #tpu.memory_space<hbm>>) dst(%dma_wait3A_105 : memref<2x80xi32, #tpu.memory_space<vmem>>)
    %dma_wait3A_108 = arith.constant 0 : i32
    %dma_wait3A_109 = arith.constant 0 : i32
    %dma_wait3A_110 = tpu.memref_slice %arg11[%dma_wait3A_109] : memref<480xf32, #tpu.memory_space<vmem>> -> memref<160xf32, #tpu.memory_space<vmem>>
    %dma_wait3A_111 = tpu.memref_slice %arg5[%add3A_74] : memref<322560xf32, #tpu.memory_space<hbm>> -> memref<160xf32, #tpu.memory_space<hbm>>
    %dma_wait3A_112 = tpu.memref_slice %arg18[%dma_wait3A_108] : memref<3x!tpu.dma_semaphore, #tpu.memory_space<semaphore_mem>> -> memref<1x!tpu.dma_semaphore, #tpu.memory_space<semaphore_mem>>
    %dma_wait3A_113 = tpu.memref_squeeze %dma_wait3A_112 : memref<1x!tpu.dma_semaphore, #tpu.memory_space<semaphore_mem>> -> memref<!tpu.dma_semaphore, #tpu.memory_space<semaphore_mem>>
    %dma_wait3A_114 = arith.constant 0 : i32
    %dma_wait3A_115 = tpu.memref_slice %arg11[%dma_wait3A_114] : memref<480xf32, #tpu.memory_space<vmem>> -> memref<160xf32, #tpu.memory_space<vmem>>
    %dma_wait3A_116 = tpu.memref_slice %arg5[%add3A_74] : memref<322560xf32, #tpu.memory_space<hbm>> -> memref<160xf32, #tpu.memory_space<hbm>>
    tpu.wait_dma2 semaphore(%dma_wait3A_113 : memref<!tpu.dma_semaphore, #tpu.memory_space<semaphore_mem>>) src(%dma_wait3A_116 : memref<160xf32, #tpu.memory_space<hbm>>) dst(%dma_wait3A_115 : memref<160xf32, #tpu.memory_space<vmem>>)
    %dma_start3A_117 = arith.constant 0 : i32
    %dma_start3A_118 = arith.constant 0 : i32
    %dma_start3A_119 = tpu.memref_slice %arg9[%dma_start3A_117, %dma_start3A_118] : memref<6x80xi32, #tpu.memory_space<vmem>> -> memref<1x80xi32, #tpu.memory_space<vmem>>
    %dma_start3A_120 = tpu.memref_squeeze %dma_start3A_119 : memref<1x80xi32, #tpu.memory_space<vmem>> -> memref<80xi32, #tpu.memory_space<vmem>>
    %dma_start3A_121 = arith.constant 0 : i32
    %dma_start3A_122 = arith.constant 0 : i32
    %dma_start3A_123 = tpu.memref_slice %arg2[%dma_start3A_121, %dma_start3A_122] : memref<20000x128xf32, #tpu.memory_space<hbm>> -> memref<20000x128xf32, #tpu.memory_space<hbm>>
    tpu.enqueue_indirect_dma source(%dma_start3A_123 : memref<20000x128xf32, #tpu.memory_space<hbm>>) target(%arg12 : memref<80x128xf32, #tpu.memory_space<vmem>>) offsets(%dma_start3A_120 : memref<80xi32, #tpu.memory_space<vmem>>) semaphore(%arg19 : memref<!tpu.dma_semaphore, #tpu.memory_space<semaphore_mem>>)
    %scan3A = arith.constant 0 : i32
    %scan3A_124 = arith.constant 0 : i32
    %scan3A_125 = arith.constant 126 : i32
    %scan3A_126 = arith.addi %scan3A_124, %scan3A_125 : i32
    %scan3A_127 = arith.constant 1 : i32
    scf.for %scan3A_149 = %scan3A_124 to %scan3A_126 step %scan3A_127  : i32 {
      %jit3A = arith.constant 3 : i32
      %eq3A_150 = arith.constant 0 : i32
      %eq3A_151 = arith.cmpi eq, %jit3A, %eq3A_150 : i32
      %jit3A_152 = arith.constant 1 : i32
      %select_n3A = arith.select %eq3A_151, %jit3A_152, %jit3A : i32
      %rem3A = arith.remsi %scan3A_149, %select_n3A : i32
      %ne3A = arith.constant 0 : i32
      %ne3A_153 = arith.cmpi ne, %rem3A, %ne3A : i32
      %lt3A_154 = arith.constant 0 : i32
      %lt3A_155 = arith.cmpi slt, %rem3A, %lt3A_154 : i32
      %lt3A_156 = arith.constant 0 : i32
      %lt3A_157 = arith.cmpi slt, %select_n3A, %lt3A_156 : i32
      %ne3A_158 = arith.xori %lt3A_155, %lt3A_157 : i1
      %and3A = arith.andi %ne3A_158, %ne3A_153 : i1
      %add3A_159 = arith.addi %rem3A, %select_n3A : i32
      %select_n3A_160 = arith.select %and3A, %add3A_159, %rem3A : i32
      %add3A_161 = arith.constant 1 : i32
      %add3A_162 = arith.addi %scan3A_149, %add3A_161 : i32
      %lt3A_163 = arith.constant 126 : i32
      %lt3A_164 = arith.cmpi slt, %add3A_162, %lt3A_163 : i32
      %convert_element_type3A_165 = arith.extui %lt3A_164 : i1 to i32
      %cond3A_166 = arith.constant 0 : i32
      %cond3A_167 = arith.cmpi ne, %convert_element_type3A_165, %cond3A_166 : i32
      scf.if %cond3A_167 {
        %add3A_257 = arith.constant 1 : i32
        %add3A_258 = arith.addi %scan3A_149, %add3A_257 : i32
        %add3A_259 = arith.constant 1 : i32
        %add3A_260 = arith.addi %scan3A_149, %add3A_259 : i32
        %jit3A_261 = arith.constant 3 : i32
        %eq3A_262 = arith.constant 0 : i32
        %eq3A_263 = arith.cmpi eq, %jit3A_261, %eq3A_262 : i32
        %jit3A_264 = arith.constant 1 : i32
        %select_n3A_265 = arith.select %eq3A_263, %jit3A_264, %jit3A_261 : i32
        %rem3A_266 = arith.remsi %add3A_260, %select_n3A_265 : i32
        %ne3A_267 = arith.constant 0 : i32
        %ne3A_268 = arith.cmpi ne, %rem3A_266, %ne3A_267 : i32
        %lt3A_269 = arith.constant 0 : i32
        %lt3A_270 = arith.cmpi slt, %rem3A_266, %lt3A_269 : i32
        %lt3A_271 = arith.constant 0 : i32
        %lt3A_272 = arith.cmpi slt, %select_n3A_265, %lt3A_271 : i32
        %ne3A_273 = arith.xori %lt3A_270, %lt3A_272 : i1
        %and3A_274 = arith.andi %ne3A_273, %ne3A_268 : i1
        %add3A_275 = arith.addi %rem3A_266, %select_n3A_265 : i32
        %select_n3A_276 = arith.select %and3A_274, %add3A_275, %rem3A_266 : i32
        %mul3A_277 = arith.constant 2 : i32
        %mul3A_278 = arith.muli %mul3A_277, %add3A_258 : i32
        %add3A_279 = arith.addi %mul3A_23, %mul3A_278 : i32
        %mul3A_280 = arith.constant 2 : i32
        %mul3A_281 = arith.muli %select_n3A_276, %mul3A_280 : i32
        %mul3A_282 = arith.constant 2 : i32
        %mul3A_283 = arith.muli %select_n3A_276, %mul3A_282 : i32
        %mul3A_284 = arith.constant 160 : i32
        %mul3A_285 = arith.muli %add3A_258, %mul3A_284 : i32
        %add3A_286 = arith.addi %mul3A_25, %mul3A_285 : i32
        %mul3A_287 = arith.constant 160 : i32
        %mul3A_288 = arith.muli %select_n3A_276, %mul3A_287 : i32
        %dma_start3A_289 = arith.constant 0 : i32
        %dma_start3A_290 = tpu.memref_slice %arg9[%mul3A_281, %dma_start3A_289] : memref<6x80xi32, #tpu.memory_space<vmem>> -> memref<2x80xi32, #tpu.memory_space<vmem>>
        %dma_start3A_291 = arith.constant 0 : i32
        %dma_start3A_292 = arith.constant 0 : i32
        %dma_start3A_293 = tpu.memref_slice %arg3[%arg0, %dma_start3A_291, %dma_start3A_292] : memref<2x4032x80xi32, #tpu.memory_space<hbm>> -> memref<1x4032x80xi32, #tpu.memory_space<hbm>>
        %dma_start3A_294 = tpu.memref_squeeze %dma_start3A_293 : memref<1x4032x80xi32, #tpu.memory_space<hbm>> -> memref<4032x80xi32, #tpu.memory_space<hbm>>
        %dma_start3A_295 = arith.constant 0 : i32
        %dma_start3A_296 = tpu.memref_slice %dma_start3A_294[%add3A_279, %dma_start3A_295] : memref<4032x80xi32, #tpu.memory_space<hbm>> -> memref<2x80xi32, #tpu.memory_space<hbm>>
        %dma_start3A_297 = tpu.memref_slice %arg18[%select_n3A_276] : memref<3x!tpu.dma_semaphore, #tpu.memory_space<semaphore_mem>> -> memref<1x!tpu.dma_semaphore, #tpu.memory_space<semaphore_mem>>
        %dma_start3A_298 = tpu.memref_squeeze %dma_start3A_297 : memref<1x!tpu.dma_semaphore, #tpu.memory_space<semaphore_mem>> -> memref<!tpu.dma_semaphore, #tpu.memory_space<semaphore_mem>>
        %dma_start3A_299 = arith.constant 0 : i32
        %dma_start3A_300 = tpu.memref_slice %arg9[%mul3A_281, %dma_start3A_299] : memref<6x80xi32, #tpu.memory_space<vmem>> -> memref<2x80xi32, #tpu.memory_space<vmem>>
        %dma_start3A_301 = arith.constant 0 : i32
        %dma_start3A_302 = arith.constant 0 : i32
        %dma_start3A_303 = tpu.memref_slice %arg3[%arg0, %dma_start3A_301, %dma_start3A_302] : memref<2x4032x80xi32, #tpu.memory_space<hbm>> -> memref<1x4032x80xi32, #tpu.memory_space<hbm>>
        %dma_start3A_304 = tpu.memref_squeeze %dma_start3A_303 : memref<1x4032x80xi32, #tpu.memory_space<hbm>> -> memref<4032x80xi32, #tpu.memory_space<hbm>>
        %dma_start3A_305 = arith.constant 0 : i32
        %dma_start3A_306 = tpu.memref_slice %dma_start3A_304[%add3A_279, %dma_start3A_305] : memref<4032x80xi32, #tpu.memory_space<hbm>> -> memref<2x80xi32, #tpu.memory_space<hbm>>
        tpu.enqueue_dma source(%dma_start3A_306 : memref<2x80xi32, #tpu.memory_space<hbm>>) target(%dma_start3A_300 : memref<2x80xi32, #tpu.memory_space<vmem>>) target_semaphore(%dma_start3A_298 : memref<!tpu.dma_semaphore, #tpu.memory_space<semaphore_mem>>)
        %dma_start3A_307 = arith.constant 0 : i32
        %dma_start3A_308 = tpu.memref_slice %arg10[%mul3A_283, %dma_start3A_307] : memref<6x80xi32, #tpu.memory_space<vmem>> -> memref<2x80xi32, #tpu.memory_space<vmem>>
        %dma_start3A_309 = arith.constant 0 : i32
        %dma_start3A_310 = tpu.memref_slice %arg4[%add3A_279, %dma_start3A_309] : memref<4032x80xi32, #tpu.memory_space<hbm>> -> memref<2x80xi32, #tpu.memory_space<hbm>>
        %dma_start3A_311 = tpu.memref_slice %arg18[%select_n3A_276] : memref<3x!tpu.dma_semaphore, #tpu.memory_space<semaphore_mem>> -> memref<1x!tpu.dma_semaphore, #tpu.memory_space<semaphore_mem>>
        %dma_start3A_312 = tpu.memref_squeeze %dma_start3A_311 : memref<1x!tpu.dma_semaphore, #tpu.memory_space<semaphore_mem>> -> memref<!tpu.dma_semaphore, #tpu.memory_space<semaphore_mem>>
        %dma_start3A_313 = arith.constant 0 : i32
        %dma_start3A_314 = tpu.memref_slice %arg10[%mul3A_283, %dma_start3A_313] : memref<6x80xi32, #tpu.memory_space<vmem>> -> memref<2x80xi32, #tpu.memory_space<vmem>>
        %dma_start3A_315 = arith.constant 0 : i32
        %dma_start3A_316 = tpu.memref_slice %arg4[%add3A_279, %dma_start3A_315] : memref<4032x80xi32, #tpu.memory_space<hbm>> -> memref<2x80xi32, #tpu.memory_space<hbm>>
        tpu.enqueue_dma source(%dma_start3A_316 : memref<2x80xi32, #tpu.memory_space<hbm>>) target(%dma_start3A_314 : memref<2x80xi32, #tpu.memory_space<vmem>>) target_semaphore(%dma_start3A_312 : memref<!tpu.dma_semaphore, #tpu.memory_space<semaphore_mem>>)
        %dma_start3A_317 = tpu.memref_slice %arg11[%mul3A_288] : memref<480xf32, #tpu.memory_space<vmem>> -> memref<160xf32, #tpu.memory_space<vmem>>
        %dma_start3A_318 = tpu.memref_slice %arg5[%add3A_286] : memref<322560xf32, #tpu.memory_space<hbm>> -> memref<160xf32, #tpu.memory_space<hbm>>
        %dma_start3A_319 = tpu.memref_slice %arg18[%select_n3A_276] : memref<3x!tpu.dma_semaphore, #tpu.memory_space<semaphore_mem>> -> memref<1x!tpu.dma_semaphore, #tpu.memory_space<semaphore_mem>>
        %dma_start3A_320 = tpu.memref_squeeze %dma_start3A_319 : memref<1x!tpu.dma_semaphore, #tpu.memory_space<semaphore_mem>> -> memref<!tpu.dma_semaphore, #tpu.memory_space<semaphore_mem>>
        %dma_start3A_321 = tpu.memref_slice %arg11[%mul3A_288] : memref<480xf32, #tpu.memory_space<vmem>> -> memref<160xf32, #tpu.memory_space<vmem>>
        %dma_start3A_322 = tpu.memref_slice %arg5[%add3A_286] : memref<322560xf32, #tpu.memory_space<hbm>> -> memref<160xf32, #tpu.memory_space<hbm>>
        tpu.enqueue_dma source(%dma_start3A_322 : memref<160xf32, #tpu.memory_space<hbm>>) target(%dma_start3A_321 : memref<160xf32, #tpu.memory_space<vmem>>) target_semaphore(%dma_start3A_320 : memref<!tpu.dma_semaphore, #tpu.memory_space<semaphore_mem>>)
      } else {
      }
      %mul3A_168 = arith.constant 2 : i32
      %mul3A_169 = arith.muli %select_n3A_160, %mul3A_168 : i32
      %add3A_170 = arith.constant 1 : i32
      %add3A_171 = arith.addi %mul3A_169, %add3A_170 : i32
      %dma_start3A_172 = arith.constant 0 : i32
      %dma_start3A_173 = tpu.memref_slice %arg9[%add3A_171, %dma_start3A_172] : memref<6x80xi32, #tpu.memory_space<vmem>> -> memref<1x80xi32, #tpu.memory_space<vmem>>
      %dma_start3A_174 = tpu.memref_squeeze %dma_start3A_173 : memref<1x80xi32, #tpu.memory_space<vmem>> -> memref<80xi32, #tpu.memory_space<vmem>>
      %dma_start3A_175 = arith.constant 0 : i32
      %dma_start3A_176 = arith.constant 0 : i32
      %dma_start3A_177 = tpu.memref_slice %arg2[%dma_start3A_175, %dma_start3A_176] : memref<20000x128xf32, #tpu.memory_space<hbm>> -> memref<20000x128xf32, #tpu.memory_space<hbm>>
      tpu.enqueue_indirect_dma source(%dma_start3A_177 : memref<20000x128xf32, #tpu.memory_space<hbm>>) target(%arg13 : memref<80x128xf32, #tpu.memory_space<vmem>>) offsets(%dma_start3A_174 : memref<80xi32, #tpu.memory_space<vmem>>) semaphore(%arg20 : memref<!tpu.dma_semaphore, #tpu.memory_space<semaphore_mem>>)
      %mul3A_178 = arith.constant 2 : i32
      %mul3A_179 = arith.muli %select_n3A_160, %mul3A_178 : i32
      %add3A_180 = arith.constant 0 : i32
      %add3A_181 = arith.addi %mul3A_179, %add3A_180 : i32
      %dma_wait3A_182 = arith.constant 0 : i32
      %dma_wait3A_183 = tpu.memref_slice %arg9[%add3A_181, %dma_wait3A_182] : memref<6x80xi32, #tpu.memory_space<vmem>> -> memref<1x80xi32, #tpu.memory_space<vmem>>
      %dma_wait3A_184 = tpu.memref_squeeze %dma_wait3A_183 : memref<1x80xi32, #tpu.memory_space<vmem>> -> memref<80xi32, #tpu.memory_space<vmem>>
      %dma_wait3A_185 = arith.constant 0 : i32
      %dma_wait3A_186 = arith.constant 0 : i32
      %dma_wait3A_187 = tpu.memref_slice %arg2[%dma_wait3A_185, %dma_wait3A_186] : memref<20000x128xf32, #tpu.memory_space<hbm>> -> memref<20000x128xf32, #tpu.memory_space<hbm>>
      tpu.wait_indirect_dma semaphore(%arg19 : memref<!tpu.dma_semaphore, #tpu.memory_space<semaphore_mem>>) src(%dma_wait3A_187 : memref<20000x128xf32, #tpu.memory_space<hbm>>) dst(%arg12 : memref<80x128xf32, #tpu.memory_space<vmem>>)
      %mul3A_188 = arith.constant 160 : i32
      %mul3A_189 = arith.muli %select_n3A_160, %mul3A_188 : i32
      %add3A_190 = arith.constant 0 : i32
      %add3A_191 = arith.addi %mul3A_189, %add3A_190 : i32
      %scan3A_192 = arith.constant 0 : i32
      %scan3A_193 = arith.constant 0 : i32
      %scan3A_194 = arith.constant 80 : i32
      %scan3A_195 = arith.addi %scan3A_193, %scan3A_194 : i32
      %scan3A_196 = arith.constant 1 : i32
      scf.for %scan3A_257 = %scan3A_193 to %scan3A_195 step %scan3A_196  : i32 {
        %add3A_258 = arith.addi %add3A_191, %scan3A_257 : i32
        %broadcast_in_dim3A = vector.broadcast %add3A_258 : i32 to vector<16xi32>
        %gather3A = tpu.vector_load_idx %arg11[%broadcast_in_dim3A] : memref<480xf32, #tpu.memory_space<vmem>>[vector<16xi32>], vector<16xf32>,
        %get3A_259 = arith.index_cast %scan3A_257 : i32 to index
        %get3A_260 = arith.constant 0 : index
        %get3A_261 = tpu.vector_load %arg12[%get3A_259, %get3A_260] {strides = array<i32>} : memref<80x128xf32, #tpu.memory_space<vmem>>, vector<16xf32>,
        %mul3A_262 = arith.mulf %gather3A, %get3A_7 : vector<16xf32>
        %add3A_263 = arith.addf %get3A_261, %mul3A_262 : vector<16xf32>
        %max3A = arith.constant 0.000000e+00 : f32
        %max3A_264 = vector.broadcast %max3A : f32 to vector<16xf32>
        %max3A_265 = arith.maximumf %add3A_263, %max3A_264 : vector<16xf32>
        %swap3A = arith.index_cast %scan3A_257 : i32 to index
        %swap3A_266 = arith.constant 0 : index
        %swap3A_267 = tpu.vector_load %arg14[%swap3A, %swap3A_266] {strides = array<i32>} : memref<80x128xf32, #tpu.memory_space<vmem>>, vector<16xf32>,
        tpu.vector_store %arg14[%swap3A, %swap3A_266], %max3A_265 {strides = array<i32>} : memref<80x128xf32, #tpu.memory_space<vmem>>, vector<16xf32>,
        %get3A_268 = arith.index_cast %scan3A_257 : i32 to index
        %get3A_269 = arith.constant 16 : index
        %get3A_270 = tpu.vector_load %arg12[%get3A_268, %get3A_269] {strides = array<i32>} : memref<80x128xf32, #tpu.memory_space<vmem>>, vector<16xf32>,
        %mul3A_271 = arith.mulf %gather3A, %get3A_9 : vector<16xf32>
        %add3A_272 = arith.addf %get3A_270, %mul3A_271 : vector<16xf32>
        %max3A_273 = arith.constant 0.000000e+00 : f32
        %max3A_274 = vector.broadcast %max3A_273 : f32 to vector<16xf32>
        %max3A_275 = arith.maximumf %add3A_272, %max3A_274 : vector<16xf32>
        %swap3A_276 = arith.index_cast %scan3A_257 : i32 to index
        %swap3A_277 = arith.constant 16 : index
        %swap3A_278 = tpu.vector_load %arg14[%swap3A_276, %swap3A_277] {strides = array<i32>} : memref<80x128xf32, #tpu.memory_space<vmem>>, vector<16xf32>,
        tpu.vector_store %arg14[%swap3A_276, %swap3A_277], %max3A_275 {strides = array<i32>} : memref<80x128xf32, #tpu.memory_space<vmem>>, vector<16xf32>,
        %get3A_279 = arith.index_cast %scan3A_257 : i32 to index
        %get3A_280 = arith.constant 32 : index
        %get3A_281 = tpu.vector_load %arg12[%get3A_279, %get3A_280] {strides = array<i32>} : memref<80x128xf32, #tpu.memory_space<vmem>>, vector<16xf32>,
        %mul3A_282 = arith.mulf %gather3A, %get3A_11 : vector<16xf32>
        %add3A_283 = arith.addf %get3A_281, %mul3A_282 : vector<16xf32>
        %max3A_284 = arith.constant 0.000000e+00 : f32
        %max3A_285 = vector.broadcast %max3A_284 : f32 to vector<16xf32>
        %max3A_286 = arith.maximumf %add3A_283, %max3A_285 : vector<16xf32>
        %swap3A_287 = arith.index_cast %scan3A_257 : i32 to index
        %swap3A_288 = arith.constant 32 : index
        %swap3A_289 = tpu.vector_load %arg14[%swap3A_287, %swap3A_288] {strides = array<i32>} : memref<80x128xf32, #tpu.memory_space<vmem>>, vector<16xf32>,
        tpu.vector_store %arg14[%swap3A_287, %swap3A_288], %max3A_286 {strides = array<i32>} : memref<80x128xf32, #tpu.memory_space<vmem>>, vector<16xf32>,
        %get3A_290 = arith.index_cast %scan3A_257 : i32 to index
        %get3A_291 = arith.constant 48 : index
        %get3A_292 = tpu.vector_load %arg12[%get3A_290, %get3A_291] {strides = array<i32>} : memref<80x128xf32, #tpu.memory_space<vmem>>, vector<16xf32>,
        %mul3A_293 = arith.mulf %gather3A, %get3A_13 : vector<16xf32>
        %add3A_294 = arith.addf %get3A_292, %mul3A_293 : vector<16xf32>
        %max3A_295 = arith.constant 0.000000e+00 : f32
        %max3A_296 = vector.broadcast %max3A_295 : f32 to vector<16xf32>
        %max3A_297 = arith.maximumf %add3A_294, %max3A_296 : vector<16xf32>
        %swap3A_298 = arith.index_cast %scan3A_257 : i32 to index
        %swap3A_299 = arith.constant 48 : index
        %swap3A_300 = tpu.vector_load %arg14[%swap3A_298, %swap3A_299] {strides = array<i32>} : memref<80x128xf32, #tpu.memory_space<vmem>>, vector<16xf32>,
        tpu.vector_store %arg14[%swap3A_298, %swap3A_299], %max3A_297 {strides = array<i32>} : memref<80x128xf32, #tpu.memory_space<vmem>>, vector<16xf32>,
        %get3A_301 = arith.index_cast %scan3A_257 : i32 to index
        %get3A_302 = arith.constant 64 : index
        %get3A_303 = tpu.vector_load %arg12[%get3A_301, %get3A_302] {strides = array<i32>} : memref<80x128xf32, #tpu.memory_space<vmem>>, vector<16xf32>,
        %mul3A_304 = arith.mulf %gather3A, %get3A_15 : vector<16xf32>
        %add3A_305 = arith.addf %get3A_303, %mul3A_304 : vector<16xf32>
        %max3A_306 = arith.constant 0.000000e+00 : f32
        %max3A_307 = vector.broadcast %max3A_306 : f32 to vector<16xf32>
        %max3A_308 = arith.maximumf %add3A_305, %max3A_307 : vector<16xf32>
        %swap3A_309 = arith.index_cast %scan3A_257 : i32 to index
        %swap3A_310 = arith.constant 64 : index
        %swap3A_311 = tpu.vector_load %arg14[%swap3A_309, %swap3A_310] {strides = array<i32>} : memref<80x128xf32, #tpu.memory_space<vmem>>, vector<16xf32>,
        tpu.vector_store %arg14[%swap3A_309, %swap3A_310], %max3A_308 {strides = array<i32>} : memref<80x128xf32, #tpu.memory_space<vmem>>, vector<16xf32>,
        %get3A_312 = arith.index_cast %scan3A_257 : i32 to index
        %get3A_313 = arith.constant 80 : index
        %get3A_314 = tpu.vector_load %arg12[%get3A_312, %get3A_313] {strides = array<i32>} : memref<80x128xf32, #tpu.memory_space<vmem>>, vector<16xf32>,
        %mul3A_315 = arith.mulf %gather3A, %get3A_17 : vector<16xf32>
        %add3A_316 = arith.addf %get3A_314, %mul3A_315 : vector<16xf32>
        %max3A_317 = arith.constant 0.000000e+00 : f32
        %max3A_318 = vector.broadcast %max3A_317 : f32 to vector<16xf32>
        %max3A_319 = arith.maximumf %add3A_316, %max3A_318 : vector<16xf32>
        %swap3A_320 = arith.index_cast %scan3A_257 : i32 to index
        %swap3A_321 = arith.constant 80 : index
        %swap3A_322 = tpu.vector_load %arg14[%swap3A_320, %swap3A_321] {strides = array<i32>} : memref<80x128xf32, #tpu.memory_space<vmem>>, vector<16xf32>,
        tpu.vector_store %arg14[%swap3A_320, %swap3A_321], %max3A_319 {strides = array<i32>} : memref<80x128xf32, #tpu.memory_space<vmem>>, vector<16xf32>,
        %get3A_323 = arith.index_cast %scan3A_257 : i32 to index
        %get3A_324 = arith.constant 96 : index
        %get3A_325 = tpu.vector_load %arg12[%get3A_323, %get3A_324] {strides = array<i32>} : memref<80x128xf32, #tpu.memory_space<vmem>>, vector<16xf32>,
        %mul3A_326 = arith.mulf %gather3A, %get3A_19 : vector<16xf32>
        %add3A_327 = arith.addf %get3A_325, %mul3A_326 : vector<16xf32>
        %max3A_328 = arith.constant 0.000000e+00 : f32
        %max3A_329 = vector.broadcast %max3A_328 : f32 to vector<16xf32>
        %max3A_330 = arith.maximumf %add3A_327, %max3A_329 : vector<16xf32>
        %swap3A_331 = arith.index_cast %scan3A_257 : i32 to index
        %swap3A_332 = arith.constant 96 : index
        %swap3A_333 = tpu.vector_load %arg14[%swap3A_331, %swap3A_332] {strides = array<i32>} : memref<80x128xf32, #tpu.memory_space<vmem>>, vector<16xf32>,
        tpu.vector_store %arg14[%swap3A_331, %swap3A_332], %max3A_330 {strides = array<i32>} : memref<80x128xf32, #tpu.memory_space<vmem>>, vector<16xf32>,
        %get3A_334 = arith.index_cast %scan3A_257 : i32 to index
        %get3A_335 = arith.constant 112 : index
        %get3A_336 = tpu.vector_load %arg12[%get3A_334, %get3A_335] {strides = array<i32>} : memref<80x128xf32, #tpu.memory_space<vmem>>, vector<16xf32>,
        %mul3A_337 = arith.mulf %gather3A, %get3A_21 : vector<16xf32>
        %add3A_338 = arith.addf %get3A_336, %mul3A_337 : vector<16xf32>
        %max3A_339 = arith.constant 0.000000e+00 : f32
        %max3A_340 = vector.broadcast %max3A_339 : f32 to vector<16xf32>
        %max3A_341 = arith.maximumf %add3A_338, %max3A_340 : vector<16xf32>
        %swap3A_342 = arith.index_cast %scan3A_257 : i32 to index
        %swap3A_343 = arith.constant 112 : index
        %swap3A_344 = tpu.vector_load %arg14[%swap3A_342, %swap3A_343] {strides = array<i32>} : memref<80x128xf32, #tpu.memory_space<vmem>>, vector<16xf32>,
        tpu.vector_store %arg14[%swap3A_342, %swap3A_343], %max3A_341 {strides = array<i32>} : memref<80x128xf32, #tpu.memory_space<vmem>>, vector<16xf32>,
      }
      %scan3A_197 = arith.constant 80 : i32
      %mul3A_198 = arith.constant 2 : i32
      %mul3A_199 = arith.muli %select_n3A_160, %mul3A_198 : i32
      %dma_start3A_200 = arith.constant 0 : i32
      %dma_start3A_201 = tpu.memref_slice %arg10[%mul3A_199, %dma_start3A_200] : memref<6x80xi32, #tpu.memory_space<vmem>> -> memref<1x80xi32, #tpu.memory_space<vmem>>
      %dma_start3A_202 = tpu.memref_squeeze %dma_start3A_201 : memref<1x80xi32, #tpu.memory_space<vmem>> -> memref<80xi32, #tpu.memory_space<vmem>>
      %dma_start3A_203 = arith.constant 0 : i32
      %dma_start3A_204 = arith.constant 0 : i32
      %dma_start3A_205 = tpu.memref_slice %arg17[%dma_start3A_203, %dma_start3A_204] : memref<10016x128xf32, #tpu.memory_space<vmem_shared>> -> memref<10016x128xf32, #tpu.memory_space<vmem_shared>>
      tpu.enqueue_indirect_dma source(%arg14 : memref<80x128xf32, #tpu.memory_space<vmem>>) target(%dma_start3A_205 : memref<10016x128xf32, #tpu.memory_space<vmem_shared>>) offsets(%dma_start3A_202 : memref<80xi32, #tpu.memory_space<vmem>>) semaphore(%arg21 : memref<!tpu.dma_semaphore, #tpu.memory_space<semaphore_mem>>) {add = true}
      %add3A_206 = arith.constant 1 : i32
      %add3A_207 = arith.addi %scan3A_149, %add3A_206 : i32
      %lt3A_208 = arith.constant 126 : i32
      %lt3A_209 = arith.cmpi slt, %add3A_207, %lt3A_208 : i32
      %convert_element_type3A_210 = arith.extui %lt3A_209 : i1 to i32
      %cond3A_211 = arith.constant 0 : i32
      %cond3A_212 = arith.cmpi ne, %convert_element_type3A_210, %cond3A_211 : i32
      scf.if %cond3A_212 {
        %add3A_257 = arith.constant 1 : i32
        %add3A_258 = arith.addi %scan3A_149, %add3A_257 : i32
        %add3A_259 = arith.constant 1 : i32
        %add3A_260 = arith.addi %scan3A_149, %add3A_259 : i32
        %jit3A_261 = arith.constant 3 : i32
        %eq3A_262 = arith.constant 0 : i32
        %eq3A_263 = arith.cmpi eq, %jit3A_261, %eq3A_262 : i32
        %jit3A_264 = arith.constant 1 : i32
        %select_n3A_265 = arith.select %eq3A_263, %jit3A_264, %jit3A_261 : i32
        %rem3A_266 = arith.remsi %add3A_260, %select_n3A_265 : i32
        %ne3A_267 = arith.constant 0 : i32
        %ne3A_268 = arith.cmpi ne, %rem3A_266, %ne3A_267 : i32
        %lt3A_269 = arith.constant 0 : i32
        %lt3A_270 = arith.cmpi slt, %rem3A_266, %lt3A_269 : i32
        %lt3A_271 = arith.constant 0 : i32
        %lt3A_272 = arith.cmpi slt, %select_n3A_265, %lt3A_271 : i32
        %ne3A_273 = arith.xori %lt3A_270, %lt3A_272 : i1
        %and3A_274 = arith.andi %ne3A_273, %ne3A_268 : i1
        %add3A_275 = arith.addi %rem3A_266, %select_n3A_265 : i32
        %select_n3A_276 = arith.select %and3A_274, %add3A_275, %rem3A_266 : i32
        %mul3A_277 = arith.constant 2 : i32
        %mul3A_278 = arith.muli %mul3A_277, %add3A_258 : i32
        %add3A_279 = arith.addi %mul3A_23, %mul3A_278 : i32
        %mul3A_280 = arith.constant 2 : i32
        %mul3A_281 = arith.muli %select_n3A_276, %mul3A_280 : i32
        %mul3A_282 = arith.constant 2 : i32
        %mul3A_283 = arith.muli %select_n3A_276, %mul3A_282 : i32
        %mul3A_284 = arith.constant 160 : i32
        %mul3A_285 = arith.muli %add3A_258, %mul3A_284 : i32
        %add3A_286 = arith.addi %mul3A_25, %mul3A_285 : i32
        %mul3A_287 = arith.constant 160 : i32
        %mul3A_288 = arith.muli %select_n3A_276, %mul3A_287 : i32
        %dma_wait3A_289 = arith.constant 0 : i32
        %dma_wait3A_290 = tpu.memref_slice %arg9[%mul3A_281, %dma_wait3A_289] : memref<6x80xi32, #tpu.memory_space<vmem>> -> memref<2x80xi32, #tpu.memory_space<vmem>>
        %dma_wait3A_291 = arith.constant 0 : i32
        %dma_wait3A_292 = arith.constant 0 : i32
        %dma_wait3A_293 = tpu.memref_slice %arg3[%arg0, %dma_wait3A_291, %dma_wait3A_292] : memref<2x4032x80xi32, #tpu.memory_space<hbm>> -> memref<1x4032x80xi32, #tpu.memory_space<hbm>>
        %dma_wait3A_294 = tpu.memref_squeeze %dma_wait3A_293 : memref<1x4032x80xi32, #tpu.memory_space<hbm>> -> memref<4032x80xi32, #tpu.memory_space<hbm>>
        %dma_wait3A_295 = arith.constant 0 : i32
        %dma_wait3A_296 = tpu.memref_slice %dma_wait3A_294[%add3A_279, %dma_wait3A_295] : memref<4032x80xi32, #tpu.memory_space<hbm>> -> memref<2x80xi32, #tpu.memory_space<hbm>>
        %dma_wait3A_297 = tpu.memref_slice %arg18[%select_n3A_276] : memref<3x!tpu.dma_semaphore, #tpu.memory_space<semaphore_mem>> -> memref<1x!tpu.dma_semaphore, #tpu.memory_space<semaphore_mem>>
        %dma_wait3A_298 = tpu.memref_squeeze %dma_wait3A_297 : memref<1x!tpu.dma_semaphore, #tpu.memory_space<semaphore_mem>> -> memref<!tpu.dma_semaphore, #tpu.memory_space<semaphore_mem>>
        %dma_wait3A_299 = arith.constant 0 : i32
        %dma_wait3A_300 = tpu.memref_slice %arg9[%mul3A_281, %dma_wait3A_299] : memref<6x80xi32, #tpu.memory_space<vmem>> -> memref<2x80xi32, #tpu.memory_space<vmem>>
        %dma_wait3A_301 = arith.constant 0 : i32
        %dma_wait3A_302 = arith.constant 0 : i32
        %dma_wait3A_303 = tpu.memref_slice %arg3[%arg0, %dma_wait3A_301, %dma_wait3A_302] : memref<2x4032x80xi32, #tpu.memory_space<hbm>> -> memref<1x4032x80xi32, #tpu.memory_space<hbm>>
        %dma_wait3A_304 = tpu.memref_squeeze %dma_wait3A_303 : memref<1x4032x80xi32, #tpu.memory_space<hbm>> -> memref<4032x80xi32, #tpu.memory_space<hbm>>
        %dma_wait3A_305 = arith.constant 0 : i32
        %dma_wait3A_306 = tpu.memref_slice %dma_wait3A_304[%add3A_279, %dma_wait3A_305] : memref<4032x80xi32, #tpu.memory_space<hbm>> -> memref<2x80xi32, #tpu.memory_space<hbm>>
        tpu.wait_dma2 semaphore(%dma_wait3A_298 : memref<!tpu.dma_semaphore, #tpu.memory_space<semaphore_mem>>) src(%dma_wait3A_306 : memref<2x80xi32, #tpu.memory_space<hbm>>) dst(%dma_wait3A_300 : memref<2x80xi32, #tpu.memory_space<vmem>>)
        %dma_wait3A_307 = arith.constant 0 : i32
        %dma_wait3A_308 = tpu.memref_slice %arg10[%mul3A_283, %dma_wait3A_307] : memref<6x80xi32, #tpu.memory_space<vmem>> -> memref<2x80xi32, #tpu.memory_space<vmem>>
        %dma_wait3A_309 = arith.constant 0 : i32
        %dma_wait3A_310 = tpu.memref_slice %arg4[%add3A_279, %dma_wait3A_309] : memref<4032x80xi32, #tpu.memory_space<hbm>> -> memref<2x80xi32, #tpu.memory_space<hbm>>
        %dma_wait3A_311 = tpu.memref_slice %arg18[%select_n3A_276] : memref<3x!tpu.dma_semaphore, #tpu.memory_space<semaphore_mem>> -> memref<1x!tpu.dma_semaphore, #tpu.memory_space<semaphore_mem>>
        %dma_wait3A_312 = tpu.memref_squeeze %dma_wait3A_311 : memref<1x!tpu.dma_semaphore, #tpu.memory_space<semaphore_mem>> -> memref<!tpu.dma_semaphore, #tpu.memory_space<semaphore_mem>>
        %dma_wait3A_313 = arith.constant 0 : i32
        %dma_wait3A_314 = tpu.memref_slice %arg10[%mul3A_283, %dma_wait3A_313] : memref<6x80xi32, #tpu.memory_space<vmem>> -> memref<2x80xi32, #tpu.memory_space<vmem>>
        %dma_wait3A_315 = arith.constant 0 : i32
        %dma_wait3A_316 = tpu.memref_slice %arg4[%add3A_279, %dma_wait3A_315] : memref<4032x80xi32, #tpu.memory_space<hbm>> -> memref<2x80xi32, #tpu.memory_space<hbm>>
        tpu.wait_dma2 semaphore(%dma_wait3A_312 : memref<!tpu.dma_semaphore, #tpu.memory_space<semaphore_mem>>) src(%dma_wait3A_316 : memref<2x80xi32, #tpu.memory_space<hbm>>) dst(%dma_wait3A_314 : memref<2x80xi32, #tpu.memory_space<vmem>>)
        %dma_wait3A_317 = tpu.memref_slice %arg11[%mul3A_288] : memref<480xf32, #tpu.memory_space<vmem>> -> memref<160xf32, #tpu.memory_space<vmem>>
        %dma_wait3A_318 = tpu.memref_slice %arg5[%add3A_286] : memref<322560xf32, #tpu.memory_space<hbm>> -> memref<160xf32, #tpu.memory_space<hbm>>
        %dma_wait3A_319 = tpu.memref_slice %arg18[%select_n3A_276] : memref<3x!tpu.dma_semaphore, #tpu.memory_space<semaphore_mem>> -> memref<1x!tpu.dma_semaphore, #tpu.memory_space<semaphore_mem>>
        %dma_wait3A_320 = tpu.memref_squeeze %dma_wait3A_319 : memref<1x!tpu.dma_semaphore, #tpu.memory_space<semaphore_mem>> -> memref<!tpu.dma_semaphore, #tpu.memory_space<semaphore_mem>>
        %dma_wait3A_321 = tpu.memref_slice %arg11[%mul3A_288] : memref<480xf32, #tpu.memory_space<vmem>> -> memref<160xf32, #tpu.memory_space<vmem>>
        %dma_wait3A_322 = tpu.memref_slice %arg5[%add3A_286] : memref<322560xf32, #tpu.memory_space<hbm>> -> memref<160xf32, #tpu.memory_space<hbm>>
        tpu.wait_dma2 semaphore(%dma_wait3A_320 : memref<!tpu.dma_semaphore, #tpu.memory_space<semaphore_mem>>) src(%dma_wait3A_322 : memref<160xf32, #tpu.memory_space<hbm>>) dst(%dma_wait3A_321 : memref<160xf32, #tpu.memory_space<vmem>>)
        %add3A_323 = arith.constant 1 : i32
        %add3A_324 = arith.addi %scan3A_149, %add3A_323 : i32
        %jit3A_325 = arith.constant 3 : i32
        %eq3A_326 = arith.constant 0 : i32
        %eq3A_327 = arith.cmpi eq, %jit3A_325, %eq3A_326 : i32
        %jit3A_328 = arith.constant 1 : i32
        %select_n3A_329 = arith.select %eq3A_327, %jit3A_328, %jit3A_325 : i32
        %rem3A_330 = arith.remsi %add3A_324, %select_n3A_329 : i32
        %ne3A_331 = arith.constant 0 : i32
        %ne3A_332 = arith.cmpi ne, %rem3A_330, %ne3A_331 : i32
        %lt3A_333 = arith.constant 0 : i32
        %lt3A_334 = arith.cmpi slt, %rem3A_330, %lt3A_333 : i32
        %lt3A_335 = arith.constant 0 : i32
        %lt3A_336 = arith.cmpi slt, %select_n3A_329, %lt3A_335 : i32
        %ne3A_337 = arith.xori %lt3A_334, %lt3A_336 : i1
        %and3A_338 = arith.andi %ne3A_337, %ne3A_332 : i1
        %add3A_339 = arith.addi %rem3A_330, %select_n3A_329 : i32
        %select_n3A_340 = arith.select %and3A_338, %add3A_339, %rem3A_330 : i32
        %mul3A_341 = arith.constant 2 : i32
        %mul3A_342 = arith.muli %select_n3A_340, %mul3A_341 : i32
        %add3A_343 = arith.constant 0 : i32
        %add3A_344 = arith.addi %mul3A_342, %add3A_343 : i32
        %dma_start3A_345 = arith.constant 0 : i32
        %dma_start3A_346 = tpu.memref_slice %arg9[%add3A_344, %dma_start3A_345] : memref<6x80xi32, #tpu.memory_space<vmem>> -> memref<1x80xi32, #tpu.memory_space<vmem>>
        %dma_start3A_347 = tpu.memref_squeeze %dma_start3A_346 : memref<1x80xi32, #tpu.memory_space<vmem>> -> memref<80xi32, #tpu.memory_space<vmem>>
        %dma_start3A_348 = arith.constant 0 : i32
        %dma_start3A_349 = arith.constant 0 : i32
        %dma_start3A_350 = tpu.memref_slice %arg2[%dma_start3A_348, %dma_start3A_349] : memref<20000x128xf32, #tpu.memory_space<hbm>> -> memref<20000x128xf32, #tpu.memory_space<hbm>>
        tpu.enqueue_indirect_dma source(%dma_start3A_350 : memref<20000x128xf32, #tpu.memory_space<hbm>>) target(%arg12 : memref<80x128xf32, #tpu.memory_space<vmem>>) offsets(%dma_start3A_347 : memref<80xi32, #tpu.memory_space<vmem>>) semaphore(%arg19 : memref<!tpu.dma_semaphore, #tpu.memory_space<semaphore_mem>>)
      } else {
      }
      %mul3A_213 = arith.constant 2 : i32
      %mul3A_214 = arith.muli %select_n3A_160, %mul3A_213 : i32
      %add3A_215 = arith.constant 1 : i32
      %add3A_216 = arith.addi %mul3A_214, %add3A_215 : i32
      %dma_wait3A_217 = arith.constant 0 : i32
      %dma_wait3A_218 = tpu.memref_slice %arg9[%add3A_216, %dma_wait3A_217] : memref<6x80xi32, #tpu.memory_space<vmem>> -> memref<1x80xi32, #tpu.memory_space<vmem>>
      %dma_wait3A_219 = tpu.memref_squeeze %dma_wait3A_218 : memref<1x80xi32, #tpu.memory_space<vmem>> -> memref<80xi32, #tpu.memory_space<vmem>>
      %dma_wait3A_220 = arith.constant 0 : i32
      %dma_wait3A_221 = arith.constant 0 : i32
      %dma_wait3A_222 = tpu.memref_slice %arg2[%dma_wait3A_220, %dma_wait3A_221] : memref<20000x128xf32, #tpu.memory_space<hbm>> -> memref<20000x128xf32, #tpu.memory_space<hbm>>
      tpu.wait_indirect_dma semaphore(%arg20 : memref<!tpu.dma_semaphore, #tpu.memory_space<semaphore_mem>>) src(%dma_wait3A_222 : memref<20000x128xf32, #tpu.memory_space<hbm>>) dst(%arg13 : memref<80x128xf32, #tpu.memory_space<vmem>>)
      %ge3A = arith.constant 1 : i32
      %ge3A_223 = arith.cmpi sge, %scan3A_149, %ge3A : i32
      %convert_element_type3A_224 = arith.extui %ge3A_223 : i1 to i32
      %cond3A_225 = arith.constant 0 : i32
      %cond3A_226 = arith.cmpi ne, %convert_element_type3A_224, %cond3A_225 : i32
      scf.if %cond3A_226 {
        %sub3A = arith.constant 1 : i32
        %sub3A_257 = arith.subi %scan3A_149, %sub3A : i32
        %jit3A_258 = arith.constant 3 : i32
        %eq3A_259 = arith.constant 0 : i32
        %eq3A_260 = arith.cmpi eq, %jit3A_258, %eq3A_259 : i32
        %jit3A_261 = arith.constant 1 : i32
        %select_n3A_262 = arith.select %eq3A_260, %jit3A_261, %jit3A_258 : i32
        %rem3A_263 = arith.remsi %sub3A_257, %select_n3A_262 : i32
        %ne3A_264 = arith.constant 0 : i32
        %ne3A_265 = arith.cmpi ne, %rem3A_263, %ne3A_264 : i32
        %lt3A_266 = arith.constant 0 : i32
        %lt3A_267 = arith.cmpi slt, %rem3A_263, %lt3A_266 : i32
        %lt3A_268 = arith.constant 0 : i32
        %lt3A_269 = arith.cmpi slt, %select_n3A_262, %lt3A_268 : i32
        %ne3A_270 = arith.xori %lt3A_267, %lt3A_269 : i1
        %and3A_271 = arith.andi %ne3A_270, %ne3A_265 : i1
        %add3A_272 = arith.addi %rem3A_263, %select_n3A_262 : i32
        %select_n3A_273 = arith.select %and3A_271, %add3A_272, %rem3A_263 : i32
        %mul3A_274 = arith.constant 2 : i32
        %mul3A_275 = arith.muli %select_n3A_273, %mul3A_274 : i32
        %add3A_276 = arith.constant 1 : i32
        %add3A_277 = arith.addi %mul3A_275, %add3A_276 : i32
        %dma_wait3A_278 = arith.constant 0 : i32
        %dma_wait3A_279 = tpu.memref_slice %arg10[%add3A_277, %dma_wait3A_278] : memref<6x80xi32, #tpu.memory_space<vmem>> -> memref<1x80xi32, #tpu.memory_space<vmem>>
        %dma_wait3A_280 = tpu.memref_squeeze %dma_wait3A_279 : memref<1x80xi32, #tpu.memory_space<vmem>> -> memref<80xi32, #tpu.memory_space<vmem>>
        %dma_wait3A_281 = arith.constant 0 : i32
        %dma_wait3A_282 = arith.constant 0 : i32
        %dma_wait3A_283 = tpu.memref_slice %arg17[%dma_wait3A_281, %dma_wait3A_282] : memref<10016x128xf32, #tpu.memory_space<vmem_shared>> -> memref<10016x128xf32, #tpu.memory_space<vmem_shared>>
        tpu.wait_indirect_dma semaphore(%arg22 : memref<!tpu.dma_semaphore, #tpu.memory_space<semaphore_mem>>) src(%arg15 : memref<80x128xf32, #tpu.memory_space<vmem>>) dst(%dma_wait3A_283 : memref<10016x128xf32, #tpu.memory_space<vmem_shared>>)
      } else {
      }
      %mul3A_227 = arith.constant 160 : i32
      %mul3A_228 = arith.muli %select_n3A_160, %mul3A_227 : i32
      %add3A_229 = arith.constant 80 : i32
      %add3A_230 = arith.addi %mul3A_228, %add3A_229 : i32
      %scan3A_231 = arith.constant 0 : i32
      %scan3A_232 = arith.constant 0 : i32
      %scan3A_233 = arith.constant 80 : i32
      %scan3A_234 = arith.addi %scan3A_232, %scan3A_233 : i32
      %scan3A_235 = arith.constant 1 : i32
      scf.for %scan3A_257 = %scan3A_232 to %scan3A_234 step %scan3A_235  : i32 {
        %add3A_258 = arith.addi %add3A_230, %scan3A_257 : i32
        %broadcast_in_dim3A = vector.broadcast %add3A_258 : i32 to vector<16xi32>
        %gather3A = tpu.vector_load_idx %arg11[%broadcast_in_dim3A] : memref<480xf32, #tpu.memory_space<vmem>>[vector<16xi32>], vector<16xf32>,
        %get3A_259 = arith.index_cast %scan3A_257 : i32 to index
        %get3A_260 = arith.constant 0 : index
        %get3A_261 = tpu.vector_load %arg13[%get3A_259, %get3A_260] {strides = array<i32>} : memref<80x128xf32, #tpu.memory_space<vmem>>, vector<16xf32>,
        %mul3A_262 = arith.mulf %gather3A, %get3A_7 : vector<16xf32>
        %add3A_263 = arith.addf %get3A_261, %mul3A_262 : vector<16xf32>
        %max3A = arith.constant 0.000000e+00 : f32
        %max3A_264 = vector.broadcast %max3A : f32 to vector<16xf32>
        %max3A_265 = arith.maximumf %add3A_263, %max3A_264 : vector<16xf32>
        %swap3A = arith.index_cast %scan3A_257 : i32 to index
        %swap3A_266 = arith.constant 0 : index
        %swap3A_267 = tpu.vector_load %arg15[%swap3A, %swap3A_266] {strides = array<i32>} : memref<80x128xf32, #tpu.memory_space<vmem>>, vector<16xf32>,
        tpu.vector_store %arg15[%swap3A, %swap3A_266], %max3A_265 {strides = array<i32>} : memref<80x128xf32, #tpu.memory_space<vmem>>, vector<16xf32>,
        %get3A_268 = arith.index_cast %scan3A_257 : i32 to index
        %get3A_269 = arith.constant 16 : index
        %get3A_270 = tpu.vector_load %arg13[%get3A_268, %get3A_269] {strides = array<i32>} : memref<80x128xf32, #tpu.memory_space<vmem>>, vector<16xf32>,
        %mul3A_271 = arith.mulf %gather3A, %get3A_9 : vector<16xf32>
        %add3A_272 = arith.addf %get3A_270, %mul3A_271 : vector<16xf32>
        %max3A_273 = arith.constant 0.000000e+00 : f32
        %max3A_274 = vector.broadcast %max3A_273 : f32 to vector<16xf32>
        %max3A_275 = arith.maximumf %add3A_272, %max3A_274 : vector<16xf32>
        %swap3A_276 = arith.index_cast %scan3A_257 : i32 to index
        %swap3A_277 = arith.constant 16 : index
        %swap3A_278 = tpu.vector_load %arg15[%swap3A_276, %swap3A_277] {strides = array<i32>} : memref<80x128xf32, #tpu.memory_space<vmem>>, vector<16xf32>,
        tpu.vector_store %arg15[%swap3A_276, %swap3A_277], %max3A_275 {strides = array<i32>} : memref<80x128xf32, #tpu.memory_space<vmem>>, vector<16xf32>,
        %get3A_279 = arith.index_cast %scan3A_257 : i32 to index
        %get3A_280 = arith.constant 32 : index
        %get3A_281 = tpu.vector_load %arg13[%get3A_279, %get3A_280] {strides = array<i32>} : memref<80x128xf32, #tpu.memory_space<vmem>>, vector<16xf32>,
        %mul3A_282 = arith.mulf %gather3A, %get3A_11 : vector<16xf32>
        %add3A_283 = arith.addf %get3A_281, %mul3A_282 : vector<16xf32>
        %max3A_284 = arith.constant 0.000000e+00 : f32
        %max3A_285 = vector.broadcast %max3A_284 : f32 to vector<16xf32>
        %max3A_286 = arith.maximumf %add3A_283, %max3A_285 : vector<16xf32>
        %swap3A_287 = arith.index_cast %scan3A_257 : i32 to index
        %swap3A_288 = arith.constant 32 : index
        %swap3A_289 = tpu.vector_load %arg15[%swap3A_287, %swap3A_288] {strides = array<i32>} : memref<80x128xf32, #tpu.memory_space<vmem>>, vector<16xf32>,
        tpu.vector_store %arg15[%swap3A_287, %swap3A_288], %max3A_286 {strides = array<i32>} : memref<80x128xf32, #tpu.memory_space<vmem>>, vector<16xf32>,
        %get3A_290 = arith.index_cast %scan3A_257 : i32 to index
        %get3A_291 = arith.constant 48 : index
        %get3A_292 = tpu.vector_load %arg13[%get3A_290, %get3A_291] {strides = array<i32>} : memref<80x128xf32, #tpu.memory_space<vmem>>, vector<16xf32>,
        %mul3A_293 = arith.mulf %gather3A, %get3A_13 : vector<16xf32>
        %add3A_294 = arith.addf %get3A_292, %mul3A_293 : vector<16xf32>
        %max3A_295 = arith.constant 0.000000e+00 : f32
        %max3A_296 = vector.broadcast %max3A_295 : f32 to vector<16xf32>
        %max3A_297 = arith.maximumf %add3A_294, %max3A_296 : vector<16xf32>
        %swap3A_298 = arith.index_cast %scan3A_257 : i32 to index
        %swap3A_299 = arith.constant 48 : index
        %swap3A_300 = tpu.vector_load %arg15[%swap3A_298, %swap3A_299] {strides = array<i32>} : memref<80x128xf32, #tpu.memory_space<vmem>>, vector<16xf32>,
        tpu.vector_store %arg15[%swap3A_298, %swap3A_299], %max3A_297 {strides = array<i32>} : memref<80x128xf32, #tpu.memory_space<vmem>>, vector<16xf32>,
        %get3A_301 = arith.index_cast %scan3A_257 : i32 to index
        %get3A_302 = arith.constant 64 : index
        %get3A_303 = tpu.vector_load %arg13[%get3A_301, %get3A_302] {strides = array<i32>} : memref<80x128xf32, #tpu.memory_space<vmem>>, vector<16xf32>,
        %mul3A_304 = arith.mulf %gather3A, %get3A_15 : vector<16xf32>
        %add3A_305 = arith.addf %get3A_303, %mul3A_304 : vector<16xf32>
        %max3A_306 = arith.constant 0.000000e+00 : f32
        %max3A_307 = vector.broadcast %max3A_306 : f32 to vector<16xf32>
        %max3A_308 = arith.maximumf %add3A_305, %max3A_307 : vector<16xf32>
        %swap3A_309 = arith.index_cast %scan3A_257 : i32 to index
        %swap3A_310 = arith.constant 64 : index
        %swap3A_311 = tpu.vector_load %arg15[%swap3A_309, %swap3A_310] {strides = array<i32>} : memref<80x128xf32, #tpu.memory_space<vmem>>, vector<16xf32>,
        tpu.vector_store %arg15[%swap3A_309, %swap3A_310], %max3A_308 {strides = array<i32>} : memref<80x128xf32, #tpu.memory_space<vmem>>, vector<16xf32>,
        %get3A_312 = arith.index_cast %scan3A_257 : i32 to index
        %get3A_313 = arith.constant 80 : index
        %get3A_314 = tpu.vector_load %arg13[%get3A_312, %get3A_313] {strides = array<i32>} : memref<80x128xf32, #tpu.memory_space<vmem>>, vector<16xf32>,
        %mul3A_315 = arith.mulf %gather3A, %get3A_17 : vector<16xf32>
        %add3A_316 = arith.addf %get3A_314, %mul3A_315 : vector<16xf32>
        %max3A_317 = arith.constant 0.000000e+00 : f32
        %max3A_318 = vector.broadcast %max3A_317 : f32 to vector<16xf32>
        %max3A_319 = arith.maximumf %add3A_316, %max3A_318 : vector<16xf32>
        %swap3A_320 = arith.index_cast %scan3A_257 : i32 to index
        %swap3A_321 = arith.constant 80 : index
        %swap3A_322 = tpu.vector_load %arg15[%swap3A_320, %swap3A_321] {strides = array<i32>} : memref<80x128xf32, #tpu.memory_space<vmem>>, vector<16xf32>,
        tpu.vector_store %arg15[%swap3A_320, %swap3A_321], %max3A_319 {strides = array<i32>} : memref<80x128xf32, #tpu.memory_space<vmem>>, vector<16xf32>,
        %get3A_323 = arith.index_cast %scan3A_257 : i32 to index
        %get3A_324 = arith.constant 96 : index
        %get3A_325 = tpu.vector_load %arg13[%get3A_323, %get3A_324] {strides = array<i32>} : memref<80x128xf32, #tpu.memory_space<vmem>>, vector<16xf32>,
        %mul3A_326 = arith.mulf %gather3A, %get3A_19 : vector<16xf32>
        %add3A_327 = arith.addf %get3A_325, %mul3A_326 : vector<16xf32>
        %max3A_328 = arith.constant 0.000000e+00 : f32
        %max3A_329 = vector.broadcast %max3A_328 : f32 to vector<16xf32>
        %max3A_330 = arith.maximumf %add3A_327, %max3A_329 : vector<16xf32>
        %swap3A_331 = arith.index_cast %scan3A_257 : i32 to index
        %swap3A_332 = arith.constant 96 : index
        %swap3A_333 = tpu.vector_load %arg15[%swap3A_331, %swap3A_332] {strides = array<i32>} : memref<80x128xf32, #tpu.memory_space<vmem>>, vector<16xf32>,
        tpu.vector_store %arg15[%swap3A_331, %swap3A_332], %max3A_330 {strides = array<i32>} : memref<80x128xf32, #tpu.memory_space<vmem>>, vector<16xf32>,
        %get3A_334 = arith.index_cast %scan3A_257 : i32 to index
        %get3A_335 = arith.constant 112 : index
        %get3A_336 = tpu.vector_load %arg13[%get3A_334, %get3A_335] {strides = array<i32>} : memref<80x128xf32, #tpu.memory_space<vmem>>, vector<16xf32>,
        %mul3A_337 = arith.mulf %gather3A, %get3A_21 : vector<16xf32>
        %add3A_338 = arith.addf %get3A_336, %mul3A_337 : vector<16xf32>
        %max3A_339 = arith.constant 0.000000e+00 : f32
        %max3A_340 = vector.broadcast %max3A_339 : f32 to vector<16xf32>
        %max3A_341 = arith.maximumf %add3A_338, %max3A_340 : vector<16xf32>
        %swap3A_342 = arith.index_cast %scan3A_257 : i32 to index
        %swap3A_343 = arith.constant 112 : index
        %swap3A_344 = tpu.vector_load %arg15[%swap3A_342, %swap3A_343] {strides = array<i32>} : memref<80x128xf32, #tpu.memory_space<vmem>>, vector<16xf32>,
        tpu.vector_store %arg15[%swap3A_342, %swap3A_343], %max3A_341 {strides = array<i32>} : memref<80x128xf32, #tpu.memory_space<vmem>>, vector<16xf32>,
      }
      %scan3A_236 = arith.constant 80 : i32
      %mul3A_237 = arith.constant 2 : i32
      %mul3A_238 = arith.muli %select_n3A_160, %mul3A_237 : i32
      %add3A_239 = arith.constant 0 : i32
      %add3A_240 = arith.addi %mul3A_238, %add3A_239 : i32
      %dma_wait3A_241 = arith.constant 0 : i32
      %dma_wait3A_242 = tpu.memref_slice %arg10[%add3A_240, %dma_wait3A_241] : memref<6x80xi32, #tpu.memory_space<vmem>> -> memref<1x80xi32, #tpu.memory_space<vmem>>
      %dma_wait3A_243 = tpu.memref_squeeze %dma_wait3A_242 : memref<1x80xi32, #tpu.memory_space<vmem>> -> memref<80xi32, #tpu.memory_space<vmem>>
      %dma_wait3A_244 = arith.constant 0 : i32
      %dma_wait3A_245 = arith.constant 0 : i32
      %dma_wait3A_246 = tpu.memref_slice %arg17[%dma_wait3A_244, %dma_wait3A_245] : memref<10016x128xf32, #tpu.memory_space<vmem_shared>> -> memref<10016x128xf32, #tpu.memory_space<vmem_shared>>
      tpu.wait_indirect_dma semaphore(%arg21 : memref<!tpu.dma_semaphore, #tpu.memory_space<semaphore_mem>>) src(%arg14 : memref<80x128xf32, #tpu.memory_space<vmem>>) dst(%dma_wait3A_246 : memref<10016x128xf32, #tpu.memory_space<vmem_shared>>)
      %mul3A_247 = arith.constant 2 : i32
      %mul3A_248 = arith.muli %select_n3A_160, %mul3A_247 : i32
      %add3A_249 = arith.constant 1 : i32
      %add3A_250 = arith.addi %mul3A_248, %add3A_249 : i32
      %dma_start3A_251 = arith.constant 0 : i32
      %dma_start3A_252 = tpu.memref_slice %arg10[%add3A_250, %dma_start3A_251] : memref<6x80xi32, #tpu.memory_space<vmem>> -> memref<1x80xi32, #tpu.memory_space<vmem>>
      %dma_start3A_253 = tpu.memref_squeeze %dma_start3A_252 : memref<1x80xi32, #tpu.memory_space<vmem>> -> memref<80xi32, #tpu.memory_space<vmem>>
      %dma_start3A_254 = arith.constant 0 : i32
      %dma_start3A_255 = arith.constant 0 : i32
      %dma_start3A_256 = tpu.memref_slice %arg17[%dma_start3A_254, %dma_start3A_255] : memref<10016x128xf32, #tpu.memory_space<vmem_shared>> -> memref<10016x128xf32, #tpu.memory_space<vmem_shared>>
      tpu.enqueue_indirect_dma source(%arg15 : memref<80x128xf32, #tpu.memory_space<vmem>>) target(%dma_start3A_256 : memref<10016x128xf32, #tpu.memory_space<vmem_shared>>) offsets(%dma_start3A_253 : memref<80xi32, #tpu.memory_space<vmem>>) semaphore(%arg22 : memref<!tpu.dma_semaphore, #tpu.memory_space<semaphore_mem>>) {add = true}
    }
    %scan3A_128 = arith.constant 126 : i32
    %dma_wait3A_129 = arith.constant 5 : i32
    %dma_wait3A_130 = arith.constant 0 : i32
    %dma_wait3A_131 = tpu.memref_slice %arg10[%dma_wait3A_129, %dma_wait3A_130] : memref<6x80xi32, #tpu.memory_space<vmem>> -> memref<1x80xi32, #tpu.memory_space<vmem>>
    %dma_wait3A_132 = tpu.memref_squeeze %dma_wait3A_131 : memref<1x80xi32, #tpu.memory_space<vmem>> -> memref<80xi32, #tpu.memory_space<vmem>>
    %dma_wait3A_133 = arith.constant 0 : i32
    %dma_wait3A_134 = arith.constant 0 : i32
    %dma_wait3A_135 = tpu.memref_slice %arg17[%dma_wait3A_133, %dma_wait3A_134] : memref<10016x128xf32, #tpu.memory_space<vmem_shared>> -> memref<10016x128xf32, #tpu.memory_space<vmem_shared>>
    tpu.wait_indirect_dma semaphore(%arg22 : memref<!tpu.dma_semaphore, #tpu.memory_space<semaphore_mem>>) src(%arg15 : memref<80x128xf32, #tpu.memory_space<vmem>>) dst(%dma_wait3A_135 : memref<10016x128xf32, #tpu.memory_space<vmem_shared>>)
    %barrier3A_136 = arith.constant 0 : index
    tpu.barrier barrier_id(%barrier3A_136)
    %mul3A_137 = arith.constant 10000 : i32
    %mul3A_138 = arith.muli %arg0, %mul3A_137 : i32
    %lt3A_139 = arith.constant 15 : i32
    %lt3A_140 = arith.cmpi slt, %arg1, %lt3A_139 : i32
    %convert_element_type3A_141 = arith.extui %lt3A_140 : i1 to i32
    %cond3A_142 = arith.constant 0 : i32
    %cond3A_143 = arith.cmpi ne, %convert_element_type3A_141, %cond3A_142 : i32
    scf.if %cond3A_143 {
      %mul3A_149 = arith.constant 624 : i32
      %mul3A_150 = arith.muli %arg1, %mul3A_149 : i32
      %mul3A_151 = arith.constant 624 : i32
      %mul3A_152 = arith.muli %arg1, %mul3A_151 : i32
      %add3A_153 = arith.addi %mul3A_138, %mul3A_152 : i32
      "tpu.region"() ({
        %run_scoped3A = tpu.sem_alloc : memref<!tpu.dma_semaphore, #tpu.memory_space<semaphore_mem>>
        %dma_start3A_154 = arith.constant 0 : i32
        %dma_start3A_155 = tpu.memref_slice %arg8[%add3A_153, %dma_start3A_154] : memref<20000x128xf32, #tpu.memory_space<hbm>> -> memref<624x128xf32, #tpu.memory_space<hbm>>
        %dma_start3A_156 = arith.constant 0 : i32
        %dma_start3A_157 = tpu.memref_slice %arg17[%mul3A_150, %dma_start3A_156] : memref<10016x128xf32, #tpu.memory_space<vmem_shared>> -> memref<624x128xf32, #tpu.memory_space<vmem_shared>>
        tpu.enqueue_dma source(%dma_start3A_157 : memref<624x128xf32, #tpu.memory_space<vmem_shared>>) target(%dma_start3A_155 : memref<624x128xf32, #tpu.memory_space<hbm>>) target_semaphore(%run_scoped3A : memref<!tpu.dma_semaphore, #tpu.memory_space<semaphore_mem>>)
        %dma_wait3A_158 = arith.constant 0 : i32
        %dma_wait3A_159 = tpu.memref_slice %arg8[%add3A_153, %dma_wait3A_158] : memref<20000x128xf32, #tpu.memory_space<hbm>> -> memref<624x128xf32, #tpu.memory_space<hbm>>
        %dma_wait3A_160 = arith.constant 0 : i32
        %dma_wait3A_161 = tpu.memref_slice %arg17[%mul3A_150, %dma_wait3A_160] : memref<10016x128xf32, #tpu.memory_space<vmem_shared>> -> memref<624x128xf32, #tpu.memory_space<vmem_shared>>
        tpu.wait_dma2 semaphore(%run_scoped3A : memref<!tpu.dma_semaphore, #tpu.memory_space<semaphore_mem>>) src(%dma_wait3A_161 : memref<624x128xf32, #tpu.memory_space<vmem_shared>>) dst(%dma_wait3A_159 : memref<624x128xf32, #tpu.memory_space<hbm>>)
        tpu.yield
      }) : () -> ()
    } else {
    }
    %eq3A_144 = arith.constant 15 : i32
    %eq3A_145 = arith.cmpi eq, %arg1, %eq3A_144 : i32
    %convert_element_type3A_146 = arith.extui %eq3A_145 : i1 to i32
    %cond3A_147 = arith.constant 0 : i32
    %cond3A_148 = arith.cmpi ne, %convert_element_type3A_146, %cond3A_147 : i32
    scf.if %cond3A_148 {
      %add3A_149 = arith.constant 9360 : i32
      %add3A_150 = arith.addi %mul3A_138, %add3A_149 : i32
      "tpu.region"() ({
        %run_scoped3A = tpu.sem_alloc : memref<!tpu.dma_semaphore, #tpu.memory_space<semaphore_mem>>
        %dma_start3A_151 = arith.constant 0 : i32
        %dma_start3A_152 = tpu.memref_slice %arg8[%add3A_150, %dma_start3A_151] : memref<20000x128xf32, #tpu.memory_space<hbm>> -> memref<640x128xf32, #tpu.memory_space<hbm>>
        %dma_start3A_153 = arith.constant 9360 : i32
        %dma_start3A_154 = arith.constant 0 : i32
        %dma_start3A_155 = tpu.memref_slice %arg17[%dma_start3A_153, %dma_start3A_154] : memref<10016x128xf32, #tpu.memory_space<vmem_shared>> -> memref<640x128xf32, #tpu.memory_space<vmem_shared>>
        tpu.enqueue_dma source(%dma_start3A_155 : memref<640x128xf32, #tpu.memory_space<vmem_shared>>) target(%dma_start3A_152 : memref<640x128xf32, #tpu.memory_space<hbm>>) target_semaphore(%run_scoped3A : memref<!tpu.dma_semaphore, #tpu.memory_space<semaphore_mem>>)
        %dma_wait3A_156 = arith.constant 0 : i32
        %dma_wait3A_157 = tpu.memref_slice %arg8[%add3A_150, %dma_wait3A_156] : memref<20000x128xf32, #tpu.memory_space<hbm>> -> memref<640x128xf32, #tpu.memory_space<hbm>>
        %dma_wait3A_158 = arith.constant 9360 : i32
        %dma_wait3A_159 = arith.constant 0 : i32
        %dma_wait3A_160 = tpu.memref_slice %arg17[%dma_wait3A_158, %dma_wait3A_159] : memref<10016x128xf32, #tpu.memory_space<vmem_shared>> -> memref<640x128xf32, #tpu.memory_space<vmem_shared>>
        tpu.wait_dma2 semaphore(%run_scoped3A : memref<!tpu.dma_semaphore, #tpu.memory_space<semaphore_mem>>) src(%dma_wait3A_160 : memref<640x128xf32, #tpu.memory_space<vmem_shared>>) dst(%dma_wait3A_157 : memref<640x128xf32, #tpu.memory_space<hbm>>)
        tpu.yield
      }) : () -> ()
    } else {
    }
    return
  }
}

module attributes {stable_mosaic.version = 14 : i64} {
  func.func @_uv_body(%arg0: memref<1x256xf32, #tpu.memory_space<vmem>>, %arg1: memref<1x256xf32, #tpu.memory_space<vmem>>, %arg2: memref<256x256xf32, #tpu.memory_space<vmem>>, %arg3: memref<1x256xf32, #tpu.memory_space<vmem>>, %arg4: memref<256x256xf32, #tpu.memory_space<vmem>>, %arg5: memref<1x256xf32, #tpu.memory_space<vmem>>, %arg6: memref<256x256xf32, #tpu.memory_space<vmem>>, %arg7: memref<1x256xf32, #tpu.memory_space<vmem>>, %arg8: memref<3x256xf32, #tpu.memory_space<vmem>>, %arg9: memref<3x256xf32, #tpu.memory_space<vmem>>) attributes {dimension_semantics = [], scalar_prefetch = 0 : i64, scratch_operands = 0 : i64, tpu.core_type = #tpu.core_type<tc>} {
    %get3A = arith.constant 0 : index
    %get3A_0 = arith.constant 0 : index
    %get3A_1 = vector.load %arg2[%get3A, %get3A_0] : memref<256x256xf32, #tpu.memory_space<vmem>>, vector<256x256xf32>
    %get3A_2 = arith.constant 0 : index
    %get3A_3 = arith.constant 0 : index
    %get3A_4 = vector.load %arg0[%get3A_2, %get3A_3] : memref<1x256xf32, #tpu.memory_space<vmem>>, vector<1x256xf32>
    %dot_general3A = arith.constant dense<0.000000e+00> : vector<1x256xf32>
    %dot_general3A_5 = tpu.matmul %get3A_4, %get3A_1, %dot_general3A {dimension_numbers = #tpu.dot_dimension_numbers<[1], [0], [0], [1], [0, 0, 1, 1], [], []>, transpose_lhs_hint = false} : vector<1x256xf32>, vector<256x256xf32>, vector<1x256xf32> -> vector<1x256xf32>
    %swap3A = arith.constant 0 : index
    %swap3A_6 = arith.constant 0 : index
    %swap3A_7 = vector.load %arg8[%swap3A, %swap3A_6] : memref<3x256xf32, #tpu.memory_space<vmem>>, vector<1x256xf32>
    tpu.vector_store %arg8[%swap3A, %swap3A_6], %dot_general3A_5 {strides = array<i32>} : memref<3x256xf32, #tpu.memory_space<vmem>>, vector<1x256xf32>,
    %get3A_8 = arith.constant 0 : index
    %get3A_9 = arith.constant 0 : index
    %get3A_10 = vector.load %arg1[%get3A_8, %get3A_9] : memref<1x256xf32, #tpu.memory_space<vmem>>, vector<1x256xf32>
    %dot_general3A_11 = arith.constant dense<0.000000e+00> : vector<1x256xf32>
    %dot_general3A_12 = tpu.matmul %get3A_10, %get3A_1, %dot_general3A_11 {dimension_numbers = #tpu.dot_dimension_numbers<[1], [0], [0], [1], [0, 0, 1, 1], [], []>, transpose_lhs_hint = false} : vector<1x256xf32>, vector<256x256xf32>, vector<1x256xf32> -> vector<1x256xf32>
    %get3A_13 = arith.constant 0 : index
    %get3A_14 = arith.constant 0 : index
    %get3A_15 = vector.load %arg3[%get3A_13, %get3A_14] : memref<1x256xf32, #tpu.memory_space<vmem>>, vector<1x256xf32>
    %add3A = arith.addf %dot_general3A_12, %get3A_15 : vector<1x256xf32>
    %swap3A_16 = arith.constant 0 : index
    %swap3A_17 = arith.constant 0 : index
    %swap3A_18 = vector.load %arg9[%swap3A_16, %swap3A_17] : memref<3x256xf32, #tpu.memory_space<vmem>>, vector<1x256xf32>
    tpu.vector_store %arg9[%swap3A_16, %swap3A_17], %add3A {strides = array<i32>} : memref<3x256xf32, #tpu.memory_space<vmem>>, vector<1x256xf32>,
    %get3A_19 = arith.constant 0 : index
    %get3A_20 = arith.constant 0 : index
    %get3A_21 = vector.load %arg4[%get3A_19, %get3A_20] : memref<256x256xf32, #tpu.memory_space<vmem>>, vector<256x256xf32>
    %get3A_22 = arith.constant 0 : index
    %get3A_23 = arith.constant 0 : index
    %get3A_24 = vector.load %arg0[%get3A_22, %get3A_23] : memref<1x256xf32, #tpu.memory_space<vmem>>, vector<1x256xf32>
    %dot_general3A_25 = arith.constant dense<0.000000e+00> : vector<1x256xf32>
    %dot_general3A_26 = tpu.matmul %get3A_24, %get3A_21, %dot_general3A_25 {dimension_numbers = #tpu.dot_dimension_numbers<[1], [0], [0], [1], [0, 0, 1, 1], [], []>, transpose_lhs_hint = false} : vector<1x256xf32>, vector<256x256xf32>, vector<1x256xf32> -> vector<1x256xf32>
    %swap3A_27 = arith.constant 1 : index
    %swap3A_28 = arith.constant 0 : index
    %swap3A_29 = vector.load %arg8[%swap3A_27, %swap3A_28] : memref<3x256xf32, #tpu.memory_space<vmem>>, vector<1x256xf32>
    tpu.vector_store %arg8[%swap3A_27, %swap3A_28], %dot_general3A_26 {strides = array<i32>} : memref<3x256xf32, #tpu.memory_space<vmem>>, vector<1x256xf32>,
    %get3A_30 = arith.constant 0 : index
    %get3A_31 = arith.constant 0 : index
    %get3A_32 = vector.load %arg1[%get3A_30, %get3A_31] : memref<1x256xf32, #tpu.memory_space<vmem>>, vector<1x256xf32>
    %dot_general3A_33 = arith.constant dense<0.000000e+00> : vector<1x256xf32>
    %dot_general3A_34 = tpu.matmul %get3A_32, %get3A_21, %dot_general3A_33 {dimension_numbers = #tpu.dot_dimension_numbers<[1], [0], [0], [1], [0, 0, 1, 1], [], []>, transpose_lhs_hint = false} : vector<1x256xf32>, vector<256x256xf32>, vector<1x256xf32> -> vector<1x256xf32>
    %get3A_35 = arith.constant 0 : index
    %get3A_36 = arith.constant 0 : index
    %get3A_37 = vector.load %arg5[%get3A_35, %get3A_36] : memref<1x256xf32, #tpu.memory_space<vmem>>, vector<1x256xf32>
    %add3A_38 = arith.addf %dot_general3A_34, %get3A_37 : vector<1x256xf32>
    %swap3A_39 = arith.constant 1 : index
    %swap3A_40 = arith.constant 0 : index
    %swap3A_41 = vector.load %arg9[%swap3A_39, %swap3A_40] : memref<3x256xf32, #tpu.memory_space<vmem>>, vector<1x256xf32>
    tpu.vector_store %arg9[%swap3A_39, %swap3A_40], %add3A_38 {strides = array<i32>} : memref<3x256xf32, #tpu.memory_space<vmem>>, vector<1x256xf32>,
    %get3A_42 = arith.constant 0 : index
    %get3A_43 = arith.constant 0 : index
    %get3A_44 = vector.load %arg6[%get3A_42, %get3A_43] : memref<256x256xf32, #tpu.memory_space<vmem>>, vector<256x256xf32>
    %get3A_45 = arith.constant 0 : index
    %get3A_46 = arith.constant 0 : index
    %get3A_47 = vector.load %arg0[%get3A_45, %get3A_46] : memref<1x256xf32, #tpu.memory_space<vmem>>, vector<1x256xf32>
    %dot_general3A_48 = arith.constant dense<0.000000e+00> : vector<1x256xf32>
    %dot_general3A_49 = tpu.matmul %get3A_47, %get3A_44, %dot_general3A_48 {dimension_numbers = #tpu.dot_dimension_numbers<[1], [0], [0], [1], [0, 0, 1, 1], [], []>, transpose_lhs_hint = false} : vector<1x256xf32>, vector<256x256xf32>, vector<1x256xf32> -> vector<1x256xf32>
    %swap3A_50 = arith.constant 2 : index
    %swap3A_51 = arith.constant 0 : index
    %swap3A_52 = vector.load %arg8[%swap3A_50, %swap3A_51] : memref<3x256xf32, #tpu.memory_space<vmem>>, vector<1x256xf32>
    tpu.vector_store %arg8[%swap3A_50, %swap3A_51], %dot_general3A_49 {strides = array<i32>} : memref<3x256xf32, #tpu.memory_space<vmem>>, vector<1x256xf32>,
    %get3A_53 = arith.constant 0 : index
    %get3A_54 = arith.constant 0 : index
    %get3A_55 = vector.load %arg1[%get3A_53, %get3A_54] : memref<1x256xf32, #tpu.memory_space<vmem>>, vector<1x256xf32>
    %dot_general3A_56 = arith.constant dense<0.000000e+00> : vector<1x256xf32>
    %dot_general3A_57 = tpu.matmul %get3A_55, %get3A_44, %dot_general3A_56 {dimension_numbers = #tpu.dot_dimension_numbers<[1], [0], [0], [1], [0, 0, 1, 1], [], []>, transpose_lhs_hint = false} : vector<1x256xf32>, vector<256x256xf32>, vector<1x256xf32> -> vector<1x256xf32>
    %get3A_58 = arith.constant 0 : index
    %get3A_59 = arith.constant 0 : index
    %get3A_60 = vector.load %arg7[%get3A_58, %get3A_59] : memref<1x256xf32, #tpu.memory_space<vmem>>, vector<1x256xf32>
    %add3A_61 = arith.addf %dot_general3A_57, %get3A_60 : vector<1x256xf32>
    %swap3A_62 = arith.constant 2 : index
    %swap3A_63 = arith.constant 0 : index
    %swap3A_64 = vector.load %arg9[%swap3A_62, %swap3A_63] : memref<3x256xf32, #tpu.memory_space<vmem>>, vector<1x256xf32>
    tpu.vector_store %arg9[%swap3A_62, %swap3A_63], %add3A_61 {strides = array<i32>} : memref<3x256xf32, #tpu.memory_space<vmem>>, vector<1x256xf32>,
    return
  }
}

module attributes {stable_mosaic.version = 14 : i64} {
  func.func @_pre_body(%arg0: i32, %arg1: memref<1000x128xf32, #tpu.memory_space<vmem>>, %arg2: memref<128x256xf32, #tpu.memory_space<vmem>>, %arg3: memref<1x256xf32, #tpu.memory_space<vmem>>, %arg4: memref<256x256xf32, #tpu.memory_space<vmem>>, %arg5: memref<1x256xf32, #tpu.memory_space<vmem>>, %arg6: memref<1000x256xf32, #tpu.memory_space<vmem>>, %arg7: memref<2x1000x128xf32, #tpu.memory_space<vmem>>) attributes {dimension_semantics = [#tpu.dimension_semantics<arbitrary>], iteration_bounds = array<i64: 10>, scalar_prefetch = 0 : i64, scratch_operands = 0 : i64, tpu.core_type = #tpu.core_type<tc>, window_params = [{transform_indices = @transform_0, window_bounds = array<i64: 1000, 128>}, {pipeline_mode = #tpu.pipeline_mode<synchronous>, transform_indices = @transform_1, window_bounds = array<i64: 128, 256>}, {pipeline_mode = #tpu.pipeline_mode<synchronous>, transform_indices = @transform_2, window_bounds = array<i64: 1, 256>}, {pipeline_mode = #tpu.pipeline_mode<synchronous>, transform_indices = @transform_3, window_bounds = array<i64: 256, 256>}, {pipeline_mode = #tpu.pipeline_mode<synchronous>, transform_indices = @transform_4, window_bounds = array<i64: 1, 256>}, {transform_indices = @transform_5, window_bounds = array<i64: 1000, 256>}, {transform_indices = @transform_6, window_bounds = array<i64: 2, 1000, 128>}]} {
    %get3A = arith.constant 0 : index
    %get3A_0 = arith.constant 0 : index
    %get3A_1 = vector.load %arg1[%get3A, %get3A_0] : memref<1000x128xf32, #tpu.memory_space<vmem>>, vector<1000x128xf32>
    %get3A_2 = arith.constant 0 : index
    %get3A_3 = arith.constant 0 : index
    %get3A_4 = vector.load %arg2[%get3A_2, %get3A_3] : memref<128x256xf32, #tpu.memory_space<vmem>>, vector<128x256xf32>
    %dot_general3A = arith.constant dense<0.000000e+00> : vector<1000x256xf32>
    %dot_general3A_5 = tpu.matmul %get3A_1, %get3A_4, %dot_general3A {dimension_numbers = #tpu.dot_dimension_numbers<[1], [0], [0], [1], [0, 0, 1, 1], [], []>, transpose_lhs_hint = false} : vector<1000x128xf32>, vector<128x256xf32>, vector<1000x256xf32> -> vector<1000x256xf32>
    %get3A_6 = arith.constant 0 : index
    %get3A_7 = arith.constant 0 : index
    %get3A_8 = vector.load %arg3[%get3A_6, %get3A_7] : memref<1x256xf32, #tpu.memory_space<vmem>>, vector<1x256xf32>
    %add3A = vector.broadcast %get3A_8 : vector<1x256xf32> to vector<1000x256xf32>
    %add3A_9 = arith.addf %dot_general3A_5, %add3A : vector<1000x256xf32>
    %swap3A = arith.constant 0 : index
    %swap3A_10 = arith.constant 0 : index
    %swap3A_11 = vector.load %arg6[%swap3A, %swap3A_10] : memref<1000x256xf32, #tpu.memory_space<vmem>>, vector<1000x256xf32>
    tpu.vector_store %arg6[%swap3A, %swap3A_10], %add3A_9 {strides = array<i32>} : memref<1000x256xf32, #tpu.memory_space<vmem>>, vector<1000x256xf32>,
    %get3A_12 = arith.constant 0 : index
    %get3A_13 = arith.constant 0 : index
    %get3A_14 = vector.load %arg4[%get3A_12, %get3A_13] : memref<256x256xf32, #tpu.memory_space<vmem>>, vector<256x256xf32>
    %dot_general3A_15 = arith.constant dense<0.000000e+00> : vector<1000x256xf32>
    %dot_general3A_16 = tpu.matmul %add3A_9, %get3A_14, %dot_general3A_15 {dimension_numbers = #tpu.dot_dimension_numbers<[1], [0], [0], [1], [0, 0, 1, 1], [], []>, transpose_lhs_hint = false} : vector<1000x256xf32>, vector<256x256xf32>, vector<1000x256xf32> -> vector<1000x256xf32>
    %get3A_17 = arith.constant 0 : index
    %get3A_18 = arith.constant 0 : index
    %get3A_19 = vector.load %arg5[%get3A_17, %get3A_18] : memref<1x256xf32, #tpu.memory_space<vmem>>, vector<1x256xf32>
    %add3A_20 = vector.broadcast %get3A_19 : vector<1x256xf32> to vector<1000x256xf32>
    %add3A_21 = arith.addf %dot_general3A_16, %add3A_20 : vector<1000x256xf32>
    %slice3A = vector.extract_strided_slice %add3A_21 {offsets = [0, 0], sizes = [1000, 128], strides = [1, 1]} : vector<1000x256xf32> to vector<1000x128xf32>
    %swap3A_22 = arith.constant 0 : index
    %swap3A_23 = arith.constant 0 : index
    %swap3A_24 = arith.constant 0 : index
    %swap3A_25 = vector.load %arg7[%swap3A_22, %swap3A_23, %swap3A_24] : memref<2x1000x128xf32, #tpu.memory_space<vmem>>, vector<1x1000x128xf32>
    %swap3A_26 = vector.shape_cast %swap3A_25 : vector<1x1000x128xf32> to vector<1000x128xf32>
    %swap3A_27 = vector.shape_cast %slice3A : vector<1000x128xf32> to vector<1x1000x128xf32>
    tpu.vector_store %arg7[%swap3A_22, %swap3A_23, %swap3A_24], %swap3A_27 {strides = array<i32>} : memref<2x1000x128xf32, #tpu.memory_space<vmem>>, vector<1x1000x128xf32>,
    %slice3A_28 = vector.extract_strided_slice %add3A_21 {offsets = [0, 128], sizes = [1000, 128], strides = [1, 1]} : vector<1000x256xf32> to vector<1000x128xf32>
    %swap3A_29 = arith.constant 1 : index
    %swap3A_30 = arith.constant 0 : index
    %swap3A_31 = arith.constant 0 : index
    %swap3A_32 = vector.load %arg7[%swap3A_29, %swap3A_30, %swap3A_31] : memref<2x1000x128xf32, #tpu.memory_space<vmem>>, vector<1x1000x128xf32>
    %swap3A_33 = vector.shape_cast %swap3A_32 : vector<1x1000x128xf32> to vector<1000x128xf32>
    %swap3A_34 = vector.shape_cast %slice3A_28 : vector<1000x128xf32> to vector<1x1000x128xf32>
    tpu.vector_store %arg7[%swap3A_29, %swap3A_30, %swap3A_31], %swap3A_34 {strides = array<i32>} : memref<2x1000x128xf32, #tpu.memory_space<vmem>>, vector<1x1000x128xf32>,
    return
  }
  func.func @transform_0(%arg0: i32) -> (i32, i32) {
    %c0_i32 = arith.constant 0 : i32
    %c0_i32_0 = arith.constant 0 : i32
    return %arg0, %c0_i32 : i32, i32
  }
  func.func @transform_1(%arg0: i32) -> (i32, i32) {
    %c0_i32 = arith.constant 0 : i32
    %c0_i32_0 = arith.constant 0 : i32
    %c0_i32_1 = arith.constant 0 : i32
    return %c0_i32, %c0_i32_0 : i32, i32
  }
  func.func @transform_2(%arg0: i32) -> (i32, i32) {
    %c0_i32 = arith.constant 0 : i32
    %c0_i32_0 = arith.constant 0 : i32
    %c0_i32_1 = arith.constant 0 : i32
    return %c0_i32, %c0_i32_0 : i32, i32
  }
  func.func @transform_3(%arg0: i32) -> (i32, i32) {
    %c0_i32 = arith.constant 0 : i32
    %c0_i32_0 = arith.constant 0 : i32
    %c0_i32_1 = arith.constant 0 : i32
    return %c0_i32, %c0_i32_0 : i32, i32
  }
  func.func @transform_4(%arg0: i32) -> (i32, i32) {
    %c0_i32 = arith.constant 0 : i32
    %c0_i32_0 = arith.constant 0 : i32
    %c0_i32_1 = arith.constant 0 : i32
    return %c0_i32, %c0_i32_0 : i32, i32
  }
  func.func @transform_5(%arg0: i32) -> (i32, i32) {
    %c0_i32 = arith.constant 0 : i32
    %c0_i32_0 = arith.constant 0 : i32
    return %arg0, %c0_i32 : i32, i32
  }
  func.func @transform_6(%arg0: i32) -> (i32, i32, i32) {
    %c0_i32 = arith.constant 0 : i32
    %c0_i32_0 = arith.constant 0 : i32
    %c0_i32_1 = arith.constant 0 : i32
    return %c0_i32, %arg0, %c0_i32_0 : i32, i32, i32
  }
}

module attributes {stable_mosaic.version = 14 : i64} {
  func.func @_mid_body(%arg0: i32, %arg1: memref<1000x256xf32, #tpu.memory_space<vmem>>, %arg2: memref<2x1000x128xf32, #tpu.memory_space<vmem>>, %arg3: memref<256x256xf32, #tpu.memory_space<vmem>>, %arg4: memref<1x256xf32, #tpu.memory_space<vmem>>, %arg5: memref<1000x256xf32, #tpu.memory_space<vmem>>, %arg6: memref<2x1000x128xf32, #tpu.memory_space<vmem>>) attributes {dimension_semantics = [#tpu.dimension_semantics<arbitrary>], iteration_bounds = array<i64: 10>, scalar_prefetch = 0 : i64, scratch_operands = 0 : i64, tpu.core_type = #tpu.core_type<tc>, window_params = [{transform_indices = @transform_0, window_bounds = array<i64: 1000, 256>}, {transform_indices = @transform_1, window_bounds = array<i64: 2, 1000, 128>}, {pipeline_mode = #tpu.pipeline_mode<synchronous>, transform_indices = @transform_2, window_bounds = array<i64: 256, 256>}, {pipeline_mode = #tpu.pipeline_mode<synchronous>, transform_indices = @transform_3, window_bounds = array<i64: 1, 256>}, {transform_indices = @transform_4, window_bounds = array<i64: 1000, 256>}, {transform_indices = @transform_5, window_bounds = array<i64: 2, 1000, 128>}]} {
    %get3A = arith.constant 0 : index
    %get3A_0 = arith.constant 0 : index
    %get3A_1 = vector.load %arg1[%get3A, %get3A_0] : memref<1000x256xf32, #tpu.memory_space<vmem>>, vector<1000x256xf32>
    %get3A_2 = arith.constant 0 : index
    %get3A_3 = arith.constant 0 : index
    %get3A_4 = arith.constant 0 : index
    %get3A_5 = vector.load %arg2[%get3A_2, %get3A_3, %get3A_4] : memref<2x1000x128xf32, #tpu.memory_space<vmem>>, vector<1x1000x128xf32>
    %get3A_6 = vector.shape_cast %get3A_5 : vector<1x1000x128xf32> to vector<1000x128xf32>
    %get3A_7 = arith.constant 1 : index
    %get3A_8 = arith.constant 0 : index
    %get3A_9 = arith.constant 0 : index
    %get3A_10 = vector.load %arg2[%get3A_7, %get3A_8, %get3A_9] : memref<2x1000x128xf32, #tpu.memory_space<vmem>>, vector<1x1000x128xf32>
    %get3A_11 = vector.shape_cast %get3A_10 : vector<1x1000x128xf32> to vector<1000x128xf32>
    %concatenate3A = tpu.concatenate %get3A_6, %get3A_11 in 1 : vector<1000x128xf32>, vector<1000x128xf32> -> vector<1000x256xf32>
    %add3A = arith.addf %get3A_1, %concatenate3A : vector<1000x256xf32>
    %swap3A = arith.constant 0 : index
    %swap3A_12 = arith.constant 0 : index
    %swap3A_13 = vector.load %arg5[%swap3A, %swap3A_12] : memref<1000x256xf32, #tpu.memory_space<vmem>>, vector<1000x256xf32>
    tpu.vector_store %arg5[%swap3A, %swap3A_12], %add3A {strides = array<i32>} : memref<1000x256xf32, #tpu.memory_space<vmem>>, vector<1000x256xf32>,
    %get3A_14 = arith.constant 0 : index
    %get3A_15 = arith.constant 0 : index
    %get3A_16 = vector.load %arg3[%get3A_14, %get3A_15] : memref<256x256xf32, #tpu.memory_space<vmem>>, vector<256x256xf32>
    %dot_general3A = arith.constant dense<0.000000e+00> : vector<1000x256xf32>
    %dot_general3A_17 = tpu.matmul %add3A, %get3A_16, %dot_general3A {dimension_numbers = #tpu.dot_dimension_numbers<[1], [0], [0], [1], [0, 0, 1, 1], [], []>, transpose_lhs_hint = false} : vector<1000x256xf32>, vector<256x256xf32>, vector<1000x256xf32> -> vector<1000x256xf32>
    %get3A_18 = arith.constant 0 : index
    %get3A_19 = arith.constant 0 : index
    %get3A_20 = vector.load %arg4[%get3A_18, %get3A_19] : memref<1x256xf32, #tpu.memory_space<vmem>>, vector<1x256xf32>
    %add3A_21 = vector.broadcast %get3A_20 : vector<1x256xf32> to vector<1000x256xf32>
    %add3A_22 = arith.addf %dot_general3A_17, %add3A_21 : vector<1000x256xf32>
    %slice3A = vector.extract_strided_slice %add3A_22 {offsets = [0, 0], sizes = [1000, 128], strides = [1, 1]} : vector<1000x256xf32> to vector<1000x128xf32>
    %swap3A_23 = arith.constant 0 : index
    %swap3A_24 = arith.constant 0 : index
    %swap3A_25 = arith.constant 0 : index
    %swap3A_26 = vector.load %arg6[%swap3A_23, %swap3A_24, %swap3A_25] : memref<2x1000x128xf32, #tpu.memory_space<vmem>>, vector<1x1000x128xf32>
    %swap3A_27 = vector.shape_cast %swap3A_26 : vector<1x1000x128xf32> to vector<1000x128xf32>
    %swap3A_28 = vector.shape_cast %slice3A : vector<1000x128xf32> to vector<1x1000x128xf32>
    tpu.vector_store %arg6[%swap3A_23, %swap3A_24, %swap3A_25], %swap3A_28 {strides = array<i32>} : memref<2x1000x128xf32, #tpu.memory_space<vmem>>, vector<1x1000x128xf32>,
    %slice3A_29 = vector.extract_strided_slice %add3A_22 {offsets = [0, 128], sizes = [1000, 128], strides = [1, 1]} : vector<1000x256xf32> to vector<1000x128xf32>
    %swap3A_30 = arith.constant 1 : index
    %swap3A_31 = arith.constant 0 : index
    %swap3A_32 = arith.constant 0 : index
    %swap3A_33 = vector.load %arg6[%swap3A_30, %swap3A_31, %swap3A_32] : memref<2x1000x128xf32, #tpu.memory_space<vmem>>, vector<1x1000x128xf32>
    %swap3A_34 = vector.shape_cast %swap3A_33 : vector<1x1000x128xf32> to vector<1000x128xf32>
    %swap3A_35 = vector.shape_cast %slice3A_29 : vector<1000x128xf32> to vector<1x1000x128xf32>
    tpu.vector_store %arg6[%swap3A_30, %swap3A_31, %swap3A_32], %swap3A_35 {strides = array<i32>} : memref<2x1000x128xf32, #tpu.memory_space<vmem>>, vector<1x1000x128xf32>,
    return
  }
  func.func @transform_0(%arg0: i32) -> (i32, i32) {
    %c0_i32 = arith.constant 0 : i32
    %c0_i32_0 = arith.constant 0 : i32
    return %arg0, %c0_i32 : i32, i32
  }
  func.func @transform_1(%arg0: i32) -> (i32, i32, i32) {
    %c0_i32 = arith.constant 0 : i32
    %c0_i32_0 = arith.constant 0 : i32
    %c0_i32_1 = arith.constant 0 : i32
    return %c0_i32, %arg0, %c0_i32_0 : i32, i32, i32
  }
  func.func @transform_2(%arg0: i32) -> (i32, i32) {
    %c0_i32 = arith.constant 0 : i32
    %c0_i32_0 = arith.constant 0 : i32
    %c0_i32_1 = arith.constant 0 : i32
    return %c0_i32, %c0_i32_0 : i32, i32
  }
  func.func @transform_3(%arg0: i32) -> (i32, i32) {
    %c0_i32 = arith.constant 0 : i32
    %c0_i32_0 = arith.constant 0 : i32
    %c0_i32_1 = arith.constant 0 : i32
    return %c0_i32, %c0_i32_0 : i32, i32
  }
  func.func @transform_4(%arg0: i32) -> (i32, i32) {
    %c0_i32 = arith.constant 0 : i32
    %c0_i32_0 = arith.constant 0 : i32
    return %arg0, %c0_i32 : i32, i32
  }
  func.func @transform_5(%arg0: i32) -> (i32, i32, i32) {
    %c0_i32 = arith.constant 0 : i32
    %c0_i32_0 = arith.constant 0 : i32
    %c0_i32_1 = arith.constant 0 : i32
    return %c0_i32, %arg0, %c0_i32_0 : i32, i32, i32
  }
}

module attributes {stable_mosaic.version = 14 : i64} {
  func.func @_final_body(%arg0: memref<10000x256xf32, #tpu.memory_space<vmem>>, %arg1: memref<2x10000x128xf32, #tpu.memory_space<vmem>>, %arg2: memref<256x1xf32, #tpu.memory_space<vmem>>, %arg3: memref<1x1xf32, #tpu.memory_space<vmem>>, %arg4: memref<100x1xf32, #tpu.memory_space<vmem>>, %arg5: memref<1x1xf32, #tpu.memory_space<vmem>>) attributes {dimension_semantics = [], scalar_prefetch = 0 : i64, scratch_operands = 0 : i64, tpu.core_type = #tpu.core_type<tc>} {
    %get3A = arith.constant 0 : index
    %get3A_0 = arith.constant 0 : index
    %get3A_1 = vector.load %arg0[%get3A, %get3A_0] : memref<10000x256xf32, #tpu.memory_space<vmem>>, vector<10000x256xf32>
    %get3A_2 = arith.constant 0 : index
    %get3A_3 = arith.constant 0 : index
    %get3A_4 = arith.constant 0 : index
    %get3A_5 = vector.load %arg1[%get3A_2, %get3A_3, %get3A_4] : memref<2x10000x128xf32, #tpu.memory_space<vmem>>, vector<1x10000x128xf32>
    %get3A_6 = vector.shape_cast %get3A_5 : vector<1x10000x128xf32> to vector<10000x128xf32>
    %get3A_7 = arith.constant 1 : index
    %get3A_8 = arith.constant 0 : index
    %get3A_9 = arith.constant 0 : index
    %get3A_10 = vector.load %arg1[%get3A_7, %get3A_8, %get3A_9] : memref<2x10000x128xf32, #tpu.memory_space<vmem>>, vector<1x10000x128xf32>
    %get3A_11 = vector.shape_cast %get3A_10 : vector<1x10000x128xf32> to vector<10000x128xf32>
    %concatenate3A = tpu.concatenate %get3A_6, %get3A_11 in 1 : vector<10000x128xf32>, vector<10000x128xf32> -> vector<10000x256xf32>
    %add3A = arith.addf %get3A_1, %concatenate3A : vector<10000x256xf32>
    %reshape3A = vector.shape_cast %add3A : vector<10000x256xf32> to vector<100x100x256xf32>
    %reduce_sum3A = arith.constant dense<0.000000e+00> : vector<100x256xf32>
    %reduce_sum3A_12 = vector.multi_reduction <add>, %reshape3A, %reduce_sum3A [1] : vector<100x100x256xf32> to vector<100x256xf32>
    %get3A_13 = arith.constant 0 : index
    %get3A_14 = arith.constant 0 : index
    %get3A_15 = vector.load %arg2[%get3A_13, %get3A_14] : memref<256x1xf32, #tpu.memory_space<vmem>>, vector<256x1xf32>
    %dot_general3A = arith.constant dense<0.000000e+00> : vector<100x1xf32>
    %dot_general3A_16 = tpu.matmul %reduce_sum3A_12, %get3A_15, %dot_general3A {dimension_numbers = #tpu.dot_dimension_numbers<[1], [0], [0], [1], [0, 0, 1, 1], [], []>, transpose_lhs_hint = false} : vector<100x256xf32>, vector<256x1xf32>, vector<100x1xf32> -> vector<100x1xf32>
    %mul3A = arith.constant 0.00999999977 : f32
    %mul3A_17 = vector.broadcast %mul3A : f32 to vector<100x1xf32>
    %mul3A_18 = arith.mulf %dot_general3A_16, %mul3A_17 : vector<100x1xf32>
    %get3A_19 = arith.constant 0 : index
    %get3A_20 = arith.constant 0 : index
    %get3A_21 = vector.load %arg3[%get3A_19, %get3A_20] : memref<1x1xf32, #tpu.memory_space<vmem>>, vector<1x1xf32>
    %add3A_22 = vector.broadcast %get3A_21 : vector<1x1xf32> to vector<100x1xf32>
    %add3A_23 = arith.addf %mul3A_18, %add3A_22 : vector<100x1xf32>
    %get3A_24 = arith.constant 0 : index
    %get3A_25 = arith.constant 0 : index
    %get3A_26 = vector.load %arg4[%get3A_24, %get3A_25] : memref<100x1xf32, #tpu.memory_space<vmem>>, vector<100x1xf32>
    %sub3A = arith.subf %add3A_23, %get3A_26 : vector<100x1xf32>
    %mul3A_27 = arith.mulf %sub3A, %sub3A : vector<100x1xf32>
    %reduce_sum3A_28 = vector.shape_cast %mul3A_27 : vector<100x1xf32> to vector<1x100x1xf32>
    %reduce_sum3A_29 = arith.constant dense<0.000000e+00> : vector<1xf32>
    %reduce_sum3A_30 = vector.multi_reduction <add>, %reduce_sum3A_28, %reduce_sum3A_29 [1, 2] : vector<1x100x1xf32> to vector<1xf32>
    %reduce_sum3A_31 = vector.shape_cast %reduce_sum3A_30 : vector<1xf32> to vector<1x1x1xf32>
    %reduce_sum3A_32 = vector.extract %reduce_sum3A_31[0, 0, 0] : f32 from vector<1x1x1xf32>
    %reshape3A_33 = vector.broadcast %reduce_sum3A_32 : f32 to vector<1x1xf32>
    %mul3A_34 = arith.constant 0.00999999977 : f32
    %mul3A_35 = vector.broadcast %mul3A_34 : f32 to vector<1x1xf32>
    %mul3A_36 = arith.mulf %reshape3A_33, %mul3A_35 : vector<1x1xf32>
    %swap3A = arith.constant 0 : index
    %swap3A_37 = arith.constant 0 : index
    %swap3A_38 = vector.load %arg5[%swap3A, %swap3A_37] : memref<1x1xf32, #tpu.memory_space<vmem>>, vector<1x1xf32>
    tpu.vector_store %arg5[%swap3A, %swap3A_37], %mul3A_36 {strides = array<i32>} : memref<1x1xf32, #tpu.memory_space<vmem>>, vector<1x1xf32>,
    return
  }
}

</mosaic_0001>

<sc_bundles>
// kernel: kernel.10.cloned.1.call-start
scs
__scs_entry_jumppad:
0x0: {  	(pc) =	sbr.rel $0x88, $3  }
0x1: {  	(tag) =	ssettag $0x0;
	lr =	simm.s32 $0x1  }
0x2: {  	[smem:$0x3F91] =	sst lr;
	_ =	strace $0xD0000000  }
0x3: {  	_ = 	snop  }
0x4: {  	_ = 	snop  }
0x5: {  	_ = 	snop  }
0x6: {  	_ = 	snop  }
0x7: {  	_ = 	snop  }
__scs_overlays_trampoline_lowered:
0x8: {  	[smem:$0x3FA0] =	sst s0  }
0x9: {  	[smem:$0x3FA1] =	sst s1  }
0xa: {  	[smem:$0x3FA2] =	sst s2  }
0xb: {  	[smem:$0x3FA3] =	sst s3  }
0xc: {  	[smem:$0x3FA4] =	sst s4  }
0xd: {  	[smem:$0x3FA5] =	sst s5  }
0xe: {  	[smem:$0x3FA6] =	sst s6  }
0xf: {  	[smem:$0x3FA7] =	sst s7  }
0x10: {  	[smem:$0x3FA8] =	sst s8  }
0x11: {  	[smem:$0x3FA9] =	sst s9;
	s0 =	simm.s32 @!p0 $0x0  }
0x12: {  	s1 =	sld [smem:$0x3F8F];
	s0 =	simm.s32 @p0 $0x1  }
0x13: {  	[smem:$0x3FAA] =	sst s0;
	s0 =	simm.s32 @!p1 $0x0  }
0x14: {  	s2 =	sld [smem:$0x3F8E];
	s0 =	simm.s32 @p1 $0x1  }
0x15: {  	[smem:$0x3FAB] =	sst s0;
	s0 =	simm.s32 @!p2 $0x0  }
0x16: {  	s3 =	sld [smem:$0x3FDB];
	s0 =	simm.s32 @p2 $0x1  }
0x17: {  	s4 =	simm.s32 $0x1BF5;
	[smem:$0x3FAD] =	sst s0  }
0x18: {  	s0 =	sld [smem:$0x3F90];
	_ =	swait.ge [sflag:s4], $0x0  }
0x19: {  	s7 =	sld [smem:$0x3F91]  }
0x1a: {  	s8 =	sadd.s32 $0xFFFFE003, lr  }
0x1b: {  	s9 =	sadd.s32 $0xFFFFFEF7, lr;
	s5 =	simm.s32 $0xFFFFFFFF;
	p2 =	slt.u32 s8, $0xFFFFF086  }
0x1c: {  	p1 =	slt.u32 s9, $0xF7A;
	s5 =	simm.s32 @!p2 $0x0  }
0x1d: {  	s5 =	simm.s32 @p1 $0x1;
	p0 =	seq.s32 s7, s2  }
0x1e: {  	s7 =	smul.u32 @!p0 $0xF7A, s2;
	p2 =	seq.s32 @!p0 s5, $0x0  }
0x1f: {  	s9 =	smul.u32 $0xF7A, s1;
	s8 =	simm.s32 @!p0 $0x1BF5;
	p2 =	por !p2, p0  }
0x20: {  	[sflag:s8] =	ssyncset.s32 @!p0 $0xFFFFF086;
	s6 =	sadd.s32 @!p0 s3, s7;
	s7 =	simm.s32 @!p0 $0x108  }
0x21: {  	s3 =	sadd.s32 s3, s9;
	s6 =	sadd.s32 @!p0 $0x88, s6;
	s7 =	simm.s32 @p2 $0x1082  }
0x22: {  	[simem:s7], [sflag:s8] =	dma.local @!p0 [hbm:s6], $0xF7A  }
0x23: {  	s9 =	sor.u32 $0xD0000000, s2;
	s6 =	simm.s32 $0x108;
	_ =	swait.ge @!p0 [sflag:s8], $0x0  }
0x24: {  	s3 =	sadd.s32 $0x88, s3;
	s6 =	simm.s32 @!p1 $0x1082;
	[sflag:s4] =	ssyncset.s32 $0xFFFFF086  }
0x25: {  	[simem:s6], [sflag:s4] =	dma.local [hbm:s3], $0xF7A  }
0x26: {  	[smem:$0x3F91] =	sst s1;
	(tag) =	ssettag s2;
	_ =	strace s9  }
0x27: {  	s1 =	sld [smem:$0x3FA1]  }
0x28: {  	s2 =	sld [smem:$0x3FA2]  }
0x29: {  	s4 =	sld [smem:$0x3FA4]  }
0x2a: {  	p0 =	seq.s32 s5, $0x0;
	s5 =	sld [smem:$0x3FA5]  }
0x2b: {  	s6 =	sld [smem:$0x3FA6]  }
0x2c: {  	s7 =	sld [smem:$0x3FA7]  }
0x2d: {  	s3 =	simm.s32 $0x108;
	s8 =	sld [smem:$0x3FA8]  }
0x2e: {  	s3 =	simm.s32 @!p0 $0x1082;
	s9 =	sld [smem:$0x3FA9]  }
0x2f: {  	lr =	sadd.s32 s0, s3;
	s0 =	sld [smem:$0x3FA0]  }
0x30: {  	s3 =	sld [smem:$0x3FA3]  }
0x31: {  	[smem:$0x3FAC] =	sst s10  }
0x32: {  	s10 =	sld [smem:$0x3FAA];
	_ =	sdelay $0x3  }
0x33: {  	p0 =	seq.s32 s10, $0x1;
	s10 =	sld [smem:$0x3FAC];
	_ =	sdelay $0x3  }
0x34: {  	[smem:$0x3FAC] =	sst s10  }
0x35: {  	s10 =	sld [smem:$0x3FAB];
	_ =	sdelay $0x3  }
0x36: {  	p1 =	seq.s32 s10, $0x1;
	s10 =	sld [smem:$0x3FAC];
	_ =	sdelay $0x3  }
0x37: {  	[smem:$0x3FAC] =	sst s10  }
0x38: {  	s10 =	sld [smem:$0x3FAD]  }
0x39: {  	_ = 	snop;
	(pc) =	sbr.ind lr, $3  }
0x3a: {  	_ = 	snop  }
0x3b: {  	_ = 	snop  }
0x3c: {  	p2 =	seq.s32 s10, $0x1;
	s10 =	sld [smem:$0x3FAC]  }
0x3d: {  	_ =	shalt  }
0x3e: {  	_ =	shalt  }
0x3f: {  	_ =	shalt  }
0x40: {  	_ =	shalt  }
0x41: {  	_ =	shalt  }
0x42: {  	_ =	shalt  }
0x43: {  	_ =	shalt  }
0x44: {  	_ =	shalt  }
0x45: {  	_ =	shalt  }
0x46: {  	_ =	shalt  }
0x47: {  	_ =	shalt  }
0x48: {  	_ =	shalt  }
0x49: {  	_ =	shalt  }
0x4a: {  	_ =	shalt  }
0x4b: {  	_ =	shalt  }
0x4c: {  	_ =	shalt  }
0x4d: {  	_ =	shalt  }
0x4e: {  	_ =	shalt  }
0x4f: {  	_ =	shalt  }
0x50: {  	_ =	shalt  }
0x51: {  	_ =	shalt  }
0x52: {  	_ =	shalt  }
0x53: {  	_ =	shalt  }
0x54: {  	_ =	shalt  }
0x55: {  	_ =	shalt  }
0x56: {  	_ =	shalt  }
0x57: {  	_ =	shalt  }
0x58: {  	_ =	shalt  }
0x59: {  	_ =	shalt  }
0x5a: {  	_ =	shalt  }
0x5b: {  	_ =	shalt  }
0x5c: {  	_ =	shalt  }
0x5d: {  	_ =	shalt  }
0x5e: {  	_ =	shalt  }
0x5f: {  	_ =	shalt  }
0x60: {  	_ =	shalt  }
0x61: {  	_ =	shalt  }
0x62: {  	_ =	shalt  }
0x63: {  	_ =	shalt  }
0x64: {  	_ =	shalt  }
0x65: {  	_ =	shalt  }
0x66: {  	_ =	shalt  }
0x67: {  	_ =	shalt  }
0x68: {  	_ =	shalt  }
0x69: {  	_ =	shalt  }
0x6a: {  	_ =	shalt  }
0x6b: {  	_ =	shalt  }
0x6c: {  	_ =	shalt  }
0x6d: {  	_ =	shalt  }
0x6e: {  	_ =	shalt  }
0x6f: {  	_ =	shalt  }
0x70: {  	_ =	shalt  }
0x71: {  	_ =	shalt  }
0x72: {  	_ =	shalt  }
0x73: {  	_ =	shalt  }
0x74: {  	_ =	shalt  }
0x75: {  	_ =	shalt  }
0x76: {  	_ =	shalt  }
0x77: {  	_ =	shalt  }
0x78: {  	_ =	shalt  }
0x79: {  	_ =	shalt  }
0x7a: {  	_ =	shalt  }
0x7b: {  	_ =	shalt  }
0x7c: {  	_ =	shalt  }
0x7d: {  	_ =	shalt  }
0x7e: {  	_ =	shalt  }
0x7f: {  	_ =	shalt  }
0x80: {  	_ =	shalt  }
0x81: {  	_ =	shalt  }
0x82: {  	_ =	shalt  }
0x83: {  	_ =	shalt  }
0x84: {  	_ =	shalt  }
0x85: {  	_ =	shalt  }
0x86: {  	_ =	shalt  }
0x87: {  	_ =	shalt  }
.Lfunc_end0:
.L_simem_size_0:
called_computation_lowered:
.L_overlay_start_0:
0x88: {  	s2 =	sld [smem:$0x3FD9]  }
0x89: {  	s3 =	sld [smem:$0x3FFE];
	_ =	sdelay $0x1  }
0x8a: {  	s1 =	srdreg.scid  }
0x8b: {  	s0 =	sand.u32 $0x1, s1  }
0x8c: {  	s16 =	sshll.u32 s0, $0xA;
	s2 =	sadd.s32 s3, s2  }
0x8d: {  	s2 =	sadd.s32 s2, s16  }
0x8e: {  	[smem:$0x3FB8] =	sst s2  }
0x8f: {  	_ = 	snop  }
0x90: {  	(tm) =	ssettm $0x1  }
0x91: {  	s17 =	sld [smem:$0x3FFB];
	_ =	sdelay $0x3  }
0x92: {  	_ =	strace s17  }
0x93: {  	s2 =	sld [smem:$0x3FFC];
	_ =	sdelay $0x3  }
0x94: {  	_ =	strace s2  }
0x95: {  	s2 =	sld [smem:$0x3FFD];
	_ =	sdelay $0x3  }
0x96: {  	_ =	strace s2  }
0x97: {  	_ =	strace $0x8FFFFFFF  }
0x98: {  	s18 =	sld [smem:$0x3FDB];
	_ =	sdelay $0x1  }
0x99: {  	s19 =	simm.s32 $_scs_section_size  }
0x9a: {  	s4 =	simm.s32 $_size__tile_overlayer_lowered;
	s5 =	simm.s32 $_tile_overlayer_lowered  }
0x9b: {  	s22 =	simm.s32 $0x1BFF;
	s21 =	sshll.u32 s5, $0x1;
	s2 =	sadd.s32 s19, s18  }
0x9c: {  	s6 =	simm.s32 $0x0;
	s20 =	sshll.u32 s4, $0x1;
	s4 =	sadd.s32 s21, s2  }
0x9d: {  	[timem:s6], [sflag:s22] =	dma.local [hbm:s4], s20  }
0x9e: {  	_ =	swait.ge [sflag:s22], s20  }
0x9f: {  	s3 =	ssub.s32 $0x0, s20;
	[sflag:s22] =	ssyncset.done $0x0  }
0xa0: {  	[sflag:s22] =	ssyncadd.s32 s3;
	_ =	sdelay $0x1  }
0xa1: {  	s23 =	simm.s32 $0x1B8B  }
0xa2: {  	_ =	swait.ge [sflag:s23], $0x1  }
0xa3: {  	[sflag:s23] =	ssyncset.done $0x0  }
0xa4: {  	s25 =	simm.s32 $0x1B8E;
	s24 =	sld [smem:$0x3FFE];
	[sflag:s23] =	ssyncadd.s32 $0xFFFFFFFF  }
0xa5: {  	s26 =	simm.s32 $execute0_lowered;
	[smem:$0x3FD2] =	sst s25  }
0xa6: {  	s4 =	sshll.u32 s26, $0x1;
	_ =	strace $0x80000046;
	[dreg:$0x1] =	wrdreg $0xFFFFFFFF  }
0xa7: {  	s28 =	simm.s32 $_size_execute0_lowered;
	s2 =	sadd.s32 s2, s4;
	[dreg:$0x0] =	wrdreg $0x0  }
0xa8: {  	s4 =	sshll.u32 s28, $0x1;
	[dreg:$0x2] =	wrdreg s2  }
0xa9: {  	[dreg:$0x3] =	wrdreg s4  }
0xaa: {  	[dreg:$0x4] =	wrdreg $0xC0  }
0xab: {  	_ =	task [dreg:s6], $0x5FFFF  }
0xac: {  	[dreg:$0x1] =	wrdreg $0xFFFFFFFF  }
0xad: {  	[dreg:$0x0] =	wrdreg $0x60  }
0xae: {  	[dreg:$0x2] =	wrdreg s24  }
0xaf: {  	[dreg:$0x3] =	wrdreg $0xA6200  }
0xb0: {  	[dreg:$0x4] =	wrdreg $0x9  }
0xb1: {  	_ =	task.clear_ibuf [dreg:s6], $0x5FFFF;
	_ =	strace $0x90000046  }
0xb2: {  	s29 =	simm.s32 $0x9;
	_ =	strace $0x80000048  }
0xb3: {  	_ =	swait.ge [sflag:s29], $0x1  }
0xb4: {  	[sflag:s29] =	ssyncadd.s32 $0xFFFFFFFF  }
0xb5: {  	_ =	strace $0x90000048  }
0xb6: {  	_ =	sfence  }
0xb7: {  	s30 =	sld [smem:$0x0];
	_ =	sdelay $0x2  }
0xb8: {  	s31 =	sshll.u32 s1, $0xD;
	s1 =	sshrl.u32 s1, $0x2  }
0xb9: {  	s3 =	sand.u32 $0x4000, s31;
	s1 =	sadd.s32 s1, s30  }
0xba: {  	s0 =	sor.u32 s3, s0;
	s1 =	sshll.u32 s1, $0x11  }
0xbb: {  	s0 =	sor.u32 s1, s0  }
0xbc: {  	s0 =	sadd.s32 $0x8F2B, s0  }
0xbd: {  	[sflag:s0] =	ssyncadd.remote.s32 $0x1  }
0xbe: {  	_ =	sfence.sel $0xFFFF  }
0xbf: {  	[dreg:$0x0] =	wrdreg $0xFFFFFFFF;
	(pc) =	sbr.abs _section_cstart, $3  }
0xc0: {  	[dreg:$0x1] =	wrdreg $0xFFFFFFFF  }
0xc1: {  	_ =	task.clear_ibuf [dreg:s6], $0x2FFFF;
	_ =	strace $0x9FFFFFFF  }
0xc2: {  	(tm) =	ssettm $0x7FFFFFFF  }
0xc3: {  	_ =	shalt  }
tec
execute0_lowered:
.L_overlay_start_1:
0x0: {  	(tag) =	ssettag $0x1  }
0x1: {  	s0 =	rddreg [dreg:$0x0]  }
0x2: {  	s1 =	rddreg [dreg:$0x1]  }
0x3: {  	s3 =	srdreg.scid;
	s2 =	simm.s32 $0x0;
	s28 =	simm.s32 $0x50  }
0x4: {  	s29 =	simm.s32 $0x2DA0;
	s3 =	sand.u32 $0x1, s3;
	[smem:$0x7FF] =	sst s2  }
0x5: {  	s30 =	simm.s32 $0x4;
	s2 =	stileid.u32;
	s5 =	smul.u32 $0x9D80, s3  }
0x6: {  	s31 =	simm.s32 $0x55A0;
	s9 =	sadd.s32 $0xC7800, s0;
	s10 =	smul.u32 $0x4E000, s2  }
0x7: {  	_ =	strace $0x80000047;
	[dreg:$0x3] =	wrdreg s9;
	s9 =	smul.u32 $0x4EC0, s2  }
0x8: {  	s20 =	simm.s32 $0x7DA0;
	s4 =	sadd.s32 $0x2B400, s0;
	s14 =	smul.u32 $0x9D8, s2  }
0x9: {  	s6 =	sadd.s32 $0x21600, s0;
	s15 =	sadd.s32 $0x124800, s1;
	s21 =	smul.u32 $0x27100, s3  }
0xa: {  	s7 =	sshll.u32 s3, $0x4;
	s12 =	ssub.s32 $0x2, s3;
	s3 =	smul.u32 $0x138800, s3  }
0xb: {  	s22 =	smul.u32 $0x2700, s2;
	p0 =	seq.s32 s2, $0xF;
	s11 =	sadd.s32 s7, s0  }
0xc: {  	s7 =	smul.u32 $0xFC, s2;
	s13 =	sshrl.u32 s12, $0x1;
	s8 =	sadd.s32 s5, s0  }
0xd: {  	s5 =	sadd.s32 $0x17800, s0;
	s0 =	sadd.s32 $0xCA200, s0;
	s12 =	ssub.s32 s12, s13  }
0xe: {  	s10 =	sshrl.u32 s10, $0x2;
	s11 =	sadd.s32 $0x17200, s11;
	s23 =	sshrl.u32 s9, $0x3  }
0xf: {  	s3 =	sshrl.u32 s3, $0x3;
	[dreg:$0x4] =	wrdreg s11;
	s16 =	sadd.s32 s5, s14  }
0x10: {  	s10 =	sadd.s32 s10, s1;
	s25 =	smax.u32 s12, $0x1;
	[dreg:$0x5] =	wrdreg s16  }
0x11: {  	s11 =	sadd.s32 $0x3600, s8;
	s12 =	sshrl.u32 @p0 s15, $0x3;
	[dreg:$0x9] =	wrdreg s25  }
0x12: {  	s8 =	sadd.s32 s22, s21;
	s16 =	sadd.s32 s6, s23;
	[dreg:$0xa] =	wrdreg s12  }
0x13: {  	s3 =	sadd.s32 s0, s3;
	s0 =	sadd.s32 s0, s8;
	[dreg:$0x6] =	wrdreg s16  }
0x14: {  	s24 =	sadd.s32 $0x24900, s3;
	s10 =	sshrl.u32 @!p0 s10, $0x3;
	[dreg:$0x7] =	wrdreg s0  }
0x15: {  	s26 =	sadd.s32 s14, s11;
	s25 =	simm.s32 $0x1;
	[dreg:$0x8] =	wrdreg s24  }
0x16: {  	s3 =	simm.s32 $0x6;
	s0 =	sshll.u32 @!p0 s2, $0x6;
	[dreg:$0xd] =	wrdreg s26  }
0x17: {  	s24 =	simm.s32 $0x3C0;
	[dreg:$0xc] =	wrdreg s10;
	s13 =	sor.u32 @!p0 $0x1C08, s0  }
0x18: {  	s26 =	simm.s32 $0x0;
	s0 =	simm.s32 $0x5;
	[dreg:$0xb] =	wrdreg s13  }
.LBB2_1:
0x19: {  	s8 =	simm.s32 @p0 $0x1FC8;
	s2 =	rddreg [dreg:$0x3]  }
0x1a: {  	[spmem:s12], [sflag:s8] =	dma.local @p0 [hbm:s2], $0x2900  }
0x1b: {  	s8 =	simm.s32 @p0 $0x8  }
0x1c: {  	_ =	swait.ge @p0 [sflag:s8], $0x2900  }
0x1d: {  	[sflag:s8] =	ssyncset.done @p0 $0x0  }
0x1e: {  	[sflag:s8] =	ssyncadd.s32 @p0 $0xFFFFD700;
	s8 =	simm.s32 @!p0 $0x8  }
0x1f: {  	[spmem:s10], [sflag:s13] =	dma.local @!p0 [hbm:s2], $0x2700  }
0x20: {  	_ =	swait.ge @!p0 [sflag:s8], $0x2700  }
0x21: {  	s14 =	simm.s32 $0x0;
	s16 =	simm.s32 $0xA5A0;
	[sflag:s8] =	ssyncset.done @!p0 $0x0  }
0x22: {  	s17 =	simm.s32 $0x8;
	s15 =	rddreg [dreg:$0x4];
	[sflag:s8] =	ssyncadd.s32 @!p0 $0xFFFFD900  }
0x23: {  	[tilespmem:s16], [sflag:$0x8] =	stream.linear.gather [hbm4b:s15+s14], $0x80, $0x38;
	[tilespmem:$0x1DF20] =	vst v63  }
0x24: {  	_ =	swait.ge [sflag:s17], $0x80  }
0x25: {  	[sflag:s17] =	ssyncset.done $0x0  }
0x26: {  	[sflag:s17] =	ssyncadd.s32 $0xFFFFFF80  }
0x27: {  	v0 =	vld [tilespmem:$0xA5A0]  }
0x28: {  	v1 =	vld [tilespmem:$0xA5B0]  }
0x29: {  	v2 =	vld [tilespmem:$0xA5C0]  }
0x2a: {  	v3 =	vld [tilespmem:$0xA5D0]  }
0x2b: {  	v4 =	vld [tilespmem:$0xA5E0]  }
0x2c: {  	v5 =	vld [tilespmem:$0xA5F0]  }
0x2d: {  	v6 =	vld [tilespmem:$0xA600]  }
0x2e: {  	v7 =	vld [tilespmem:$0xA610];
	[bflag:$0x0] =	sbarrier.arrive $0xFFFF  }
0x2f: {  	s18 =	rddreg [dreg:$0xd]  }
0x30: {  	[tilespmem:s14], [sflag:$0x1] =	stream.linear.gather [hbm4b:s18+s14], $0xA0, $0x38;
	[tilespmem:$0x1DF20] =	vst v63  }
0x31: {  	s21 =	simm.s32 $0x1E0;
	s19 =	rddreg [dreg:$0x5]  }
0x32: {  	[tilespmem:s21], [sflag:$0x1] =	stream.linear.gather [hbm4b:s19+s14], $0xA0, $0x38;
	[tilespmem:$0x1DF20] =	vst v63  }
0x33: {  	s22 =	rddreg [dreg:$0x6]  }
0x34: {  	[tilespmem:s24], [sflag:$0x1] =	stream.linear.gather [hbm4b:s22+s14], $0xA0, $0x38;
	[tilespmem:$0x1DF20] =	vst v63  }
0x35: {  	_ =	swait.ge [sflag:s25], $0xA0  }
0x36: {  	[sflag:s25] =	ssyncset.done $0x0  }
0x37: {  	[sflag:s25] =	ssyncadd.s32 $0xFFFFFF60  }
0x38: {  	_ =	swait.ge [sflag:s25], $0xA0  }
0x39: {  	[sflag:s25] =	ssyncset.done $0x0  }
0x3a: {  	[sflag:s25] =	ssyncadd.s32 $0xFFFFFF60  }
0x3b: {  	_ =	swait.ge [sflag:s25], $0xA0  }
0x3c: {  	s23 =	simm.s32 $0x5A0;
	s12 =	simm.s32 $0x0;
	[sflag:s25] =	ssyncset.done $0x0  }
0x3d: {  	s10 =	simm.s32 $0x50;
	s13 =	simm.s32 $0x0;
	[sflag:s25] =	ssyncadd.s32 $0xFFFFFF60  }
0x3e: {  	[tilespmem:s23], [sflag:$0x4] =	stream.indirect.gather [hbm4b:s4+s28], $0x80, s14, s28, $0xb8;
	[tilespmem:$0x1DF20] =	vst v63  }
.LBB2_2:
0x3f: {  	s15 =	sadd.s32 $0x1, s13;
	p1 =	seq.s32 s13, $0x7D  }
0x40: {  	s14 =	smul.u32 @!p1 $0xAB, s15  }
0x41: {  	s8 =	smulhi.u32 $0xAAAAAAAB, s13  }
0x42: {  	s17 =	smul.u32 $0xAB, s13;
	s14 =	sshrl.u32 @!p1 s14, $0x9  }
0x43: {  	s21 =	smul.u32 @!p1 $0xA0, s15;
	s14 =	sand.u32 @!p1 $0x7F, s14  }
0x44: {  	s8 =	sshrl.u32 s8, $0x1;
	s19 =	sshrl.u32 s17, $0x9;
	s14 =	smul.u32 @!p1 $0x3, s14  }
0x45: {  	s17 =	sshll.u32 @!p1 s15, $0x1;
	s16 =	smul.u32 $0x1E0, s8;
	s8 =	sand.u32 $0x7F, s19  }
0x46: {  	s17 =	sadd.s32 @!p1 s7, s17;
	s8 =	smul.u32 $0x3, s8;
	s14 =	ssub.s32 @!p1 s15, s14  }
0x47: {  	s2 =	simm.s32 @!p1 $0x0;
	s17 =	smul.u32 @!p1 $0xA, s17;
	s14 =	sand.u32 @!p1 $0xFF, s14  }
0x48: {  	s21 =	sadd.s32 @!p1 s9, s21;
	s23 =	ssub.s32 s12, s16;
	s22 =	smul.u32 @!p1 $0xA0, s14  }
0x49: {  	s19 =	sadd.s32 @!p1 s11, s17;
	s18 =	sadd.s32 @!p1 $0x1, s14;
	s14 =	smul.u32 @!p1 $0x280, s14  }
0x4a: {  	[tilespmem:s22], [sflag:s18] =	stream.linear.gather @!p1 [hbm4b:s19+s2], $0xA0, $0x38;
	[tilespmem:$0x1DF20] =	vst v63  }
0x4b: {  	s8 =	ssub.s32 s13, s8;
	s17 =	sadd.s32 @!p1 s5, s17;
	s19 =	sadd.s32 @!p1 $0x1E0, s22  }
0x4c: {  	s22 =	sand.u32 $0xFF, s8;
	s8 =	sshrl.u32 @!p1 s14, $0x2;
	s14 =	sshrl.u32 @!p1 s21, $0x3  }
0x4d: {  	[tilespmem:s19], [sflag:s18] =	stream.linear.gather @!p1 [hbm4b:s17+s2], $0xA0, $0x38;
	[tilespmem:$0x1DF20] =	vst v63  }
0x4e: {  	s8 =	sadd.s32 @!p1 $0x3C0, s8;
	s14 =	sadd.s32 @!p1 s6, s14;
	s21 =	smul.u32 $0xA0, s22  }
0x4f: {  	[tilespmem:s8], [sflag:s18] =	stream.linear.gather @!p1 [hbm4b:s14+s2], $0xA0, $0x38;
	[tilespmem:$0x1DF20] =	vst v63  }
0x50: {  	v8 =	vmov s23;
	s14 =	sadd.s32 $0x50, s21  }
0x51: {  	[tilespmem:s29], [sflag:$0x5] =	stream.indirect.gather [hbm4b:s4+s28], $0x80, s14, s28, $0xb8;
	[tilespmem:$0x1DF20] =	vst v63  }
0x52: {  	_ =	swait.ge [sflag:s30], $0x2800  }
0x53: {  	[sflag:s30] =	ssyncset.done $0x0  }
0x54: {  	[sflag:s30] =	ssyncadd.s32 $0xFFFFD800  }
0x55: {  	s21 =	simm.s32 $0x0;
	v8 =	vld.idx.msk [tilespmem:v8+s24+$0x0], $0xffff  }
0x56: {  	v9 =	vld [tilespmem:s21+$0x5A0]  }
0x57: {  	v10 =	vld [tilespmem:s21+$0x5B0]  }
0x58: {  	v11 =	vld [tilespmem:s21+$0x5C0]  }
0x59: {  	v12 =	vld [tilespmem:s21+$0x5D0]  }
0x5a: {  	v13 =	vld [tilespmem:s21+$0x5E0];
	v14 =	vmul.f32 v8, v0  }
0x5b: {  	v15 =	vld [tilespmem:s21+$0x5F0];
	v16 =	vmul.f32 v8, v1  }
0x5c: {  	v20 =	vld [tilespmem:s21+$0x610];
	v17 =	vmul.f32 v8, v2;
	v18 =	vmul.f32 v8, v3;
	v9 =	vadd.f32 v14, v9  }
0x5d: {  	v61 =	vmul.f32 v8, v4;
	v19 =	vmul.f32 v8, v5;
	v14 =	vld [tilespmem:s21+$0x600];
	v10 =	vadd.f32 v10, v16  }
0x5e: {  	v62 =	vmul.f32 v8, v6;
	v11 =	vadd.f32 v11, v17;
	v9 =	vmax.f32 v9, $0.0e+00  }
0x5f: {  	v12 =	vadd.f32 v12, v18;
	v13 =	vadd.f32 v13, v61;
	v10 =	vmax.f32 v10, $0.0e+00;
	[tilespmem:s21+$0x55A0] =	vst v9  }
0x60: {  	s8 =	sadd.s32 $0x1, s23;
	v63 =	vmul.f32 v8, v7;
	v15 =	vadd.f32 v15, v19;
	v11 =	vmax.f32 v11, $0.0e+00;
	[tilespmem:s21+$0x55B0] =	vst v10  }
0x61: {  	v8 =	vmov s8;
	v12 =	vmax.f32 v12, $0.0e+00;
	v9 =	vmax.f32 v13, $0.0e+00;
	[tilespmem:s21+$0x55C0] =	vst v11  }
0x62: {  	s16 =	ssub.s32 s10, s16;
	s17 =	simm.s32 $0x400;
	s23 =	simm.s32 $0x200;
	v10 =	vmax.f32 v15, $0.0e+00;
	[tilespmem:s21+$0x55D0] =	vst v12;
	v12 =	vadd.f32 v20, v63;
	v11 =	vadd.f32 v14, v62  }
.LBB2_3:
0x63: {  	p2 =	sne.s32 s17, $0x9E00;
	[tilespmem:s21+$0x55E0] =	vst v9  }
0x64: {  	[tilespmem:s21+$0x55F0] =	vst v10;
	v9 =	vmax.f32 v11, $0.0e+00;
	v10 =	vmax.f32 v12, $0.0e+00  }
0x65: {  	[tilespmem:s21+$0x5600] =	vst v9  }
0x66: {  	[tilespmem:s21+$0x5610] =	vst v10  }
0x67: {  	s21 =	sshra.s32 s23, $0x2;
	s23 =	smov.u32 s17;
	v8 =	vld.idx.msk [tilespmem:v8+s24+$0x0], $0xffff  }
0x68: {  	v9 =	vld [tilespmem:s21+$0x5A0]  }
0x69: {  	v10 =	vld [tilespmem:s21+$0x5B0]  }
0x6a: {  	v11 =	vld [tilespmem:s21+$0x5C0]  }
0x6b: {  	v12 =	vld [tilespmem:s21+$0x5D0]  }
0x6c: {  	v13 =	vld [tilespmem:s21+$0x5E0]  }
0x6d: {  	v14 =	vmul.f32 v8, v0;
	v15 =	vmul.f32 v8, v1;
	v16 =	vld [tilespmem:s21+$0x5F0]  }
0x6e: {  	v17 =	vmul.f32 v8, v2;
	v18 =	vmul.f32 v8, v3  }
0x6f: {  	v9 =	vadd.f32 v14, v9;
	v10 =	vadd.f32 v10, v15;
	v14 =	vmul.f32 v8, v4;
	v15 =	vld [tilespmem:s21+$0x600]  }
0x70: {  	v11 =	vadd.f32 v11, v17;
	v17 =	vmul.f32 v8, v5;
	v12 =	vadd.f32 v12, v18;
	v18 =	vld [tilespmem:s21+$0x610]  }
.Ltmp0:
0x71: {  	v9 =	vmax.f32 v9, $0.0e+00;
	v10 =	vmax.f32 v10, $0.0e+00;
	v13 =	vadd.f32 v13, v14;
	(pc) =	sbr.rel @p2 .LBB2_3-.Ltmp0, $4  }
0x72: {  	v11 =	vmax.f32 v11, $0.0e+00;
	[tilespmem:s21+$0x55A0] =	vst v9;
	v12 =	vmax.f32 v12, $0.0e+00;
	v14 =	vadd.f32 v16, v17  }
0x73: {  	v16 =	vmul.f32 v8, v7;
	[tilespmem:s21+$0x55B0] =	vst v10;
	v9 =	vmax.f32 v13, $0.0e+00;
	v13 =	vmul.f32 v8, v6  }
0x74: {  	s8 =	sadd.s32 $0x1, s8;
	[tilespmem:s21+$0x55C0] =	vst v11;
	v10 =	vmax.f32 v14, $0.0e+00  }
0x75: {  	s17 =	sadd.s32 $0x200, s17;
	v8 =	vmov s8;
	[tilespmem:s21+$0x55D0] =	vst v12;
	v11 =	vadd.f32 v15, v13;
	v12 =	vadd.f32 v18, v16  }
0x76: {  	[tilespmem:s21+$0x55E0] =	vst v9  }
0x77: {  	[tilespmem:s21+$0x55F0] =	vst v10;
	v9 =	vmax.f32 v11, $0.0e+00  }
0x78: {  	v10 =	vmax.f32 v12, $0.0e+00;
	[tilespmem:s21+$0x5600] =	vst v9  }
0x79: {  	[tilespmem:s21+$0x5610] =	vst v10  }
0x7a: {  	v8 =	vld.idx.msk [tilespmem:v8+s24+$0x0], $0xffff  }
0x7b: {  	s2 =	sshra.s32 s23, $0x2  }
0x7c: {  	v9 =	vld [tilespmem:s2+$0x5A0]  }
0x7d: {  	v10 =	vld [tilespmem:s2+$0x5B0]  }
0x7e: {  	v11 =	vld [tilespmem:s2+$0x5C0]  }
0x7f: {  	v12 =	vld [tilespmem:s2+$0x5D0];
	v13 =	vmul.f32 v8, v0  }
0x80: {  	v14 =	vld [tilespmem:s2+$0x5E0];
	v15 =	vmul.f32 v8, v1  }
0x81: {  	v16 =	vld [tilespmem:s2+$0x5F0];
	v17 =	vmul.f32 v8, v2;
	v9 =	vadd.f32 v13, v9  }
0x82: {  	v13 =	vmul.f32 v8, v3;
	v10 =	vadd.f32 v10, v15;
	v15 =	vld [tilespmem:s2+$0x600]  }
0x83: {  	v57 =	vld [tilespmem:s2+$0x610];
	v18 =	vmul.f32 v8, v4;
	v11 =	vadd.f32 v11, v17;
	v9 =	vmax.f32 v9, $0.0e+00  }
0x84: {  	v12 =	vadd.f32 v12, v13;
	v13 =	vmul.f32 v8, v5;
	v10 =	vmax.f32 v10, $0.0e+00;
	[tilespmem:s2+$0x55A0] =	vst v9  }
0x85: {  	s8 =	smul.u32 $0x280, s22;
	v11 =	vmax.f32 v11, $0.0e+00;
	v9 =	vadd.f32 v14, v18;
	[tilespmem:s2+$0x55B0] =	vst v10;
	v10 =	vmul.f32 v8, v6  }
0x86: {  	s17 =	smulhi.u32 @!p1 $0xAAAAAAAB, s15;
	v8 =	vmul.f32 v8, v7;
	[tilespmem:s2+$0x55C0] =	vst v11;
	v12 =	vmax.f32 v12, $0.0e+00;
	v13 =	vadd.f32 v16, v13  }
0x87: {  	v9 =	vmax.f32 v9, $0.0e+00;
	[tilespmem:s2+$0x55D0] =	vst v12;
	v10 =	vadd.f32 v15, v10  }
0x88: {  	s8 =	sshrl.u32 s8, $0x2;
	s17 =	sshrl.u32 @!p1 s17, $0x1;
	v8 =	vadd.f32 v57, v8;
	v11 =	vmax.f32 v13, $0.0e+00;
	[tilespmem:s2+$0x55E0] =	vst v9  }
0x89: {  	s23 =	sadd.s32 $0x1E0, s8;
	s8 =	smul.u32 @!p1 $0x3, s17;
	[tilespmem:s2+$0x55F0] =	vst v11;
	v9 =	vmax.f32 v10, $0.0e+00  }
0x8a: {  	v8 =	vmax.f32 v8, $0.0e+00;
	[tilespmem:s2+$0x5600] =	vst v9  }
0x8b: {  	[tilespmem:s2+$0x5610] =	vst v8;
	s2 =	ssub.s32 @!p1 s15, s8  }
0x8c: {  	[spmem:s1] =	stream.indirect.scatter.add.f32 [tilespmem:s31], [sflag:$0x6], $0x80, s23, s28, $0xb8;
	[tilespmem:$0x1DF20] =	vst v63  }
0x8d: {  	s8 =	sadd.s32 @!p1 $0x1, s2  }
0x8e: {  	_ =	swait.ge @!p1 [sflag:s8], $0xA0  }
0x8f: {  	[sflag:s8] =	ssyncset.done @!p1 $0x0  }
0x90: {  	[sflag:s8] =	ssyncadd.s32 @!p1 $0xFFFFFF60  }
0x91: {  	_ =	swait.ge @!p1 [sflag:s8], $0xA0  }
0x92: {  	[sflag:s8] =	ssyncset.done @!p1 $0x0  }
0x93: {  	[sflag:s8] =	ssyncadd.s32 @!p1 $0xFFFFFF60  }
0x94: {  	s2 =	smul.u32 @!p1 $0x280, s2;
	_ =	swait.ge @!p1 [sflag:s8], $0xA0  }
0x95: {  	s17 =	simm.s32 @!p1 $0x5A0;
	[sflag:s8] =	ssyncset.done @!p1 $0x0  }
0x96: {  	s2 =	sshrl.u32 @!p1 s2, $0x2;
	[sflag:s8] =	ssyncadd.s32 @!p1 $0xFFFFFF60;
	s8 =	simm.s32 @!p1 $0x50  }
0x97: {  	[tilespmem:s17], [sflag:$0x4] =	stream.indirect.gather @!p1 [hbm4b:s4+s8], $0x80, s2, s8, $0xb8;
	[tilespmem:$0x1DF20] =	vst v63  }
0x98: {  	_ =	swait.ge [sflag:s0], $0x2800  }
0x99: {  	v8 =	vmov s16;
	p1 =	seq.s32 s13, $0x0;
	[sflag:s0] =	ssyncset.done $0x0  }
0x9a: {  	s2 =	simm.s32 @!p1 $0x7;
	[sflag:s0] =	ssyncadd.s32 $0xFFFFD800  }
0x9b: {  	_ =	swait.ge @!p1 [sflag:s2], $0x2800  }
0x9c: {  	[sflag:s2] =	ssyncset.done @!p1 $0x0  }
0x9d: {  	[sflag:s2] =	ssyncadd.s32 @!p1 $0xFFFFD800  }
0x9e: {  	s13 =	simm.s32 $0x0;
	v8 =	vld.idx.msk [tilespmem:v8+s24+$0x0], $0xffff  }
0x9f: {  	v9 =	vld [tilespmem:s13+$0x2DA0]  }
0xa0: {  	v10 =	vld [tilespmem:s13+$0x2DB0]  }
0xa1: {  	v11 =	vld [tilespmem:s13+$0x2DC0]  }
0xa2: {  	v12 =	vld [tilespmem:s13+$0x2DD0]  }
0xa3: {  	v13 =	vld [tilespmem:s13+$0x2DE0];
	v14 =	vmul.f32 v8, v0  }
0xa4: {  	v15 =	vld [tilespmem:s13+$0x2DF0];
	v58 =	vmul.f32 v8, v1  }
0xa5: {  	v20 =	vld [tilespmem:s13+$0x2E10];
	v59 =	vmul.f32 v8, v2;
	v60 =	vmul.f32 v8, v3;
	v9 =	vadd.f32 v14, v9  }
0xa6: {  	v61 =	vmul.f32 v8, v4;
	v19 =	vmul.f32 v8, v5;
	v14 =	vld [tilespmem:s13+$0x2E00];
	v10 =	vadd.f32 v10, v58  }
0xa7: {  	v62 =	vmul.f32 v8, v6;
	v11 =	vadd.f32 v11, v59;
	v9 =	vmax.f32 v9, $0.0e+00  }
0xa8: {  	v12 =	vadd.f32 v12, v60;
	v13 =	vadd.f32 v13, v61;
	v10 =	vmax.f32 v10, $0.0e+00;
	[tilespmem:s13+$0x7DA0] =	vst v9  }
0xa9: {  	s8 =	sadd.s32 $0x1, s16;
	v63 =	vmul.f32 v8, v7;
	v15 =	vadd.f32 v15, v19;
	v11 =	vmax.f32 v11, $0.0e+00;
	[tilespmem:s13+$0x7DB0] =	vst v10  }
0xaa: {  	v8 =	vmov s8;
	v12 =	vmax.f32 v12, $0.0e+00;
	v9 =	vmax.f32 v13, $0.0e+00;
	[tilespmem:s13+$0x7DC0] =	vst v11  }
0xab: {  	s16 =	simm.s32 $0x200;
	s17 =	simm.s32 $0x400;
	v10 =	vmax.f32 v15, $0.0e+00;
	[tilespmem:s13+$0x7DD0] =	vst v12;
	v12 =	vadd.f32 v20, v63;
	v11 =	vadd.f32 v14, v62  }
.LBB2_5:
0xac: {  	p1 =	sne.s32 s17, $0x9E00;
	[tilespmem:s13+$0x7DE0] =	vst v9  }
0xad: {  	[tilespmem:s13+$0x7DF0] =	vst v10;
	v9 =	vmax.f32 v11, $0.0e+00;
	v10 =	vmax.f32 v12, $0.0e+00  }
0xae: {  	[tilespmem:s13+$0x7E00] =	vst v9  }
0xaf: {  	[tilespmem:s13+$0x7E10] =	vst v10  }
0xb0: {  	s13 =	sshra.s32 s16, $0x2;
	s16 =	smov.u32 s17;
	v8 =	vld.idx.msk [tilespmem:v8+s24+$0x0], $0xffff  }
0xb1: {  	v9 =	vld [tilespmem:s13+$0x2DA0]  }
0xb2: {  	v10 =	vld [tilespmem:s13+$0x2DB0]  }
0xb3: {  	v11 =	vld [tilespmem:s13+$0x2DC0]  }
0xb4: {  	v12 =	vld [tilespmem:s13+$0x2DD0]  }
0xb5: {  	v13 =	vld [tilespmem:s13+$0x2DE0]  }
0xb6: {  	v14 =	vmul.f32 v8, v0;
	v15 =	vmul.f32 v8, v1;
	v16 =	vld [tilespmem:s13+$0x2DF0]  }
0xb7: {  	v17 =	vmul.f32 v8, v2;
	v18 =	vmul.f32 v8, v3  }
0xb8: {  	v9 =	vadd.f32 v14, v9;
	v10 =	vadd.f32 v10, v15;
	v14 =	vmul.f32 v8, v4;
	v15 =	vld [tilespmem:s13+$0x2E00]  }
0xb9: {  	v11 =	vadd.f32 v11, v17;
	v17 =	vmul.f32 v8, v5;
	v12 =	vadd.f32 v12, v18;
	v18 =	vld [tilespmem:s13+$0x2E10]  }
.Ltmp1:
0xba: {  	v9 =	vmax.f32 v9, $0.0e+00;
	v10 =	vmax.f32 v10, $0.0e+00;
	v13 =	vadd.f32 v13, v14;
	(pc) =	sbr.rel @p1 .LBB2_5-.Ltmp1, $4  }
0xbb: {  	v11 =	vmax.f32 v11, $0.0e+00;
	[tilespmem:s13+$0x7DA0] =	vst v9;
	v12 =	vmax.f32 v12, $0.0e+00;
	v14 =	vadd.f32 v16, v17  }
0xbc: {  	v16 =	vmul.f32 v8, v7;
	[tilespmem:s13+$0x7DB0] =	vst v10;
	v9 =	vmax.f32 v13, $0.0e+00;
	v13 =	vmul.f32 v8, v6  }
0xbd: {  	s8 =	sadd.s32 $0x1, s8;
	[tilespmem:s13+$0x7DC0] =	vst v11;
	v10 =	vmax.f32 v14, $0.0e+00  }
0xbe: {  	s17 =	sadd.s32 $0x200, s17;
	v8 =	vmov s8;
	[tilespmem:s13+$0x7DD0] =	vst v12;
	v11 =	vadd.f32 v15, v13;
	v12 =	vadd.f32 v18, v16  }
0xbf: {  	[tilespmem:s13+$0x7DE0] =	vst v9  }
0xc0: {  	[tilespmem:s13+$0x7DF0] =	vst v10;
	v52 =	vmax.f32 v11, $0.0e+00  }
0xc1: {  	v53 =	vmax.f32 v12, $0.0e+00;
	[tilespmem:s13+$0x7E00] =	vst v52  }
0xc2: {  	[tilespmem:s13+$0x7E10] =	vst v53  }
0xc3: {  	v8 =	vld.idx.msk [tilespmem:v8+s24+$0x0], $0xffff  }
0xc4: {  	s2 =	sshra.s32 s16, $0x2  }
0xc5: {  	v9 =	vld [tilespmem:s2+$0x2DA0]  }
0xc6: {  	v10 =	vld [tilespmem:s2+$0x2DB0]  }
0xc7: {  	v54 =	vld [tilespmem:s2+$0x2DC0]  }
0xc8: {  	v55 =	vld [tilespmem:s2+$0x2DD0];
	v13 =	vmul.f32 v8, v0  }
0xc9: {  	v16 =	vld [tilespmem:s2+$0x2DF0];
	v15 =	vmul.f32 v8, v1  }
0xca: {  	v58 =	vld [tilespmem:s2+$0x2E10];
	v17 =	vmul.f32 v8, v2;
	v56 =	vmul.f32 v8, v3;
	v9 =	vadd.f32 v13, v9  }
0xcb: {  	v14 =	vld [tilespmem:s2+$0x2DE0];
	v18 =	vmul.f32 v8, v4;
	v59 =	vmul.f32 v8, v5;
	v10 =	vadd.f32 v10, v15  }
0xcc: {  	v57 =	vld [tilespmem:s2+$0x2E00];
	v61 =	vmul.f32 v8, v6;
	v11 =	vadd.f32 v54, v17;
	v9 =	vmax.f32 v9, $0.0e+00  }
0xcd: {  	v8 =	vmul.f32 v8, v7;
	v12 =	vadd.f32 v55, v56;
	v10 =	vmax.f32 v10, $0.0e+00;
	[tilespmem:s2+$0x7DA0] =	vst v9  }
0xce: {  	v13 =	vadd.f32 v16, v59;
	v11 =	vmax.f32 v11, $0.0e+00;
	[tilespmem:s2+$0x7DB0] =	vst v10  }
0xcf: {  	v8 =	vadd.f32 v58, v8;
	v12 =	vmax.f32 v12, $0.0e+00;
	[tilespmem:s2+$0x7DC0] =	vst v11  }
0xd0: {  	v60 =	vadd.f32 v14, v18;
	v62 =	vmax.f32 v13, $0.0e+00;
	[tilespmem:s2+$0x7DD0] =	vst v12  }
0xd1: {  	v8 =	vmax.f32 v8, $0.0e+00;
	v10 =	vadd.f32 v57, v61;
	[tilespmem:s2+$0x7DF0] =	vst v62  }
0xd2: {  	v9 =	vmax.f32 v60, $0.0e+00;
	[tilespmem:s2+$0x7E10] =	vst v8  }
0xd3: {  	p1 =	sne.s32 s15, $0x7E;
	[tilespmem:s2+$0x7DE0] =	vst v9;
	v63 =	vmax.f32 v10, $0.0e+00  }
.Ltmp2:
0xd4: {  	[tilespmem:s2+$0x7E00] =	vst v63;
	(pc) =	sbr.rel @p1 .LBB2_2-.Ltmp2, $4  }
0xd5: {  	_ =	swait.ge [sflag:s3], $0x2800  }
0xd6: {  	s23 =	sadd.s32 $0x1E0, s14;
	s12 =	sadd.s32 $0xA0, s12;
	[sflag:s3] =	ssyncset.done $0x0  }
0xd7: {  	s10 =	sadd.s32 $0xA0, s10;
	s13 =	smov.u32 s15;
	[sflag:s3] =	ssyncadd.s32 $0xFFFFD800  }
0xd8: {  	[spmem:s1] =	stream.indirect.scatter.add.f32 [tilespmem:s20], [sflag:$0x7], $0x80, s23, s28, $0xb8;
	[tilespmem:$0x1DF20] =	vst v63  }
0xd9: {  	s2 =	simm.s32 $0x7  }
0xda: {  	_ =	swait.ge [sflag:s2], $0x2800  }
0xdb: {  	[sflag:s2] =	ssyncset.done $0x0  }
0xdc: {  	[sflag:s2] =	ssyncadd.s32 $0xFFFFD800  }
0xdd: {  	[bflag:$0x0] =	sbarrier.arrive $0xFFFF  }
0xde: {  	s8 =	rddreg [dreg:$0x8]  }
0xdf: {  	s2 =	simm.s32 @p0 $0x1FC8;
	s12 =	rddreg [dreg:$0xa]  }
0xe0: {  	[hbm:s8], [sflag:s2] =	dma.local @p0 [spmem:s12], $0x2800  }
0xe1: {  	s2 =	simm.s32 @p0 $0x8  }
0xe2: {  	_ =	swait.ge @p0 [sflag:s2], $0x2800  }
0xe3: {  	s13 =	rddreg [dreg:$0xb]  }
0xe4: {  	[sflag:s2] =	ssyncset.done @p0 $0x0;
	s10 =	rddreg [dreg:$0xc]  }
0xe5: {  	[sflag:s2] =	ssyncadd.s32 @p0 $0xFFFFD800;
	s2 =	rddreg [dreg:$0x7]  }
0xe6: {  	[hbm:s2], [sflag:s13] =	dma.local @!p0 [spmem:s10], $0x2700  }
0xe7: {  	s2 =	simm.s32 @!p0 $0x8  }
0xe8: {  	_ =	swait.ge @!p0 [sflag:s2], $0x2700  }
0xe9: {  	s26 =	sadd.s32 $0x1, s26;
	s23 =	rddreg [dreg:$0x9]  }
0xea: {  	p1 =	sne.s32 s26, s23  }
.Ltmp3:
0xeb: {  	_ = 	snop;
	(pc) =	sbr.rel @p1 .LBB2_1-.Ltmp3, $3  }
0xec: {  	_ =	sdelay $0x1  }
0xed: {  	[sflag:s2] =	ssyncset.done @!p0 $0x0  }
0xee: {  	[sflag:s2] =	ssyncadd.s32 @!p0 $0xFFFFD900  }
0xef: {  	_ =	sfence.sel $0x180000  }
0xf0: {  	[bflag:$0x0] =	sbarrier.arrive $0xFFFF  }
0xf1: {  	_ =	strace $0x90000047  }
0xf2: {  	s0 =	stileid.u32;
	[bflag:$0x2] =	sbarrier.arrive $0xFFFF  }
0xf3: {  	p0 =	sne.s32 s0, $0x0;
	s0 =	rddreg [dreg:$0x2]  }
0xf4: {  	s0 =	sadd.s32 @!p0 $0x100000, s0  }
0xf5: {  	[sflag:s0] =	ssyncadd.tile.s32 @!p0 $0x1;
	_ =	shalt  }
.Lfunc_end2:
_tile_overlayer_lowered:
.L_overlay_start_2:
0xf6: {  	(tag) =	ssettag $0x2  }
0xf7: {  	s0 =	rddreg [dreg:$0x0];
	s2 =	stileid.u32  }
0xf8: {  	s1 =	rddreg [dreg:$0x1];
	p0 =	sne.s32 s2, $0x0  }
0xf9: {  	s3 =	rddreg [dreg:$0x2];
	[bflag:$0x3] =	sbarrier.arrive $0xFFFF;
	s2 =	simm.s32 @!p0 $0x1C08  }
0xfa: {  	[timem:s3], [sflag:s2] =	dma.local @!p0 [hbm:s0], s1  }
0xfb: {  	s0 =	simm.s32 @!p0 $0x8  }
0xfc: {  	_ =	swait.ge @!p0 [sflag:s0], s1  }
0xfd: {  	s1 =	ssub.s32 @!p0 $0x0, s1;
	[sflag:s0] =	ssyncset.done @!p0 $0x0  }
0xfe: {  	[sflag:s0] =	ssyncadd.s32 @!p0 s1  }
0xff: {  	[bflag:$0x3] =	sbarrier.arrive $0xFFFF  }
0x100: {  	_ =	shalt  }

// kernel: kernel.13.cloned.1.call-start
scs
__scs_entry_jumppad:
0x0: {  	(pc) =	sbr.rel $0x88, $3  }
0x1: {  	(tag) =	ssettag $0x0;
	lr =	simm.s32 $0x1  }
0x2: {  	[smem:$0x3F91] =	sst lr;
	_ =	strace $0xD0000000  }
0x3: {  	_ = 	snop  }
0x4: {  	_ = 	snop  }
0x5: {  	_ = 	snop  }
0x6: {  	_ = 	snop  }
0x7: {  	_ = 	snop  }
__scs_overlays_trampoline_lowered:
0x8: {  	[smem:$0x3FA0] =	sst s0  }
0x9: {  	[smem:$0x3FA1] =	sst s1  }
0xa: {  	[smem:$0x3FA2] =	sst s2  }
0xb: {  	[smem:$0x3FA3] =	sst s3  }
0xc: {  	[smem:$0x3FA4] =	sst s4  }
0xd: {  	[smem:$0x3FA5] =	sst s5  }
0xe: {  	[smem:$0x3FA6] =	sst s6  }
0xf: {  	[smem:$0x3FA7] =	sst s7  }
0x10: {  	[smem:$0x3FA8] =	sst s8  }
0x11: {  	[smem:$0x3FA9] =	sst s9;
	s0 =	simm.s32 @!p0 $0x0  }
0x12: {  	s1 =	sld [smem:$0x3F8F];
	s0 =	simm.s32 @p0 $0x1  }
0x13: {  	[smem:$0x3FAA] =	sst s0;
	s0 =	simm.s32 @!p1 $0x0  }
0x14: {  	s2 =	sld [smem:$0x3F8E];
	s0 =	simm.s32 @p1 $0x1  }
0x15: {  	[smem:$0x3FAB] =	sst s0;
	s0 =	simm.s32 @!p2 $0x0  }
0x16: {  	s3 =	sld [smem:$0x3FDB];
	s0 =	simm.s32 @p2 $0x1  }
0x17: {  	s4 =	simm.s32 $0x1BF5;
	[smem:$0x3FAD] =	sst s0  }
0x18: {  	s0 =	sld [smem:$0x3F90];
	_ =	swait.ge [sflag:s4], $0x0  }
0x19: {  	s7 =	sld [smem:$0x3F91]  }
0x1a: {  	s8 =	sadd.s32 $0xFFFFE003, lr  }
0x1b: {  	s9 =	sadd.s32 $0xFFFFFEF7, lr;
	s5 =	simm.s32 $0xFFFFFFFF;
	p2 =	slt.u32 s8, $0xFFFFF086  }
0x1c: {  	p1 =	slt.u32 s9, $0xF7A;
	s5 =	simm.s32 @!p2 $0x0  }
0x1d: {  	s5 =	simm.s32 @p1 $0x1;
	p0 =	seq.s32 s7, s2  }
0x1e: {  	s7 =	smul.u32 @!p0 $0xF7A, s2;
	p2 =	seq.s32 @!p0 s5, $0x0  }
0x1f: {  	s9 =	smul.u32 $0xF7A, s1;
	s8 =	simm.s32 @!p0 $0x1BF5;
	p2 =	por !p2, p0  }
0x20: {  	[sflag:s8] =	ssyncset.s32 @!p0 $0xFFFFF086;
	s6 =	sadd.s32 @!p0 s3, s7;
	s7 =	simm.s32 @!p0 $0x108  }
0x21: {  	s3 =	sadd.s32 s3, s9;
	s6 =	sadd.s32 @!p0 $0x88, s6;
	s7 =	simm.s32 @p2 $0x1082  }
0x22: {  	[simem:s7], [sflag:s8] =	dma.local @!p0 [hbm:s6], $0xF7A  }
0x23: {  	s9 =	sor.u32 $0xD0000000, s2;
	s6 =	simm.s32 $0x108;
	_ =	swait.ge @!p0 [sflag:s8], $0x0  }
0x24: {  	s3 =	sadd.s32 $0x88, s3;
	s6 =	simm.s32 @!p1 $0x1082;
	[sflag:s4] =	ssyncset.s32 $0xFFFFF086  }
0x25: {  	[simem:s6], [sflag:s4] =	dma.local [hbm:s3], $0xF7A  }
0x26: {  	[smem:$0x3F91] =	sst s1;
	(tag) =	ssettag s2;
	_ =	strace s9  }
0x27: {  	s1 =	sld [smem:$0x3FA1]  }
0x28: {  	s2 =	sld [smem:$0x3FA2]  }
0x29: {  	s4 =	sld [smem:$0x3FA4]  }
0x2a: {  	p0 =	seq.s32 s5, $0x0;
	s5 =	sld [smem:$0x3FA5]  }
0x2b: {  	s6 =	sld [smem:$0x3FA6]  }
0x2c: {  	s7 =	sld [smem:$0x3FA7]  }
0x2d: {  	s3 =	simm.s32 $0x108;
	s8 =	sld [smem:$0x3FA8]  }
0x2e: {  	s3 =	simm.s32 @!p0 $0x1082;
	s9 =	sld [smem:$0x3FA9]  }
0x2f: {  	lr =	sadd.s32 s0, s3;
	s0 =	sld [smem:$0x3FA0]  }
0x30: {  	s3 =	sld [smem:$0x3FA3]  }
0x31: {  	[smem:$0x3FAC] =	sst s10  }
0x32: {  	s10 =	sld [smem:$0x3FAA];
	_ =	sdelay $0x3  }
0x33: {  	p0 =	seq.s32 s10, $0x1;
	s10 =	sld [smem:$0x3FAC];
	_ =	sdelay $0x3  }
0x34: {  	[smem:$0x3FAC] =	sst s10  }
0x35: {  	s10 =	sld [smem:$0x3FAB];
	_ =	sdelay $0x3  }
0x36: {  	p1 =	seq.s32 s10, $0x1;
	s10 =	sld [smem:$0x3FAC];
	_ =	sdelay $0x3  }
0x37: {  	[smem:$0x3FAC] =	sst s10  }
0x38: {  	s10 =	sld [smem:$0x3FAD]  }
0x39: {  	_ = 	snop;
	(pc) =	sbr.ind lr, $3  }
0x3a: {  	_ = 	snop  }
0x3b: {  	_ = 	snop  }
0x3c: {  	p2 =	seq.s32 s10, $0x1;
	s10 =	sld [smem:$0x3FAC]  }
0x3d: {  	_ =	shalt  }
0x3e: {  	_ =	shalt  }
0x3f: {  	_ =	shalt  }
0x40: {  	_ =	shalt  }
0x41: {  	_ =	shalt  }
0x42: {  	_ =	shalt  }
0x43: {  	_ =	shalt  }
0x44: {  	_ =	shalt  }
0x45: {  	_ =	shalt  }
0x46: {  	_ =	shalt  }
0x47: {  	_ =	shalt  }
0x48: {  	_ =	shalt  }
0x49: {  	_ =	shalt  }
0x4a: {  	_ =	shalt  }
0x4b: {  	_ =	shalt  }
0x4c: {  	_ =	shalt  }
0x4d: {  	_ =	shalt  }
0x4e: {  	_ =	shalt  }
0x4f: {  	_ =	shalt  }
0x50: {  	_ =	shalt  }
0x51: {  	_ =	shalt  }
0x52: {  	_ =	shalt  }
0x53: {  	_ =	shalt  }
0x54: {  	_ =	shalt  }
0x55: {  	_ =	shalt  }
0x56: {  	_ =	shalt  }
0x57: {  	_ =	shalt  }
0x58: {  	_ =	shalt  }
0x59: {  	_ =	shalt  }
0x5a: {  	_ =	shalt  }
0x5b: {  	_ =	shalt  }
0x5c: {  	_ =	shalt  }
0x5d: {  	_ =	shalt  }
0x5e: {  	_ =	shalt  }
0x5f: {  	_ =	shalt  }
0x60: {  	_ =	shalt  }
0x61: {  	_ =	shalt  }
0x62: {  	_ =	shalt  }
0x63: {  	_ =	shalt  }
0x64: {  	_ =	shalt  }
0x65: {  	_ =	shalt  }
0x66: {  	_ =	shalt  }
0x67: {  	_ =	shalt  }
0x68: {  	_ =	shalt  }
0x69: {  	_ =	shalt  }
0x6a: {  	_ =	shalt  }
0x6b: {  	_ =	shalt  }
0x6c: {  	_ =	shalt  }
0x6d: {  	_ =	shalt  }
0x6e: {  	_ =	shalt  }
0x6f: {  	_ =	shalt  }
0x70: {  	_ =	shalt  }
0x71: {  	_ =	shalt  }
0x72: {  	_ =	shalt  }
0x73: {  	_ =	shalt  }
0x74: {  	_ =	shalt  }
0x75: {  	_ =	shalt  }
0x76: {  	_ =	shalt  }
0x77: {  	_ =	shalt  }
0x78: {  	_ =	shalt  }
0x79: {  	_ =	shalt  }
0x7a: {  	_ =	shalt  }
0x7b: {  	_ =	shalt  }
0x7c: {  	_ =	shalt  }
0x7d: {  	_ =	shalt  }
0x7e: {  	_ =	shalt  }
0x7f: {  	_ =	shalt  }
0x80: {  	_ =	shalt  }
0x81: {  	_ =	shalt  }
0x82: {  	_ =	shalt  }
0x83: {  	_ =	shalt  }
0x84: {  	_ =	shalt  }
0x85: {  	_ =	shalt  }
0x86: {  	_ =	shalt  }
0x87: {  	_ =	shalt  }
.Lfunc_end0:
.L_simem_size_0:
called_computation.1_lowered:
.L_overlay_start_0:
0x88: {  	s2 =	sld [smem:$0x3FD9]  }
0x89: {  	s3 =	sld [smem:$0x3FFE];
	_ =	sdelay $0x1  }
0x8a: {  	s1 =	srdreg.scid  }
0x8b: {  	s0 =	sand.u32 $0x1, s1  }
0x8c: {  	s16 =	sshll.u32 s0, $0xA;
	s2 =	sadd.s32 s3, s2  }
0x8d: {  	s2 =	sadd.s32 s2, s16  }
0x8e: {  	[smem:$0x3FB8] =	sst s2  }
0x8f: {  	_ = 	snop  }
0x90: {  	(tm) =	ssettm $0x1  }
0x91: {  	s17 =	sld [smem:$0x3FFB];
	_ =	sdelay $0x3  }
0x92: {  	_ =	strace s17  }
0x93: {  	s2 =	sld [smem:$0x3FFC];
	_ =	sdelay $0x3  }
0x94: {  	_ =	strace s2  }
0x95: {  	s2 =	sld [smem:$0x3FFD];
	_ =	sdelay $0x3  }
0x96: {  	_ =	strace s2  }
0x97: {  	_ =	strace $0x8FFFFFFF  }
0x98: {  	s18 =	sld [smem:$0x3FDB];
	_ =	sdelay $0x1  }
0x99: {  	s19 =	simm.s32 $_scs_section_size  }
0x9a: {  	s4 =	simm.s32 $_size__tile_overlayer_lowered;
	s5 =	simm.s32 $_tile_overlayer_lowered  }
0x9b: {  	s22 =	simm.s32 $0x1BFF;
	s21 =	sshll.u32 s5, $0x1;
	s2 =	sadd.s32 s19, s18  }
0x9c: {  	s6 =	simm.s32 $0x0;
	s20 =	sshll.u32 s4, $0x1;
	s4 =	sadd.s32 s21, s2  }
0x9d: {  	[timem:s6], [sflag:s22] =	dma.local [hbm:s4], s20  }
0x9e: {  	_ =	swait.ge [sflag:s22], s20  }
0x9f: {  	s3 =	ssub.s32 $0x0, s20;
	[sflag:s22] =	ssyncset.done $0x0  }
0xa0: {  	[sflag:s22] =	ssyncadd.s32 s3;
	_ =	sdelay $0x1  }
0xa1: {  	s23 =	simm.s32 $0x1B8B  }
0xa2: {  	_ =	swait.ge [sflag:s23], $0x1  }
0xa3: {  	[sflag:s23] =	ssyncset.done $0x0  }
0xa4: {  	s25 =	simm.s32 $0x1B8E;
	s24 =	sld [smem:$0x3FFE];
	[sflag:s23] =	ssyncadd.s32 $0xFFFFFFFF  }
0xa5: {  	s26 =	simm.s32 $execute0_lowered;
	[smem:$0x3FD2] =	sst s25  }
0xa6: {  	s4 =	sshll.u32 s26, $0x1;
	_ =	strace $0x80000049;
	[dreg:$0x1] =	wrdreg $0xFFFFFFFF  }
0xa7: {  	s28 =	simm.s32 $_size_execute0_lowered;
	s2 =	sadd.s32 s2, s4;
	[dreg:$0x0] =	wrdreg $0x0  }
0xa8: {  	s4 =	sshll.u32 s28, $0x1;
	[dreg:$0x2] =	wrdreg s2  }
0xa9: {  	[dreg:$0x3] =	wrdreg s4  }
0xaa: {  	[dreg:$0x4] =	wrdreg $0xC0  }
0xab: {  	_ =	task [dreg:s6], $0x5FFFF  }
0xac: {  	[dreg:$0x1] =	wrdreg $0xFFFFFFFF  }
0xad: {  	[dreg:$0x0] =	wrdreg $0x60  }
0xae: {  	[dreg:$0x2] =	wrdreg s24  }
0xaf: {  	[dreg:$0x3] =	wrdreg $0xA6200  }
0xb0: {  	[dreg:$0x4] =	wrdreg $0x9  }
0xb1: {  	_ =	task.clear_ibuf [dreg:s6], $0x5FFFF;
	_ =	strace $0x90000049  }
0xb2: {  	s29 =	simm.s32 $0x9;
	_ =	strace $0x8000004B  }
0xb3: {  	_ =	swait.ge [sflag:s29], $0x1  }
0xb4: {  	[sflag:s29] =	ssyncadd.s32 $0xFFFFFFFF  }
0xb5: {  	_ =	strace $0x9000004B  }
0xb6: {  	_ =	sfence  }
0xb7: {  	s30 =	sld [smem:$0x0];
	_ =	sdelay $0x2  }
0xb8: {  	s31 =	sshll.u32 s1, $0xD;
	s1 =	sshrl.u32 s1, $0x2  }
0xb9: {  	s3 =	sand.u32 $0x4000, s31;
	s1 =	sadd.s32 s1, s30  }
0xba: {  	s0 =	sor.u32 s3, s0;
	s1 =	sshll.u32 s1, $0x11  }
0xbb: {  	s0 =	sor.u32 s1, s0  }
0xbc: {  	s0 =	sadd.s32 $0x8F2B, s0  }
0xbd: {  	[sflag:s0] =	ssyncadd.remote.s32 $0x1  }
0xbe: {  	_ =	sfence.sel $0xFFFF  }
0xbf: {  	[dreg:$0x0] =	wrdreg $0xFFFFFFFF;
	(pc) =	sbr.abs _section_cstart, $3  }
0xc0: {  	[dreg:$0x1] =	wrdreg $0xFFFFFFFF  }
0xc1: {  	_ =	task.clear_ibuf [dreg:s6], $0x2FFFF;
	_ =	strace $0x9FFFFFFF  }
0xc2: {  	(tm) =	ssettm $0x7FFFFFFF  }
0xc3: {  	_ =	shalt  }
tec
execute0_lowered:
.L_overlay_start_1:
0x0: {  	(tag) =	ssettag $0x1  }
0x1: {  	s0 =	rddreg [dreg:$0x0]  }
0x2: {  	s1 =	rddreg [dreg:$0x1]  }
0x3: {  	s3 =	srdreg.scid;
	s2 =	simm.s32 $0x0;
	s28 =	simm.s32 $0x50  }
0x4: {  	s29 =	simm.s32 $0x2DA0;
	s3 =	sand.u32 $0x1, s3;
	[smem:$0x7FF] =	sst s2  }
0x5: {  	s30 =	simm.s32 $0x4;
	s2 =	stileid.u32;
	s5 =	smul.u32 $0x9D80, s3  }
0x6: {  	s31 =	simm.s32 $0x55A0;
	s9 =	sadd.s32 $0xC7800, s0;
	s10 =	smul.u32 $0x4E000, s2  }
0x7: {  	_ =	strace $0x8000004A;
	[dreg:$0x3] =	wrdreg s9;
	s9 =	smul.u32 $0x4EC0, s2  }
0x8: {  	s20 =	simm.s32 $0x7DA0;
	s4 =	sadd.s32 $0x2B400, s0;
	s14 =	smul.u32 $0x9D8, s2  }
0x9: {  	s6 =	sadd.s32 $0x21600, s0;
	s15 =	sadd.s32 $0x124800, s1;
	s21 =	smul.u32 $0x27100, s3  }
0xa: {  	s7 =	sshll.u32 s3, $0x4;
	s12 =	ssub.s32 $0x2, s3;
	s3 =	smul.u32 $0x138800, s3  }
0xb: {  	s22 =	smul.u32 $0x2700, s2;
	p0 =	seq.s32 s2, $0xF;
	s11 =	sadd.s32 s7, s0  }
0xc: {  	s7 =	smul.u32 $0xFC, s2;
	s13 =	sshrl.u32 s12, $0x1;
	s8 =	sadd.s32 s5, s0  }
0xd: {  	s5 =	sadd.s32 $0x17800, s0;
	s0 =	sadd.s32 $0xCA200, s0;
	s12 =	ssub.s32 s12, s13  }
0xe: {  	s10 =	sshrl.u32 s10, $0x2;
	s11 =	sadd.s32 $0x17400, s11;
	s23 =	sshrl.u32 s9, $0x3  }
0xf: {  	s3 =	sshrl.u32 s3, $0x3;
	[dreg:$0x4] =	wrdreg s11;
	s16 =	sadd.s32 s5, s14  }
0x10: {  	s10 =	sadd.s32 s10, s1;
	s25 =	smax.u32 s12, $0x1;
	[dreg:$0x5] =	wrdreg s16  }
0x11: {  	s11 =	sadd.s32 $0x3600, s8;
	s12 =	sshrl.u32 @p0 s15, $0x3;
	[dreg:$0x9] =	wrdreg s25  }
0x12: {  	s8 =	sadd.s32 s22, s21;
	s16 =	sadd.s32 s6, s23;
	[dreg:$0xa] =	wrdreg s12  }
0x13: {  	s3 =	sadd.s32 s0, s3;
	s0 =	sadd.s32 s0, s8;
	[dreg:$0x6] =	wrdreg s16  }
0x14: {  	s24 =	sadd.s32 $0x24900, s3;
	s10 =	sshrl.u32 @!p0 s10, $0x3;
	[dreg:$0x7] =	wrdreg s0  }
0x15: {  	s26 =	sadd.s32 s14, s11;
	s25 =	simm.s32 $0x1;
	[dreg:$0x8] =	wrdreg s24  }
0x16: {  	s3 =	simm.s32 $0x6;
	s0 =	sshll.u32 @!p0 s2, $0x6;
	[dreg:$0xd] =	wrdreg s26  }
0x17: {  	s24 =	simm.s32 $0x3C0;
	[dreg:$0xc] =	wrdreg s10;
	s13 =	sor.u32 @!p0 $0x1C08, s0  }
0x18: {  	s26 =	simm.s32 $0x0;
	s0 =	simm.s32 $0x5;
	[dreg:$0xb] =	wrdreg s13  }
.LBB2_1:
0x19: {  	s8 =	simm.s32 @p0 $0x1FC8;
	s2 =	rddreg [dreg:$0x3]  }
0x1a: {  	[spmem:s12], [sflag:s8] =	dma.local @p0 [hbm:s2], $0x2900  }
0x1b: {  	s8 =	simm.s32 @p0 $0x8  }
0x1c: {  	_ =	swait.ge @p0 [sflag:s8], $0x2900  }
0x1d: {  	[sflag:s8] =	ssyncset.done @p0 $0x0  }
0x1e: {  	[sflag:s8] =	ssyncadd.s32 @p0 $0xFFFFD700;
	s8 =	simm.s32 @!p0 $0x8  }
0x1f: {  	[spmem:s10], [sflag:s13] =	dma.local @!p0 [hbm:s2], $0x2700  }
0x20: {  	_ =	swait.ge @!p0 [sflag:s8], $0x2700  }
0x21: {  	s14 =	simm.s32 $0x0;
	s16 =	simm.s32 $0xA5A0;
	[sflag:s8] =	ssyncset.done @!p0 $0x0  }
0x22: {  	s17 =	simm.s32 $0x8;
	s15 =	rddreg [dreg:$0x4];
	[sflag:s8] =	ssyncadd.s32 @!p0 $0xFFFFD900  }
0x23: {  	[tilespmem:s16], [sflag:$0x8] =	stream.linear.gather [hbm4b:s15+s14], $0x80, $0x38;
	[tilespmem:$0x1DF20] =	vst v63  }
0x24: {  	_ =	swait.ge [sflag:s17], $0x80  }
0x25: {  	[sflag:s17] =	ssyncset.done $0x0  }
0x26: {  	[sflag:s17] =	ssyncadd.s32 $0xFFFFFF80  }
0x27: {  	v0 =	vld [tilespmem:$0xA5A0]  }
0x28: {  	v1 =	vld [tilespmem:$0xA5B0]  }
0x29: {  	v2 =	vld [tilespmem:$0xA5C0]  }
0x2a: {  	v3 =	vld [tilespmem:$0xA5D0]  }
0x2b: {  	v4 =	vld [tilespmem:$0xA5E0]  }
0x2c: {  	v5 =	vld [tilespmem:$0xA5F0]  }
0x2d: {  	v6 =	vld [tilespmem:$0xA600]  }
0x2e: {  	v7 =	vld [tilespmem:$0xA610];
	[bflag:$0x0] =	sbarrier.arrive $0xFFFF  }
0x2f: {  	s18 =	rddreg [dreg:$0xd]  }
0x30: {  	[tilespmem:s14], [sflag:$0x1] =	stream.linear.gather [hbm4b:s18+s14], $0xA0, $0x38;
	[tilespmem:$0x1DF20] =	vst v63  }
0x31: {  	s21 =	simm.s32 $0x1E0;
	s19 =	rddreg [dreg:$0x5]  }
0x32: {  	[tilespmem:s21], [sflag:$0x1] =	stream.linear.gather [hbm4b:s19+s14], $0xA0, $0x38;
	[tilespmem:$0x1DF20] =	vst v63  }
0x33: {  	s22 =	rddreg [dreg:$0x6]  }
0x34: {  	[tilespmem:s24], [sflag:$0x1] =	stream.linear.gather [hbm4b:s22+s14], $0xA0, $0x38;
	[tilespmem:$0x1DF20] =	vst v63  }
0x35: {  	_ =	swait.ge [sflag:s25], $0xA0  }
0x36: {  	[sflag:s25] =	ssyncset.done $0x0  }
0x37: {  	[sflag:s25] =	ssyncadd.s32 $0xFFFFFF60  }
0x38: {  	_ =	swait.ge [sflag:s25], $0xA0  }
0x39: {  	[sflag:s25] =	ssyncset.done $0x0  }
0x3a: {  	[sflag:s25] =	ssyncadd.s32 $0xFFFFFF60  }
0x3b: {  	_ =	swait.ge [sflag:s25], $0xA0  }
0x3c: {  	s23 =	simm.s32 $0x5A0;
	s12 =	simm.s32 $0x0;
	[sflag:s25] =	ssyncset.done $0x0  }
0x3d: {  	s10 =	simm.s32 $0x50;
	s13 =	simm.s32 $0x0;
	[sflag:s25] =	ssyncadd.s32 $0xFFFFFF60  }
0x3e: {  	[tilespmem:s23], [sflag:$0x4] =	stream.indirect.gather [hbm4b:s4+s28], $0x80, s14, s28, $0xb8;
	[tilespmem:$0x1DF20] =	vst v63  }
.LBB2_2:
0x3f: {  	s15 =	sadd.s32 $0x1, s13;
	p1 =	seq.s32 s13, $0x7D  }
0x40: {  	s14 =	smul.u32 @!p1 $0xAB, s15  }
0x41: {  	s8 =	smulhi.u32 $0xAAAAAAAB, s13  }
0x42: {  	s17 =	smul.u32 $0xAB, s13;
	s14 =	sshrl.u32 @!p1 s14, $0x9  }
0x43: {  	s21 =	smul.u32 @!p1 $0xA0, s15;
	s14 =	sand.u32 @!p1 $0x7F, s14  }
0x44: {  	s8 =	sshrl.u32 s8, $0x1;
	s19 =	sshrl.u32 s17, $0x9;
	s14 =	smul.u32 @!p1 $0x3, s14  }
0x45: {  	s17 =	sshll.u32 @!p1 s15, $0x1;
	s16 =	smul.u32 $0x1E0, s8;
	s8 =	sand.u32 $0x7F, s19  }
0x46: {  	s17 =	sadd.s32 @!p1 s7, s17;
	s8 =	smul.u32 $0x3, s8;
	s14 =	ssub.s32 @!p1 s15, s14  }
0x47: {  	s2 =	simm.s32 @!p1 $0x0;
	s17 =	smul.u32 @!p1 $0xA, s17;
	s14 =	sand.u32 @!p1 $0xFF, s14  }
0x48: {  	s21 =	sadd.s32 @!p1 s9, s21;
	s23 =	ssub.s32 s12, s16;
	s22 =	smul.u32 @!p1 $0xA0, s14  }
0x49: {  	s19 =	sadd.s32 @!p1 s11, s17;
	s18 =	sadd.s32 @!p1 $0x1, s14;
	s14 =	smul.u32 @!p1 $0x280, s14  }
0x4a: {  	[tilespmem:s22], [sflag:s18] =	stream.linear.gather @!p1 [hbm4b:s19+s2], $0xA0, $0x38;
	[tilespmem:$0x1DF20] =	vst v63  }
0x4b: {  	s8 =	ssub.s32 s13, s8;
	s17 =	sadd.s32 @!p1 s5, s17;
	s19 =	sadd.s32 @!p1 $0x1E0, s22  }
0x4c: {  	s22 =	sand.u32 $0xFF, s8;
	s8 =	sshrl.u32 @!p1 s14, $0x2;
	s14 =	sshrl.u32 @!p1 s21, $0x3  }
0x4d: {  	[tilespmem:s19], [sflag:s18] =	stream.linear.gather @!p1 [hbm4b:s17+s2], $0xA0, $0x38;
	[tilespmem:$0x1DF20] =	vst v63  }
0x4e: {  	s8 =	sadd.s32 @!p1 $0x3C0, s8;
	s14 =	sadd.s32 @!p1 s6, s14;
	s21 =	smul.u32 $0xA0, s22  }
0x4f: {  	[tilespmem:s8], [sflag:s18] =	stream.linear.gather @!p1 [hbm4b:s14+s2], $0xA0, $0x38;
	[tilespmem:$0x1DF20] =	vst v63  }
0x50: {  	v8 =	vmov s23;
	s14 =	sadd.s32 $0x50, s21  }
0x51: {  	[tilespmem:s29], [sflag:$0x5] =	stream.indirect.gather [hbm4b:s4+s28], $0x80, s14, s28, $0xb8;
	[tilespmem:$0x1DF20] =	vst v63  }
0x52: {  	_ =	swait.ge [sflag:s30], $0x2800  }
0x53: {  	[sflag:s30] =	ssyncset.done $0x0  }
0x54: {  	[sflag:s30] =	ssyncadd.s32 $0xFFFFD800  }
0x55: {  	s21 =	simm.s32 $0x0;
	v8 =	vld.idx.msk [tilespmem:v8+s24+$0x0], $0xffff  }
0x56: {  	v9 =	vld [tilespmem:s21+$0x5A0]  }
0x57: {  	v10 =	vld [tilespmem:s21+$0x5B0]  }
0x58: {  	v11 =	vld [tilespmem:s21+$0x5C0]  }
0x59: {  	v12 =	vld [tilespmem:s21+$0x5D0]  }
0x5a: {  	v13 =	vld [tilespmem:s21+$0x5E0];
	v14 =	vmul.f32 v8, v0  }
0x5b: {  	v15 =	vld [tilespmem:s21+$0x5F0];
	v16 =	vmul.f32 v8, v1  }
0x5c: {  	v20 =	vld [tilespmem:s21+$0x610];
	v17 =	vmul.f32 v8, v2;
	v18 =	vmul.f32 v8, v3;
	v9 =	vadd.f32 v14, v9  }
0x5d: {  	v61 =	vmul.f32 v8, v4;
	v19 =	vmul.f32 v8, v5;
	v14 =	vld [tilespmem:s21+$0x600];
	v10 =	vadd.f32 v10, v16  }
0x5e: {  	v62 =	vmul.f32 v8, v6;
	v11 =	vadd.f32 v11, v17;
	v9 =	vmax.f32 v9, $0.0e+00  }
0x5f: {  	v12 =	vadd.f32 v12, v18;
	v13 =	vadd.f32 v13, v61;
	v10 =	vmax.f32 v10, $0.0e+00;
	[tilespmem:s21+$0x55A0] =	vst v9  }
0x60: {  	s8 =	sadd.s32 $0x1, s23;
	v63 =	vmul.f32 v8, v7;
	v15 =	vadd.f32 v15, v19;
	v11 =	vmax.f32 v11, $0.0e+00;
	[tilespmem:s21+$0x55B0] =	vst v10  }
0x61: {  	v8 =	vmov s8;
	v12 =	vmax.f32 v12, $0.0e+00;
	v9 =	vmax.f32 v13, $0.0e+00;
	[tilespmem:s21+$0x55C0] =	vst v11  }
0x62: {  	s16 =	ssub.s32 s10, s16;
	s17 =	simm.s32 $0x400;
	s23 =	simm.s32 $0x200;
	v10 =	vmax.f32 v15, $0.0e+00;
	[tilespmem:s21+$0x55D0] =	vst v12;
	v12 =	vadd.f32 v20, v63;
	v11 =	vadd.f32 v14, v62  }
.LBB2_3:
0x63: {  	p2 =	sne.s32 s17, $0x9E00;
	[tilespmem:s21+$0x55E0] =	vst v9  }
0x64: {  	[tilespmem:s21+$0x55F0] =	vst v10;
	v9 =	vmax.f32 v11, $0.0e+00;
	v10 =	vmax.f32 v12, $0.0e+00  }
0x65: {  	[tilespmem:s21+$0x5600] =	vst v9  }
0x66: {  	[tilespmem:s21+$0x5610] =	vst v10  }
0x67: {  	s21 =	sshra.s32 s23, $0x2;
	s23 =	smov.u32 s17;
	v8 =	vld.idx.msk [tilespmem:v8+s24+$0x0], $0xffff  }
0x68: {  	v9 =	vld [tilespmem:s21+$0x5A0]  }
0x69: {  	v10 =	vld [tilespmem:s21+$0x5B0]  }
0x6a: {  	v11 =	vld [tilespmem:s21+$0x5C0]  }
0x6b: {  	v12 =	vld [tilespmem:s21+$0x5D0]  }
0x6c: {  	v13 =	vld [tilespmem:s21+$0x5E0]  }
0x6d: {  	v14 =	vmul.f32 v8, v0;
	v15 =	vmul.f32 v8, v1;
	v16 =	vld [tilespmem:s21+$0x5F0]  }
0x6e: {  	v17 =	vmul.f32 v8, v2;
	v18 =	vmul.f32 v8, v3  }
0x6f: {  	v9 =	vadd.f32 v14, v9;
	v10 =	vadd.f32 v10, v15;
	v14 =	vmul.f32 v8, v4;
	v15 =	vld [tilespmem:s21+$0x600]  }
0x70: {  	v11 =	vadd.f32 v11, v17;
	v17 =	vmul.f32 v8, v5;
	v12 =	vadd.f32 v12, v18;
	v18 =	vld [tilespmem:s21+$0x610]  }
.Ltmp0:
0x71: {  	v9 =	vmax.f32 v9, $0.0e+00;
	v10 =	vmax.f32 v10, $0.0e+00;
	v13 =	vadd.f32 v13, v14;
	(pc) =	sbr.rel @p2 .LBB2_3-.Ltmp0, $4  }
0x72: {  	v11 =	vmax.f32 v11, $0.0e+00;
	[tilespmem:s21+$0x55A0] =	vst v9;
	v12 =	vmax.f32 v12, $0.0e+00;
	v14 =	vadd.f32 v16, v17  }
0x73: {  	v16 =	vmul.f32 v8, v7;
	[tilespmem:s21+$0x55B0] =	vst v10;
	v9 =	vmax.f32 v13, $0.0e+00;
	v13 =	vmul.f32 v8, v6  }
0x74: {  	s8 =	sadd.s32 $0x1, s8;
	[tilespmem:s21+$0x55C0] =	vst v11;
	v10 =	vmax.f32 v14, $0.0e+00  }
0x75: {  	s17 =	sadd.s32 $0x200, s17;
	v8 =	vmov s8;
	[tilespmem:s21+$0x55D0] =	vst v12;
	v11 =	vadd.f32 v15, v13;
	v12 =	vadd.f32 v18, v16  }
0x76: {  	[tilespmem:s21+$0x55E0] =	vst v9  }
0x77: {  	[tilespmem:s21+$0x55F0] =	vst v10;
	v9 =	vmax.f32 v11, $0.0e+00  }
0x78: {  	v10 =	vmax.f32 v12, $0.0e+00;
	[tilespmem:s21+$0x5600] =	vst v9  }
0x79: {  	[tilespmem:s21+$0x5610] =	vst v10  }
0x7a: {  	v8 =	vld.idx.msk [tilespmem:v8+s24+$0x0], $0xffff  }
0x7b: {  	s2 =	sshra.s32 s23, $0x2  }
0x7c: {  	v9 =	vld [tilespmem:s2+$0x5A0]  }
0x7d: {  	v10 =	vld [tilespmem:s2+$0x5B0]  }
0x7e: {  	v11 =	vld [tilespmem:s2+$0x5C0]  }
0x7f: {  	v12 =	vld [tilespmem:s2+$0x5D0];
	v13 =	vmul.f32 v8, v0  }
0x80: {  	v14 =	vld [tilespmem:s2+$0x5E0];
	v15 =	vmul.f32 v8, v1  }
0x81: {  	v16 =	vld [tilespmem:s2+$0x5F0];
	v17 =	vmul.f32 v8, v2;
	v9 =	vadd.f32 v13, v9  }
0x82: {  	v13 =	vmul.f32 v8, v3;
	v10 =	vadd.f32 v10, v15;
	v15 =	vld [tilespmem:s2+$0x600]  }
0x83: {  	v57 =	vld [tilespmem:s2+$0x610];
	v18 =	vmul.f32 v8, v4;
	v11 =	vadd.f32 v11, v17;
	v9 =	vmax.f32 v9, $0.0e+00  }
0x84: {  	v12 =	vadd.f32 v12, v13;
	v13 =	vmul.f32 v8, v5;
	v10 =	vmax.f32 v10, $0.0e+00;
	[tilespmem:s2+$0x55A0] =	vst v9  }
0x85: {  	s8 =	smul.u32 $0x280, s22;
	v11 =	vmax.f32 v11, $0.0e+00;
	v9 =	vadd.f32 v14, v18;
	[tilespmem:s2+$0x55B0] =	vst v10;
	v10 =	vmul.f32 v8, v6  }
0x86: {  	s17 =	smulhi.u32 @!p1 $0xAAAAAAAB, s15;
	v8 =	vmul.f32 v8, v7;
	[tilespmem:s2+$0x55C0] =	vst v11;
	v12 =	vmax.f32 v12, $0.0e+00;
	v13 =	vadd.f32 v16, v13  }
0x87: {  	v9 =	vmax.f32 v9, $0.0e+00;
	[tilespmem:s2+$0x55D0] =	vst v12;
	v10 =	vadd.f32 v15, v10  }
0x88: {  	s8 =	sshrl.u32 s8, $0x2;
	s17 =	sshrl.u32 @!p1 s17, $0x1;
	v8 =	vadd.f32 v57, v8;
	v11 =	vmax.f32 v13, $0.0e+00;
	[tilespmem:s2+$0x55E0] =	vst v9  }
0x89: {  	s23 =	sadd.s32 $0x1E0, s8;
	s8 =	smul.u32 @!p1 $0x3, s17;
	[tilespmem:s2+$0x55F0] =	vst v11;
	v9 =	vmax.f32 v10, $0.0e+00  }
0x8a: {  	v8 =	vmax.f32 v8, $0.0e+00;
	[tilespmem:s2+$0x5600] =	vst v9  }
0x8b: {  	[tilespmem:s2+$0x5610] =	vst v8;
	s2 =	ssub.s32 @!p1 s15, s8  }
0x8c: {  	[spmem:s1] =	stream.indirect.scatter.add.f32 [tilespmem:s31], [sflag:$0x6], $0x80, s23, s28, $0xb8;
	[tilespmem:$0x1DF20] =	vst v63  }
0x8d: {  	s8 =	sadd.s32 @!p1 $0x1, s2  }
0x8e: {  	_ =	swait.ge @!p1 [sflag:s8], $0xA0  }
0x8f: {  	[sflag:s8] =	ssyncset.done @!p1 $0x0  }
0x90: {  	[sflag:s8] =	ssyncadd.s32 @!p1 $0xFFFFFF60  }
0x91: {  	_ =	swait.ge @!p1 [sflag:s8], $0xA0  }
0x92: {  	[sflag:s8] =	ssyncset.done @!p1 $0x0  }
0x93: {  	[sflag:s8] =	ssyncadd.s32 @!p1 $0xFFFFFF60  }
0x94: {  	s2 =	smul.u32 @!p1 $0x280, s2;
	_ =	swait.ge @!p1 [sflag:s8], $0xA0  }
0x95: {  	s17 =	simm.s32 @!p1 $0x5A0;
	[sflag:s8] =	ssyncset.done @!p1 $0x0  }
0x96: {  	s2 =	sshrl.u32 @!p1 s2, $0x2;
	[sflag:s8] =	ssyncadd.s32 @!p1 $0xFFFFFF60;
	s8 =	simm.s32 @!p1 $0x50  }
0x97: {  	[tilespmem:s17], [sflag:$0x4] =	stream.indirect.gather @!p1 [hbm4b:s4+s8], $0x80, s2, s8, $0xb8;
	[tilespmem:$0x1DF20] =	vst v63  }
0x98: {  	_ =	swait.ge [sflag:s0], $0x2800  }
0x99: {  	v8 =	vmov s16;
	p1 =	seq.s32 s13, $0x0;
	[sflag:s0] =	ssyncset.done $0x0  }
0x9a: {  	s2 =	simm.s32 @!p1 $0x7;
	[sflag:s0] =	ssyncadd.s32 $0xFFFFD800  }
0x9b: {  	_ =	swait.ge @!p1 [sflag:s2], $0x2800  }
0x9c: {  	[sflag:s2] =	ssyncset.done @!p1 $0x0  }
0x9d: {  	[sflag:s2] =	ssyncadd.s32 @!p1 $0xFFFFD800  }
0x9e: {  	s13 =	simm.s32 $0x0;
	v8 =	vld.idx.msk [tilespmem:v8+s24+$0x0], $0xffff  }
0x9f: {  	v9 =	vld [tilespmem:s13+$0x2DA0]  }
0xa0: {  	v10 =	vld [tilespmem:s13+$0x2DB0]  }
0xa1: {  	v11 =	vld [tilespmem:s13+$0x2DC0]  }
0xa2: {  	v12 =	vld [tilespmem:s13+$0x2DD0]  }
0xa3: {  	v13 =	vld [tilespmem:s13+$0x2DE0];
	v14 =	vmul.f32 v8, v0  }
0xa4: {  	v15 =	vld [tilespmem:s13+$0x2DF0];
	v58 =	vmul.f32 v8, v1  }
0xa5: {  	v20 =	vld [tilespmem:s13+$0x2E10];
	v59 =	vmul.f32 v8, v2;
	v60 =	vmul.f32 v8, v3;
	v9 =	vadd.f32 v14, v9  }
0xa6: {  	v61 =	vmul.f32 v8, v4;
	v19 =	vmul.f32 v8, v5;
	v14 =	vld [tilespmem:s13+$0x2E00];
	v10 =	vadd.f32 v10, v58  }
0xa7: {  	v62 =	vmul.f32 v8, v6;
	v11 =	vadd.f32 v11, v59;
	v9 =	vmax.f32 v9, $0.0e+00  }
0xa8: {  	v12 =	vadd.f32 v12, v60;
	v13 =	vadd.f32 v13, v61;
	v10 =	vmax.f32 v10, $0.0e+00;
	[tilespmem:s13+$0x7DA0] =	vst v9  }
0xa9: {  	s8 =	sadd.s32 $0x1, s16;
	v63 =	vmul.f32 v8, v7;
	v15 =	vadd.f32 v15, v19;
	v11 =	vmax.f32 v11, $0.0e+00;
	[tilespmem:s13+$0x7DB0] =	vst v10  }
0xaa: {  	v8 =	vmov s8;
	v12 =	vmax.f32 v12, $0.0e+00;
	v9 =	vmax.f32 v13, $0.0e+00;
	[tilespmem:s13+$0x7DC0] =	vst v11  }
0xab: {  	s16 =	simm.s32 $0x200;
	s17 =	simm.s32 $0x400;
	v10 =	vmax.f32 v15, $0.0e+00;
	[tilespmem:s13+$0x7DD0] =	vst v12;
	v12 =	vadd.f32 v20, v63;
	v11 =	vadd.f32 v14, v62  }
.LBB2_5:
0xac: {  	p1 =	sne.s32 s17, $0x9E00;
	[tilespmem:s13+$0x7DE0] =	vst v9  }
0xad: {  	[tilespmem:s13+$0x7DF0] =	vst v10;
	v9 =	vmax.f32 v11, $0.0e+00;
	v10 =	vmax.f32 v12, $0.0e+00  }
0xae: {  	[tilespmem:s13+$0x7E00] =	vst v9  }
0xaf: {  	[tilespmem:s13+$0x7E10] =	vst v10  }
0xb0: {  	s13 =	sshra.s32 s16, $0x2;
	s16 =	smov.u32 s17;
	v8 =	vld.idx.msk [tilespmem:v8+s24+$0x0], $0xffff  }
0xb1: {  	v9 =	vld [tilespmem:s13+$0x2DA0]  }
0xb2: {  	v10 =	vld [tilespmem:s13+$0x2DB0]  }
0xb3: {  	v11 =	vld [tilespmem:s13+$0x2DC0]  }
0xb4: {  	v12 =	vld [tilespmem:s13+$0x2DD0]  }
0xb5: {  	v13 =	vld [tilespmem:s13+$0x2DE0]  }
0xb6: {  	v14 =	vmul.f32 v8, v0;
	v15 =	vmul.f32 v8, v1;
	v16 =	vld [tilespmem:s13+$0x2DF0]  }
0xb7: {  	v17 =	vmul.f32 v8, v2;
	v18 =	vmul.f32 v8, v3  }
0xb8: {  	v9 =	vadd.f32 v14, v9;
	v10 =	vadd.f32 v10, v15;
	v14 =	vmul.f32 v8, v4;
	v15 =	vld [tilespmem:s13+$0x2E00]  }
0xb9: {  	v11 =	vadd.f32 v11, v17;
	v17 =	vmul.f32 v8, v5;
	v12 =	vadd.f32 v12, v18;
	v18 =	vld [tilespmem:s13+$0x2E10]  }
.Ltmp1:
0xba: {  	v9 =	vmax.f32 v9, $0.0e+00;
	v10 =	vmax.f32 v10, $0.0e+00;
	v13 =	vadd.f32 v13, v14;
	(pc) =	sbr.rel @p1 .LBB2_5-.Ltmp1, $4  }
0xbb: {  	v11 =	vmax.f32 v11, $0.0e+00;
	[tilespmem:s13+$0x7DA0] =	vst v9;
	v12 =	vmax.f32 v12, $0.0e+00;
	v14 =	vadd.f32 v16, v17  }
0xbc: {  	v16 =	vmul.f32 v8, v7;
	[tilespmem:s13+$0x7DB0] =	vst v10;
	v9 =	vmax.f32 v13, $0.0e+00;
	v13 =	vmul.f32 v8, v6  }
0xbd: {  	s8 =	sadd.s32 $0x1, s8;
	[tilespmem:s13+$0x7DC0] =	vst v11;
	v10 =	vmax.f32 v14, $0.0e+00  }
0xbe: {  	s17 =	sadd.s32 $0x200, s17;
	v8 =	vmov s8;
	[tilespmem:s13+$0x7DD0] =	vst v12;
	v11 =	vadd.f32 v15, v13;
	v12 =	vadd.f32 v18, v16  }
0xbf: {  	[tilespmem:s13+$0x7DE0] =	vst v9  }
0xc0: {  	[tilespmem:s13+$0x7DF0] =	vst v10;
	v52 =	vmax.f32 v11, $0.0e+00  }
0xc1: {  	v53 =	vmax.f32 v12, $0.0e+00;
	[tilespmem:s13+$0x7E00] =	vst v52  }
0xc2: {  	[tilespmem:s13+$0x7E10] =	vst v53  }
0xc3: {  	v8 =	vld.idx.msk [tilespmem:v8+s24+$0x0], $0xffff  }
0xc4: {  	s2 =	sshra.s32 s16, $0x2  }
0xc5: {  	v9 =	vld [tilespmem:s2+$0x2DA0]  }
0xc6: {  	v10 =	vld [tilespmem:s2+$0x2DB0]  }
0xc7: {  	v54 =	vld [tilespmem:s2+$0x2DC0]  }
0xc8: {  	v55 =	vld [tilespmem:s2+$0x2DD0];
	v13 =	vmul.f32 v8, v0  }
0xc9: {  	v16 =	vld [tilespmem:s2+$0x2DF0];
	v15 =	vmul.f32 v8, v1  }
0xca: {  	v58 =	vld [tilespmem:s2+$0x2E10];
	v17 =	vmul.f32 v8, v2;
	v56 =	vmul.f32 v8, v3;
	v9 =	vadd.f32 v13, v9  }
0xcb: {  	v14 =	vld [tilespmem:s2+$0x2DE0];
	v18 =	vmul.f32 v8, v4;
	v59 =	vmul.f32 v8, v5;
	v10 =	vadd.f32 v10, v15  }
0xcc: {  	v57 =	vld [tilespmem:s2+$0x2E00];
	v61 =	vmul.f32 v8, v6;
	v11 =	vadd.f32 v54, v17;
	v9 =	vmax.f32 v9, $0.0e+00  }
0xcd: {  	v8 =	vmul.f32 v8, v7;
	v12 =	vadd.f32 v55, v56;
	v10 =	vmax.f32 v10, $0.0e+00;
	[tilespmem:s2+$0x7DA0] =	vst v9  }
0xce: {  	v13 =	vadd.f32 v16, v59;
	v11 =	vmax.f32 v11, $0.0e+00;
	[tilespmem:s2+$0x7DB0] =	vst v10  }
0xcf: {  	v8 =	vadd.f32 v58, v8;
	v12 =	vmax.f32 v12, $0.0e+00;
	[tilespmem:s2+$0x7DC0] =	vst v11  }
0xd0: {  	v60 =	vadd.f32 v14, v18;
	v62 =	vmax.f32 v13, $0.0e+00;
	[tilespmem:s2+$0x7DD0] =	vst v12  }
0xd1: {  	v8 =	vmax.f32 v8, $0.0e+00;
	v10 =	vadd.f32 v57, v61;
	[tilespmem:s2+$0x7DF0] =	vst v62  }
0xd2: {  	v9 =	vmax.f32 v60, $0.0e+00;
	[tilespmem:s2+$0x7E10] =	vst v8  }
0xd3: {  	p1 =	sne.s32 s15, $0x7E;
	[tilespmem:s2+$0x7DE0] =	vst v9;
	v63 =	vmax.f32 v10, $0.0e+00  }
.Ltmp2:
0xd4: {  	[tilespmem:s2+$0x7E00] =	vst v63;
	(pc) =	sbr.rel @p1 .LBB2_2-.Ltmp2, $4  }
0xd5: {  	_ =	swait.ge [sflag:s3], $0x2800  }
0xd6: {  	s23 =	sadd.s32 $0x1E0, s14;
	s12 =	sadd.s32 $0xA0, s12;
	[sflag:s3] =	ssyncset.done $0x0  }
0xd7: {  	s10 =	sadd.s32 $0xA0, s10;
	s13 =	smov.u32 s15;
	[sflag:s3] =	ssyncadd.s32 $0xFFFFD800  }
0xd8: {  	[spmem:s1] =	stream.indirect.scatter.add.f32 [tilespmem:s20], [sflag:$0x7], $0x80, s23, s28, $0xb8;
	[tilespmem:$0x1DF20] =	vst v63  }
0xd9: {  	s2 =	simm.s32 $0x7  }
0xda: {  	_ =	swait.ge [sflag:s2], $0x2800  }
0xdb: {  	[sflag:s2] =	ssyncset.done $0x0  }
0xdc: {  	[sflag:s2] =	ssyncadd.s32 $0xFFFFD800  }
0xdd: {  	[bflag:$0x0] =	sbarrier.arrive $0xFFFF  }
0xde: {  	s8 =	rddreg [dreg:$0x8]  }
0xdf: {  	s2 =	simm.s32 @p0 $0x1FC8;
	s12 =	rddreg [dreg:$0xa]  }
0xe0: {  	[hbm:s8], [sflag:s2] =	dma.local @p0 [spmem:s12], $0x2800  }
0xe1: {  	s2 =	simm.s32 @p0 $0x8  }
0xe2: {  	_ =	swait.ge @p0 [sflag:s2], $0x2800  }
0xe3: {  	s13 =	rddreg [dreg:$0xb]  }
0xe4: {  	[sflag:s2] =	ssyncset.done @p0 $0x0;
	s10 =	rddreg [dreg:$0xc]  }
0xe5: {  	[sflag:s2] =	ssyncadd.s32 @p0 $0xFFFFD800;
	s2 =	rddreg [dreg:$0x7]  }
0xe6: {  	[hbm:s2], [sflag:s13] =	dma.local @!p0 [spmem:s10], $0x2700  }
0xe7: {  	s2 =	simm.s32 @!p0 $0x8  }
0xe8: {  	_ =	swait.ge @!p0 [sflag:s2], $0x2700  }
0xe9: {  	s26 =	sadd.s32 $0x1, s26;
	s23 =	rddreg [dreg:$0x9]  }
0xea: {  	p1 =	sne.s32 s26, s23  }
.Ltmp3:
0xeb: {  	_ = 	snop;
	(pc) =	sbr.rel @p1 .LBB2_1-.Ltmp3, $3  }
0xec: {  	_ =	sdelay $0x1  }
0xed: {  	[sflag:s2] =	ssyncset.done @!p0 $0x0  }
0xee: {  	[sflag:s2] =	ssyncadd.s32 @!p0 $0xFFFFD900  }
0xef: {  	_ =	sfence.sel $0x180000  }
0xf0: {  	[bflag:$0x0] =	sbarrier.arrive $0xFFFF  }
0xf1: {  	_ =	strace $0x9000004A  }
0xf2: {  	s0 =	stileid.u32;
	[bflag:$0x2] =	sbarrier.arrive $0xFFFF  }
0xf3: {  	p0 =	sne.s32 s0, $0x0;
	s0 =	rddreg [dreg:$0x2]  }
0xf4: {  	s0 =	sadd.s32 @!p0 $0x100000, s0  }
0xf5: {  	[sflag:s0] =	ssyncadd.tile.s32 @!p0 $0x1;
	_ =	shalt  }
.Lfunc_end2:
_tile_overlayer_lowered:
.L_overlay_start_2:
0xf6: {  	(tag) =	ssettag $0x2  }
0xf7: {  	s0 =	rddreg [dreg:$0x0];
	s2 =	stileid.u32  }
0xf8: {  	s1 =	rddreg [dreg:$0x1];
	p0 =	sne.s32 s2, $0x0  }
0xf9: {  	s3 =	rddreg [dreg:$0x2];
	[bflag:$0x3] =	sbarrier.arrive $0xFFFF;
	s2 =	simm.s32 @!p0 $0x1C08  }
0xfa: {  	[timem:s3], [sflag:s2] =	dma.local @!p0 [hbm:s0], s1  }
0xfb: {  	s0 =	simm.s32 @!p0 $0x8  }
0xfc: {  	_ =	swait.ge @!p0 [sflag:s0], s1  }
0xfd: {  	s1 =	ssub.s32 @!p0 $0x0, s1;
	[sflag:s0] =	ssyncset.done @!p0 $0x0  }
0xfe: {  	[sflag:s0] =	ssyncadd.s32 @!p0 s1  }
0xff: {  	[bflag:$0x3] =	sbarrier.arrive $0xFFFF  }
0x100: {  	_ =	shalt  }

// kernel: kernel.16.cloned.1.call-start
scs
__scs_entry_jumppad:
0x0: {  	(pc) =	sbr.rel $0x88, $3  }
0x1: {  	(tag) =	ssettag $0x0;
	lr =	simm.s32 $0x1  }
0x2: {  	[smem:$0x3F91] =	sst lr;
	_ =	strace $0xD0000000  }
0x3: {  	_ = 	snop  }
0x4: {  	_ = 	snop  }
0x5: {  	_ = 	snop  }
0x6: {  	_ = 	snop  }
0x7: {  	_ = 	snop  }
__scs_overlays_trampoline_lowered:
0x8: {  	[smem:$0x3FA0] =	sst s0  }
0x9: {  	[smem:$0x3FA1] =	sst s1  }
0xa: {  	[smem:$0x3FA2] =	sst s2  }
0xb: {  	[smem:$0x3FA3] =	sst s3  }
0xc: {  	[smem:$0x3FA4] =	sst s4  }
0xd: {  	[smem:$0x3FA5] =	sst s5  }
0xe: {  	[smem:$0x3FA6] =	sst s6  }
0xf: {  	[smem:$0x3FA7] =	sst s7  }
0x10: {  	[smem:$0x3FA8] =	sst s8  }
0x11: {  	[smem:$0x3FA9] =	sst s9;
	s0 =	simm.s32 @!p0 $0x0  }
0x12: {  	s1 =	sld [smem:$0x3F8F];
	s0 =	simm.s32 @p0 $0x1  }
0x13: {  	[smem:$0x3FAA] =	sst s0;
	s0 =	simm.s32 @!p1 $0x0  }
0x14: {  	s2 =	sld [smem:$0x3F8E];
	s0 =	simm.s32 @p1 $0x1  }
0x15: {  	[smem:$0x3FAB] =	sst s0;
	s0 =	simm.s32 @!p2 $0x0  }
0x16: {  	s3 =	sld [smem:$0x3FDB];
	s0 =	simm.s32 @p2 $0x1  }
0x17: {  	s4 =	simm.s32 $0x1BF5;
	[smem:$0x3FAD] =	sst s0  }
0x18: {  	s0 =	sld [smem:$0x3F90];
	_ =	swait.ge [sflag:s4], $0x0  }
0x19: {  	s7 =	sld [smem:$0x3F91]  }
0x1a: {  	s8 =	sadd.s32 $0xFFFFE003, lr  }
0x1b: {  	s9 =	sadd.s32 $0xFFFFFEF7, lr;
	s5 =	simm.s32 $0xFFFFFFFF;
	p2 =	slt.u32 s8, $0xFFFFF086  }
0x1c: {  	p1 =	slt.u32 s9, $0xF7A;
	s5 =	simm.s32 @!p2 $0x0  }
0x1d: {  	s5 =	simm.s32 @p1 $0x1;
	p0 =	seq.s32 s7, s2  }
0x1e: {  	s7 =	smul.u32 @!p0 $0xF7A, s2;
	p2 =	seq.s32 @!p0 s5, $0x0  }
0x1f: {  	s9 =	smul.u32 $0xF7A, s1;
	s8 =	simm.s32 @!p0 $0x1BF5;
	p2 =	por !p2, p0  }
0x20: {  	[sflag:s8] =	ssyncset.s32 @!p0 $0xFFFFF086;
	s6 =	sadd.s32 @!p0 s3, s7;
	s7 =	simm.s32 @!p0 $0x108  }
0x21: {  	s3 =	sadd.s32 s3, s9;
	s6 =	sadd.s32 @!p0 $0x88, s6;
	s7 =	simm.s32 @p2 $0x1082  }
0x22: {  	[simem:s7], [sflag:s8] =	dma.local @!p0 [hbm:s6], $0xF7A  }
0x23: {  	s9 =	sor.u32 $0xD0000000, s2;
	s6 =	simm.s32 $0x108;
	_ =	swait.ge @!p0 [sflag:s8], $0x0  }
0x24: {  	s3 =	sadd.s32 $0x88, s3;
	s6 =	simm.s32 @!p1 $0x1082;
	[sflag:s4] =	ssyncset.s32 $0xFFFFF086  }
0x25: {  	[simem:s6], [sflag:s4] =	dma.local [hbm:s3], $0xF7A  }
0x26: {  	[smem:$0x3F91] =	sst s1;
	(tag) =	ssettag s2;
	_ =	strace s9  }
0x27: {  	s1 =	sld [smem:$0x3FA1]  }
0x28: {  	s2 =	sld [smem:$0x3FA2]  }
0x29: {  	s4 =	sld [smem:$0x3FA4]  }
0x2a: {  	p0 =	seq.s32 s5, $0x0;
	s5 =	sld [smem:$0x3FA5]  }
0x2b: {  	s6 =	sld [smem:$0x3FA6]  }
0x2c: {  	s7 =	sld [smem:$0x3FA7]  }
0x2d: {  	s3 =	simm.s32 $0x108;
	s8 =	sld [smem:$0x3FA8]  }
0x2e: {  	s3 =	simm.s32 @!p0 $0x1082;
	s9 =	sld [smem:$0x3FA9]  }
0x2f: {  	lr =	sadd.s32 s0, s3;
	s0 =	sld [smem:$0x3FA0]  }
0x30: {  	s3 =	sld [smem:$0x3FA3]  }
0x31: {  	[smem:$0x3FAC] =	sst s10  }
0x32: {  	s10 =	sld [smem:$0x3FAA];
	_ =	sdelay $0x3  }
0x33: {  	p0 =	seq.s32 s10, $0x1;
	s10 =	sld [smem:$0x3FAC];
	_ =	sdelay $0x3  }
0x34: {  	[smem:$0x3FAC] =	sst s10  }
0x35: {  	s10 =	sld [smem:$0x3FAB];
	_ =	sdelay $0x3  }
0x36: {  	p1 =	seq.s32 s10, $0x1;
	s10 =	sld [smem:$0x3FAC];
	_ =	sdelay $0x3  }
0x37: {  	[smem:$0x3FAC] =	sst s10  }
0x38: {  	s10 =	sld [smem:$0x3FAD]  }
0x39: {  	_ = 	snop;
	(pc) =	sbr.ind lr, $3  }
0x3a: {  	_ = 	snop  }
0x3b: {  	_ = 	snop  }
0x3c: {  	p2 =	seq.s32 s10, $0x1;
	s10 =	sld [smem:$0x3FAC]  }
0x3d: {  	_ =	shalt  }
0x3e: {  	_ =	shalt  }
0x3f: {  	_ =	shalt  }
0x40: {  	_ =	shalt  }
0x41: {  	_ =	shalt  }
0x42: {  	_ =	shalt  }
0x43: {  	_ =	shalt  }
0x44: {  	_ =	shalt  }
0x45: {  	_ =	shalt  }
0x46: {  	_ =	shalt  }
0x47: {  	_ =	shalt  }
0x48: {  	_ =	shalt  }
0x49: {  	_ =	shalt  }
0x4a: {  	_ =	shalt  }
0x4b: {  	_ =	shalt  }
0x4c: {  	_ =	shalt  }
0x4d: {  	_ =	shalt  }
0x4e: {  	_ =	shalt  }
0x4f: {  	_ =	shalt  }
0x50: {  	_ =	shalt  }
0x51: {  	_ =	shalt  }
0x52: {  	_ =	shalt  }
0x53: {  	_ =	shalt  }
0x54: {  	_ =	shalt  }
0x55: {  	_ =	shalt  }
0x56: {  	_ =	shalt  }
0x57: {  	_ =	shalt  }
0x58: {  	_ =	shalt  }
0x59: {  	_ =	shalt  }
0x5a: {  	_ =	shalt  }
0x5b: {  	_ =	shalt  }
0x5c: {  	_ =	shalt  }
0x5d: {  	_ =	shalt  }
0x5e: {  	_ =	shalt  }
0x5f: {  	_ =	shalt  }
0x60: {  	_ =	shalt  }
0x61: {  	_ =	shalt  }
0x62: {  	_ =	shalt  }
0x63: {  	_ =	shalt  }
0x64: {  	_ =	shalt  }
0x65: {  	_ =	shalt  }
0x66: {  	_ =	shalt  }
0x67: {  	_ =	shalt  }
0x68: {  	_ =	shalt  }
0x69: {  	_ =	shalt  }
0x6a: {  	_ =	shalt  }
0x6b: {  	_ =	shalt  }
0x6c: {  	_ =	shalt  }
0x6d: {  	_ =	shalt  }
0x6e: {  	_ =	shalt  }
0x6f: {  	_ =	shalt  }
0x70: {  	_ =	shalt  }
0x71: {  	_ =	shalt  }
0x72: {  	_ =	shalt  }
0x73: {  	_ =	shalt  }
0x74: {  	_ =	shalt  }
0x75: {  	_ =	shalt  }
0x76: {  	_ =	shalt  }
0x77: {  	_ =	shalt  }
0x78: {  	_ =	shalt  }
0x79: {  	_ =	shalt  }
0x7a: {  	_ =	shalt  }
0x7b: {  	_ =	shalt  }
0x7c: {  	_ =	shalt  }
0x7d: {  	_ =	shalt  }
0x7e: {  	_ =	shalt  }
0x7f: {  	_ =	shalt  }
0x80: {  	_ =	shalt  }
0x81: {  	_ =	shalt  }
0x82: {  	_ =	shalt  }
0x83: {  	_ =	shalt  }
0x84: {  	_ =	shalt  }
0x85: {  	_ =	shalt  }
0x86: {  	_ =	shalt  }
0x87: {  	_ =	shalt  }
.Lfunc_end0:
.L_simem_size_0:
called_computation.2_lowered:
.L_overlay_start_0:
0x88: {  	s2 =	sld [smem:$0x3FD9]  }
0x89: {  	s3 =	sld [smem:$0x3FFE];
	_ =	sdelay $0x1  }
0x8a: {  	s1 =	srdreg.scid  }
0x8b: {  	s0 =	sand.u32 $0x1, s1  }
0x8c: {  	s16 =	sshll.u32 s0, $0xA;
	s2 =	sadd.s32 s3, s2  }
0x8d: {  	s2 =	sadd.s32 s2, s16  }
0x8e: {  	[smem:$0x3FB8] =	sst s2  }
0x8f: {  	_ = 	snop  }
0x90: {  	(tm) =	ssettm $0x1  }
0x91: {  	s17 =	sld [smem:$0x3FFB];
	_ =	sdelay $0x3  }
0x92: {  	_ =	strace s17  }
0x93: {  	s2 =	sld [smem:$0x3FFC];
	_ =	sdelay $0x3  }
0x94: {  	_ =	strace s2  }
0x95: {  	s2 =	sld [smem:$0x3FFD];
	_ =	sdelay $0x3  }
0x96: {  	_ =	strace s2  }
0x97: {  	_ =	strace $0x8FFFFFFF  }
0x98: {  	s18 =	sld [smem:$0x3FDB];
	_ =	sdelay $0x1  }
0x99: {  	s19 =	simm.s32 $_scs_section_size  }
0x9a: {  	s4 =	simm.s32 $_size__tile_overlayer_lowered;
	s5 =	simm.s32 $_tile_overlayer_lowered  }
0x9b: {  	s22 =	simm.s32 $0x1BFF;
	s21 =	sshll.u32 s5, $0x1;
	s2 =	sadd.s32 s19, s18  }
0x9c: {  	s6 =	simm.s32 $0x0;
	s20 =	sshll.u32 s4, $0x1;
	s4 =	sadd.s32 s21, s2  }
0x9d: {  	[timem:s6], [sflag:s22] =	dma.local [hbm:s4], s20  }
0x9e: {  	_ =	swait.ge [sflag:s22], s20  }
0x9f: {  	s3 =	ssub.s32 $0x0, s20;
	[sflag:s22] =	ssyncset.done $0x0  }
0xa0: {  	[sflag:s22] =	ssyncadd.s32 s3;
	_ =	sdelay $0x1  }
0xa1: {  	s23 =	simm.s32 $0x1B8B  }
0xa2: {  	_ =	swait.ge [sflag:s23], $0x1  }
0xa3: {  	[sflag:s23] =	ssyncset.done $0x0  }
0xa4: {  	s25 =	simm.s32 $0x1B8E;
	s24 =	sld [smem:$0x3FFE];
	[sflag:s23] =	ssyncadd.s32 $0xFFFFFFFF  }
0xa5: {  	s26 =	simm.s32 $execute0_lowered;
	[smem:$0x3FD2] =	sst s25  }
0xa6: {  	s4 =	sshll.u32 s26, $0x1;
	_ =	strace $0x8000004C;
	[dreg:$0x1] =	wrdreg $0xFFFFFFFF  }
0xa7: {  	s28 =	simm.s32 $_size_execute0_lowered;
	s2 =	sadd.s32 s2, s4;
	[dreg:$0x0] =	wrdreg $0x0  }
0xa8: {  	s4 =	sshll.u32 s28, $0x1;
	[dreg:$0x2] =	wrdreg s2  }
0xa9: {  	[dreg:$0x3] =	wrdreg s4  }
0xaa: {  	[dreg:$0x4] =	wrdreg $0xC0  }
0xab: {  	_ =	task [dreg:s6], $0x5FFFF  }
0xac: {  	[dreg:$0x1] =	wrdreg $0xFFFFFFFF  }
0xad: {  	[dreg:$0x0] =	wrdreg $0x60  }
0xae: {  	[dreg:$0x2] =	wrdreg s24  }
0xaf: {  	[dreg:$0x3] =	wrdreg $0xA6200  }
0xb0: {  	[dreg:$0x4] =	wrdreg $0x9  }
0xb1: {  	_ =	task.clear_ibuf [dreg:s6], $0x5FFFF;
	_ =	strace $0x9000004C  }
0xb2: {  	s29 =	simm.s32 $0x9;
	_ =	strace $0x8000004E  }
0xb3: {  	_ =	swait.ge [sflag:s29], $0x1  }
0xb4: {  	[sflag:s29] =	ssyncadd.s32 $0xFFFFFFFF  }
0xb5: {  	_ =	strace $0x9000004E  }
0xb6: {  	_ =	sfence  }
0xb7: {  	s30 =	sld [smem:$0x0];
	_ =	sdelay $0x2  }
0xb8: {  	s31 =	sshll.u32 s1, $0xD;
	s1 =	sshrl.u32 s1, $0x2  }
0xb9: {  	s3 =	sand.u32 $0x4000, s31;
	s1 =	sadd.s32 s1, s30  }
0xba: {  	s0 =	sor.u32 s3, s0;
	s1 =	sshll.u32 s1, $0x11  }
0xbb: {  	s0 =	sor.u32 s1, s0  }
0xbc: {  	s0 =	sadd.s32 $0x8F2B, s0  }
0xbd: {  	[sflag:s0] =	ssyncadd.remote.s32 $0x1  }
0xbe: {  	_ =	sfence.sel $0xFFFF  }
0xbf: {  	[dreg:$0x0] =	wrdreg $0xFFFFFFFF;
	(pc) =	sbr.abs _section_cstart, $3  }
0xc0: {  	[dreg:$0x1] =	wrdreg $0xFFFFFFFF  }
0xc1: {  	_ =	task.clear_ibuf [dreg:s6], $0x2FFFF;
	_ =	strace $0x9FFFFFFF  }
0xc2: {  	(tm) =	ssettm $0x7FFFFFFF  }
0xc3: {  	_ =	shalt  }
tec
execute0_lowered:
.L_overlay_start_1:
0x0: {  	(tag) =	ssettag $0x1  }
0x1: {  	s0 =	rddreg [dreg:$0x0]  }
0x2: {  	s1 =	rddreg [dreg:$0x1]  }
0x3: {  	s3 =	srdreg.scid;
	s2 =	simm.s32 $0x0;
	s28 =	simm.s32 $0x50  }
0x4: {  	s29 =	simm.s32 $0x2DA0;
	s3 =	sand.u32 $0x1, s3;
	[smem:$0x7FF] =	sst s2  }
0x5: {  	s30 =	simm.s32 $0x4;
	s2 =	stileid.u32;
	s5 =	smul.u32 $0x9D80, s3  }
0x6: {  	s31 =	simm.s32 $0x55A0;
	s9 =	sadd.s32 $0xC7800, s0;
	s10 =	smul.u32 $0x4E000, s2  }
0x7: {  	_ =	strace $0x8000004D;
	[dreg:$0x3] =	wrdreg s9;
	s9 =	smul.u32 $0x4EC0, s2  }
0x8: {  	s20 =	simm.s32 $0x7DA0;
	s4 =	sadd.s32 $0x2B400, s0;
	s14 =	smul.u32 $0x9D8, s2  }
0x9: {  	s6 =	sadd.s32 $0x21600, s0;
	s15 =	sadd.s32 $0x124800, s1;
	s21 =	smul.u32 $0x27100, s3  }
0xa: {  	s7 =	sshll.u32 s3, $0x4;
	s12 =	ssub.s32 $0x2, s3;
	s3 =	smul.u32 $0x138800, s3  }
0xb: {  	s22 =	smul.u32 $0x2700, s2;
	p0 =	seq.s32 s2, $0xF;
	s11 =	sadd.s32 s7, s0  }
0xc: {  	s7 =	smul.u32 $0xFC, s2;
	s13 =	sshrl.u32 s12, $0x1;
	s8 =	sadd.s32 s5, s0  }
0xd: {  	s5 =	sadd.s32 $0x17800, s0;
	s0 =	sadd.s32 $0x79600, s0;
	s12 =	ssub.s32 s12, s13  }
0xe: {  	s10 =	sshrl.u32 s10, $0x2;
	s11 =	sadd.s32 $0x17600, s11;
	s23 =	sshrl.u32 s9, $0x3  }
0xf: {  	s3 =	sshrl.u32 s3, $0x3;
	[dreg:$0x4] =	wrdreg s11;
	s16 =	sadd.s32 s5, s14  }
0x10: {  	s10 =	sadd.s32 s10, s1;
	s25 =	smax.u32 s12, $0x1;
	[dreg:$0x5] =	wrdreg s16  }
0x11: {  	s11 =	sadd.s32 $0x3600, s8;
	s12 =	sshrl.u32 @p0 s15, $0x3;
	[dreg:$0x9] =	wrdreg s25  }
0x12: {  	s8 =	sadd.s32 s22, s21;
	s16 =	sadd.s32 s6, s23;
	[dreg:$0xa] =	wrdreg s12  }
0x13: {  	s3 =	sadd.s32 s0, s3;
	s0 =	sadd.s32 s0, s8;
	[dreg:$0x6] =	wrdreg s16  }
0x14: {  	s24 =	sadd.s32 $0x24900, s3;
	s10 =	sshrl.u32 @!p0 s10, $0x3;
	[dreg:$0x7] =	wrdreg s0  }
0x15: {  	s26 =	sadd.s32 s14, s11;
	s25 =	simm.s32 $0x1;
	[dreg:$0x8] =	wrdreg s24  }
0x16: {  	s3 =	simm.s32 $0x6;
	s0 =	sshll.u32 @!p0 s2, $0x6;
	[dreg:$0xd] =	wrdreg s26  }
0x17: {  	s24 =	simm.s32 $0x3C0;
	[dreg:$0xc] =	wrdreg s10;
	s13 =	sor.u32 @!p0 $0x1C08, s0  }
0x18: {  	s26 =	simm.s32 $0x0;
	s0 =	simm.s32 $0x5;
	[dreg:$0xb] =	wrdreg s13  }
.LBB2_1:
0x19: {  	s8 =	simm.s32 @p0 $0x1FC8;
	s2 =	rddreg [dreg:$0x3]  }
0x1a: {  	[spmem:s12], [sflag:s8] =	dma.local @p0 [hbm:s2], $0x2900  }
0x1b: {  	s8 =	simm.s32 @p0 $0x8  }
0x1c: {  	_ =	swait.ge @p0 [sflag:s8], $0x2900  }
0x1d: {  	[sflag:s8] =	ssyncset.done @p0 $0x0  }
0x1e: {  	[sflag:s8] =	ssyncadd.s32 @p0 $0xFFFFD700;
	s8 =	simm.s32 @!p0 $0x8  }
0x1f: {  	[spmem:s10], [sflag:s13] =	dma.local @!p0 [hbm:s2], $0x2700  }
0x20: {  	_ =	swait.ge @!p0 [sflag:s8], $0x2700  }
0x21: {  	s14 =	simm.s32 $0x0;
	s16 =	simm.s32 $0xA5A0;
	[sflag:s8] =	ssyncset.done @!p0 $0x0  }
0x22: {  	s17 =	simm.s32 $0x8;
	s15 =	rddreg [dreg:$0x4];
	[sflag:s8] =	ssyncadd.s32 @!p0 $0xFFFFD900  }
0x23: {  	[tilespmem:s16], [sflag:$0x8] =	stream.linear.gather [hbm4b:s15+s14], $0x80, $0x38;
	[tilespmem:$0x1DF20] =	vst v63  }
0x24: {  	_ =	swait.ge [sflag:s17], $0x80  }
0x25: {  	[sflag:s17] =	ssyncset.done $0x0  }
0x26: {  	[sflag:s17] =	ssyncadd.s32 $0xFFFFFF80  }
0x27: {  	v0 =	vld [tilespmem:$0xA5A0]  }
0x28: {  	v1 =	vld [tilespmem:$0xA5B0]  }
0x29: {  	v2 =	vld [tilespmem:$0xA5C0]  }
0x2a: {  	v3 =	vld [tilespmem:$0xA5D0]  }
0x2b: {  	v4 =	vld [tilespmem:$0xA5E0]  }
0x2c: {  	v5 =	vld [tilespmem:$0xA5F0]  }
0x2d: {  	v6 =	vld [tilespmem:$0xA600]  }
0x2e: {  	v7 =	vld [tilespmem:$0xA610];
	[bflag:$0x0] =	sbarrier.arrive $0xFFFF  }
0x2f: {  	s18 =	rddreg [dreg:$0xd]  }
0x30: {  	[tilespmem:s14], [sflag:$0x1] =	stream.linear.gather [hbm4b:s18+s14], $0xA0, $0x38;
	[tilespmem:$0x1DF20] =	vst v63  }
0x31: {  	s21 =	simm.s32 $0x1E0;
	s19 =	rddreg [dreg:$0x5]  }
0x32: {  	[tilespmem:s21], [sflag:$0x1] =	stream.linear.gather [hbm4b:s19+s14], $0xA0, $0x38;
	[tilespmem:$0x1DF20] =	vst v63  }
0x33: {  	s22 =	rddreg [dreg:$0x6]  }
0x34: {  	[tilespmem:s24], [sflag:$0x1] =	stream.linear.gather [hbm4b:s22+s14], $0xA0, $0x38;
	[tilespmem:$0x1DF20] =	vst v63  }
0x35: {  	_ =	swait.ge [sflag:s25], $0xA0  }
0x36: {  	[sflag:s25] =	ssyncset.done $0x0  }
0x37: {  	[sflag:s25] =	ssyncadd.s32 $0xFFFFFF60  }
0x38: {  	_ =	swait.ge [sflag:s25], $0xA0  }
0x39: {  	[sflag:s25] =	ssyncset.done $0x0  }
0x3a: {  	[sflag:s25] =	ssyncadd.s32 $0xFFFFFF60  }
0x3b: {  	_ =	swait.ge [sflag:s25], $0xA0  }
0x3c: {  	s23 =	simm.s32 $0x5A0;
	s12 =	simm.s32 $0x0;
	[sflag:s25] =	ssyncset.done $0x0  }
0x3d: {  	s10 =	simm.s32 $0x50;
	s13 =	simm.s32 $0x0;
	[sflag:s25] =	ssyncadd.s32 $0xFFFFFF60  }
0x3e: {  	[tilespmem:s23], [sflag:$0x4] =	stream.indirect.gather [hbm4b:s4+s28], $0x80, s14, s28, $0xb8;
	[tilespmem:$0x1DF20] =	vst v63  }
.LBB2_2:
0x3f: {  	s15 =	sadd.s32 $0x1, s13;
	p1 =	seq.s32 s13, $0x7D  }
0x40: {  	s14 =	smul.u32 @!p1 $0xAB, s15  }
0x41: {  	s8 =	smulhi.u32 $0xAAAAAAAB, s13  }
0x42: {  	s17 =	smul.u32 $0xAB, s13;
	s14 =	sshrl.u32 @!p1 s14, $0x9  }
0x43: {  	s21 =	smul.u32 @!p1 $0xA0, s15;
	s14 =	sand.u32 @!p1 $0x7F, s14  }
0x44: {  	s8 =	sshrl.u32 s8, $0x1;
	s19 =	sshrl.u32 s17, $0x9;
	s14 =	smul.u32 @!p1 $0x3, s14  }
0x45: {  	s17 =	sshll.u32 @!p1 s15, $0x1;
	s16 =	smul.u32 $0x1E0, s8;
	s8 =	sand.u32 $0x7F, s19  }
0x46: {  	s17 =	sadd.s32 @!p1 s7, s17;
	s8 =	smul.u32 $0x3, s8;
	s14 =	ssub.s32 @!p1 s15, s14  }
0x47: {  	s2 =	simm.s32 @!p1 $0x0;
	s17 =	smul.u32 @!p1 $0xA, s17;
	s14 =	sand.u32 @!p1 $0xFF, s14  }
0x48: {  	s21 =	sadd.s32 @!p1 s9, s21;
	s23 =	ssub.s32 s12, s16;
	s22 =	smul.u32 @!p1 $0xA0, s14  }
0x49: {  	s19 =	sadd.s32 @!p1 s11, s17;
	s18 =	sadd.s32 @!p1 $0x1, s14;
	s14 =	smul.u32 @!p1 $0x280, s14  }
0x4a: {  	[tilespmem:s22], [sflag:s18] =	stream.linear.gather @!p1 [hbm4b:s19+s2], $0xA0, $0x38;
	[tilespmem:$0x1DF20] =	vst v63  }
0x4b: {  	s8 =	ssub.s32 s13, s8;
	s17 =	sadd.s32 @!p1 s5, s17;
	s19 =	sadd.s32 @!p1 $0x1E0, s22  }
0x4c: {  	s22 =	sand.u32 $0xFF, s8;
	s8 =	sshrl.u32 @!p1 s14, $0x2;
	s14 =	sshrl.u32 @!p1 s21, $0x3  }
0x4d: {  	[tilespmem:s19], [sflag:s18] =	stream.linear.gather @!p1 [hbm4b:s17+s2], $0xA0, $0x38;
	[tilespmem:$0x1DF20] =	vst v63  }
0x4e: {  	s8 =	sadd.s32 @!p1 $0x3C0, s8;
	s14 =	sadd.s32 @!p1 s6, s14;
	s21 =	smul.u32 $0xA0, s22  }
0x4f: {  	[tilespmem:s8], [sflag:s18] =	stream.linear.gather @!p1 [hbm4b:s14+s2], $0xA0, $0x38;
	[tilespmem:$0x1DF20] =	vst v63  }
0x50: {  	v8 =	vmov s23;
	s14 =	sadd.s32 $0x50, s21  }
0x51: {  	[tilespmem:s29], [sflag:$0x5] =	stream.indirect.gather [hbm4b:s4+s28], $0x80, s14, s28, $0xb8;
	[tilespmem:$0x1DF20] =	vst v63  }
0x52: {  	_ =	swait.ge [sflag:s30], $0x2800  }
0x53: {  	[sflag:s30] =	ssyncset.done $0x0  }
0x54: {  	[sflag:s30] =	ssyncadd.s32 $0xFFFFD800  }
0x55: {  	s21 =	simm.s32 $0x0;
	v8 =	vld.idx.msk [tilespmem:v8+s24+$0x0], $0xffff  }
0x56: {  	v9 =	vld [tilespmem:s21+$0x5A0]  }
0x57: {  	v10 =	vld [tilespmem:s21+$0x5B0]  }
0x58: {  	v11 =	vld [tilespmem:s21+$0x5C0]  }
0x59: {  	v12 =	vld [tilespmem:s21+$0x5D0]  }
0x5a: {  	v13 =	vld [tilespmem:s21+$0x5E0];
	v14 =	vmul.f32 v8, v0  }
0x5b: {  	v15 =	vld [tilespmem:s21+$0x5F0];
	v16 =	vmul.f32 v8, v1  }
0x5c: {  	v20 =	vld [tilespmem:s21+$0x610];
	v17 =	vmul.f32 v8, v2;
	v18 =	vmul.f32 v8, v3;
	v9 =	vadd.f32 v14, v9  }
0x5d: {  	v61 =	vmul.f32 v8, v4;
	v19 =	vmul.f32 v8, v5;
	v14 =	vld [tilespmem:s21+$0x600];
	v10 =	vadd.f32 v10, v16  }
0x5e: {  	v62 =	vmul.f32 v8, v6;
	v11 =	vadd.f32 v11, v17;
	v9 =	vmax.f32 v9, $0.0e+00  }
0x5f: {  	v12 =	vadd.f32 v12, v18;
	v13 =	vadd.f32 v13, v61;
	v10 =	vmax.f32 v10, $0.0e+00;
	[tilespmem:s21+$0x55A0] =	vst v9  }
0x60: {  	s8 =	sadd.s32 $0x1, s23;
	v63 =	vmul.f32 v8, v7;
	v15 =	vadd.f32 v15, v19;
	v11 =	vmax.f32 v11, $0.0e+00;
	[tilespmem:s21+$0x55B0] =	vst v10  }
0x61: {  	v8 =	vmov s8;
	v12 =	vmax.f32 v12, $0.0e+00;
	v9 =	vmax.f32 v13, $0.0e+00;
	[tilespmem:s21+$0x55C0] =	vst v11  }
0x62: {  	s16 =	ssub.s32 s10, s16;
	s17 =	simm.s32 $0x400;
	s23 =	simm.s32 $0x200;
	v10 =	vmax.f32 v15, $0.0e+00;
	[tilespmem:s21+$0x55D0] =	vst v12;
	v12 =	vadd.f32 v20, v63;
	v11 =	vadd.f32 v14, v62  }
.LBB2_3:
0x63: {  	p2 =	sne.s32 s17, $0x9E00;
	[tilespmem:s21+$0x55E0] =	vst v9  }
0x64: {  	[tilespmem:s21+$0x55F0] =	vst v10;
	v9 =	vmax.f32 v11, $0.0e+00;
	v10 =	vmax.f32 v12, $0.0e+00  }
0x65: {  	[tilespmem:s21+$0x5600] =	vst v9  }
0x66: {  	[tilespmem:s21+$0x5610] =	vst v10  }
0x67: {  	s21 =	sshra.s32 s23, $0x2;
	s23 =	smov.u32 s17;
	v8 =	vld.idx.msk [tilespmem:v8+s24+$0x0], $0xffff  }
0x68: {  	v9 =	vld [tilespmem:s21+$0x5A0]  }
0x69: {  	v10 =	vld [tilespmem:s21+$0x5B0]  }
0x6a: {  	v11 =	vld [tilespmem:s21+$0x5C0]  }
0x6b: {  	v12 =	vld [tilespmem:s21+$0x5D0]  }
0x6c: {  	v13 =	vld [tilespmem:s21+$0x5E0]  }
0x6d: {  	v14 =	vmul.f32 v8, v0;
	v15 =	vmul.f32 v8, v1;
	v16 =	vld [tilespmem:s21+$0x5F0]  }
0x6e: {  	v17 =	vmul.f32 v8, v2;
	v18 =	vmul.f32 v8, v3  }
0x6f: {  	v9 =	vadd.f32 v14, v9;
	v10 =	vadd.f32 v10, v15;
	v14 =	vmul.f32 v8, v4;
	v15 =	vld [tilespmem:s21+$0x600]  }
0x70: {  	v11 =	vadd.f32 v11, v17;
	v17 =	vmul.f32 v8, v5;
	v12 =	vadd.f32 v12, v18;
	v18 =	vld [tilespmem:s21+$0x610]  }
.Ltmp0:
0x71: {  	v9 =	vmax.f32 v9, $0.0e+00;
	v10 =	vmax.f32 v10, $0.0e+00;
	v13 =	vadd.f32 v13, v14;
	(pc) =	sbr.rel @p2 .LBB2_3-.Ltmp0, $4  }
0x72: {  	v11 =	vmax.f32 v11, $0.0e+00;
	[tilespmem:s21+$0x55A0] =	vst v9;
	v12 =	vmax.f32 v12, $0.0e+00;
	v14 =	vadd.f32 v16, v17  }
0x73: {  	v16 =	vmul.f32 v8, v7;
	[tilespmem:s21+$0x55B0] =	vst v10;
	v9 =	vmax.f32 v13, $0.0e+00;
	v13 =	vmul.f32 v8, v6  }
0x74: {  	s8 =	sadd.s32 $0x1, s8;
	[tilespmem:s21+$0x55C0] =	vst v11;
	v10 =	vmax.f32 v14, $0.0e+00  }
0x75: {  	s17 =	sadd.s32 $0x200, s17;
	v8 =	vmov s8;
	[tilespmem:s21+$0x55D0] =	vst v12;
	v11 =	vadd.f32 v15, v13;
	v12 =	vadd.f32 v18, v16  }
0x76: {  	[tilespmem:s21+$0x55E0] =	vst v9  }
0x77: {  	[tilespmem:s21+$0x55F0] =	vst v10;
	v9 =	vmax.f32 v11, $0.0e+00  }
0x78: {  	v10 =	vmax.f32 v12, $0.0e+00;
	[tilespmem:s21+$0x5600] =	vst v9  }
0x79: {  	[tilespmem:s21+$0x5610] =	vst v10  }
0x7a: {  	v8 =	vld.idx.msk [tilespmem:v8+s24+$0x0], $0xffff  }
0x7b: {  	s2 =	sshra.s32 s23, $0x2  }
0x7c: {  	v9 =	vld [tilespmem:s2+$0x5A0]  }
0x7d: {  	v10 =	vld [tilespmem:s2+$0x5B0]  }
0x7e: {  	v11 =	vld [tilespmem:s2+$0x5C0]  }
0x7f: {  	v12 =	vld [tilespmem:s2+$0x5D0];
	v13 =	vmul.f32 v8, v0  }
0x80: {  	v14 =	vld [tilespmem:s2+$0x5E0];
	v15 =	vmul.f32 v8, v1  }
0x81: {  	v16 =	vld [tilespmem:s2+$0x5F0];
	v17 =	vmul.f32 v8, v2;
	v9 =	vadd.f32 v13, v9  }
0x82: {  	v13 =	vmul.f32 v8, v3;
	v10 =	vadd.f32 v10, v15;
	v15 =	vld [tilespmem:s2+$0x600]  }
0x83: {  	v57 =	vld [tilespmem:s2+$0x610];
	v18 =	vmul.f32 v8, v4;
	v11 =	vadd.f32 v11, v17;
	v9 =	vmax.f32 v9, $0.0e+00  }
0x84: {  	v12 =	vadd.f32 v12, v13;
	v13 =	vmul.f32 v8, v5;
	v10 =	vmax.f32 v10, $0.0e+00;
	[tilespmem:s2+$0x55A0] =	vst v9  }
0x85: {  	s8 =	smul.u32 $0x280, s22;
	v11 =	vmax.f32 v11, $0.0e+00;
	v9 =	vadd.f32 v14, v18;
	[tilespmem:s2+$0x55B0] =	vst v10;
	v10 =	vmul.f32 v8, v6  }
0x86: {  	s17 =	smulhi.u32 @!p1 $0xAAAAAAAB, s15;
	v8 =	vmul.f32 v8, v7;
	[tilespmem:s2+$0x55C0] =	vst v11;
	v12 =	vmax.f32 v12, $0.0e+00;
	v13 =	vadd.f32 v16, v13  }
0x87: {  	v9 =	vmax.f32 v9, $0.0e+00;
	[tilespmem:s2+$0x55D0] =	vst v12;
	v10 =	vadd.f32 v15, v10  }
0x88: {  	s8 =	sshrl.u32 s8, $0x2;
	s17 =	sshrl.u32 @!p1 s17, $0x1;
	v8 =	vadd.f32 v57, v8;
	v11 =	vmax.f32 v13, $0.0e+00;
	[tilespmem:s2+$0x55E0] =	vst v9  }
0x89: {  	s23 =	sadd.s32 $0x1E0, s8;
	s8 =	smul.u32 @!p1 $0x3, s17;
	[tilespmem:s2+$0x55F0] =	vst v11;
	v9 =	vmax.f32 v10, $0.0e+00  }
0x8a: {  	v8 =	vmax.f32 v8, $0.0e+00;
	[tilespmem:s2+$0x5600] =	vst v9  }
0x8b: {  	[tilespmem:s2+$0x5610] =	vst v8;
	s2 =	ssub.s32 @!p1 s15, s8  }
0x8c: {  	[spmem:s1] =	stream.indirect.scatter.add.f32 [tilespmem:s31], [sflag:$0x6], $0x80, s23, s28, $0xb8;
	[tilespmem:$0x1DF20] =	vst v63  }
0x8d: {  	s8 =	sadd.s32 @!p1 $0x1, s2  }
0x8e: {  	_ =	swait.ge @!p1 [sflag:s8], $0xA0  }
0x8f: {  	[sflag:s8] =	ssyncset.done @!p1 $0x0  }
0x90: {  	[sflag:s8] =	ssyncadd.s32 @!p1 $0xFFFFFF60  }
0x91: {  	_ =	swait.ge @!p1 [sflag:s8], $0xA0  }
0x92: {  	[sflag:s8] =	ssyncset.done @!p1 $0x0  }
0x93: {  	[sflag:s8] =	ssyncadd.s32 @!p1 $0xFFFFFF60  }
0x94: {  	s2 =	smul.u32 @!p1 $0x280, s2;
	_ =	swait.ge @!p1 [sflag:s8], $0xA0  }
0x95: {  	s17 =	simm.s32 @!p1 $0x5A0;
	[sflag:s8] =	ssyncset.done @!p1 $0x0  }
0x96: {  	s2 =	sshrl.u32 @!p1 s2, $0x2;
	[sflag:s8] =	ssyncadd.s32 @!p1 $0xFFFFFF60;
	s8 =	simm.s32 @!p1 $0x50  }
0x97: {  	[tilespmem:s17], [sflag:$0x4] =	stream.indirect.gather @!p1 [hbm4b:s4+s8], $0x80, s2, s8, $0xb8;
	[tilespmem:$0x1DF20] =	vst v63  }
0x98: {  	_ =	swait.ge [sflag:s0], $0x2800  }
0x99: {  	v8 =	vmov s16;
	p1 =	seq.s32 s13, $0x0;
	[sflag:s0] =	ssyncset.done $0x0  }
0x9a: {  	s2 =	simm.s32 @!p1 $0x7;
	[sflag:s0] =	ssyncadd.s32 $0xFFFFD800  }
0x9b: {  	_ =	swait.ge @!p1 [sflag:s2], $0x2800  }
0x9c: {  	[sflag:s2] =	ssyncset.done @!p1 $0x0  }
0x9d: {  	[sflag:s2] =	ssyncadd.s32 @!p1 $0xFFFFD800  }
0x9e: {  	s13 =	simm.s32 $0x0;
	v8 =	vld.idx.msk [tilespmem:v8+s24+$0x0], $0xffff  }
0x9f: {  	v9 =	vld [tilespmem:s13+$0x2DA0]  }
0xa0: {  	v10 =	vld [tilespmem:s13+$0x2DB0]  }
0xa1: {  	v11 =	vld [tilespmem:s13+$0x2DC0]  }
0xa2: {  	v12 =	vld [tilespmem:s13+$0x2DD0]  }
0xa3: {  	v13 =	vld [tilespmem:s13+$0x2DE0];
	v14 =	vmul.f32 v8, v0  }
0xa4: {  	v15 =	vld [tilespmem:s13+$0x2DF0];
	v58 =	vmul.f32 v8, v1  }
0xa5: {  	v20 =	vld [tilespmem:s13+$0x2E10];
	v59 =	vmul.f32 v8, v2;
	v60 =	vmul.f32 v8, v3;
	v9 =	vadd.f32 v14, v9  }
0xa6: {  	v61 =	vmul.f32 v8, v4;
	v19 =	vmul.f32 v8, v5;
	v14 =	vld [tilespmem:s13+$0x2E00];
	v10 =	vadd.f32 v10, v58  }
0xa7: {  	v62 =	vmul.f32 v8, v6;
	v11 =	vadd.f32 v11, v59;
	v9 =	vmax.f32 v9, $0.0e+00  }
0xa8: {  	v12 =	vadd.f32 v12, v60;
	v13 =	vadd.f32 v13, v61;
	v10 =	vmax.f32 v10, $0.0e+00;
	[tilespmem:s13+$0x7DA0] =	vst v9  }
0xa9: {  	s8 =	sadd.s32 $0x1, s16;
	v63 =	vmul.f32 v8, v7;
	v15 =	vadd.f32 v15, v19;
	v11 =	vmax.f32 v11, $0.0e+00;
	[tilespmem:s13+$0x7DB0] =	vst v10  }
0xaa: {  	v8 =	vmov s8;
	v12 =	vmax.f32 v12, $0.0e+00;
	v9 =	vmax.f32 v13, $0.0e+00;
	[tilespmem:s13+$0x7DC0] =	vst v11  }
0xab: {  	s16 =	simm.s32 $0x200;
	s17 =	simm.s32 $0x400;
	v10 =	vmax.f32 v15, $0.0e+00;
	[tilespmem:s13+$0x7DD0] =	vst v12;
	v12 =	vadd.f32 v20, v63;
	v11 =	vadd.f32 v14, v62  }
.LBB2_5:
0xac: {  	p1 =	sne.s32 s17, $0x9E00;
	[tilespmem:s13+$0x7DE0] =	vst v9  }
0xad: {  	[tilespmem:s13+$0x7DF0] =	vst v10;
	v9 =	vmax.f32 v11, $0.0e+00;
	v10 =	vmax.f32 v12, $0.0e+00  }
0xae: {  	[tilespmem:s13+$0x7E00] =	vst v9  }
0xaf: {  	[tilespmem:s13+$0x7E10] =	vst v10  }
0xb0: {  	s13 =	sshra.s32 s16, $0x2;
	s16 =	smov.u32 s17;
	v8 =	vld.idx.msk [tilespmem:v8+s24+$0x0], $0xffff  }
0xb1: {  	v9 =	vld [tilespmem:s13+$0x2DA0]  }
0xb2: {  	v10 =	vld [tilespmem:s13+$0x2DB0]  }
0xb3: {  	v11 =	vld [tilespmem:s13+$0x2DC0]  }
0xb4: {  	v12 =	vld [tilespmem:s13+$0x2DD0]  }
0xb5: {  	v13 =	vld [tilespmem:s13+$0x2DE0]  }
0xb6: {  	v14 =	vmul.f32 v8, v0;
	v15 =	vmul.f32 v8, v1;
	v16 =	vld [tilespmem:s13+$0x2DF0]  }
0xb7: {  	v17 =	vmul.f32 v8, v2;
	v18 =	vmul.f32 v8, v3  }
0xb8: {  	v9 =	vadd.f32 v14, v9;
	v10 =	vadd.f32 v10, v15;
	v14 =	vmul.f32 v8, v4;
	v15 =	vld [tilespmem:s13+$0x2E00]  }
0xb9: {  	v11 =	vadd.f32 v11, v17;
	v17 =	vmul.f32 v8, v5;
	v12 =	vadd.f32 v12, v18;
	v18 =	vld [tilespmem:s13+$0x2E10]  }
.Ltmp1:
0xba: {  	v9 =	vmax.f32 v9, $0.0e+00;
	v10 =	vmax.f32 v10, $0.0e+00;
	v13 =	vadd.f32 v13, v14;
	(pc) =	sbr.rel @p1 .LBB2_5-.Ltmp1, $4  }
0xbb: {  	v11 =	vmax.f32 v11, $0.0e+00;
	[tilespmem:s13+$0x7DA0] =	vst v9;
	v12 =	vmax.f32 v12, $0.0e+00;
	v14 =	vadd.f32 v16, v17  }
0xbc: {  	v16 =	vmul.f32 v8, v7;
	[tilespmem:s13+$0x7DB0] =	vst v10;
	v9 =	vmax.f32 v13, $0.0e+00;
	v13 =	vmul.f32 v8, v6  }
0xbd: {  	s8 =	sadd.s32 $0x1, s8;
	[tilespmem:s13+$0x7DC0] =	vst v11;
	v10 =	vmax.f32 v14, $0.0e+00  }
0xbe: {  	s17 =	sadd.s32 $0x200, s17;
	v8 =	vmov s8;
	[tilespmem:s13+$0x7DD0] =	vst v12;
	v11 =	vadd.f32 v15, v13;
	v12 =	vadd.f32 v18, v16  }
0xbf: {  	[tilespmem:s13+$0x7DE0] =	vst v9  }
0xc0: {  	[tilespmem:s13+$0x7DF0] =	vst v10;
	v52 =	vmax.f32 v11, $0.0e+00  }
0xc1: {  	v53 =	vmax.f32 v12, $0.0e+00;
	[tilespmem:s13+$0x7E00] =	vst v52  }
0xc2: {  	[tilespmem:s13+$0x7E10] =	vst v53  }
0xc3: {  	v8 =	vld.idx.msk [tilespmem:v8+s24+$0x0], $0xffff  }
0xc4: {  	s2 =	sshra.s32 s16, $0x2  }
0xc5: {  	v9 =	vld [tilespmem:s2+$0x2DA0]  }
0xc6: {  	v10 =	vld [tilespmem:s2+$0x2DB0]  }
0xc7: {  	v54 =	vld [tilespmem:s2+$0x2DC0]  }
0xc8: {  	v55 =	vld [tilespmem:s2+$0x2DD0];
	v13 =	vmul.f32 v8, v0  }
0xc9: {  	v16 =	vld [tilespmem:s2+$0x2DF0];
	v15 =	vmul.f32 v8, v1  }
0xca: {  	v58 =	vld [tilespmem:s2+$0x2E10];
	v17 =	vmul.f32 v8, v2;
	v56 =	vmul.f32 v8, v3;
	v9 =	vadd.f32 v13, v9  }
0xcb: {  	v14 =	vld [tilespmem:s2+$0x2DE0];
	v18 =	vmul.f32 v8, v4;
	v59 =	vmul.f32 v8, v5;
	v10 =	vadd.f32 v10, v15  }
0xcc: {  	v57 =	vld [tilespmem:s2+$0x2E00];
	v61 =	vmul.f32 v8, v6;
	v11 =	vadd.f32 v54, v17;
	v9 =	vmax.f32 v9, $0.0e+00  }
0xcd: {  	v8 =	vmul.f32 v8, v7;
	v12 =	vadd.f32 v55, v56;
	v10 =	vmax.f32 v10, $0.0e+00;
	[tilespmem:s2+$0x7DA0] =	vst v9  }
0xce: {  	v13 =	vadd.f32 v16, v59;
	v11 =	vmax.f32 v11, $0.0e+00;
	[tilespmem:s2+$0x7DB0] =	vst v10  }
0xcf: {  	v8 =	vadd.f32 v58, v8;
	v12 =	vmax.f32 v12, $0.0e+00;
	[tilespmem:s2+$0x7DC0] =	vst v11  }
0xd0: {  	v60 =	vadd.f32 v14, v18;
	v62 =	vmax.f32 v13, $0.0e+00;
	[tilespmem:s2+$0x7DD0] =	vst v12  }
0xd1: {  	v8 =	vmax.f32 v8, $0.0e+00;
	v10 =	vadd.f32 v57, v61;
	[tilespmem:s2+$0x7DF0] =	vst v62  }
0xd2: {  	v9 =	vmax.f32 v60, $0.0e+00;
	[tilespmem:s2+$0x7E10] =	vst v8  }
0xd3: {  	p1 =	sne.s32 s15, $0x7E;
	[tilespmem:s2+$0x7DE0] =	vst v9;
	v63 =	vmax.f32 v10, $0.0e+00  }
.Ltmp2:
0xd4: {  	[tilespmem:s2+$0x7E00] =	vst v63;
	(pc) =	sbr.rel @p1 .LBB2_2-.Ltmp2, $4  }
0xd5: {  	_ =	swait.ge [sflag:s3], $0x2800  }
0xd6: {  	s23 =	sadd.s32 $0x1E0, s14;
	s12 =	sadd.s32 $0xA0, s12;
	[sflag:s3] =	ssyncset.done $0x0  }
0xd7: {  	s10 =	sadd.s32 $0xA0, s10;
	s13 =	smov.u32 s15;
	[sflag:s3] =	ssyncadd.s32 $0xFFFFD800  }
0xd8: {  	[spmem:s1] =	stream.indirect.scatter.add.f32 [tilespmem:s20], [sflag:$0x7], $0x80, s23, s28, $0xb8;
	[tilespmem:$0x1DF20] =	vst v63  }
0xd9: {  	s2 =	simm.s32 $0x7  }
0xda: {  	_ =	swait.ge [sflag:s2], $0x2800  }
0xdb: {  	[sflag:s2] =	ssyncset.done $0x0  }
0xdc: {  	[sflag:s2] =	ssyncadd.s32 $0xFFFFD800  }
0xdd: {  	[bflag:$0x0] =	sbarrier.arrive $0xFFFF  }
0xde: {  	s8 =	rddreg [dreg:$0x8]  }
0xdf: {  	s2 =	simm.s32 @p0 $0x1FC8;
	s12 =	rddreg [dreg:$0xa]  }
0xe0: {  	[hbm:s8], [sflag:s2] =	dma.local @p0 [spmem:s12], $0x2800  }
0xe1: {  	s2 =	simm.s32 @p0 $0x8  }
0xe2: {  	_ =	swait.ge @p0 [sflag:s2], $0x2800  }
0xe3: {  	s13 =	rddreg [dreg:$0xb]  }
0xe4: {  	[sflag:s2] =	ssyncset.done @p0 $0x0;
	s10 =	rddreg [dreg:$0xc]  }
0xe5: {  	[sflag:s2] =	ssyncadd.s32 @p0 $0xFFFFD800;
	s2 =	rddreg [dreg:$0x7]  }
0xe6: {  	[hbm:s2], [sflag:s13] =	dma.local @!p0 [spmem:s10], $0x2700  }
0xe7: {  	s2 =	simm.s32 @!p0 $0x8  }
0xe8: {  	_ =	swait.ge @!p0 [sflag:s2], $0x2700  }
0xe9: {  	s26 =	sadd.s32 $0x1, s26;
	s23 =	rddreg [dreg:$0x9]  }
0xea: {  	p1 =	sne.s32 s26, s23  }
.Ltmp3:
0xeb: {  	_ = 	snop;
	(pc) =	sbr.rel @p1 .LBB2_1-.Ltmp3, $3  }
0xec: {  	_ =	sdelay $0x1  }
0xed: {  	[sflag:s2] =	ssyncset.done @!p0 $0x0  }
0xee: {  	[sflag:s2] =	ssyncadd.s32 @!p0 $0xFFFFD900  }
0xef: {  	_ =	sfence.sel $0x180000  }
0xf0: {  	[bflag:$0x0] =	sbarrier.arrive $0xFFFF  }
0xf1: {  	_ =	strace $0x9000004D  }
0xf2: {  	s0 =	stileid.u32;
	[bflag:$0x2] =	sbarrier.arrive $0xFFFF  }
0xf3: {  	p0 =	sne.s32 s0, $0x0;
	s0 =	rddreg [dreg:$0x2]  }
0xf4: {  	s0 =	sadd.s32 @!p0 $0x100000, s0  }
0xf5: {  	[sflag:s0] =	ssyncadd.tile.s32 @!p0 $0x1;
	_ =	shalt  }
.Lfunc_end2:
_tile_overlayer_lowered:
.L_overlay_start_2:
0xf6: {  	(tag) =	ssettag $0x2  }
0xf7: {  	s0 =	rddreg [dreg:$0x0];
	s2 =	stileid.u32  }
0xf8: {  	s1 =	rddreg [dreg:$0x1];
	p0 =	sne.s32 s2, $0x0  }
0xf9: {  	s3 =	rddreg [dreg:$0x2];
	[bflag:$0x3] =	sbarrier.arrive $0xFFFF;
	s2 =	simm.s32 @!p0 $0x1C08  }
0xfa: {  	[timem:s3], [sflag:s2] =	dma.local @!p0 [hbm:s0], s1  }
0xfb: {  	s0 =	simm.s32 @!p0 $0x8  }
0xfc: {  	_ =	swait.ge @!p0 [sflag:s0], s1  }
0xfd: {  	s1 =	ssub.s32 @!p0 $0x0, s1;
	[sflag:s0] =	ssyncset.done @!p0 $0x0  }
0xfe: {  	[sflag:s0] =	ssyncadd.s32 @!p0 s1  }
0xff: {  	[bflag:$0x3] =	sbarrier.arrive $0xFFFF  }
0x100: {  	_ =	shalt  }

</sc_bundles>
